<compile_context>
chip_gen: v7x
topology: tpu7x:2x2x1
jax: 0.10.2.dev20260603
libtpu: 0.0.44.dev20260713+nightly
codegen_flags: <defaults>
</compile_context>

<pallas_src>
import functools

import jax
import jax.numpy as jnp
from jax import lax
from jax.experimental import pallas as pl
from jax.experimental.pallas import tpu as pltpu
from jax.experimental.pallas import tpu_sc as plsc

N = 10000
E = 320000
D = 128
DE = 16
NP = 10240
EP = 327680
L = 16
NSC = 16
NW = 32
FPT = 4
EPT = E // NSC
CE = 6400
NCH = E // CE

_SC_PARAMS = pltpu.CompilerParams(needs_layout_passes=False)


def _sc_mesh():
    return plsc.VectorSubcoreMesh(core_axis_name="c", subcore_axis_name="s")



def _ew_body(ef_ref, wb_ref, be_ref, out_ref):
    z = jnp.dot(ef_ref[...], wb_ref[...], preferred_element_type=jnp.float32)
    out_ref[...] = jax.nn.softplus(z + be_ref[0, 0])


def _edge_weights(edge_feats, We, be):
    ef2 = edge_feats.reshape(E // 128, 128 * DE)
    wbig = (jnp.eye(128, dtype=jnp.float32)[:, None, :]
            * We[0][None, :, None]).reshape(128 * DE, 128)
    rows = EP // 128
    br = 256
    ew2 = pl.pallas_call(
        _ew_body,
        grid=(rows // br,),
        in_specs=[
            pl.BlockSpec((br, 128 * DE), lambda g: (g, 0)),
            pl.BlockSpec((128 * DE, 128), lambda g: (0, 0)),
            pl.BlockSpec((1, 1), lambda g: (0, 0)),
        ],
        out_specs=pl.BlockSpec((br, 128), lambda g: (g, 0)),
        out_shape=jax.ShapeDtypeStruct((rows, 128), jnp.float32),
    )(ef2, wbig, be.reshape(1, 1))
    return ew2



def _pack_bf16(z):
    zb = z.astype(jnp.bfloat16)
    lo = lax.bitcast_convert_type(zb[:64], jnp.uint16).astype(jnp.uint32)
    hi = lax.bitcast_convert_type(zb[64:], jnp.uint16).astype(jnp.uint32)
    return lax.bitcast_convert_type((hi << 16) | lo, jnp.int32)


def _xwt_body(w_ref, x_ref, out_ref, outp_ref):
    z = lax.dot_general(
        w_ref[...], x_ref[...], (((1,), (1,)), ((), ())),
        preferred_element_type=jnp.float32)
    out_ref[...] = z
    outp_ref[...] = _pack_bf16(z)


def _xw_t(W, xp):
    bn = 1024
    return pl.pallas_call(
        _xwt_body,
        grid=(NP // bn,),
        in_specs=[
            pl.BlockSpec((D, D), lambda g: (0, 0)),
            pl.BlockSpec((bn, D), lambda g: (g, 0)),
        ],
        out_specs=[pl.BlockSpec((D, bn), lambda g: (0, g)),
                   pl.BlockSpec((D // 2, bn), lambda g: (0, g))],
        out_shape=[jax.ShapeDtypeStruct((D, NP), jnp.float32),
                   jax.ShapeDtypeStruct((D // 2, NP), jnp.int32)],
    )(W, xp)



def _mid_body(acc_ref, xw_ref, iv_ref, b_ref, w_ref, out_ref, outp_ref):
    t = jnp.tanh(acc_ref[...] + xw_ref[...] * iv_ref[0] + b_ref[...])
    z = lax.dot_general(
        w_ref[...], t, (((1,), (0,)), ((), ())),
        preferred_element_type=jnp.float32)
    out_ref[...] = z
    outp_ref[...] = _pack_bf16(z)


def _mid(accT, xwT, iv3, b1, W2):
    bn = 1024
    return pl.pallas_call(
        _mid_body,
        grid=(NP // bn,),
        in_specs=[
            pl.BlockSpec((D, bn), lambda g: (0, g)),
            pl.BlockSpec((D, bn), lambda g: (0, g)),
            pl.BlockSpec((1, 1, bn), lambda g: (g, 0, 0)),
            pl.BlockSpec((D, 1), lambda g: (0, 0)),
            pl.BlockSpec((D, D), lambda g: (0, 0)),
        ],
        out_specs=[pl.BlockSpec((D, bn), lambda g: (0, g)),
                   pl.BlockSpec((D // 2, bn), lambda g: (0, g))],
        out_shape=[jax.ShapeDtypeStruct((D, NP), jnp.float32),
                   jax.ShapeDtypeStruct((D // 2, NP), jnp.int32)],
    )(accT, xwT, iv3, b1.reshape(D, 1), W2)



def _fin_body(acc_ref, xw_ref, iv_ref, b_ref, nf_ref, out_ref):
    z = acc_ref[...] + xw_ref[...] * iv_ref[0] + b_ref[...]
    out_ref[...] = z.T + nf_ref[...]


def _final(accT, xwT, iv3, b2, nfp):
    bn = 1024
    return pl.pallas_call(
        _fin_body,
        grid=(NP // bn,),
        in_specs=[
            pl.BlockSpec((D, bn), lambda g: (0, g)),
            pl.BlockSpec((D, bn), lambda g: (0, g)),
            pl.BlockSpec((1, 1, bn), lambda g: (g, 0, 0)),
            pl.BlockSpec((D, 1), lambda g: (0, 0)),
            pl.BlockSpec((bn, D), lambda g: (g, 0)),
        ],
        out_specs=pl.BlockSpec((bn, D), lambda g: (g, 0)),
        out_shape=jax.ShapeDtypeStruct((NP, D), jnp.float32),
    )(accT, xwT, iv3, b2.reshape(D, 1), nfp)



def _rsqrt16(x):
    ih = plsc.bitcast(x, jnp.int32) >> 1
    y = plsc.bitcast(jnp.int32(0x5F3759DF) - ih, jnp.float32)
    for _ in range(3):
        y = y * (1.5 - 0.5 * x * y * y)
    return y


_RB = 160
_EB = _RB * 128
_ET = 100 * 128


def _deg_norm_body(et_hbm, ew_hbm, norm_out, iv_out, sd_out,
                   hist, disv, srcv, dstv, ewv, normv, redv, segd, segi,
                   shist, sdis):
    s = lax.axis_index("s")
    c = lax.axis_index("c")

    @pl.when(c == 0)
    def _():
        e0 = s * _EB
        en = jnp.where(s < 15, _EB, _ET)
        ng16 = en >> 4
        pltpu.sync_copy(et_hbm.at[pl.ds(E + e0, _ET)], dstv.at[pl.ds(0, _ET)])

        @pl.when(s < 15)
        def _():
            pltpu.sync_copy(et_hbm.at[pl.ds(E + e0 + _ET, _EB - _ET)],
                            dstv.at[pl.ds(_ET, _EB - _ET)])
        pltpu.sync_copy(ew_hbm.at[pl.ds(s * _RB, _RB), :], ewv)
        zero16 = jnp.zeros((L,), jnp.float32)

        @plsc.parallel_loop(0, NP // L, unroll=8)
        def zb(k):
            hist[pl.ds(k * L, L)] = zero16

        @plsc.parallel_loop(0, ng16, unroll=8)
        def accg(g):
            dv = dstv[pl.ds(g * L, L)]
            wv = ewv[g >> 3, pl.ds((g & 7) * L, L)]
            plsc.addupdate_scatter(hist, [dv], wv)

        pltpu.sync_copy(hist, shist.at[s])
        plsc.subcore_barrier()

        ns2 = NP // NSC
        n0 = s * ns2
        pltpu.sync_copy(shist.at[:, pl.ds(n0, ns2)], redv)

        @plsc.parallel_loop(0, ns2 // L, unroll=4)
        def red(k):
            tot = redv[0, pl.ds(k * L, L)]
            for r in range(1, NSC):
                tot = tot + redv[r, pl.ds(k * L, L)]
            deg = tot + 1.0
            dis = _rsqrt16(deg)
            segd[pl.ds(k * L, L)] = dis
            segi[pl.ds(k * L, L)] = dis * dis

        pltpu.sync_copy(segd, sdis.at[pl.ds(n0, ns2)])
        pltpu.sync_copy(segi, iv_out.at[pl.ds(n0, ns2)])
        plsc.subcore_barrier()
        pltpu.sync_copy(sdis, disv)

        pltpu.sync_copy(et_hbm.at[pl.ds(e0, _EB)], srcv)

        @plsc.parallel_loop(0, ng16, unroll=8)
        def ng(g):
            sv = srcv[pl.ds(g * L, L)]
            dv = dstv[pl.ds(g * L, L)]
            wv = ewv[g >> 3, pl.ds((g & 7) * L, L)]
            nv = plsc.load_gather(disv, [sv]) * wv * plsc.load_gather(disv, [dv])
            normv[pl.ds(g * L, L)] = nv
            srcv[pl.ds(g * L, L)] = (sv << 14) | dv
        pltpu.sync_copy(normv.at[pl.ds(0, _ET)], norm_out.at[pl.ds(e0, _ET)])
        pltpu.sync_copy(srcv.at[pl.ds(0, _ET)], sd_out.at[pl.ds(e0, _ET)])

        @pl.when(s < 15)
        def _():
            pltpu.sync_copy(normv.at[pl.ds(_ET, _EB - _ET)],
                            norm_out.at[pl.ds(e0 + _ET, _EB - _ET)])
            pltpu.sync_copy(srcv.at[pl.ds(_ET, _EB - _ET)],
                            sd_out.at[pl.ds(e0 + _ET, _EB - _ET)])


def _deg_norm(edge_tuples, ew):
    f = pl.kernel(
        _deg_norm_body,
        out_type=(jax.ShapeDtypeStruct((E,), jnp.float32),
                  jax.ShapeDtypeStruct((NP,), jnp.float32),
                  jax.ShapeDtypeStruct((E,), jnp.int32)),
        mesh=_sc_mesh(),
        compiler_params=_SC_PARAMS,
        scratch_types=[
            pltpu.VMEM((NP,), jnp.float32),
            pltpu.VMEM((NP,), jnp.float32),
            pltpu.VMEM((_EB,), jnp.int32),
            pltpu.VMEM((_EB,), jnp.int32),
            pltpu.VMEM((_RB, 128), jnp.float32),
            pltpu.VMEM((_EB,), jnp.float32),
            pltpu.VMEM((NSC, NP // NSC), jnp.float32),
            pltpu.VMEM((NP // NSC,), jnp.float32),
            pltpu.VMEM((NP // NSC,), jnp.float32),
            pltpu.VMEM_SHARED((NSC, NP), jnp.float32),
            pltpu.VMEM_SHARED((NP,), jnp.float32),
        ],
    )
    return f(edge_tuples, ew)



def _msgpass_body(xwt_hbm, sd_hbm, nrm_hbm, out_hbm,
                  xwv, accv, sdb, nrmb, sem0, sem1):
    s = lax.axis_index("s")
    c = lax.axis_index("c")
    wid = s * 2 + c
    pltpu.sync_copy(xwt_hbm.at[pl.ds(2 * wid, 2), :], xwv)

    zero16 = jnp.zeros((L,), jnp.float32)

    @plsc.parallel_loop(0, NP // L, unroll=8)
    def zb(k):
        for f in range(FPT):
            accv[f, pl.ds(k * L, L)] = zero16

    i16 = lax.iota(jnp.int32, L)
    fidx = [i16 * 0 + f for f in range(FPT)]
    sems = [sem0, sem1]

    def start(ch, k):
        ca = lax.rem(ch + wid, NCH)
        pltpu.async_copy(sd_hbm.at[pl.ds(ca * CE, CE)], sdb.at[k], sems[k])
        pltpu.async_copy(nrm_hbm.at[pl.ds(ca * CE, CE)], nrmb.at[k], sems[k])

    def wait(k):
        pltpu.make_async_copy(sd_hbm.at[pl.ds(0, CE)], sdb.at[k], sems[k]).wait()
        pltpu.make_async_copy(nrm_hbm.at[pl.ds(0, CE)], nrmb.at[k], sems[k]).wait()

    def process(k):
        @plsc.parallel_loop(0, CE // L, unroll=16)
        def grp(g):
            sdv = sdb[k, pl.ds(g * L, L)]
            nv = nrmb[k, pl.ds(g * L, L)]
            sv = sdv >> 14
            dv = sdv & 0x3FFF
            for p in range(2):
                w32 = plsc.load_gather(xwv, [fidx[p], sv])
                flo = plsc.bitcast(w32 << 16, jnp.float32)
                fhi = plsc.bitcast(w32 & jnp.int32(-65536), jnp.float32)
                plsc.addupdate_scatter(accv, [fidx[p], dv], flo * nv)
                plsc.addupdate_scatter(accv, [fidx[p + 2], dv], fhi * nv)

    start(0, 0)
    start(1, 1)

    def pair(j, carry):
        c0 = 2 * j
        wait(0)
        process(0)

        @pl.when(c0 + 2 < NCH)
        def _():
            start(c0 + 2, 0)
        wait(1)
        process(1)

        @pl.when(c0 + 3 < NCH)
        def _():
            start(c0 + 3, 1)
        return carry
    lax.fori_loop(0, NCH // 2, pair, 0)

    pltpu.sync_copy(accv.at[pl.ds(0, 2), :], out_hbm.at[pl.ds(2 * wid, 2), :])
    pltpu.sync_copy(accv.at[pl.ds(2, 2), :],
                    out_hbm.at[pl.ds(D // 2 + 2 * wid, 2), :])


def _msgpass(xwP, sd, norm):
    f = pl.kernel(
        _msgpass_body,
        out_type=jax.ShapeDtypeStruct((D, NP), jnp.float32),
        mesh=_sc_mesh(),
        compiler_params=_SC_PARAMS,
        scratch_types=[
            pltpu.VMEM((2, NP), jnp.int32),
            pltpu.VMEM((FPT, NP), jnp.float32),
            pltpu.VMEM((2, CE), jnp.int32),
            pltpu.VMEM((2, CE), jnp.float32),
            pltpu.SemaphoreType.DMA,
            pltpu.SemaphoreType.DMA,
        ],
    )
    return f(xwP, sd, norm)



def kernel(edge_tuples, edge_feats, node_feats, We, be, W1, b1, W2, b2):
    ew = _edge_weights(edge_feats, We, be)
    norm, invdeg, sd = _deg_norm(edge_tuples.reshape(2 * E), ew)
    iv3 = invdeg.reshape(NP // 1024, 1, 1024)
    xwT1, xwP1 = _xw_t(W1, node_feats)
    accT1 = _msgpass(xwP1, sd, norm)
    xwT2, xwP2 = _mid(accT1, xwT1, iv3, b1, W2)
    accT2 = _msgpass(xwP2, sd, norm)
    outp = _final(accT2, xwT2, iv3, b2, node_feats)
    return outp[:N]

# --- scband reference (transcript-rebuilt; emitter-appended) ---
"""Pipeline reference for scband-gnnx2-43550968381841 (READ-ONLY COPY).

The authoritative reference and input builder live on the scoring server;
editing this copy changes nothing except your own understanding.
"""

import jax, jax.numpy as jnp
import numpy as np

N = 10000
E = 320000
D_NODE = 128
D_EDGE = 16
D_HID = 128
D_OUT = 128


def setup_inputs(seed: int = 0) -> dict:
    key = jax.random.key(seed)
    ks = jax.random.split(key, 8)
    edge_tuples = jax.random.randint(ks[0], (2, E), 0, N, dtype=jnp.int32)
    edge_feats = jax.random.normal(ks[1], (E, D_EDGE), dtype=jnp.float32)
    node_feats = jax.random.normal(ks[2], (N, D_NODE), dtype=jnp.float32)
    We = jax.random.normal(ks[3], (1, D_EDGE), dtype=jnp.float32) * (1.0 / np.sqrt(D_EDGE))
    be = jnp.zeros((1,), dtype=jnp.float32)
    W1 = jax.random.normal(ks[4], (D_HID, D_NODE), dtype=jnp.float32) * (1.0 / np.sqrt(D_NODE))
    b1 = jnp.zeros((D_HID,), dtype=jnp.float32)
    W2 = jax.random.normal(ks[5], (D_OUT, D_HID), dtype=jnp.float32) * (1.0 / np.sqrt(D_HID))
    b2 = jnp.zeros((D_OUT,), dtype=jnp.float32)
    return {"edge_tuples": edge_tuples, "edge_feats": edge_feats, "node_feats": node_feats,
            "We": We, "be": be, "W1": W1, "b1": b1, "W2": W2, "b2": b2}


def _gcn_conv(x, src, dst, ew, W, b, n):
    # PyG GCNConv with edge_weight: add self-loops (weight 1), symmetric normalization.
    loop = jnp.arange(n, dtype=src.dtype)
    s = jnp.concatenate([src, loop])
    d = jnp.concatenate([dst, loop])
    w = jnp.concatenate([ew, jnp.ones((n,), dtype=ew.dtype)])
    deg = jnp.zeros((n,), dtype=x.dtype).at[d].add(w)
    dis = jax.lax.rsqrt(deg)  # deg >= 1 because of self-loops with weight 1
    norm = dis[s] * w * dis[d]
    xw = x @ W.T
    msgs = xw[s] * norm[:, None]
    out = jnp.zeros((n, xw.shape[1]), dtype=x.dtype).at[d].add(msgs)
    return out + b


def reference(edge_tuples, edge_feats, node_feats, We, be, W1, b1, W2, b2):
    src = edge_tuples[0]
    dst = edge_tuples[1]
    # edge_transform: Linear(d_edge, 1) + softplus -> scalar edge weight per edge
    edge_embeds = jax.nn.softplus(edge_feats @ We.T + be)  # [E, 1]
    ew = jnp.squeeze(edge_embeds, axis=-1)  # squeeze() in convolve
    # gnn1 -> activate -> gnn2
    h = _gcn_conv(node_feats, src, dst, ew, W1, b1, N)
    h = jnp.tanh(h)
    h = _gcn_conv(h, src, dst, ew, W2, b2, N)
    # skip is Identity (feat_input_size_node == feat_target_size), doskip = 1
    node_residuals = node_feats
    return h + node_residuals

if __name__ == "__main__":
    import jax
    _d = setup_inputs()
    print(jax.jit(kernel)(*tuple(_d.values())))

</pallas_src>

<mosaic_0001>
#map = affine_map<(d0, d1) -> (0, 0)>
#map1 = affine_map<(d0, d1) -> (0)>
module attributes {stable_mosaic.version = 14 : i64} {
  func.func @_msgpass_body(%arg0: i32, %arg1: i32, %arg2: memref<64x10240xi32, #tpu.memory_space<hbm>>, %arg3: memref<320000xi32, #tpu.memory_space<hbm>>, %arg4: memref<320000xf32, #tpu.memory_space<hbm>>, %arg5: memref<128x10240xf32, #tpu.memory_space<hbm>>, %arg6: memref<2x10240xi32, #tpu.memory_space<vmem>>, %arg7: memref<4x10240xf32, #tpu.memory_space<vmem>>, %arg8: memref<2x6400xi32, #tpu.memory_space<vmem>>, %arg9: memref<2x6400xf32, #tpu.memory_space<vmem>>, %arg10: memref<!tpu.dma_semaphore, #tpu.memory_space<semaphore_mem>>, %arg11: memref<!tpu.dma_semaphore, #tpu.memory_space<semaphore_mem>>) attributes {dimension_semantics = [#tpu.dimension_semantics<core_parallel>, #tpu.dimension_semantics<subcore_parallel>], iteration_bounds = array<i64: 2, 16>, scalar_prefetch = 0 : i64, scratch_operands = 6 : i64, tpu.core_type = #tpu.core_type<sc_vector_subcore>, window_params = [{transform_indices = #map}, {transform_indices = #map1}, {transform_indices = #map1}, {transform_indices = #map}]} {
    %mul3A = arith.constant 2 : i32
    %mul3A_0 = arith.muli %arg1, %mul3A : i32
    %add3A = arith.addi %mul3A_0, %arg0 : i32
    %mul3A_1 = arith.constant 2 : i32
    %mul3A_2 = arith.muli %mul3A_1, %add3A : i32
    "tpu.region"() ({
      %run_scoped3A = tpu.sem_alloc : memref<!tpu.dma_semaphore, #tpu.memory_space<semaphore_mem>>
      %dma_start3A_91 = arith.constant 0 : i32
      %dma_start3A_92 = tpu.memref_slice %arg2[%mul3A_2, %dma_start3A_91] : memref<64x10240xi32, #tpu.memory_space<hbm>> -> memref<2x10240xi32, #tpu.memory_space<hbm>>
      %dma_start3A_93 = arith.constant 0 : i32
      %dma_start3A_94 = tpu.memref_slice %arg2[%mul3A_2, %dma_start3A_93] : memref<64x10240xi32, #tpu.memory_space<hbm>> -> memref<2x10240xi32, #tpu.memory_space<hbm>>
      tpu.enqueue_dma source(%dma_start3A_94 : memref<2x10240xi32, #tpu.memory_space<hbm>>) target(%arg6 : memref<2x10240xi32, #tpu.memory_space<vmem>>) target_semaphore(%run_scoped3A : memref<!tpu.dma_semaphore, #tpu.memory_space<semaphore_mem>>)
      %dma_wait3A = arith.constant 0 : i32
      %dma_wait3A_95 = tpu.memref_slice %arg2[%mul3A_2, %dma_wait3A] : memref<64x10240xi32, #tpu.memory_space<hbm>> -> memref<2x10240xi32, #tpu.memory_space<hbm>>
      %dma_wait3A_96 = arith.constant 0 : i32
      %dma_wait3A_97 = tpu.memref_slice %arg2[%mul3A_2, %dma_wait3A_96] : memref<64x10240xi32, #tpu.memory_space<hbm>> -> memref<2x10240xi32, #tpu.memory_space<hbm>>
      tpu.wait_dma2 semaphore(%run_scoped3A : memref<!tpu.dma_semaphore, #tpu.memory_space<semaphore_mem>>) src(%dma_wait3A_97 : memref<2x10240xi32, #tpu.memory_space<hbm>>) dst(%arg6 : memref<2x10240xi32, #tpu.memory_space<vmem>>)
      tpu.yield
    }) : () -> ()
    %broadcast_in_dim3A = arith.constant 0.000000e+00 : f32
    %broadcast_in_dim3A_3 = vector.broadcast %broadcast_in_dim3A : f32 to vector<16xf32>
    %parallel_loop3A = arith.constant 0 : i32
    %parallel_loop3A_4 = arith.constant 640 : i32
    %parallel_loop3A_5 = arith.constant 1 : i32
    scf.for %parallel_loop3A_91 = %parallel_loop3A to %parallel_loop3A_4 step %parallel_loop3A_5  : i32 {
      %parallel_loop3A_92 = arith.constant 16 : i32
      %parallel_loop3A_93 = arith.muli %parallel_loop3A_91, %parallel_loop3A_92 : i32
      %parallel_loop3A_94 = arith.constant 0 : i32
      %parallel_loop3A_95 = arith.index_cast %parallel_loop3A_94 : i32 to index
      %parallel_loop3A_96 = arith.index_cast %parallel_loop3A_93 : i32 to index
      %parallel_loop3A_97 = tpu.vector_load %arg7[%parallel_loop3A_95, %parallel_loop3A_96] {strides = array<i32>} : memref<4x10240xf32, #tpu.memory_space<vmem>>, vector<16xf32>,
      tpu.vector_store %arg7[%parallel_loop3A_95, %parallel_loop3A_96], %broadcast_in_dim3A_3 {strides = array<i32>} : memref<4x10240xf32, #tpu.memory_space<vmem>>, vector<16xf32>,
      %parallel_loop3A_98 = arith.constant 16 : i32
      %parallel_loop3A_99 = arith.muli %parallel_loop3A_91, %parallel_loop3A_98 : i32
      %parallel_loop3A_100 = arith.constant 1 : i32
      %parallel_loop3A_101 = arith.index_cast %parallel_loop3A_100 : i32 to index
      %parallel_loop3A_102 = arith.index_cast %parallel_loop3A_99 : i32 to index
      %parallel_loop3A_103 = tpu.vector_load %arg7[%parallel_loop3A_101, %parallel_loop3A_102] {strides = array<i32>} : memref<4x10240xf32, #tpu.memory_space<vmem>>, vector<16xf32>,
      tpu.vector_store %arg7[%parallel_loop3A_101, %parallel_loop3A_102], %broadcast_in_dim3A_3 {strides = array<i32>} : memref<4x10240xf32, #tpu.memory_space<vmem>>, vector<16xf32>,
      %parallel_loop3A_104 = arith.constant 16 : i32
      %parallel_loop3A_105 = arith.muli %parallel_loop3A_91, %parallel_loop3A_104 : i32
      %parallel_loop3A_106 = arith.constant 2 : i32
      %parallel_loop3A_107 = arith.index_cast %parallel_loop3A_106 : i32 to index
      %parallel_loop3A_108 = arith.index_cast %parallel_loop3A_105 : i32 to index
      %parallel_loop3A_109 = tpu.vector_load %arg7[%parallel_loop3A_107, %parallel_loop3A_108] {strides = array<i32>} : memref<4x10240xf32, #tpu.memory_space<vmem>>, vector<16xf32>,
      tpu.vector_store %arg7[%parallel_loop3A_107, %parallel_loop3A_108], %broadcast_in_dim3A_3 {strides = array<i32>} : memref<4x10240xf32, #tpu.memory_space<vmem>>, vector<16xf32>,
      %parallel_loop3A_110 = arith.constant 16 : i32
      %parallel_loop3A_111 = arith.muli %parallel_loop3A_91, %parallel_loop3A_110 : i32
      %parallel_loop3A_112 = arith.constant 3 : i32
      %parallel_loop3A_113 = arith.index_cast %parallel_loop3A_112 : i32 to index
      %parallel_loop3A_114 = arith.index_cast %parallel_loop3A_111 : i32 to index
      %parallel_loop3A_115 = tpu.vector_load %arg7[%parallel_loop3A_113, %parallel_loop3A_114] {strides = array<i32>} : memref<4x10240xf32, #tpu.memory_space<vmem>>, vector<16xf32>,
      tpu.vector_store %arg7[%parallel_loop3A_113, %parallel_loop3A_114], %broadcast_in_dim3A_3 {strides = array<i32>} : memref<4x10240xf32, #tpu.memory_space<vmem>>, vector<16xf32>,
    } {sc.loop_unroll_factor = 8 : i64, sc.parallel_access}
    %iota3A = tpu.iota {dimensions = array<i32: 0>} : vector<16xi32>
    %mul3A_6 = arith.constant 0 : i32
    %mul3A_7 = vector.broadcast %mul3A_6 : i32 to vector<16xi32>
    %mul3A_8 = arith.muli %iota3A, %mul3A_7 : vector<16xi32>
    %add3A_9 = arith.constant 0 : i32
    %add3A_10 = vector.broadcast %add3A_9 : i32 to vector<16xi32>
    %add3A_11 = arith.addi %mul3A_8, %add3A_10 : vector<16xi32>
    %mul3A_12 = arith.constant 0 : i32
    %mul3A_13 = vector.broadcast %mul3A_12 : i32 to vector<16xi32>
    %mul3A_14 = arith.muli %iota3A, %mul3A_13 : vector<16xi32>
    %add3A_15 = arith.constant 1 : i32
    %add3A_16 = vector.broadcast %add3A_15 : i32 to vector<16xi32>
    %add3A_17 = arith.addi %mul3A_14, %add3A_16 : vector<16xi32>
    %mul3A_18 = arith.constant 0 : i32
    %mul3A_19 = vector.broadcast %mul3A_18 : i32 to vector<16xi32>
    %mul3A_20 = arith.muli %iota3A, %mul3A_19 : vector<16xi32>
    %add3A_21 = arith.constant 2 : i32
    %add3A_22 = vector.broadcast %add3A_21 : i32 to vector<16xi32>
    %add3A_23 = arith.addi %mul3A_20, %add3A_22 : vector<16xi32>
    %mul3A_24 = arith.constant 0 : i32
    %mul3A_25 = vector.broadcast %mul3A_24 : i32 to vector<16xi32>
    %mul3A_26 = arith.muli %iota3A, %mul3A_25 : vector<16xi32>
    %add3A_27 = arith.constant 3 : i32
    %add3A_28 = vector.broadcast %add3A_27 : i32 to vector<16xi32>
    %add3A_29 = arith.addi %mul3A_26, %add3A_28 : vector<16xi32>
    %add3A_30 = arith.constant 0 : i32
    %add3A_31 = arith.addi %add3A_30, %add3A : i32
    %rem3A = arith.constant 50 : i32
    %rem3A_32 = arith.remsi %add3A_31, %rem3A : i32
    %mul3A_33 = arith.constant 6400 : i32
    %mul3A_34 = arith.muli %rem3A_32, %mul3A_33 : i32
    %dma_start3A = arith.constant 0 : i32
    %dma_start3A_35 = arith.constant 0 : i32
    %dma_start3A_36 = tpu.memref_slice %arg8[%dma_start3A, %dma_start3A_35] : memref<2x6400xi32, #tpu.memory_space<vmem>> -> memref<1x6400xi32, #tpu.memory_space<vmem>>
    %dma_start3A_37 = tpu.memref_squeeze %dma_start3A_36 : memref<1x6400xi32, #tpu.memory_space<vmem>> -> memref<6400xi32, #tpu.memory_space<vmem>>
    %dma_start3A_38 = tpu.memref_slice %arg3[%mul3A_34] : memref<320000xi32, #tpu.memory_space<hbm>> -> memref<6400xi32, #tpu.memory_space<hbm>>
    %dma_start3A_39 = arith.constant 0 : i32
    %dma_start3A_40 = tpu.memref_slice %arg8[%dma_start3A, %dma_start3A_39] : memref<2x6400xi32, #tpu.memory_space<vmem>> -> memref<1x6400xi32, #tpu.memory_space<vmem>>
    %dma_start3A_41 = tpu.memref_squeeze %dma_start3A_40 : memref<1x6400xi32, #tpu.memory_space<vmem>> -> memref<6400xi32, #tpu.memory_space<vmem>>
    %dma_start3A_42 = tpu.memref_slice %arg3[%mul3A_34] : memref<320000xi32, #tpu.memory_space<hbm>> -> memref<6400xi32, #tpu.memory_space<hbm>>
    tpu.enqueue_dma source(%dma_start3A_42 : memref<6400xi32, #tpu.memory_space<hbm>>) target(%dma_start3A_41 : memref<6400xi32, #tpu.memory_space<vmem>>) target_semaphore(%arg10 : memref<!tpu.dma_semaphore, #tpu.memory_space<semaphore_mem>>)
    %mul3A_43 = arith.constant 6400 : i32
    %mul3A_44 = arith.muli %rem3A_32, %mul3A_43 : i32
    %dma_start3A_45 = arith.constant 0 : i32
    %dma_start3A_46 = arith.constant 0 : i32
    %dma_start3A_47 = tpu.memref_slice %arg9[%dma_start3A_45, %dma_start3A_46] : memref<2x6400xf32, #tpu.memory_space<vmem>> -> memref<1x6400xf32, #tpu.memory_space<vmem>>
    %dma_start3A_48 = tpu.memref_squeeze %dma_start3A_47 : memref<1x6400xf32, #tpu.memory_space<vmem>> -> memref<6400xf32, #tpu.memory_space<vmem>>
    %dma_start3A_49 = tpu.memref_slice %arg4[%mul3A_44] : memref<320000xf32, #tpu.memory_space<hbm>> -> memref<6400xf32, #tpu.memory_space<hbm>>
    %dma_start3A_50 = arith.constant 0 : i32
    %dma_start3A_51 = tpu.memref_slice %arg9[%dma_start3A_45, %dma_start3A_50] : memref<2x6400xf32, #tpu.memory_space<vmem>> -> memref<1x6400xf32, #tpu.memory_space<vmem>>
    %dma_start3A_52 = tpu.memref_squeeze %dma_start3A_51 : memref<1x6400xf32, #tpu.memory_space<vmem>> -> memref<6400xf32, #tpu.memory_space<vmem>>
    %dma_start3A_53 = tpu.memref_slice %arg4[%mul3A_44] : memref<320000xf32, #tpu.memory_space<hbm>> -> memref<6400xf32, #tpu.memory_space<hbm>>
    tpu.enqueue_dma source(%dma_start3A_53 : memref<6400xf32, #tpu.memory_space<hbm>>) target(%dma_start3A_52 : memref<6400xf32, #tpu.memory_space<vmem>>) target_semaphore(%arg10 : memref<!tpu.dma_semaphore, #tpu.memory_space<semaphore_mem>>)
    %add3A_54 = arith.constant 1 : i32
    %add3A_55 = arith.addi %add3A_54, %add3A : i32
    %rem3A_56 = arith.constant 50 : i32
    %rem3A_57 = arith.remsi %add3A_55, %rem3A_56 : i32
    %mul3A_58 = arith.constant 6400 : i32
    %mul3A_59 = arith.muli %rem3A_57, %mul3A_58 : i32
    %dma_start3A_60 = arith.constant 1 : i32
    %dma_start3A_61 = arith.constant 0 : i32
    %dma_start3A_62 = tpu.memref_slice %arg8[%dma_start3A_60, %dma_start3A_61] : memref<2x6400xi32, #tpu.memory_space<vmem>> -> memref<1x6400xi32, #tpu.memory_space<vmem>>
    %dma_start3A_63 = tpu.memref_squeeze %dma_start3A_62 : memref<1x6400xi32, #tpu.memory_space<vmem>> -> memref<6400xi32, #tpu.memory_space<vmem>>
    %dma_start3A_64 = tpu.memref_slice %arg3[%mul3A_59] : memref<320000xi32, #tpu.memory_space<hbm>> -> memref<6400xi32, #tpu.memory_space<hbm>>
    %dma_start3A_65 = arith.constant 0 : i32
    %dma_start3A_66 = tpu.memref_slice %arg8[%dma_start3A_60, %dma_start3A_65] : memref<2x6400xi32, #tpu.memory_space<vmem>> -> memref<1x6400xi32, #tpu.memory_space<vmem>>
    %dma_start3A_67 = tpu.memref_squeeze %dma_start3A_66 : memref<1x6400xi32, #tpu.memory_space<vmem>> -> memref<6400xi32, #tpu.memory_space<vmem>>
    %dma_start3A_68 = tpu.memref_slice %arg3[%mul3A_59] : memref<320000xi32, #tpu.memory_space<hbm>> -> memref<6400xi32, #tpu.memory_space<hbm>>
    tpu.enqueue_dma source(%dma_start3A_68 : memref<6400xi32, #tpu.memory_space<hbm>>) target(%dma_start3A_67 : memref<6400xi32, #tpu.memory_space<vmem>>) target_semaphore(%arg11 : memref<!tpu.dma_semaphore, #tpu.memory_space<semaphore_mem>>)
    %mul3A_69 = arith.constant 6400 : i32
    %mul3A_70 = arith.muli %rem3A_57, %mul3A_69 : i32
    %dma_start3A_71 = arith.constant 1 : i32
    %dma_start3A_72 = arith.constant 0 : i32
    %dma_start3A_73 = tpu.memref_slice %arg9[%dma_start3A_71, %dma_start3A_72] : memref<2x6400xf32, #tpu.memory_space<vmem>> -> memref<1x6400xf32, #tpu.memory_space<vmem>>
    %dma_start3A_74 = tpu.memref_squeeze %dma_start3A_73 : memref<1x6400xf32, #tpu.memory_space<vmem>> -> memref<6400xf32, #tpu.memory_space<vmem>>
    %dma_start3A_75 = tpu.memref_slice %arg4[%mul3A_70] : memref<320000xf32, #tpu.memory_space<hbm>> -> memref<6400xf32, #tpu.memory_space<hbm>>
    %dma_start3A_76 = arith.constant 0 : i32
    %dma_start3A_77 = tpu.memref_slice %arg9[%dma_start3A_71, %dma_start3A_76] : memref<2x6400xf32, #tpu.memory_space<vmem>> -> memref<1x6400xf32, #tpu.memory_space<vmem>>
    %dma_start3A_78 = tpu.memref_squeeze %dma_start3A_77 : memref<1x6400xf32, #tpu.memory_space<vmem>> -> memref<6400xf32, #tpu.memory_space<vmem>>
    %dma_start3A_79 = tpu.memref_slice %arg4[%mul3A_70] : memref<320000xf32, #tpu.memory_space<hbm>> -> memref<6400xf32, #tpu.memory_space<hbm>>
    tpu.enqueue_dma source(%dma_start3A_79 : memref<6400xf32, #tpu.memory_space<hbm>>) target(%dma_start3A_78 : memref<6400xf32, #tpu.memory_space<vmem>>) target_semaphore(%arg11 : memref<!tpu.dma_semaphore, #tpu.memory_space<semaphore_mem>>)
    %scan3A = arith.constant 0 : i32
    %scan3A_80 = arith.constant 0 : i32
    %scan3A_81 = arith.constant 25 : i32
    %scan3A_82 = arith.addi %scan3A_80, %scan3A_81 : i32
    %scan3A_83 = arith.constant 1 : i32
    scf.for %scan3A_91 = %scan3A_80 to %scan3A_82 step %scan3A_83  : i32 {
      %mul3A_92 = arith.constant 2 : i32
      %mul3A_93 = arith.muli %mul3A_92, %scan3A_91 : i32
      %dma_wait3A = arith.constant 0 : i32
      %dma_wait3A_94 = arith.constant 0 : i32
      %dma_wait3A_95 = tpu.memref_slice %arg8[%dma_wait3A, %dma_wait3A_94] : memref<2x6400xi32, #tpu.memory_space<vmem>> -> memref<1x6400xi32, #tpu.memory_space<vmem>>
      %dma_wait3A_96 = tpu.memref_squeeze %dma_wait3A_95 : memref<1x6400xi32, #tpu.memory_space<vmem>> -> memref<6400xi32, #tpu.memory_space<vmem>>
      %dma_wait3A_97 = arith.constant 0 : i32
      %dma_wait3A_98 = tpu.memref_slice %arg3[%dma_wait3A_97] : memref<320000xi32, #tpu.memory_space<hbm>> -> memref<6400xi32, #tpu.memory_space<hbm>>
      %dma_wait3A_99 = arith.constant 0 : i32
      %dma_wait3A_100 = tpu.memref_slice %arg8[%dma_wait3A, %dma_wait3A_99] : memref<2x6400xi32, #tpu.memory_space<vmem>> -> memref<1x6400xi32, #tpu.memory_space<vmem>>
      %dma_wait3A_101 = tpu.memref_squeeze %dma_wait3A_100 : memref<1x6400xi32, #tpu.memory_space<vmem>> -> memref<6400xi32, #tpu.memory_space<vmem>>
      %dma_wait3A_102 = arith.constant 0 : i32
      %dma_wait3A_103 = tpu.memref_slice %arg3[%dma_wait3A_102] : memref<320000xi32, #tpu.memory_space<hbm>> -> memref<6400xi32, #tpu.memory_space<hbm>>
      tpu.wait_dma2 semaphore(%arg10 : memref<!tpu.dma_semaphore, #tpu.memory_space<semaphore_mem>>) src(%dma_wait3A_103 : memref<6400xi32, #tpu.memory_space<hbm>>) dst(%dma_wait3A_101 : memref<6400xi32, #tpu.memory_space<vmem>>)
      %dma_wait3A_104 = arith.constant 0 : i32
      %dma_wait3A_105 = arith.constant 0 : i32
      %dma_wait3A_106 = tpu.memref_slice %arg9[%dma_wait3A_104, %dma_wait3A_105] : memref<2x6400xf32, #tpu.memory_space<vmem>> -> memref<1x6400xf32, #tpu.memory_space<vmem>>
      %dma_wait3A_107 = tpu.memref_squeeze %dma_wait3A_106 : memref<1x6400xf32, #tpu.memory_space<vmem>> -> memref<6400xf32, #tpu.memory_space<vmem>>
      %dma_wait3A_108 = arith.constant 0 : i32
      %dma_wait3A_109 = tpu.memref_slice %arg4[%dma_wait3A_108] : memref<320000xf32, #tpu.memory_space<hbm>> -> memref<6400xf32, #tpu.memory_space<hbm>>
      %dma_wait3A_110 = arith.constant 0 : i32
      %dma_wait3A_111 = tpu.memref_slice %arg9[%dma_wait3A_104, %dma_wait3A_110] : memref<2x6400xf32, #tpu.memory_space<vmem>> -> memref<1x6400xf32, #tpu.memory_space<vmem>>
      %dma_wait3A_112 = tpu.memref_squeeze %dma_wait3A_111 : memref<1x6400xf32, #tpu.memory_space<vmem>> -> memref<6400xf32, #tpu.memory_space<vmem>>
      %dma_wait3A_113 = arith.constant 0 : i32
      %dma_wait3A_114 = tpu.memref_slice %arg4[%dma_wait3A_113] : memref<320000xf32, #tpu.memory_space<hbm>> -> memref<6400xf32, #tpu.memory_space<hbm>>
      tpu.wait_dma2 semaphore(%arg10 : memref<!tpu.dma_semaphore, #tpu.memory_space<semaphore_mem>>) src(%dma_wait3A_114 : memref<6400xf32, #tpu.memory_space<hbm>>) dst(%dma_wait3A_112 : memref<6400xf32, #tpu.memory_space<vmem>>)
      %parallel_loop3A_115 = arith.constant 0 : i32
      %parallel_loop3A_116 = arith.constant 400 : i32
      %parallel_loop3A_117 = arith.constant 1 : i32
      scf.for %parallel_loop3A_154 = %parallel_loop3A_115 to %parallel_loop3A_116 step %parallel_loop3A_117  : i32 {
        %parallel_loop3A_155 = arith.constant 16 : i32
        %parallel_loop3A_156 = arith.muli %parallel_loop3A_154, %parallel_loop3A_155 : i32
        %parallel_loop3A_157 = arith.constant 0 : i32
        %parallel_loop3A_158 = arith.index_cast %parallel_loop3A_157 : i32 to index
        %parallel_loop3A_159 = arith.index_cast %parallel_loop3A_156 : i32 to index
        %parallel_loop3A_160 = tpu.vector_load %arg8[%parallel_loop3A_158, %parallel_loop3A_159] {strides = array<i32>} : memref<2x6400xi32, #tpu.memory_space<vmem>>, vector<16xi32>,
        %parallel_loop3A_161 = arith.constant 16 : i32
        %parallel_loop3A_162 = arith.muli %parallel_loop3A_154, %parallel_loop3A_161 : i32
        %parallel_loop3A_163 = arith.constant 0 : i32
        %parallel_loop3A_164 = arith.index_cast %parallel_loop3A_163 : i32 to index
        %parallel_loop3A_165 = arith.index_cast %parallel_loop3A_162 : i32 to index
        %parallel_loop3A_166 = tpu.vector_load %arg9[%parallel_loop3A_164, %parallel_loop3A_165] {strides = array<i32>} : memref<2x6400xf32, #tpu.memory_space<vmem>>, vector<16xf32>,
        %parallel_loop3A_167 = arith.constant 14 : i32
        %parallel_loop3A_168 = vector.broadcast %parallel_loop3A_167 : i32 to vector<16xi32>
        %parallel_loop3A_169 = arith.shrsi %parallel_loop3A_160, %parallel_loop3A_168 : vector<16xi32>
        %parallel_loop3A_170 = arith.constant 16383 : i32
        %parallel_loop3A_171 = vector.broadcast %parallel_loop3A_170 : i32 to vector<16xi32>
        %parallel_loop3A_172 = arith.andi %parallel_loop3A_160, %parallel_loop3A_171 : vector<16xi32>
        %parallel_loop3A_173 = tpu.vector_load_idx %arg6[%add3A_11, %parallel_loop3A_169] : memref<2x10240xi32, #tpu.memory_space<vmem>>[vector<16xi32>, vector<16xi32>], vector<16xi32>,
        %parallel_loop3A_174 = arith.constant 16 : i32
        %parallel_loop3A_175 = vector.broadcast %parallel_loop3A_174 : i32 to vector<16xi32>
        %parallel_loop3A_176 = arith.shli %parallel_loop3A_173, %parallel_loop3A_175 : vector<16xi32>
        %parallel_loop3A_177 = vector.bitcast %parallel_loop3A_176 : vector<16xi32> to vector<16xf32>
        %parallel_loop3A_178 = arith.constant -65536 : i32
        %parallel_loop3A_179 = vector.broadcast %parallel_loop3A_178 : i32 to vector<16xi32>
        %parallel_loop3A_180 = arith.andi %parallel_loop3A_173, %parallel_loop3A_179 : vector<16xi32>
        %parallel_loop3A_181 = vector.bitcast %parallel_loop3A_180 : vector<16xi32> to vector<16xf32>
        %parallel_loop3A_182 = arith.mulf %parallel_loop3A_177, %parallel_loop3A_166 : vector<16xf32>
        tpu.vector_store_idx %arg7[%add3A_11, %parallel_loop3A_172], %parallel_loop3A_182 {add = true} : memref<4x10240xf32, #tpu.memory_space<vmem>>[vector<16xi32>, vector<16xi32>], vector<16xf32>,
        %parallel_loop3A_183 = arith.mulf %parallel_loop3A_181, %parallel_loop3A_166 : vector<16xf32>
        tpu.vector_store_idx %arg7[%add3A_23, %parallel_loop3A_172], %parallel_loop3A_183 {add = true} : memref<4x10240xf32, #tpu.memory_space<vmem>>[vector<16xi32>, vector<16xi32>], vector<16xf32>,
        %parallel_loop3A_184 = tpu.vector_load_idx %arg6[%add3A_17, %parallel_loop3A_169] : memref<2x10240xi32, #tpu.memory_space<vmem>>[vector<16xi32>, vector<16xi32>], vector<16xi32>,
        %parallel_loop3A_185 = arith.constant 16 : i32
        %parallel_loop3A_186 = vector.broadcast %parallel_loop3A_185 : i32 to vector<16xi32>
        %parallel_loop3A_187 = arith.shli %parallel_loop3A_184, %parallel_loop3A_186 : vector<16xi32>
        %parallel_loop3A_188 = vector.bitcast %parallel_loop3A_187 : vector<16xi32> to vector<16xf32>
        %parallel_loop3A_189 = arith.constant -65536 : i32
        %parallel_loop3A_190 = vector.broadcast %parallel_loop3A_189 : i32 to vector<16xi32>
        %parallel_loop3A_191 = arith.andi %parallel_loop3A_184, %parallel_loop3A_190 : vector<16xi32>
        %parallel_loop3A_192 = vector.bitcast %parallel_loop3A_191 : vector<16xi32> to vector<16xf32>
        %parallel_loop3A_193 = arith.mulf %parallel_loop3A_188, %parallel_loop3A_166 : vector<16xf32>
        tpu.vector_store_idx %arg7[%add3A_17, %parallel_loop3A_172], %parallel_loop3A_193 {add = true} : memref<4x10240xf32, #tpu.memory_space<vmem>>[vector<16xi32>, vector<16xi32>], vector<16xf32>,
        %parallel_loop3A_194 = arith.mulf %parallel_loop3A_192, %parallel_loop3A_166 : vector<16xf32>
        tpu.vector_store_idx %arg7[%add3A_29, %parallel_loop3A_172], %parallel_loop3A_194 {add = true} : memref<4x10240xf32, #tpu.memory_space<vmem>>[vector<16xi32>, vector<16xi32>], vector<16xf32>,
      } {sc.loop_unroll_factor = 16 : i64, sc.parallel_access}
      %add3A_118 = arith.constant 2 : i32
      %add3A_119 = arith.addi %mul3A_93, %add3A_118 : i32
      %lt3A = arith.constant 50 : i32
      %lt3A_120 = arith.cmpi slt, %add3A_119, %lt3A : i32
      %convert_element_type3A = arith.extui %lt3A_120 : i1 to i32
      %cond3A = arith.constant 0 : i32
      %cond3A_121 = arith.cmpi ne, %convert_element_type3A, %cond3A : i32
      scf.if %cond3A_121 {
        %add3A_154 = arith.constant 2 : i32
        %add3A_155 = arith.addi %mul3A_93, %add3A_154 : i32
        %add3A_156 = arith.addi %add3A_155, %add3A : i32
        %rem3A_157 = arith.constant 50 : i32
        %rem3A_158 = arith.remsi %add3A_156, %rem3A_157 : i32
        %mul3A_159 = arith.constant 6400 : i32
        %mul3A_160 = arith.muli %rem3A_158, %mul3A_159 : i32
        %dma_start3A_161 = arith.constant 0 : i32
        %dma_start3A_162 = arith.constant 0 : i32
        %dma_start3A_163 = tpu.memref_slice %arg8[%dma_start3A_161, %dma_start3A_162] : memref<2x6400xi32, #tpu.memory_space<vmem>> -> memref<1x6400xi32, #tpu.memory_space<vmem>>
        %dma_start3A_164 = tpu.memref_squeeze %dma_start3A_163 : memref<1x6400xi32, #tpu.memory_space<vmem>> -> memref<6400xi32, #tpu.memory_space<vmem>>
        %dma_start3A_165 = tpu.memref_slice %arg3[%mul3A_160] : memref<320000xi32, #tpu.memory_space<hbm>> -> memref<6400xi32, #tpu.memory_space<hbm>>
        %dma_start3A_166 = arith.constant 0 : i32
        %dma_start3A_167 = tpu.memref_slice %arg8[%dma_start3A_161, %dma_start3A_166] : memref<2x6400xi32, #tpu.memory_space<vmem>> -> memref<1x6400xi32, #tpu.memory_space<vmem>>
        %dma_start3A_168 = tpu.memref_squeeze %dma_start3A_167 : memref<1x6400xi32, #tpu.memory_space<vmem>> -> memref<6400xi32, #tpu.memory_space<vmem>>
        %dma_start3A_169 = tpu.memref_slice %arg3[%mul3A_160] : memref<320000xi32, #tpu.memory_space<hbm>> -> memref<6400xi32, #tpu.memory_space<hbm>>
        tpu.enqueue_dma source(%dma_start3A_169 : memref<6400xi32, #tpu.memory_space<hbm>>) target(%dma_start3A_168 : memref<6400xi32, #tpu.memory_space<vmem>>) target_semaphore(%arg10 : memref<!tpu.dma_semaphore, #tpu.memory_space<semaphore_mem>>)
        %mul3A_170 = arith.constant 6400 : i32
        %mul3A_171 = arith.muli %rem3A_158, %mul3A_170 : i32
        %dma_start3A_172 = arith.constant 0 : i32
        %dma_start3A_173 = arith.constant 0 : i32
        %dma_start3A_174 = tpu.memref_slice %arg9[%dma_start3A_172, %dma_start3A_173] : memref<2x6400xf32, #tpu.memory_space<vmem>> -> memref<1x6400xf32, #tpu.memory_space<vmem>>
        %dma_start3A_175 = tpu.memref_squeeze %dma_start3A_174 : memref<1x6400xf32, #tpu.memory_space<vmem>> -> memref<6400xf32, #tpu.memory_space<vmem>>
        %dma_start3A_176 = tpu.memref_slice %arg4[%mul3A_171] : memref<320000xf32, #tpu.memory_space<hbm>> -> memref<6400xf32, #tpu.memory_space<hbm>>
        %dma_start3A_177 = arith.constant 0 : i32
        %dma_start3A_178 = tpu.memref_slice %arg9[%dma_start3A_172, %dma_start3A_177] : memref<2x6400xf32, #tpu.memory_space<vmem>> -> memref<1x6400xf32, #tpu.memory_space<vmem>>
        %dma_start3A_179 = tpu.memref_squeeze %dma_start3A_178 : memref<1x6400xf32, #tpu.memory_space<vmem>> -> memref<6400xf32, #tpu.memory_space<vmem>>
        %dma_start3A_180 = tpu.memref_slice %arg4[%mul3A_171] : memref<320000xf32, #tpu.memory_space<hbm>> -> memref<6400xf32, #tpu.memory_space<hbm>>
        tpu.enqueue_dma source(%dma_start3A_180 : memref<6400xf32, #tpu.memory_space<hbm>>) target(%dma_start3A_179 : memref<6400xf32, #tpu.memory_space<vmem>>) target_semaphore(%arg10 : memref<!tpu.dma_semaphore, #tpu.memory_space<semaphore_mem>>)
      } else {
      }
      %dma_wait3A_122 = arith.constant 1 : i32
      %dma_wait3A_123 = arith.constant 0 : i32
      %dma_wait3A_124 = tpu.memref_slice %arg8[%dma_wait3A_122, %dma_wait3A_123] : memref<2x6400xi32, #tpu.memory_space<vmem>> -> memref<1x6400xi32, #tpu.memory_space<vmem>>
      %dma_wait3A_125 = tpu.memref_squeeze %dma_wait3A_124 : memref<1x6400xi32, #tpu.memory_space<vmem>> -> memref<6400xi32, #tpu.memory_space<vmem>>
      %dma_wait3A_126 = arith.constant 0 : i32
      %dma_wait3A_127 = tpu.memref_slice %arg3[%dma_wait3A_126] : memref<320000xi32, #tpu.memory_space<hbm>> -> memref<6400xi32, #tpu.memory_space<hbm>>
      %dma_wait3A_128 = arith.constant 0 : i32
      %dma_wait3A_129 = tpu.memref_slice %arg8[%dma_wait3A_122, %dma_wait3A_128] : memref<2x6400xi32, #tpu.memory_space<vmem>> -> memref<1x6400xi32, #tpu.memory_space<vmem>>
      %dma_wait3A_130 = tpu.memref_squeeze %dma_wait3A_129 : memref<1x6400xi32, #tpu.memory_space<vmem>> -> memref<6400xi32, #tpu.memory_space<vmem>>
      %dma_wait3A_131 = arith.constant 0 : i32
      %dma_wait3A_132 = tpu.memref_slice %arg3[%dma_wait3A_131] : memref<320000xi32, #tpu.memory_space<hbm>> -> memref<6400xi32, #tpu.memory_space<hbm>>
      tpu.wait_dma2 semaphore(%arg11 : memref<!tpu.dma_semaphore, #tpu.memory_space<semaphore_mem>>) src(%dma_wait3A_132 : memref<6400xi32, #tpu.memory_space<hbm>>) dst(%dma_wait3A_130 : memref<6400xi32, #tpu.memory_space<vmem>>)
      %dma_wait3A_133 = arith.constant 1 : i32
      %dma_wait3A_134 = arith.constant 0 : i32
      %dma_wait3A_135 = tpu.memref_slice %arg9[%dma_wait3A_133, %dma_wait3A_134] : memref<2x6400xf32, #tpu.memory_space<vmem>> -> memref<1x6400xf32, #tpu.memory_space<vmem>>
      %dma_wait3A_136 = tpu.memref_squeeze %dma_wait3A_135 : memref<1x6400xf32, #tpu.memory_space<vmem>> -> memref<6400xf32, #tpu.memory_space<vmem>>
      %dma_wait3A_137 = arith.constant 0 : i32
      %dma_wait3A_138 = tpu.memref_slice %arg4[%dma_wait3A_137] : memref<320000xf32, #tpu.memory_space<hbm>> -> memref<6400xf32, #tpu.memory_space<hbm>>
      %dma_wait3A_139 = arith.constant 0 : i32
      %dma_wait3A_140 = tpu.memref_slice %arg9[%dma_wait3A_133, %dma_wait3A_139] : memref<2x6400xf32, #tpu.memory_space<vmem>> -> memref<1x6400xf32, #tpu.memory_space<vmem>>
      %dma_wait3A_141 = tpu.memref_squeeze %dma_wait3A_140 : memref<1x6400xf32, #tpu.memory_space<vmem>> -> memref<6400xf32, #tpu.memory_space<vmem>>
      %dma_wait3A_142 = arith.constant 0 : i32
      %dma_wait3A_143 = tpu.memref_slice %arg4[%dma_wait3A_142] : memref<320000xf32, #tpu.memory_space<hbm>> -> memref<6400xf32, #tpu.memory_space<hbm>>
      tpu.wait_dma2 semaphore(%arg11 : memref<!tpu.dma_semaphore, #tpu.memory_space<semaphore_mem>>) src(%dma_wait3A_143 : memref<6400xf32, #tpu.memory_space<hbm>>) dst(%dma_wait3A_141 : memref<6400xf32, #tpu.memory_space<vmem>>)
      %parallel_loop3A_144 = arith.constant 0 : i32
      %parallel_loop3A_145 = arith.constant 400 : i32
      %parallel_loop3A_146 = arith.constant 1 : i32
      scf.for %parallel_loop3A_154 = %parallel_loop3A_144 to %parallel_loop3A_145 step %parallel_loop3A_146  : i32 {
        %parallel_loop3A_155 = arith.constant 16 : i32
        %parallel_loop3A_156 = arith.muli %parallel_loop3A_154, %parallel_loop3A_155 : i32
        %parallel_loop3A_157 = arith.constant 1 : i32
        %parallel_loop3A_158 = arith.index_cast %parallel_loop3A_157 : i32 to index
        %parallel_loop3A_159 = arith.index_cast %parallel_loop3A_156 : i32 to index
        %parallel_loop3A_160 = tpu.vector_load %arg8[%parallel_loop3A_158, %parallel_loop3A_159] {strides = array<i32>} : memref<2x6400xi32, #tpu.memory_space<vmem>>, vector<16xi32>,
        %parallel_loop3A_161 = arith.constant 16 : i32
        %parallel_loop3A_162 = arith.muli %parallel_loop3A_154, %parallel_loop3A_161 : i32
        %parallel_loop3A_163 = arith.constant 1 : i32
        %parallel_loop3A_164 = arith.index_cast %parallel_loop3A_163 : i32 to index
        %parallel_loop3A_165 = arith.index_cast %parallel_loop3A_162 : i32 to index
        %parallel_loop3A_166 = tpu.vector_load %arg9[%parallel_loop3A_164, %parallel_loop3A_165] {strides = array<i32>} : memref<2x6400xf32, #tpu.memory_space<vmem>>, vector<16xf32>,
        %parallel_loop3A_167 = arith.constant 14 : i32
        %parallel_loop3A_168 = vector.broadcast %parallel_loop3A_167 : i32 to vector<16xi32>
        %parallel_loop3A_169 = arith.shrsi %parallel_loop3A_160, %parallel_loop3A_168 : vector<16xi32>
        %parallel_loop3A_170 = arith.constant 16383 : i32
        %parallel_loop3A_171 = vector.broadcast %parallel_loop3A_170 : i32 to vector<16xi32>
        %parallel_loop3A_172 = arith.andi %parallel_loop3A_160, %parallel_loop3A_171 : vector<16xi32>
        %parallel_loop3A_173 = tpu.vector_load_idx %arg6[%add3A_11, %parallel_loop3A_169] : memref<2x10240xi32, #tpu.memory_space<vmem>>[vector<16xi32>, vector<16xi32>], vector<16xi32>,
        %parallel_loop3A_174 = arith.constant 16 : i32
        %parallel_loop3A_175 = vector.broadcast %parallel_loop3A_174 : i32 to vector<16xi32>
        %parallel_loop3A_176 = arith.shli %parallel_loop3A_173, %parallel_loop3A_175 : vector<16xi32>
        %parallel_loop3A_177 = vector.bitcast %parallel_loop3A_176 : vector<16xi32> to vector<16xf32>
        %parallel_loop3A_178 = arith.constant -65536 : i32
        %parallel_loop3A_179 = vector.broadcast %parallel_loop3A_178 : i32 to vector<16xi32>
        %parallel_loop3A_180 = arith.andi %parallel_loop3A_173, %parallel_loop3A_179 : vector<16xi32>
        %parallel_loop3A_181 = vector.bitcast %parallel_loop3A_180 : vector<16xi32> to vector<16xf32>
        %parallel_loop3A_182 = arith.mulf %parallel_loop3A_177, %parallel_loop3A_166 : vector<16xf32>
        tpu.vector_store_idx %arg7[%add3A_11, %parallel_loop3A_172], %parallel_loop3A_182 {add = true} : memref<4x10240xf32, #tpu.memory_space<vmem>>[vector<16xi32>, vector<16xi32>], vector<16xf32>,
        %parallel_loop3A_183 = arith.mulf %parallel_loop3A_181, %parallel_loop3A_166 : vector<16xf32>
        tpu.vector_store_idx %arg7[%add3A_23, %parallel_loop3A_172], %parallel_loop3A_183 {add = true} : memref<4x10240xf32, #tpu.memory_space<vmem>>[vector<16xi32>, vector<16xi32>], vector<16xf32>,
        %parallel_loop3A_184 = tpu.vector_load_idx %arg6[%add3A_17, %parallel_loop3A_169] : memref<2x10240xi32, #tpu.memory_space<vmem>>[vector<16xi32>, vector<16xi32>], vector<16xi32>,
        %parallel_loop3A_185 = arith.constant 16 : i32
        %parallel_loop3A_186 = vector.broadcast %parallel_loop3A_185 : i32 to vector<16xi32>
        %parallel_loop3A_187 = arith.shli %parallel_loop3A_184, %parallel_loop3A_186 : vector<16xi32>
        %parallel_loop3A_188 = vector.bitcast %parallel_loop3A_187 : vector<16xi32> to vector<16xf32>
        %parallel_loop3A_189 = arith.constant -65536 : i32
        %parallel_loop3A_190 = vector.broadcast %parallel_loop3A_189 : i32 to vector<16xi32>
        %parallel_loop3A_191 = arith.andi %parallel_loop3A_184, %parallel_loop3A_190 : vector<16xi32>
        %parallel_loop3A_192 = vector.bitcast %parallel_loop3A_191 : vector<16xi32> to vector<16xf32>
        %parallel_loop3A_193 = arith.mulf %parallel_loop3A_188, %parallel_loop3A_166 : vector<16xf32>
        tpu.vector_store_idx %arg7[%add3A_17, %parallel_loop3A_172], %parallel_loop3A_193 {add = true} : memref<4x10240xf32, #tpu.memory_space<vmem>>[vector<16xi32>, vector<16xi32>], vector<16xf32>,
        %parallel_loop3A_194 = arith.mulf %parallel_loop3A_192, %parallel_loop3A_166 : vector<16xf32>
        tpu.vector_store_idx %arg7[%add3A_29, %parallel_loop3A_172], %parallel_loop3A_194 {add = true} : memref<4x10240xf32, #tpu.memory_space<vmem>>[vector<16xi32>, vector<16xi32>], vector<16xf32>,
      } {sc.loop_unroll_factor = 16 : i64, sc.parallel_access}
      %add3A_147 = arith.constant 3 : i32
      %add3A_148 = arith.addi %mul3A_93, %add3A_147 : i32
      %lt3A_149 = arith.constant 50 : i32
      %lt3A_150 = arith.cmpi slt, %add3A_148, %lt3A_149 : i32
      %convert_element_type3A_151 = arith.extui %lt3A_150 : i1 to i32
      %cond3A_152 = arith.constant 0 : i32
      %cond3A_153 = arith.cmpi ne, %convert_element_type3A_151, %cond3A_152 : i32
      scf.if %cond3A_153 {
        %add3A_154 = arith.constant 3 : i32
        %add3A_155 = arith.addi %mul3A_93, %add3A_154 : i32
        %add3A_156 = arith.addi %add3A_155, %add3A : i32
        %rem3A_157 = arith.constant 50 : i32
        %rem3A_158 = arith.remsi %add3A_156, %rem3A_157 : i32
        %mul3A_159 = arith.constant 6400 : i32
        %mul3A_160 = arith.muli %rem3A_158, %mul3A_159 : i32
        %dma_start3A_161 = arith.constant 1 : i32
        %dma_start3A_162 = arith.constant 0 : i32
        %dma_start3A_163 = tpu.memref_slice %arg8[%dma_start3A_161, %dma_start3A_162] : memref<2x6400xi32, #tpu.memory_space<vmem>> -> memref<1x6400xi32, #tpu.memory_space<vmem>>
        %dma_start3A_164 = tpu.memref_squeeze %dma_start3A_163 : memref<1x6400xi32, #tpu.memory_space<vmem>> -> memref<6400xi32, #tpu.memory_space<vmem>>
        %dma_start3A_165 = tpu.memref_slice %arg3[%mul3A_160] : memref<320000xi32, #tpu.memory_space<hbm>> -> memref<6400xi32, #tpu.memory_space<hbm>>
        %dma_start3A_166 = arith.constant 0 : i32
        %dma_start3A_167 = tpu.memref_slice %arg8[%dma_start3A_161, %dma_start3A_166] : memref<2x6400xi32, #tpu.memory_space<vmem>> -> memref<1x6400xi32, #tpu.memory_space<vmem>>
        %dma_start3A_168 = tpu.memref_squeeze %dma_start3A_167 : memref<1x6400xi32, #tpu.memory_space<vmem>> -> memref<6400xi32, #tpu.memory_space<vmem>>
        %dma_start3A_169 = tpu.memref_slice %arg3[%mul3A_160] : memref<320000xi32, #tpu.memory_space<hbm>> -> memref<6400xi32, #tpu.memory_space<hbm>>
        tpu.enqueue_dma source(%dma_start3A_169 : memref<6400xi32, #tpu.memory_space<hbm>>) target(%dma_start3A_168 : memref<6400xi32, #tpu.memory_space<vmem>>) target_semaphore(%arg11 : memref<!tpu.dma_semaphore, #tpu.memory_space<semaphore_mem>>)
        %mul3A_170 = arith.constant 6400 : i32
        %mul3A_171 = arith.muli %rem3A_158, %mul3A_170 : i32
        %dma_start3A_172 = arith.constant 1 : i32
        %dma_start3A_173 = arith.constant 0 : i32
        %dma_start3A_174 = tpu.memref_slice %arg9[%dma_start3A_172, %dma_start3A_173] : memref<2x6400xf32, #tpu.memory_space<vmem>> -> memref<1x6400xf32, #tpu.memory_space<vmem>>
        %dma_start3A_175 = tpu.memref_squeeze %dma_start3A_174 : memref<1x6400xf32, #tpu.memory_space<vmem>> -> memref<6400xf32, #tpu.memory_space<vmem>>
        %dma_start3A_176 = tpu.memref_slice %arg4[%mul3A_171] : memref<320000xf32, #tpu.memory_space<hbm>> -> memref<6400xf32, #tpu.memory_space<hbm>>
        %dma_start3A_177 = arith.constant 0 : i32
        %dma_start3A_178 = tpu.memref_slice %arg9[%dma_start3A_172, %dma_start3A_177] : memref<2x6400xf32, #tpu.memory_space<vmem>> -> memref<1x6400xf32, #tpu.memory_space<vmem>>
        %dma_start3A_179 = tpu.memref_squeeze %dma_start3A_178 : memref<1x6400xf32, #tpu.memory_space<vmem>> -> memref<6400xf32, #tpu.memory_space<vmem>>
        %dma_start3A_180 = tpu.memref_slice %arg4[%mul3A_171] : memref<320000xf32, #tpu.memory_space<hbm>> -> memref<6400xf32, #tpu.memory_space<hbm>>
        tpu.enqueue_dma source(%dma_start3A_180 : memref<6400xf32, #tpu.memory_space<hbm>>) target(%dma_start3A_179 : memref<6400xf32, #tpu.memory_space<vmem>>) target_semaphore(%arg11 : memref<!tpu.dma_semaphore, #tpu.memory_space<semaphore_mem>>)
      } else {
      }
    }
    %scan3A_84 = arith.constant 25 : i32
    %mul3A_85 = arith.constant 2 : i32
    %mul3A_86 = arith.muli %mul3A_85, %add3A : i32
    "tpu.region"() ({
      %run_scoped3A = tpu.sem_alloc : memref<!tpu.dma_semaphore, #tpu.memory_space<semaphore_mem>>
      %dma_start3A_91 = arith.constant 0 : i32
      %dma_start3A_92 = arith.constant 0 : i32
      %dma_start3A_93 = tpu.memref_slice %arg7[%dma_start3A_91, %dma_start3A_92] : memref<4x10240xf32, #tpu.memory_space<vmem>> -> memref<2x10240xf32, #tpu.memory_space<vmem>>
      %dma_start3A_94 = arith.constant 0 : i32
      %dma_start3A_95 = tpu.memref_slice %arg5[%mul3A_86, %dma_start3A_94] : memref<128x10240xf32, #tpu.memory_space<hbm>> -> memref<2x10240xf32, #tpu.memory_space<hbm>>
      %dma_start3A_96 = arith.constant 0 : i32
      %dma_start3A_97 = tpu.memref_slice %arg5[%mul3A_86, %dma_start3A_96] : memref<128x10240xf32, #tpu.memory_space<hbm>> -> memref<2x10240xf32, #tpu.memory_space<hbm>>
      %dma_start3A_98 = arith.constant 0 : i32
      %dma_start3A_99 = arith.constant 0 : i32
      %dma_start3A_100 = tpu.memref_slice %arg7[%dma_start3A_98, %dma_start3A_99] : memref<4x10240xf32, #tpu.memory_space<vmem>> -> memref<2x10240xf32, #tpu.memory_space<vmem>>
      tpu.enqueue_dma source(%dma_start3A_100 : memref<2x10240xf32, #tpu.memory_space<vmem>>) target(%dma_start3A_97 : memref<2x10240xf32, #tpu.memory_space<hbm>>) target_semaphore(%run_scoped3A : memref<!tpu.dma_semaphore, #tpu.memory_space<semaphore_mem>>)
      %dma_wait3A = arith.constant 0 : i32
      %dma_wait3A_101 = arith.constant 0 : i32
      %dma_wait3A_102 = tpu.memref_slice %arg7[%dma_wait3A, %dma_wait3A_101] : memref<4x10240xf32, #tpu.memory_space<vmem>> -> memref<2x10240xf32, #tpu.memory_space<vmem>>
      %dma_wait3A_103 = arith.constant 0 : i32
      %dma_wait3A_104 = tpu.memref_slice %arg5[%mul3A_86, %dma_wait3A_103] : memref<128x10240xf32, #tpu.memory_space<hbm>> -> memref<2x10240xf32, #tpu.memory_space<hbm>>
      %dma_wait3A_105 = arith.constant 0 : i32
      %dma_wait3A_106 = tpu.memref_slice %arg5[%mul3A_86, %dma_wait3A_105] : memref<128x10240xf32, #tpu.memory_space<hbm>> -> memref<2x10240xf32, #tpu.memory_space<hbm>>
      %dma_wait3A_107 = arith.constant 0 : i32
      %dma_wait3A_108 = arith.constant 0 : i32
      %dma_wait3A_109 = tpu.memref_slice %arg7[%dma_wait3A_107, %dma_wait3A_108] : memref<4x10240xf32, #tpu.memory_space<vmem>> -> memref<2x10240xf32, #tpu.memory_space<vmem>>
      tpu.wait_dma2 semaphore(%run_scoped3A : memref<!tpu.dma_semaphore, #tpu.memory_space<semaphore_mem>>) src(%dma_wait3A_109 : memref<2x10240xf32, #tpu.memory_space<vmem>>) dst(%dma_wait3A_106 : memref<2x10240xf32, #tpu.memory_space<hbm>>)
      tpu.yield
    }) : () -> ()
    %mul3A_87 = arith.constant 2 : i32
    %mul3A_88 = arith.muli %mul3A_87, %add3A : i32
    %add3A_89 = arith.constant 64 : i32
    %add3A_90 = arith.addi %add3A_89, %mul3A_88 : i32
    "tpu.region"() ({
      %run_scoped3A = tpu.sem_alloc : memref<!tpu.dma_semaphore, #tpu.memory_space<semaphore_mem>>
      %dma_start3A_91 = arith.constant 2 : i32
      %dma_start3A_92 = arith.constant 0 : i32
      %dma_start3A_93 = tpu.memref_slice %arg7[%dma_start3A_91, %dma_start3A_92] : memref<4x10240xf32, #tpu.memory_space<vmem>> -> memref<2x10240xf32, #tpu.memory_space<vmem>>
      %dma_start3A_94 = arith.constant 0 : i32
      %dma_start3A_95 = tpu.memref_slice %arg5[%add3A_90, %dma_start3A_94] : memref<128x10240xf32, #tpu.memory_space<hbm>> -> memref<2x10240xf32, #tpu.memory_space<hbm>>
      %dma_start3A_96 = arith.constant 0 : i32
      %dma_start3A_97 = tpu.memref_slice %arg5[%add3A_90, %dma_start3A_96] : memref<128x10240xf32, #tpu.memory_space<hbm>> -> memref<2x10240xf32, #tpu.memory_space<hbm>>
      %dma_start3A_98 = arith.constant 2 : i32
      %dma_start3A_99 = arith.constant 0 : i32
      %dma_start3A_100 = tpu.memref_slice %arg7[%dma_start3A_98, %dma_start3A_99] : memref<4x10240xf32, #tpu.memory_space<vmem>> -> memref<2x10240xf32, #tpu.memory_space<vmem>>
      tpu.enqueue_dma source(%dma_start3A_100 : memref<2x10240xf32, #tpu.memory_space<vmem>>) target(%dma_start3A_97 : memref<2x10240xf32, #tpu.memory_space<hbm>>) target_semaphore(%run_scoped3A : memref<!tpu.dma_semaphore, #tpu.memory_space<semaphore_mem>>)
      %dma_wait3A = arith.constant 2 : i32
      %dma_wait3A_101 = arith.constant 0 : i32
      %dma_wait3A_102 = tpu.memref_slice %arg7[%dma_wait3A, %dma_wait3A_101] : memref<4x10240xf32, #tpu.memory_space<vmem>> -> memref<2x10240xf32, #tpu.memory_space<vmem>>
      %dma_wait3A_103 = arith.constant 0 : i32
      %dma_wait3A_104 = tpu.memref_slice %arg5[%add3A_90, %dma_wait3A_103] : memref<128x10240xf32, #tpu.memory_space<hbm>> -> memref<2x10240xf32, #tpu.memory_space<hbm>>
      %dma_wait3A_105 = arith.constant 0 : i32
      %dma_wait3A_106 = tpu.memref_slice %arg5[%add3A_90, %dma_wait3A_105] : memref<128x10240xf32, #tpu.memory_space<hbm>> -> memref<2x10240xf32, #tpu.memory_space<hbm>>
      %dma_wait3A_107 = arith.constant 2 : i32
      %dma_wait3A_108 = arith.constant 0 : i32
      %dma_wait3A_109 = tpu.memref_slice %arg7[%dma_wait3A_107, %dma_wait3A_108] : memref<4x10240xf32, #tpu.memory_space<vmem>> -> memref<2x10240xf32, #tpu.memory_space<vmem>>
      tpu.wait_dma2 semaphore(%run_scoped3A : memref<!tpu.dma_semaphore, #tpu.memory_space<semaphore_mem>>) src(%dma_wait3A_109 : memref<2x10240xf32, #tpu.memory_space<vmem>>) dst(%dma_wait3A_106 : memref<2x10240xf32, #tpu.memory_space<hbm>>)
      tpu.yield
    }) : () -> ()
    return
  }
}

#map = affine_map<(d0, d1) -> (0, 0)>
#map1 = affine_map<(d0, d1) -> (0)>
module attributes {stable_mosaic.version = 14 : i64} {
  func.func @_msgpass_body(%arg0: i32, %arg1: i32, %arg2: memref<64x10240xi32, #tpu.memory_space<hbm>>, %arg3: memref<320000xi32, #tpu.memory_space<hbm>>, %arg4: memref<320000xf32, #tpu.memory_space<hbm>>, %arg5: memref<128x10240xf32, #tpu.memory_space<hbm>>, %arg6: memref<2x10240xi32, #tpu.memory_space<vmem>>, %arg7: memref<4x10240xf32, #tpu.memory_space<vmem>>, %arg8: memref<2x6400xi32, #tpu.memory_space<vmem>>, %arg9: memref<2x6400xf32, #tpu.memory_space<vmem>>, %arg10: memref<!tpu.dma_semaphore, #tpu.memory_space<semaphore_mem>>, %arg11: memref<!tpu.dma_semaphore, #tpu.memory_space<semaphore_mem>>) attributes {dimension_semantics = [#tpu.dimension_semantics<core_parallel>, #tpu.dimension_semantics<subcore_parallel>], iteration_bounds = array<i64: 2, 16>, scalar_prefetch = 0 : i64, scratch_operands = 6 : i64, tpu.core_type = #tpu.core_type<sc_vector_subcore>, window_params = [{transform_indices = #map}, {transform_indices = #map1}, {transform_indices = #map1}, {transform_indices = #map}]} {
    %mul3A = arith.constant 2 : i32
    %mul3A_0 = arith.muli %arg1, %mul3A : i32
    %add3A = arith.addi %mul3A_0, %arg0 : i32
    %mul3A_1 = arith.constant 2 : i32
    %mul3A_2 = arith.muli %mul3A_1, %add3A : i32
    "tpu.region"() ({
      %run_scoped3A = tpu.sem_alloc : memref<!tpu.dma_semaphore, #tpu.memory_space<semaphore_mem>>
      %dma_start3A_91 = arith.constant 0 : i32
      %dma_start3A_92 = tpu.memref_slice %arg2[%mul3A_2, %dma_start3A_91] : memref<64x10240xi32, #tpu.memory_space<hbm>> -> memref<2x10240xi32, #tpu.memory_space<hbm>>
      %dma_start3A_93 = arith.constant 0 : i32
      %dma_start3A_94 = tpu.memref_slice %arg2[%mul3A_2, %dma_start3A_93] : memref<64x10240xi32, #tpu.memory_space<hbm>> -> memref<2x10240xi32, #tpu.memory_space<hbm>>
      tpu.enqueue_dma source(%dma_start3A_94 : memref<2x10240xi32, #tpu.memory_space<hbm>>) target(%arg6 : memref<2x10240xi32, #tpu.memory_space<vmem>>) target_semaphore(%run_scoped3A : memref<!tpu.dma_semaphore, #tpu.memory_space<semaphore_mem>>)
      %dma_wait3A = arith.constant 0 : i32
      %dma_wait3A_95 = tpu.memref_slice %arg2[%mul3A_2, %dma_wait3A] : memref<64x10240xi32, #tpu.memory_space<hbm>> -> memref<2x10240xi32, #tpu.memory_space<hbm>>
      %dma_wait3A_96 = arith.constant 0 : i32
      %dma_wait3A_97 = tpu.memref_slice %arg2[%mul3A_2, %dma_wait3A_96] : memref<64x10240xi32, #tpu.memory_space<hbm>> -> memref<2x10240xi32, #tpu.memory_space<hbm>>
      tpu.wait_dma2 semaphore(%run_scoped3A : memref<!tpu.dma_semaphore, #tpu.memory_space<semaphore_mem>>) src(%dma_wait3A_97 : memref<2x10240xi32, #tpu.memory_space<hbm>>) dst(%arg6 : memref<2x10240xi32, #tpu.memory_space<vmem>>)
      tpu.yield
    }) : () -> ()
    %broadcast_in_dim3A = arith.constant 0.000000e+00 : f32
    %broadcast_in_dim3A_3 = vector.broadcast %broadcast_in_dim3A : f32 to vector<16xf32>
    %parallel_loop3A = arith.constant 0 : i32
    %parallel_loop3A_4 = arith.constant 640 : i32
    %parallel_loop3A_5 = arith.constant 1 : i32
    scf.for %parallel_loop3A_91 = %parallel_loop3A to %parallel_loop3A_4 step %parallel_loop3A_5  : i32 {
      %parallel_loop3A_92 = arith.constant 16 : i32
      %parallel_loop3A_93 = arith.muli %parallel_loop3A_91, %parallel_loop3A_92 : i32
      %parallel_loop3A_94 = arith.constant 0 : i32
      %parallel_loop3A_95 = arith.index_cast %parallel_loop3A_94 : i32 to index
      %parallel_loop3A_96 = arith.index_cast %parallel_loop3A_93 : i32 to index
      %parallel_loop3A_97 = tpu.vector_load %arg7[%parallel_loop3A_95, %parallel_loop3A_96] {strides = array<i32>} : memref<4x10240xf32, #tpu.memory_space<vmem>>, vector<16xf32>,
      tpu.vector_store %arg7[%parallel_loop3A_95, %parallel_loop3A_96], %broadcast_in_dim3A_3 {strides = array<i32>} : memref<4x10240xf32, #tpu.memory_space<vmem>>, vector<16xf32>,
      %parallel_loop3A_98 = arith.constant 16 : i32
      %parallel_loop3A_99 = arith.muli %parallel_loop3A_91, %parallel_loop3A_98 : i32
      %parallel_loop3A_100 = arith.constant 1 : i32
      %parallel_loop3A_101 = arith.index_cast %parallel_loop3A_100 : i32 to index
      %parallel_loop3A_102 = arith.index_cast %parallel_loop3A_99 : i32 to index
      %parallel_loop3A_103 = tpu.vector_load %arg7[%parallel_loop3A_101, %parallel_loop3A_102] {strides = array<i32>} : memref<4x10240xf32, #tpu.memory_space<vmem>>, vector<16xf32>,
      tpu.vector_store %arg7[%parallel_loop3A_101, %parallel_loop3A_102], %broadcast_in_dim3A_3 {strides = array<i32>} : memref<4x10240xf32, #tpu.memory_space<vmem>>, vector<16xf32>,
      %parallel_loop3A_104 = arith.constant 16 : i32
      %parallel_loop3A_105 = arith.muli %parallel_loop3A_91, %parallel_loop3A_104 : i32
      %parallel_loop3A_106 = arith.constant 2 : i32
      %parallel_loop3A_107 = arith.index_cast %parallel_loop3A_106 : i32 to index
      %parallel_loop3A_108 = arith.index_cast %parallel_loop3A_105 : i32 to index
      %parallel_loop3A_109 = tpu.vector_load %arg7[%parallel_loop3A_107, %parallel_loop3A_108] {strides = array<i32>} : memref<4x10240xf32, #tpu.memory_space<vmem>>, vector<16xf32>,
      tpu.vector_store %arg7[%parallel_loop3A_107, %parallel_loop3A_108], %broadcast_in_dim3A_3 {strides = array<i32>} : memref<4x10240xf32, #tpu.memory_space<vmem>>, vector<16xf32>,
      %parallel_loop3A_110 = arith.constant 16 : i32
      %parallel_loop3A_111 = arith.muli %parallel_loop3A_91, %parallel_loop3A_110 : i32
      %parallel_loop3A_112 = arith.constant 3 : i32
      %parallel_loop3A_113 = arith.index_cast %parallel_loop3A_112 : i32 to index
      %parallel_loop3A_114 = arith.index_cast %parallel_loop3A_111 : i32 to index
      %parallel_loop3A_115 = tpu.vector_load %arg7[%parallel_loop3A_113, %parallel_loop3A_114] {strides = array<i32>} : memref<4x10240xf32, #tpu.memory_space<vmem>>, vector<16xf32>,
      tpu.vector_store %arg7[%parallel_loop3A_113, %parallel_loop3A_114], %broadcast_in_dim3A_3 {strides = array<i32>} : memref<4x10240xf32, #tpu.memory_space<vmem>>, vector<16xf32>,
    } {sc.loop_unroll_factor = 8 : i64, sc.parallel_access}
    %iota3A = tpu.iota {dimensions = array<i32: 0>} : vector<16xi32>
    %mul3A_6 = arith.constant 0 : i32
    %mul3A_7 = vector.broadcast %mul3A_6 : i32 to vector<16xi32>
    %mul3A_8 = arith.muli %iota3A, %mul3A_7 : vector<16xi32>
    %add3A_9 = arith.constant 0 : i32
    %add3A_10 = vector.broadcast %add3A_9 : i32 to vector<16xi32>
    %add3A_11 = arith.addi %mul3A_8, %add3A_10 : vector<16xi32>
    %mul3A_12 = arith.constant 0 : i32
    %mul3A_13 = vector.broadcast %mul3A_12 : i32 to vector<16xi32>
    %mul3A_14 = arith.muli %iota3A, %mul3A_13 : vector<16xi32>
    %add3A_15 = arith.constant 1 : i32
    %add3A_16 = vector.broadcast %add3A_15 : i32 to vector<16xi32>
    %add3A_17 = arith.addi %mul3A_14, %add3A_16 : vector<16xi32>
    %mul3A_18 = arith.constant 0 : i32
    %mul3A_19 = vector.broadcast %mul3A_18 : i32 to vector<16xi32>
    %mul3A_20 = arith.muli %iota3A, %mul3A_19 : vector<16xi32>
    %add3A_21 = arith.constant 2 : i32
    %add3A_22 = vector.broadcast %add3A_21 : i32 to vector<16xi32>
    %add3A_23 = arith.addi %mul3A_20, %add3A_22 : vector<16xi32>
    %mul3A_24 = arith.constant 0 : i32
    %mul3A_25 = vector.broadcast %mul3A_24 : i32 to vector<16xi32>
    %mul3A_26 = arith.muli %iota3A, %mul3A_25 : vector<16xi32>
    %add3A_27 = arith.constant 3 : i32
    %add3A_28 = vector.broadcast %add3A_27 : i32 to vector<16xi32>
    %add3A_29 = arith.addi %mul3A_26, %add3A_28 : vector<16xi32>
    %add3A_30 = arith.constant 0 : i32
    %add3A_31 = arith.addi %add3A_30, %add3A : i32
    %rem3A = arith.constant 50 : i32
    %rem3A_32 = arith.remsi %add3A_31, %rem3A : i32
    %mul3A_33 = arith.constant 6400 : i32
    %mul3A_34 = arith.muli %rem3A_32, %mul3A_33 : i32
    %dma_start3A = arith.constant 0 : i32
    %dma_start3A_35 = arith.constant 0 : i32
    %dma_start3A_36 = tpu.memref_slice %arg8[%dma_start3A, %dma_start3A_35] : memref<2x6400xi32, #tpu.memory_space<vmem>> -> memref<1x6400xi32, #tpu.memory_space<vmem>>
    %dma_start3A_37 = tpu.memref_squeeze %dma_start3A_36 : memref<1x6400xi32, #tpu.memory_space<vmem>> -> memref<6400xi32, #tpu.memory_space<vmem>>
    %dma_start3A_38 = tpu.memref_slice %arg3[%mul3A_34] : memref<320000xi32, #tpu.memory_space<hbm>> -> memref<6400xi32, #tpu.memory_space<hbm>>
    %dma_start3A_39 = arith.constant 0 : i32
    %dma_start3A_40 = tpu.memref_slice %arg8[%dma_start3A, %dma_start3A_39] : memref<2x6400xi32, #tpu.memory_space<vmem>> -> memref<1x6400xi32, #tpu.memory_space<vmem>>
    %dma_start3A_41 = tpu.memref_squeeze %dma_start3A_40 : memref<1x6400xi32, #tpu.memory_space<vmem>> -> memref<6400xi32, #tpu.memory_space<vmem>>
    %dma_start3A_42 = tpu.memref_slice %arg3[%mul3A_34] : memref<320000xi32, #tpu.memory_space<hbm>> -> memref<6400xi32, #tpu.memory_space<hbm>>
    tpu.enqueue_dma source(%dma_start3A_42 : memref<6400xi32, #tpu.memory_space<hbm>>) target(%dma_start3A_41 : memref<6400xi32, #tpu.memory_space<vmem>>) target_semaphore(%arg10 : memref<!tpu.dma_semaphore, #tpu.memory_space<semaphore_mem>>)
    %mul3A_43 = arith.constant 6400 : i32
    %mul3A_44 = arith.muli %rem3A_32, %mul3A_43 : i32
    %dma_start3A_45 = arith.constant 0 : i32
    %dma_start3A_46 = arith.constant 0 : i32
    %dma_start3A_47 = tpu.memref_slice %arg9[%dma_start3A_45, %dma_start3A_46] : memref<2x6400xf32, #tpu.memory_space<vmem>> -> memref<1x6400xf32, #tpu.memory_space<vmem>>
    %dma_start3A_48 = tpu.memref_squeeze %dma_start3A_47 : memref<1x6400xf32, #tpu.memory_space<vmem>> -> memref<6400xf32, #tpu.memory_space<vmem>>
    %dma_start3A_49 = tpu.memref_slice %arg4[%mul3A_44] : memref<320000xf32, #tpu.memory_space<hbm>> -> memref<6400xf32, #tpu.memory_space<hbm>>
    %dma_start3A_50 = arith.constant 0 : i32
    %dma_start3A_51 = tpu.memref_slice %arg9[%dma_start3A_45, %dma_start3A_50] : memref<2x6400xf32, #tpu.memory_space<vmem>> -> memref<1x6400xf32, #tpu.memory_space<vmem>>
    %dma_start3A_52 = tpu.memref_squeeze %dma_start3A_51 : memref<1x6400xf32, #tpu.memory_space<vmem>> -> memref<6400xf32, #tpu.memory_space<vmem>>
    %dma_start3A_53 = tpu.memref_slice %arg4[%mul3A_44] : memref<320000xf32, #tpu.memory_space<hbm>> -> memref<6400xf32, #tpu.memory_space<hbm>>
    tpu.enqueue_dma source(%dma_start3A_53 : memref<6400xf32, #tpu.memory_space<hbm>>) target(%dma_start3A_52 : memref<6400xf32, #tpu.memory_space<vmem>>) target_semaphore(%arg10 : memref<!tpu.dma_semaphore, #tpu.memory_space<semaphore_mem>>)
    %add3A_54 = arith.constant 1 : i32
    %add3A_55 = arith.addi %add3A_54, %add3A : i32
    %rem3A_56 = arith.constant 50 : i32
    %rem3A_57 = arith.remsi %add3A_55, %rem3A_56 : i32
    %mul3A_58 = arith.constant 6400 : i32
    %mul3A_59 = arith.muli %rem3A_57, %mul3A_58 : i32
    %dma_start3A_60 = arith.constant 1 : i32
    %dma_start3A_61 = arith.constant 0 : i32
    %dma_start3A_62 = tpu.memref_slice %arg8[%dma_start3A_60, %dma_start3A_61] : memref<2x6400xi32, #tpu.memory_space<vmem>> -> memref<1x6400xi32, #tpu.memory_space<vmem>>
    %dma_start3A_63 = tpu.memref_squeeze %dma_start3A_62 : memref<1x6400xi32, #tpu.memory_space<vmem>> -> memref<6400xi32, #tpu.memory_space<vmem>>
    %dma_start3A_64 = tpu.memref_slice %arg3[%mul3A_59] : memref<320000xi32, #tpu.memory_space<hbm>> -> memref<6400xi32, #tpu.memory_space<hbm>>
    %dma_start3A_65 = arith.constant 0 : i32
    %dma_start3A_66 = tpu.memref_slice %arg8[%dma_start3A_60, %dma_start3A_65] : memref<2x6400xi32, #tpu.memory_space<vmem>> -> memref<1x6400xi32, #tpu.memory_space<vmem>>
    %dma_start3A_67 = tpu.memref_squeeze %dma_start3A_66 : memref<1x6400xi32, #tpu.memory_space<vmem>> -> memref<6400xi32, #tpu.memory_space<vmem>>
    %dma_start3A_68 = tpu.memref_slice %arg3[%mul3A_59] : memref<320000xi32, #tpu.memory_space<hbm>> -> memref<6400xi32, #tpu.memory_space<hbm>>
    tpu.enqueue_dma source(%dma_start3A_68 : memref<6400xi32, #tpu.memory_space<hbm>>) target(%dma_start3A_67 : memref<6400xi32, #tpu.memory_space<vmem>>) target_semaphore(%arg11 : memref<!tpu.dma_semaphore, #tpu.memory_space<semaphore_mem>>)
    %mul3A_69 = arith.constant 6400 : i32
    %mul3A_70 = arith.muli %rem3A_57, %mul3A_69 : i32
    %dma_start3A_71 = arith.constant 1 : i32
    %dma_start3A_72 = arith.constant 0 : i32
    %dma_start3A_73 = tpu.memref_slice %arg9[%dma_start3A_71, %dma_start3A_72] : memref<2x6400xf32, #tpu.memory_space<vmem>> -> memref<1x6400xf32, #tpu.memory_space<vmem>>
    %dma_start3A_74 = tpu.memref_squeeze %dma_start3A_73 : memref<1x6400xf32, #tpu.memory_space<vmem>> -> memref<6400xf32, #tpu.memory_space<vmem>>
    %dma_start3A_75 = tpu.memref_slice %arg4[%mul3A_70] : memref<320000xf32, #tpu.memory_space<hbm>> -> memref<6400xf32, #tpu.memory_space<hbm>>
    %dma_start3A_76 = arith.constant 0 : i32
    %dma_start3A_77 = tpu.memref_slice %arg9[%dma_start3A_71, %dma_start3A_76] : memref<2x6400xf32, #tpu.memory_space<vmem>> -> memref<1x6400xf32, #tpu.memory_space<vmem>>
    %dma_start3A_78 = tpu.memref_squeeze %dma_start3A_77 : memref<1x6400xf32, #tpu.memory_space<vmem>> -> memref<6400xf32, #tpu.memory_space<vmem>>
    %dma_start3A_79 = tpu.memref_slice %arg4[%mul3A_70] : memref<320000xf32, #tpu.memory_space<hbm>> -> memref<6400xf32, #tpu.memory_space<hbm>>
    tpu.enqueue_dma source(%dma_start3A_79 : memref<6400xf32, #tpu.memory_space<hbm>>) target(%dma_start3A_78 : memref<6400xf32, #tpu.memory_space<vmem>>) target_semaphore(%arg11 : memref<!tpu.dma_semaphore, #tpu.memory_space<semaphore_mem>>)
    %scan3A = arith.constant 0 : i32
    %scan3A_80 = arith.constant 0 : i32
    %scan3A_81 = arith.constant 25 : i32
    %scan3A_82 = arith.addi %scan3A_80, %scan3A_81 : i32
    %scan3A_83 = arith.constant 1 : i32
    scf.for %scan3A_91 = %scan3A_80 to %scan3A_82 step %scan3A_83  : i32 {
      %mul3A_92 = arith.constant 2 : i32
      %mul3A_93 = arith.muli %mul3A_92, %scan3A_91 : i32
      %dma_wait3A = arith.constant 0 : i32
      %dma_wait3A_94 = arith.constant 0 : i32
      %dma_wait3A_95 = tpu.memref_slice %arg8[%dma_wait3A, %dma_wait3A_94] : memref<2x6400xi32, #tpu.memory_space<vmem>> -> memref<1x6400xi32, #tpu.memory_space<vmem>>
      %dma_wait3A_96 = tpu.memref_squeeze %dma_wait3A_95 : memref<1x6400xi32, #tpu.memory_space<vmem>> -> memref<6400xi32, #tpu.memory_space<vmem>>
      %dma_wait3A_97 = arith.constant 0 : i32
      %dma_wait3A_98 = tpu.memref_slice %arg3[%dma_wait3A_97] : memref<320000xi32, #tpu.memory_space<hbm>> -> memref<6400xi32, #tpu.memory_space<hbm>>
      %dma_wait3A_99 = arith.constant 0 : i32
      %dma_wait3A_100 = tpu.memref_slice %arg8[%dma_wait3A, %dma_wait3A_99] : memref<2x6400xi32, #tpu.memory_space<vmem>> -> memref<1x6400xi32, #tpu.memory_space<vmem>>
      %dma_wait3A_101 = tpu.memref_squeeze %dma_wait3A_100 : memref<1x6400xi32, #tpu.memory_space<vmem>> -> memref<6400xi32, #tpu.memory_space<vmem>>
      %dma_wait3A_102 = arith.constant 0 : i32
      %dma_wait3A_103 = tpu.memref_slice %arg3[%dma_wait3A_102] : memref<320000xi32, #tpu.memory_space<hbm>> -> memref<6400xi32, #tpu.memory_space<hbm>>
      tpu.wait_dma2 semaphore(%arg10 : memref<!tpu.dma_semaphore, #tpu.memory_space<semaphore_mem>>) src(%dma_wait3A_103 : memref<6400xi32, #tpu.memory_space<hbm>>) dst(%dma_wait3A_101 : memref<6400xi32, #tpu.memory_space<vmem>>)
      %dma_wait3A_104 = arith.constant 0 : i32
      %dma_wait3A_105 = arith.constant 0 : i32
      %dma_wait3A_106 = tpu.memref_slice %arg9[%dma_wait3A_104, %dma_wait3A_105] : memref<2x6400xf32, #tpu.memory_space<vmem>> -> memref<1x6400xf32, #tpu.memory_space<vmem>>
      %dma_wait3A_107 = tpu.memref_squeeze %dma_wait3A_106 : memref<1x6400xf32, #tpu.memory_space<vmem>> -> memref<6400xf32, #tpu.memory_space<vmem>>
      %dma_wait3A_108 = arith.constant 0 : i32
      %dma_wait3A_109 = tpu.memref_slice %arg4[%dma_wait3A_108] : memref<320000xf32, #tpu.memory_space<hbm>> -> memref<6400xf32, #tpu.memory_space<hbm>>
      %dma_wait3A_110 = arith.constant 0 : i32
      %dma_wait3A_111 = tpu.memref_slice %arg9[%dma_wait3A_104, %dma_wait3A_110] : memref<2x6400xf32, #tpu.memory_space<vmem>> -> memref<1x6400xf32, #tpu.memory_space<vmem>>
      %dma_wait3A_112 = tpu.memref_squeeze %dma_wait3A_111 : memref<1x6400xf32, #tpu.memory_space<vmem>> -> memref<6400xf32, #tpu.memory_space<vmem>>
      %dma_wait3A_113 = arith.constant 0 : i32
      %dma_wait3A_114 = tpu.memref_slice %arg4[%dma_wait3A_113] : memref<320000xf32, #tpu.memory_space<hbm>> -> memref<6400xf32, #tpu.memory_space<hbm>>
      tpu.wait_dma2 semaphore(%arg10 : memref<!tpu.dma_semaphore, #tpu.memory_space<semaphore_mem>>) src(%dma_wait3A_114 : memref<6400xf32, #tpu.memory_space<hbm>>) dst(%dma_wait3A_112 : memref<6400xf32, #tpu.memory_space<vmem>>)
      %parallel_loop3A_115 = arith.constant 0 : i32
      %parallel_loop3A_116 = arith.constant 400 : i32
      %parallel_loop3A_117 = arith.constant 1 : i32
      scf.for %parallel_loop3A_154 = %parallel_loop3A_115 to %parallel_loop3A_116 step %parallel_loop3A_117  : i32 {
        %parallel_loop3A_155 = arith.constant 16 : i32
        %parallel_loop3A_156 = arith.muli %parallel_loop3A_154, %parallel_loop3A_155 : i32
        %parallel_loop3A_157 = arith.constant 0 : i32
        %parallel_loop3A_158 = arith.index_cast %parallel_loop3A_157 : i32 to index
        %parallel_loop3A_159 = arith.index_cast %parallel_loop3A_156 : i32 to index
        %parallel_loop3A_160 = tpu.vector_load %arg8[%parallel_loop3A_158, %parallel_loop3A_159] {strides = array<i32>} : memref<2x6400xi32, #tpu.memory_space<vmem>>, vector<16xi32>,
        %parallel_loop3A_161 = arith.constant 16 : i32
        %parallel_loop3A_162 = arith.muli %parallel_loop3A_154, %parallel_loop3A_161 : i32
        %parallel_loop3A_163 = arith.constant 0 : i32
        %parallel_loop3A_164 = arith.index_cast %parallel_loop3A_163 : i32 to index
        %parallel_loop3A_165 = arith.index_cast %parallel_loop3A_162 : i32 to index
        %parallel_loop3A_166 = tpu.vector_load %arg9[%parallel_loop3A_164, %parallel_loop3A_165] {strides = array<i32>} : memref<2x6400xf32, #tpu.memory_space<vmem>>, vector<16xf32>,
        %parallel_loop3A_167 = arith.constant 14 : i32
        %parallel_loop3A_168 = vector.broadcast %parallel_loop3A_167 : i32 to vector<16xi32>
        %parallel_loop3A_169 = arith.shrsi %parallel_loop3A_160, %parallel_loop3A_168 : vector<16xi32>
        %parallel_loop3A_170 = arith.constant 16383 : i32
        %parallel_loop3A_171 = vector.broadcast %parallel_loop3A_170 : i32 to vector<16xi32>
        %parallel_loop3A_172 = arith.andi %parallel_loop3A_160, %parallel_loop3A_171 : vector<16xi32>
        %parallel_loop3A_173 = tpu.vector_load_idx %arg6[%add3A_11, %parallel_loop3A_169] : memref<2x10240xi32, #tpu.memory_space<vmem>>[vector<16xi32>, vector<16xi32>], vector<16xi32>,
        %parallel_loop3A_174 = arith.constant 16 : i32
        %parallel_loop3A_175 = vector.broadcast %parallel_loop3A_174 : i32 to vector<16xi32>
        %parallel_loop3A_176 = arith.shli %parallel_loop3A_173, %parallel_loop3A_175 : vector<16xi32>
        %parallel_loop3A_177 = vector.bitcast %parallel_loop3A_176 : vector<16xi32> to vector<16xf32>
        %parallel_loop3A_178 = arith.constant -65536 : i32
        %parallel_loop3A_179 = vector.broadcast %parallel_loop3A_178 : i32 to vector<16xi32>
        %parallel_loop3A_180 = arith.andi %parallel_loop3A_173, %parallel_loop3A_179 : vector<16xi32>
        %parallel_loop3A_181 = vector.bitcast %parallel_loop3A_180 : vector<16xi32> to vector<16xf32>
        %parallel_loop3A_182 = arith.mulf %parallel_loop3A_177, %parallel_loop3A_166 : vector<16xf32>
        tpu.vector_store_idx %arg7[%add3A_11, %parallel_loop3A_172], %parallel_loop3A_182 {add = true} : memref<4x10240xf32, #tpu.memory_space<vmem>>[vector<16xi32>, vector<16xi32>], vector<16xf32>,
        %parallel_loop3A_183 = arith.mulf %parallel_loop3A_181, %parallel_loop3A_166 : vector<16xf32>
        tpu.vector_store_idx %arg7[%add3A_23, %parallel_loop3A_172], %parallel_loop3A_183 {add = true} : memref<4x10240xf32, #tpu.memory_space<vmem>>[vector<16xi32>, vector<16xi32>], vector<16xf32>,
        %parallel_loop3A_184 = tpu.vector_load_idx %arg6[%add3A_17, %parallel_loop3A_169] : memref<2x10240xi32, #tpu.memory_space<vmem>>[vector<16xi32>, vector<16xi32>], vector<16xi32>,
        %parallel_loop3A_185 = arith.constant 16 : i32
        %parallel_loop3A_186 = vector.broadcast %parallel_loop3A_185 : i32 to vector<16xi32>
        %parallel_loop3A_187 = arith.shli %parallel_loop3A_184, %parallel_loop3A_186 : vector<16xi32>
        %parallel_loop3A_188 = vector.bitcast %parallel_loop3A_187 : vector<16xi32> to vector<16xf32>
        %parallel_loop3A_189 = arith.constant -65536 : i32
        %parallel_loop3A_190 = vector.broadcast %parallel_loop3A_189 : i32 to vector<16xi32>
        %parallel_loop3A_191 = arith.andi %parallel_loop3A_184, %parallel_loop3A_190 : vector<16xi32>
        %parallel_loop3A_192 = vector.bitcast %parallel_loop3A_191 : vector<16xi32> to vector<16xf32>
        %parallel_loop3A_193 = arith.mulf %parallel_loop3A_188, %parallel_loop3A_166 : vector<16xf32>
        tpu.vector_store_idx %arg7[%add3A_17, %parallel_loop3A_172], %parallel_loop3A_193 {add = true} : memref<4x10240xf32, #tpu.memory_space<vmem>>[vector<16xi32>, vector<16xi32>], vector<16xf32>,
        %parallel_loop3A_194 = arith.mulf %parallel_loop3A_192, %parallel_loop3A_166 : vector<16xf32>
        tpu.vector_store_idx %arg7[%add3A_29, %parallel_loop3A_172], %parallel_loop3A_194 {add = true} : memref<4x10240xf32, #tpu.memory_space<vmem>>[vector<16xi32>, vector<16xi32>], vector<16xf32>,
      } {sc.loop_unroll_factor = 16 : i64, sc.parallel_access}
      %add3A_118 = arith.constant 2 : i32
      %add3A_119 = arith.addi %mul3A_93, %add3A_118 : i32
      %lt3A = arith.constant 50 : i32
      %lt3A_120 = arith.cmpi slt, %add3A_119, %lt3A : i32
      %convert_element_type3A = arith.extui %lt3A_120 : i1 to i32
      %cond3A = arith.constant 0 : i32
      %cond3A_121 = arith.cmpi ne, %convert_element_type3A, %cond3A : i32
      scf.if %cond3A_121 {
        %add3A_154 = arith.constant 2 : i32
        %add3A_155 = arith.addi %mul3A_93, %add3A_154 : i32
        %add3A_156 = arith.addi %add3A_155, %add3A : i32
        %rem3A_157 = arith.constant 50 : i32
        %rem3A_158 = arith.remsi %add3A_156, %rem3A_157 : i32
        %mul3A_159 = arith.constant 6400 : i32
        %mul3A_160 = arith.muli %rem3A_158, %mul3A_159 : i32
        %dma_start3A_161 = arith.constant 0 : i32
        %dma_start3A_162 = arith.constant 0 : i32
        %dma_start3A_163 = tpu.memref_slice %arg8[%dma_start3A_161, %dma_start3A_162] : memref<2x6400xi32, #tpu.memory_space<vmem>> -> memref<1x6400xi32, #tpu.memory_space<vmem>>
        %dma_start3A_164 = tpu.memref_squeeze %dma_start3A_163 : memref<1x6400xi32, #tpu.memory_space<vmem>> -> memref<6400xi32, #tpu.memory_space<vmem>>
        %dma_start3A_165 = tpu.memref_slice %arg3[%mul3A_160] : memref<320000xi32, #tpu.memory_space<hbm>> -> memref<6400xi32, #tpu.memory_space<hbm>>
        %dma_start3A_166 = arith.constant 0 : i32
        %dma_start3A_167 = tpu.memref_slice %arg8[%dma_start3A_161, %dma_start3A_166] : memref<2x6400xi32, #tpu.memory_space<vmem>> -> memref<1x6400xi32, #tpu.memory_space<vmem>>
        %dma_start3A_168 = tpu.memref_squeeze %dma_start3A_167 : memref<1x6400xi32, #tpu.memory_space<vmem>> -> memref<6400xi32, #tpu.memory_space<vmem>>
        %dma_start3A_169 = tpu.memref_slice %arg3[%mul3A_160] : memref<320000xi32, #tpu.memory_space<hbm>> -> memref<6400xi32, #tpu.memory_space<hbm>>
        tpu.enqueue_dma source(%dma_start3A_169 : memref<6400xi32, #tpu.memory_space<hbm>>) target(%dma_start3A_168 : memref<6400xi32, #tpu.memory_space<vmem>>) target_semaphore(%arg10 : memref<!tpu.dma_semaphore, #tpu.memory_space<semaphore_mem>>)
        %mul3A_170 = arith.constant 6400 : i32
        %mul3A_171 = arith.muli %rem3A_158, %mul3A_170 : i32
        %dma_start3A_172 = arith.constant 0 : i32
        %dma_start3A_173 = arith.constant 0 : i32
        %dma_start3A_174 = tpu.memref_slice %arg9[%dma_start3A_172, %dma_start3A_173] : memref<2x6400xf32, #tpu.memory_space<vmem>> -> memref<1x6400xf32, #tpu.memory_space<vmem>>
        %dma_start3A_175 = tpu.memref_squeeze %dma_start3A_174 : memref<1x6400xf32, #tpu.memory_space<vmem>> -> memref<6400xf32, #tpu.memory_space<vmem>>
        %dma_start3A_176 = tpu.memref_slice %arg4[%mul3A_171] : memref<320000xf32, #tpu.memory_space<hbm>> -> memref<6400xf32, #tpu.memory_space<hbm>>
        %dma_start3A_177 = arith.constant 0 : i32
        %dma_start3A_178 = tpu.memref_slice %arg9[%dma_start3A_172, %dma_start3A_177] : memref<2x6400xf32, #tpu.memory_space<vmem>> -> memref<1x6400xf32, #tpu.memory_space<vmem>>
        %dma_start3A_179 = tpu.memref_squeeze %dma_start3A_178 : memref<1x6400xf32, #tpu.memory_space<vmem>> -> memref<6400xf32, #tpu.memory_space<vmem>>
        %dma_start3A_180 = tpu.memref_slice %arg4[%mul3A_171] : memref<320000xf32, #tpu.memory_space<hbm>> -> memref<6400xf32, #tpu.memory_space<hbm>>
        tpu.enqueue_dma source(%dma_start3A_180 : memref<6400xf32, #tpu.memory_space<hbm>>) target(%dma_start3A_179 : memref<6400xf32, #tpu.memory_space<vmem>>) target_semaphore(%arg10 : memref<!tpu.dma_semaphore, #tpu.memory_space<semaphore_mem>>)
      } else {
      }
      %dma_wait3A_122 = arith.constant 1 : i32
      %dma_wait3A_123 = arith.constant 0 : i32
      %dma_wait3A_124 = tpu.memref_slice %arg8[%dma_wait3A_122, %dma_wait3A_123] : memref<2x6400xi32, #tpu.memory_space<vmem>> -> memref<1x6400xi32, #tpu.memory_space<vmem>>
      %dma_wait3A_125 = tpu.memref_squeeze %dma_wait3A_124 : memref<1x6400xi32, #tpu.memory_space<vmem>> -> memref<6400xi32, #tpu.memory_space<vmem>>
      %dma_wait3A_126 = arith.constant 0 : i32
      %dma_wait3A_127 = tpu.memref_slice %arg3[%dma_wait3A_126] : memref<320000xi32, #tpu.memory_space<hbm>> -> memref<6400xi32, #tpu.memory_space<hbm>>
      %dma_wait3A_128 = arith.constant 0 : i32
      %dma_wait3A_129 = tpu.memref_slice %arg8[%dma_wait3A_122, %dma_wait3A_128] : memref<2x6400xi32, #tpu.memory_space<vmem>> -> memref<1x6400xi32, #tpu.memory_space<vmem>>
      %dma_wait3A_130 = tpu.memref_squeeze %dma_wait3A_129 : memref<1x6400xi32, #tpu.memory_space<vmem>> -> memref<6400xi32, #tpu.memory_space<vmem>>
      %dma_wait3A_131 = arith.constant 0 : i32
      %dma_wait3A_132 = tpu.memref_slice %arg3[%dma_wait3A_131] : memref<320000xi32, #tpu.memory_space<hbm>> -> memref<6400xi32, #tpu.memory_space<hbm>>
      tpu.wait_dma2 semaphore(%arg11 : memref<!tpu.dma_semaphore, #tpu.memory_space<semaphore_mem>>) src(%dma_wait3A_132 : memref<6400xi32, #tpu.memory_space<hbm>>) dst(%dma_wait3A_130 : memref<6400xi32, #tpu.memory_space<vmem>>)
      %dma_wait3A_133 = arith.constant 1 : i32
      %dma_wait3A_134 = arith.constant 0 : i32
      %dma_wait3A_135 = tpu.memref_slice %arg9[%dma_wait3A_133, %dma_wait3A_134] : memref<2x6400xf32, #tpu.memory_space<vmem>> -> memref<1x6400xf32, #tpu.memory_space<vmem>>
      %dma_wait3A_136 = tpu.memref_squeeze %dma_wait3A_135 : memref<1x6400xf32, #tpu.memory_space<vmem>> -> memref<6400xf32, #tpu.memory_space<vmem>>
      %dma_wait3A_137 = arith.constant 0 : i32
      %dma_wait3A_138 = tpu.memref_slice %arg4[%dma_wait3A_137] : memref<320000xf32, #tpu.memory_space<hbm>> -> memref<6400xf32, #tpu.memory_space<hbm>>
      %dma_wait3A_139 = arith.constant 0 : i32
      %dma_wait3A_140 = tpu.memref_slice %arg9[%dma_wait3A_133, %dma_wait3A_139] : memref<2x6400xf32, #tpu.memory_space<vmem>> -> memref<1x6400xf32, #tpu.memory_space<vmem>>
      %dma_wait3A_141 = tpu.memref_squeeze %dma_wait3A_140 : memref<1x6400xf32, #tpu.memory_space<vmem>> -> memref<6400xf32, #tpu.memory_space<vmem>>
      %dma_wait3A_142 = arith.constant 0 : i32
      %dma_wait3A_143 = tpu.memref_slice %arg4[%dma_wait3A_142] : memref<320000xf32, #tpu.memory_space<hbm>> -> memref<6400xf32, #tpu.memory_space<hbm>>
      tpu.wait_dma2 semaphore(%arg11 : memref<!tpu.dma_semaphore, #tpu.memory_space<semaphore_mem>>) src(%dma_wait3A_143 : memref<6400xf32, #tpu.memory_space<hbm>>) dst(%dma_wait3A_141 : memref<6400xf32, #tpu.memory_space<vmem>>)
      %parallel_loop3A_144 = arith.constant 0 : i32
      %parallel_loop3A_145 = arith.constant 400 : i32
      %parallel_loop3A_146 = arith.constant 1 : i32
      scf.for %parallel_loop3A_154 = %parallel_loop3A_144 to %parallel_loop3A_145 step %parallel_loop3A_146  : i32 {
        %parallel_loop3A_155 = arith.constant 16 : i32
        %parallel_loop3A_156 = arith.muli %parallel_loop3A_154, %parallel_loop3A_155 : i32
        %parallel_loop3A_157 = arith.constant 1 : i32
        %parallel_loop3A_158 = arith.index_cast %parallel_loop3A_157 : i32 to index
        %parallel_loop3A_159 = arith.index_cast %parallel_loop3A_156 : i32 to index
        %parallel_loop3A_160 = tpu.vector_load %arg8[%parallel_loop3A_158, %parallel_loop3A_159] {strides = array<i32>} : memref<2x6400xi32, #tpu.memory_space<vmem>>, vector<16xi32>,
        %parallel_loop3A_161 = arith.constant 16 : i32
        %parallel_loop3A_162 = arith.muli %parallel_loop3A_154, %parallel_loop3A_161 : i32
        %parallel_loop3A_163 = arith.constant 1 : i32
        %parallel_loop3A_164 = arith.index_cast %parallel_loop3A_163 : i32 to index
        %parallel_loop3A_165 = arith.index_cast %parallel_loop3A_162 : i32 to index
        %parallel_loop3A_166 = tpu.vector_load %arg9[%parallel_loop3A_164, %parallel_loop3A_165] {strides = array<i32>} : memref<2x6400xf32, #tpu.memory_space<vmem>>, vector<16xf32>,
        %parallel_loop3A_167 = arith.constant 14 : i32
        %parallel_loop3A_168 = vector.broadcast %parallel_loop3A_167 : i32 to vector<16xi32>
        %parallel_loop3A_169 = arith.shrsi %parallel_loop3A_160, %parallel_loop3A_168 : vector<16xi32>
        %parallel_loop3A_170 = arith.constant 16383 : i32
        %parallel_loop3A_171 = vector.broadcast %parallel_loop3A_170 : i32 to vector<16xi32>
        %parallel_loop3A_172 = arith.andi %parallel_loop3A_160, %parallel_loop3A_171 : vector<16xi32>
        %parallel_loop3A_173 = tpu.vector_load_idx %arg6[%add3A_11, %parallel_loop3A_169] : memref<2x10240xi32, #tpu.memory_space<vmem>>[vector<16xi32>, vector<16xi32>], vector<16xi32>,
        %parallel_loop3A_174 = arith.constant 16 : i32
        %parallel_loop3A_175 = vector.broadcast %parallel_loop3A_174 : i32 to vector<16xi32>
        %parallel_loop3A_176 = arith.shli %parallel_loop3A_173, %parallel_loop3A_175 : vector<16xi32>
        %parallel_loop3A_177 = vector.bitcast %parallel_loop3A_176 : vector<16xi32> to vector<16xf32>
        %parallel_loop3A_178 = arith.constant -65536 : i32
        %parallel_loop3A_179 = vector.broadcast %parallel_loop3A_178 : i32 to vector<16xi32>
        %parallel_loop3A_180 = arith.andi %parallel_loop3A_173, %parallel_loop3A_179 : vector<16xi32>
        %parallel_loop3A_181 = vector.bitcast %parallel_loop3A_180 : vector<16xi32> to vector<16xf32>
        %parallel_loop3A_182 = arith.mulf %parallel_loop3A_177, %parallel_loop3A_166 : vector<16xf32>
        tpu.vector_store_idx %arg7[%add3A_11, %parallel_loop3A_172], %parallel_loop3A_182 {add = true} : memref<4x10240xf32, #tpu.memory_space<vmem>>[vector<16xi32>, vector<16xi32>], vector<16xf32>,
        %parallel_loop3A_183 = arith.mulf %parallel_loop3A_181, %parallel_loop3A_166 : vector<16xf32>
        tpu.vector_store_idx %arg7[%add3A_23, %parallel_loop3A_172], %parallel_loop3A_183 {add = true} : memref<4x10240xf32, #tpu.memory_space<vmem>>[vector<16xi32>, vector<16xi32>], vector<16xf32>,
        %parallel_loop3A_184 = tpu.vector_load_idx %arg6[%add3A_17, %parallel_loop3A_169] : memref<2x10240xi32, #tpu.memory_space<vmem>>[vector<16xi32>, vector<16xi32>], vector<16xi32>,
        %parallel_loop3A_185 = arith.constant 16 : i32
        %parallel_loop3A_186 = vector.broadcast %parallel_loop3A_185 : i32 to vector<16xi32>
        %parallel_loop3A_187 = arith.shli %parallel_loop3A_184, %parallel_loop3A_186 : vector<16xi32>
        %parallel_loop3A_188 = vector.bitcast %parallel_loop3A_187 : vector<16xi32> to vector<16xf32>
        %parallel_loop3A_189 = arith.constant -65536 : i32
        %parallel_loop3A_190 = vector.broadcast %parallel_loop3A_189 : i32 to vector<16xi32>
        %parallel_loop3A_191 = arith.andi %parallel_loop3A_184, %parallel_loop3A_190 : vector<16xi32>
        %parallel_loop3A_192 = vector.bitcast %parallel_loop3A_191 : vector<16xi32> to vector<16xf32>
        %parallel_loop3A_193 = arith.mulf %parallel_loop3A_188, %parallel_loop3A_166 : vector<16xf32>
        tpu.vector_store_idx %arg7[%add3A_17, %parallel_loop3A_172], %parallel_loop3A_193 {add = true} : memref<4x10240xf32, #tpu.memory_space<vmem>>[vector<16xi32>, vector<16xi32>], vector<16xf32>,
        %parallel_loop3A_194 = arith.mulf %parallel_loop3A_192, %parallel_loop3A_166 : vector<16xf32>
        tpu.vector_store_idx %arg7[%add3A_29, %parallel_loop3A_172], %parallel_loop3A_194 {add = true} : memref<4x10240xf32, #tpu.memory_space<vmem>>[vector<16xi32>, vector<16xi32>], vector<16xf32>,
      } {sc.loop_unroll_factor = 16 : i64, sc.parallel_access}
      %add3A_147 = arith.constant 3 : i32
      %add3A_148 = arith.addi %mul3A_93, %add3A_147 : i32
      %lt3A_149 = arith.constant 50 : i32
      %lt3A_150 = arith.cmpi slt, %add3A_148, %lt3A_149 : i32
      %convert_element_type3A_151 = arith.extui %lt3A_150 : i1 to i32
      %cond3A_152 = arith.constant 0 : i32
      %cond3A_153 = arith.cmpi ne, %convert_element_type3A_151, %cond3A_152 : i32
      scf.if %cond3A_153 {
        %add3A_154 = arith.constant 3 : i32
        %add3A_155 = arith.addi %mul3A_93, %add3A_154 : i32
        %add3A_156 = arith.addi %add3A_155, %add3A : i32
        %rem3A_157 = arith.constant 50 : i32
        %rem3A_158 = arith.remsi %add3A_156, %rem3A_157 : i32
        %mul3A_159 = arith.constant 6400 : i32
        %mul3A_160 = arith.muli %rem3A_158, %mul3A_159 : i32
        %dma_start3A_161 = arith.constant 1 : i32
        %dma_start3A_162 = arith.constant 0 : i32
        %dma_start3A_163 = tpu.memref_slice %arg8[%dma_start3A_161, %dma_start3A_162] : memref<2x6400xi32, #tpu.memory_space<vmem>> -> memref<1x6400xi32, #tpu.memory_space<vmem>>
        %dma_start3A_164 = tpu.memref_squeeze %dma_start3A_163 : memref<1x6400xi32, #tpu.memory_space<vmem>> -> memref<6400xi32, #tpu.memory_space<vmem>>
        %dma_start3A_165 = tpu.memref_slice %arg3[%mul3A_160] : memref<320000xi32, #tpu.memory_space<hbm>> -> memref<6400xi32, #tpu.memory_space<hbm>>
        %dma_start3A_166 = arith.constant 0 : i32
        %dma_start3A_167 = tpu.memref_slice %arg8[%dma_start3A_161, %dma_start3A_166] : memref<2x6400xi32, #tpu.memory_space<vmem>> -> memref<1x6400xi32, #tpu.memory_space<vmem>>
        %dma_start3A_168 = tpu.memref_squeeze %dma_start3A_167 : memref<1x6400xi32, #tpu.memory_space<vmem>> -> memref<6400xi32, #tpu.memory_space<vmem>>
        %dma_start3A_169 = tpu.memref_slice %arg3[%mul3A_160] : memref<320000xi32, #tpu.memory_space<hbm>> -> memref<6400xi32, #tpu.memory_space<hbm>>
        tpu.enqueue_dma source(%dma_start3A_169 : memref<6400xi32, #tpu.memory_space<hbm>>) target(%dma_start3A_168 : memref<6400xi32, #tpu.memory_space<vmem>>) target_semaphore(%arg11 : memref<!tpu.dma_semaphore, #tpu.memory_space<semaphore_mem>>)
        %mul3A_170 = arith.constant 6400 : i32
        %mul3A_171 = arith.muli %rem3A_158, %mul3A_170 : i32
        %dma_start3A_172 = arith.constant 1 : i32
        %dma_start3A_173 = arith.constant 0 : i32
        %dma_start3A_174 = tpu.memref_slice %arg9[%dma_start3A_172, %dma_start3A_173] : memref<2x6400xf32, #tpu.memory_space<vmem>> -> memref<1x6400xf32, #tpu.memory_space<vmem>>
        %dma_start3A_175 = tpu.memref_squeeze %dma_start3A_174 : memref<1x6400xf32, #tpu.memory_space<vmem>> -> memref<6400xf32, #tpu.memory_space<vmem>>
        %dma_start3A_176 = tpu.memref_slice %arg4[%mul3A_171] : memref<320000xf32, #tpu.memory_space<hbm>> -> memref<6400xf32, #tpu.memory_space<hbm>>
        %dma_start3A_177 = arith.constant 0 : i32
        %dma_start3A_178 = tpu.memref_slice %arg9[%dma_start3A_172, %dma_start3A_177] : memref<2x6400xf32, #tpu.memory_space<vmem>> -> memref<1x6400xf32, #tpu.memory_space<vmem>>
        %dma_start3A_179 = tpu.memref_squeeze %dma_start3A_178 : memref<1x6400xf32, #tpu.memory_space<vmem>> -> memref<6400xf32, #tpu.memory_space<vmem>>
        %dma_start3A_180 = tpu.memref_slice %arg4[%mul3A_171] : memref<320000xf32, #tpu.memory_space<hbm>> -> memref<6400xf32, #tpu.memory_space<hbm>>
        tpu.enqueue_dma source(%dma_start3A_180 : memref<6400xf32, #tpu.memory_space<hbm>>) target(%dma_start3A_179 : memref<6400xf32, #tpu.memory_space<vmem>>) target_semaphore(%arg11 : memref<!tpu.dma_semaphore, #tpu.memory_space<semaphore_mem>>)
      } else {
      }
    }
    %scan3A_84 = arith.constant 25 : i32
    %mul3A_85 = arith.constant 2 : i32
    %mul3A_86 = arith.muli %mul3A_85, %add3A : i32
    "tpu.region"() ({
      %run_scoped3A = tpu.sem_alloc : memref<!tpu.dma_semaphore, #tpu.memory_space<semaphore_mem>>
      %dma_start3A_91 = arith.constant 0 : i32
      %dma_start3A_92 = arith.constant 0 : i32
      %dma_start3A_93 = tpu.memref_slice %arg7[%dma_start3A_91, %dma_start3A_92] : memref<4x10240xf32, #tpu.memory_space<vmem>> -> memref<2x10240xf32, #tpu.memory_space<vmem>>
      %dma_start3A_94 = arith.constant 0 : i32
      %dma_start3A_95 = tpu.memref_slice %arg5[%mul3A_86, %dma_start3A_94] : memref<128x10240xf32, #tpu.memory_space<hbm>> -> memref<2x10240xf32, #tpu.memory_space<hbm>>
      %dma_start3A_96 = arith.constant 0 : i32
      %dma_start3A_97 = tpu.memref_slice %arg5[%mul3A_86, %dma_start3A_96] : memref<128x10240xf32, #tpu.memory_space<hbm>> -> memref<2x10240xf32, #tpu.memory_space<hbm>>
      %dma_start3A_98 = arith.constant 0 : i32
      %dma_start3A_99 = arith.constant 0 : i32
      %dma_start3A_100 = tpu.memref_slice %arg7[%dma_start3A_98, %dma_start3A_99] : memref<4x10240xf32, #tpu.memory_space<vmem>> -> memref<2x10240xf32, #tpu.memory_space<vmem>>
      tpu.enqueue_dma source(%dma_start3A_100 : memref<2x10240xf32, #tpu.memory_space<vmem>>) target(%dma_start3A_97 : memref<2x10240xf32, #tpu.memory_space<hbm>>) target_semaphore(%run_scoped3A : memref<!tpu.dma_semaphore, #tpu.memory_space<semaphore_mem>>)
      %dma_wait3A = arith.constant 0 : i32
      %dma_wait3A_101 = arith.constant 0 : i32
      %dma_wait3A_102 = tpu.memref_slice %arg7[%dma_wait3A, %dma_wait3A_101] : memref<4x10240xf32, #tpu.memory_space<vmem>> -> memref<2x10240xf32, #tpu.memory_space<vmem>>
      %dma_wait3A_103 = arith.constant 0 : i32
      %dma_wait3A_104 = tpu.memref_slice %arg5[%mul3A_86, %dma_wait3A_103] : memref<128x10240xf32, #tpu.memory_space<hbm>> -> memref<2x10240xf32, #tpu.memory_space<hbm>>
      %dma_wait3A_105 = arith.constant 0 : i32
      %dma_wait3A_106 = tpu.memref_slice %arg5[%mul3A_86, %dma_wait3A_105] : memref<128x10240xf32, #tpu.memory_space<hbm>> -> memref<2x10240xf32, #tpu.memory_space<hbm>>
      %dma_wait3A_107 = arith.constant 0 : i32
      %dma_wait3A_108 = arith.constant 0 : i32
      %dma_wait3A_109 = tpu.memref_slice %arg7[%dma_wait3A_107, %dma_wait3A_108] : memref<4x10240xf32, #tpu.memory_space<vmem>> -> memref<2x10240xf32, #tpu.memory_space<vmem>>
      tpu.wait_dma2 semaphore(%run_scoped3A : memref<!tpu.dma_semaphore, #tpu.memory_space<semaphore_mem>>) src(%dma_wait3A_109 : memref<2x10240xf32, #tpu.memory_space<vmem>>) dst(%dma_wait3A_106 : memref<2x10240xf32, #tpu.memory_space<hbm>>)
      tpu.yield
    }) : () -> ()
    %mul3A_87 = arith.constant 2 : i32
    %mul3A_88 = arith.muli %mul3A_87, %add3A : i32
    %add3A_89 = arith.constant 64 : i32
    %add3A_90 = arith.addi %add3A_89, %mul3A_88 : i32
    "tpu.region"() ({
      %run_scoped3A = tpu.sem_alloc : memref<!tpu.dma_semaphore, #tpu.memory_space<semaphore_mem>>
      %dma_start3A_91 = arith.constant 2 : i32
      %dma_start3A_92 = arith.constant 0 : i32
      %dma_start3A_93 = tpu.memref_slice %arg7[%dma_start3A_91, %dma_start3A_92] : memref<4x10240xf32, #tpu.memory_space<vmem>> -> memref<2x10240xf32, #tpu.memory_space<vmem>>
      %dma_start3A_94 = arith.constant 0 : i32
      %dma_start3A_95 = tpu.memref_slice %arg5[%add3A_90, %dma_start3A_94] : memref<128x10240xf32, #tpu.memory_space<hbm>> -> memref<2x10240xf32, #tpu.memory_space<hbm>>
      %dma_start3A_96 = arith.constant 0 : i32
      %dma_start3A_97 = tpu.memref_slice %arg5[%add3A_90, %dma_start3A_96] : memref<128x10240xf32, #tpu.memory_space<hbm>> -> memref<2x10240xf32, #tpu.memory_space<hbm>>
      %dma_start3A_98 = arith.constant 2 : i32
      %dma_start3A_99 = arith.constant 0 : i32
      %dma_start3A_100 = tpu.memref_slice %arg7[%dma_start3A_98, %dma_start3A_99] : memref<4x10240xf32, #tpu.memory_space<vmem>> -> memref<2x10240xf32, #tpu.memory_space<vmem>>
      tpu.enqueue_dma source(%dma_start3A_100 : memref<2x10240xf32, #tpu.memory_space<vmem>>) target(%dma_start3A_97 : memref<2x10240xf32, #tpu.memory_space<hbm>>) target_semaphore(%run_scoped3A : memref<!tpu.dma_semaphore, #tpu.memory_space<semaphore_mem>>)
      %dma_wait3A = arith.constant 2 : i32
      %dma_wait3A_101 = arith.constant 0 : i32
      %dma_wait3A_102 = tpu.memref_slice %arg7[%dma_wait3A, %dma_wait3A_101] : memref<4x10240xf32, #tpu.memory_space<vmem>> -> memref<2x10240xf32, #tpu.memory_space<vmem>>
      %dma_wait3A_103 = arith.constant 0 : i32
      %dma_wait3A_104 = tpu.memref_slice %arg5[%add3A_90, %dma_wait3A_103] : memref<128x10240xf32, #tpu.memory_space<hbm>> -> memref<2x10240xf32, #tpu.memory_space<hbm>>
      %dma_wait3A_105 = arith.constant 0 : i32
      %dma_wait3A_106 = tpu.memref_slice %arg5[%add3A_90, %dma_wait3A_105] : memref<128x10240xf32, #tpu.memory_space<hbm>> -> memref<2x10240xf32, #tpu.memory_space<hbm>>
      %dma_wait3A_107 = arith.constant 2 : i32
      %dma_wait3A_108 = arith.constant 0 : i32
      %dma_wait3A_109 = tpu.memref_slice %arg7[%dma_wait3A_107, %dma_wait3A_108] : memref<4x10240xf32, #tpu.memory_space<vmem>> -> memref<2x10240xf32, #tpu.memory_space<vmem>>
      tpu.wait_dma2 semaphore(%run_scoped3A : memref<!tpu.dma_semaphore, #tpu.memory_space<semaphore_mem>>) src(%dma_wait3A_109 : memref<2x10240xf32, #tpu.memory_space<vmem>>) dst(%dma_wait3A_106 : memref<2x10240xf32, #tpu.memory_space<hbm>>)
      tpu.yield
    }) : () -> ()
    return
  }
}

#map = affine_map<(d0, d1) -> (0)>
#map1 = affine_map<(d0, d1) -> (0, 0)>
module attributes {stable_mosaic.version = 14 : i64} {
  func.func @_deg_norm_body(%arg0: i32, %arg1: i32, %arg2: memref<640000xi32, #tpu.memory_space<hbm>>, %arg3: memref<2560x128xf32, #tpu.memory_space<hbm>>, %arg4: memref<320000xf32, #tpu.memory_space<hbm>>, %arg5: memref<10240xf32, #tpu.memory_space<hbm>>, %arg6: memref<320000xi32, #tpu.memory_space<hbm>>, %arg7: memref<10240xf32, #tpu.memory_space<vmem>>, %arg8: memref<10240xf32, #tpu.memory_space<vmem>>, %arg9: memref<20480xi32, #tpu.memory_space<vmem>>, %arg10: memref<20480xi32, #tpu.memory_space<vmem>>, %arg11: memref<160x128xf32, #tpu.memory_space<vmem>>, %arg12: memref<20480xf32, #tpu.memory_space<vmem>>, %arg13: memref<16x640xf32, #tpu.memory_space<vmem>>, %arg14: memref<640xf32, #tpu.memory_space<vmem>>, %arg15: memref<640xf32, #tpu.memory_space<vmem>>, %arg16: memref<16x10240xf32, #tpu.memory_space<vmem_shared>>, %arg17: memref<10240xf32, #tpu.memory_space<vmem_shared>>) attributes {dimension_semantics = [#tpu.dimension_semantics<core_parallel>, #tpu.dimension_semantics<subcore_parallel>], iteration_bounds = array<i64: 2, 16>, scalar_prefetch = 0 : i64, scratch_operands = 11 : i64, tpu.core_type = #tpu.core_type<sc_vector_subcore>, window_params = [{transform_indices = #map}, {transform_indices = #map1}, {transform_indices = #map}, {transform_indices = #map}, {transform_indices = #map}]} {
    %eq3A = arith.constant 0 : i32
    %eq3A_0 = arith.cmpi eq, %arg0, %eq3A : i32
    %convert_element_type3A = arith.extui %eq3A_0 : i1 to i32
    %cond3A = arith.constant 0 : i32
    %cond3A_1 = arith.cmpi ne, %convert_element_type3A, %cond3A : i32
    scf.if %cond3A_1 {
      %mul3A = arith.constant 20480 : i32
      %mul3A_2 = arith.muli %arg1, %mul3A : i32
      %lt3A = arith.constant 15 : i32
      %lt3A_3 = arith.cmpi slt, %arg1, %lt3A : i32
      %jit3A = arith.constant 20480 : i32
      %jit3A_4 = arith.constant 12800 : i32
      %select_n3A = arith.select %lt3A_3, %jit3A, %jit3A_4 : i32
      %shift_right_arithmetic3A = arith.constant 4 : i32
      %shift_right_arithmetic3A_5 = arith.shrsi %select_n3A, %shift_right_arithmetic3A : i32
      %add3A = arith.constant 320000 : i32
      %add3A_6 = arith.addi %add3A, %mul3A_2 : i32
      "tpu.region"() ({
        %run_scoped3A = tpu.sem_alloc : memref<!tpu.dma_semaphore, #tpu.memory_space<semaphore_mem>>
        %dma_start3A = arith.constant 0 : i32
        %dma_start3A_32 = tpu.memref_slice %arg10[%dma_start3A] : memref<20480xi32, #tpu.memory_space<vmem>> -> memref<12800xi32, #tpu.memory_space<vmem>>
        %dma_start3A_33 = tpu.memref_slice %arg2[%add3A_6] : memref<640000xi32, #tpu.memory_space<hbm>> -> memref<12800xi32, #tpu.memory_space<hbm>>
        %dma_start3A_34 = arith.constant 0 : i32
        %dma_start3A_35 = tpu.memref_slice %arg10[%dma_start3A_34] : memref<20480xi32, #tpu.memory_space<vmem>> -> memref<12800xi32, #tpu.memory_space<vmem>>
        %dma_start3A_36 = tpu.memref_slice %arg2[%add3A_6] : memref<640000xi32, #tpu.memory_space<hbm>> -> memref<12800xi32, #tpu.memory_space<hbm>>
        tpu.enqueue_dma source(%dma_start3A_36 : memref<12800xi32, #tpu.memory_space<hbm>>) target(%dma_start3A_35 : memref<12800xi32, #tpu.memory_space<vmem>>) target_semaphore(%run_scoped3A : memref<!tpu.dma_semaphore, #tpu.memory_space<semaphore_mem>>)
        %dma_wait3A = arith.constant 0 : i32
        %dma_wait3A_37 = tpu.memref_slice %arg10[%dma_wait3A] : memref<20480xi32, #tpu.memory_space<vmem>> -> memref<12800xi32, #tpu.memory_space<vmem>>
        %dma_wait3A_38 = tpu.memref_slice %arg2[%add3A_6] : memref<640000xi32, #tpu.memory_space<hbm>> -> memref<12800xi32, #tpu.memory_space<hbm>>
        %dma_wait3A_39 = arith.constant 0 : i32
        %dma_wait3A_40 = tpu.memref_slice %arg10[%dma_wait3A_39] : memref<20480xi32, #tpu.memory_space<vmem>> -> memref<12800xi32, #tpu.memory_space<vmem>>
        %dma_wait3A_41 = tpu.memref_slice %arg2[%add3A_6] : memref<640000xi32, #tpu.memory_space<hbm>> -> memref<12800xi32, #tpu.memory_space<hbm>>
        tpu.wait_dma2 semaphore(%run_scoped3A : memref<!tpu.dma_semaphore, #tpu.memory_space<semaphore_mem>>) src(%dma_wait3A_41 : memref<12800xi32, #tpu.memory_space<hbm>>) dst(%dma_wait3A_40 : memref<12800xi32, #tpu.memory_space<vmem>>)
        tpu.yield
      }) : () -> ()
      %lt3A_7 = arith.constant 15 : i32
      %lt3A_8 = arith.cmpi slt, %arg1, %lt3A_7 : i32
      %convert_element_type3A_9 = arith.extui %lt3A_8 : i1 to i32
      %cond3A_10 = arith.constant 0 : i32
      %cond3A_11 = arith.cmpi ne, %convert_element_type3A_9, %cond3A_10 : i32
      scf.if %cond3A_11 {
        %add3A_32 = arith.constant 320000 : i32
        %add3A_33 = arith.addi %add3A_32, %mul3A_2 : i32
        %add3A_34 = arith.constant 12800 : i32
        %add3A_35 = arith.addi %add3A_33, %add3A_34 : i32
        "tpu.region"() ({
          %run_scoped3A = tpu.sem_alloc : memref<!tpu.dma_semaphore, #tpu.memory_space<semaphore_mem>>
          %dma_start3A = arith.constant 12800 : i32
          %dma_start3A_36 = tpu.memref_slice %arg10[%dma_start3A] : memref<20480xi32, #tpu.memory_space<vmem>> -> memref<7680xi32, #tpu.memory_space<vmem>>
          %dma_start3A_37 = tpu.memref_slice %arg2[%add3A_35] : memref<640000xi32, #tpu.memory_space<hbm>> -> memref<7680xi32, #tpu.memory_space<hbm>>
          %dma_start3A_38 = arith.constant 12800 : i32
          %dma_start3A_39 = tpu.memref_slice %arg10[%dma_start3A_38] : memref<20480xi32, #tpu.memory_space<vmem>> -> memref<7680xi32, #tpu.memory_space<vmem>>
          %dma_start3A_40 = tpu.memref_slice %arg2[%add3A_35] : memref<640000xi32, #tpu.memory_space<hbm>> -> memref<7680xi32, #tpu.memory_space<hbm>>
          tpu.enqueue_dma source(%dma_start3A_40 : memref<7680xi32, #tpu.memory_space<hbm>>) target(%dma_start3A_39 : memref<7680xi32, #tpu.memory_space<vmem>>) target_semaphore(%run_scoped3A : memref<!tpu.dma_semaphore, #tpu.memory_space<semaphore_mem>>)
          %dma_wait3A = arith.constant 12800 : i32
          %dma_wait3A_41 = tpu.memref_slice %arg10[%dma_wait3A] : memref<20480xi32, #tpu.memory_space<vmem>> -> memref<7680xi32, #tpu.memory_space<vmem>>
          %dma_wait3A_42 = tpu.memref_slice %arg2[%add3A_35] : memref<640000xi32, #tpu.memory_space<hbm>> -> memref<7680xi32, #tpu.memory_space<hbm>>
          %dma_wait3A_43 = arith.constant 12800 : i32
          %dma_wait3A_44 = tpu.memref_slice %arg10[%dma_wait3A_43] : memref<20480xi32, #tpu.memory_space<vmem>> -> memref<7680xi32, #tpu.memory_space<vmem>>
          %dma_wait3A_45 = tpu.memref_slice %arg2[%add3A_35] : memref<640000xi32, #tpu.memory_space<hbm>> -> memref<7680xi32, #tpu.memory_space<hbm>>
          tpu.wait_dma2 semaphore(%run_scoped3A : memref<!tpu.dma_semaphore, #tpu.memory_space<semaphore_mem>>) src(%dma_wait3A_45 : memref<7680xi32, #tpu.memory_space<hbm>>) dst(%dma_wait3A_44 : memref<7680xi32, #tpu.memory_space<vmem>>)
          tpu.yield
        }) : () -> ()
      } else {
      }
      %mul3A_12 = arith.constant 160 : i32
      %mul3A_13 = arith.muli %arg1, %mul3A_12 : i32
      "tpu.region"() ({
        %run_scoped3A = tpu.sem_alloc : memref<!tpu.dma_semaphore, #tpu.memory_space<semaphore_mem>>
        %dma_start3A = arith.constant 0 : i32
        %dma_start3A_32 = tpu.memref_slice %arg3[%mul3A_13, %dma_start3A] : memref<2560x128xf32, #tpu.memory_space<hbm>> -> memref<160x128xf32, #tpu.memory_space<hbm>>
        %dma_start3A_33 = arith.constant 0 : i32
        %dma_start3A_34 = tpu.memref_slice %arg3[%mul3A_13, %dma_start3A_33] : memref<2560x128xf32, #tpu.memory_space<hbm>> -> memref<160x128xf32, #tpu.memory_space<hbm>>
        tpu.enqueue_dma source(%dma_start3A_34 : memref<160x128xf32, #tpu.memory_space<hbm>>) target(%arg11 : memref<160x128xf32, #tpu.memory_space<vmem>>) target_semaphore(%run_scoped3A : memref<!tpu.dma_semaphore, #tpu.memory_space<semaphore_mem>>)
        %dma_wait3A = arith.constant 0 : i32
        %dma_wait3A_35 = tpu.memref_slice %arg3[%mul3A_13, %dma_wait3A] : memref<2560x128xf32, #tpu.memory_space<hbm>> -> memref<160x128xf32, #tpu.memory_space<hbm>>
        %dma_wait3A_36 = arith.constant 0 : i32
        %dma_wait3A_37 = tpu.memref_slice %arg3[%mul3A_13, %dma_wait3A_36] : memref<2560x128xf32, #tpu.memory_space<hbm>> -> memref<160x128xf32, #tpu.memory_space<hbm>>
        tpu.wait_dma2 semaphore(%run_scoped3A : memref<!tpu.dma_semaphore, #tpu.memory_space<semaphore_mem>>) src(%dma_wait3A_37 : memref<160x128xf32, #tpu.memory_space<hbm>>) dst(%arg11 : memref<160x128xf32, #tpu.memory_space<vmem>>)
        tpu.yield
      }) : () -> ()
      %broadcast_in_dim3A = arith.constant 0.000000e+00 : f32
      %broadcast_in_dim3A_14 = vector.broadcast %broadcast_in_dim3A : f32 to vector<16xf32>
      %parallel_loop3A = arith.constant 0 : i32
      %parallel_loop3A_15 = arith.constant 640 : i32
      %parallel_loop3A_16 = arith.constant 1 : i32
      scf.for %parallel_loop3A_32 = %parallel_loop3A to %parallel_loop3A_15 step %parallel_loop3A_16  : i32 {
        %parallel_loop3A_33 = arith.constant 16 : i32
        %parallel_loop3A_34 = arith.muli %parallel_loop3A_32, %parallel_loop3A_33 : i32
        %parallel_loop3A_35 = arith.index_cast %parallel_loop3A_34 : i32 to index
        %parallel_loop3A_36 = tpu.vector_load %arg7[%parallel_loop3A_35] {strides = array<i32>} : memref<10240xf32, #tpu.memory_space<vmem>>, vector<16xf32>,
        tpu.vector_store %arg7[%parallel_loop3A_35], %broadcast_in_dim3A_14 {strides = array<i32>} : memref<10240xf32, #tpu.memory_space<vmem>>, vector<16xf32>,
      } {sc.loop_unroll_factor = 8 : i64, sc.parallel_access}
      %parallel_loop3A_17 = arith.constant 0 : i32
      %parallel_loop3A_18 = arith.constant 1 : i32
      scf.for %parallel_loop3A_32 = %parallel_loop3A_17 to %shift_right_arithmetic3A_5 step %parallel_loop3A_18  : i32 {
        %parallel_loop3A_33 = arith.constant 16 : i32
        %parallel_loop3A_34 = arith.muli %parallel_loop3A_32, %parallel_loop3A_33 : i32
        %parallel_loop3A_35 = arith.index_cast %parallel_loop3A_34 : i32 to index
        %parallel_loop3A_36 = tpu.vector_load %arg10[%parallel_loop3A_35] {strides = array<i32>} : memref<20480xi32, #tpu.memory_space<vmem>>, vector<16xi32>,
        %parallel_loop3A_37 = arith.constant 3 : i32
        %parallel_loop3A_38 = arith.shrsi %parallel_loop3A_32, %parallel_loop3A_37 : i32
        %parallel_loop3A_39 = arith.constant 7 : i32
        %parallel_loop3A_40 = arith.andi %parallel_loop3A_32, %parallel_loop3A_39 : i32
        %parallel_loop3A_41 = arith.constant 16 : i32
        %parallel_loop3A_42 = arith.muli %parallel_loop3A_40, %parallel_loop3A_41 : i32
        %parallel_loop3A_43 = arith.index_cast %parallel_loop3A_38 : i32 to index
        %parallel_loop3A_44 = arith.index_cast %parallel_loop3A_42 : i32 to index
        %parallel_loop3A_45 = tpu.vector_load %arg11[%parallel_loop3A_43, %parallel_loop3A_44] {strides = array<i32>} : memref<160x128xf32, #tpu.memory_space<vmem>>, vector<16xf32>,
        tpu.vector_store_idx %arg7[%parallel_loop3A_36], %parallel_loop3A_45 {add = true} : memref<10240xf32, #tpu.memory_space<vmem>>[vector<16xi32>], vector<16xf32>,
      } {sc.loop_unroll_factor = 8 : i64, sc.parallel_access}
      "tpu.region"() ({
        %run_scoped3A = tpu.sem_alloc : memref<!tpu.dma_semaphore, #tpu.memory_space<semaphore_mem>>
        %dma_start3A = arith.constant 0 : i32
        %dma_start3A_32 = tpu.memref_slice %arg16[%arg1, %dma_start3A] : memref<16x10240xf32, #tpu.memory_space<vmem_shared>> -> memref<1x10240xf32, #tpu.memory_space<vmem_shared>>
        %dma_start3A_33 = tpu.memref_squeeze %dma_start3A_32 : memref<1x10240xf32, #tpu.memory_space<vmem_shared>> -> memref<10240xf32, #tpu.memory_space<vmem_shared>>
        %dma_start3A_34 = arith.constant 0 : i32
        %dma_start3A_35 = tpu.memref_slice %arg16[%arg1, %dma_start3A_34] : memref<16x10240xf32, #tpu.memory_space<vmem_shared>> -> memref<1x10240xf32, #tpu.memory_space<vmem_shared>>
        %dma_start3A_36 = tpu.memref_squeeze %dma_start3A_35 : memref<1x10240xf32, #tpu.memory_space<vmem_shared>> -> memref<10240xf32, #tpu.memory_space<vmem_shared>>
        tpu.enqueue_dma source(%arg7 : memref<10240xf32, #tpu.memory_space<vmem>>) target(%dma_start3A_36 : memref<10240xf32, #tpu.memory_space<vmem_shared>>) target_semaphore(%run_scoped3A : memref<!tpu.dma_semaphore, #tpu.memory_space<semaphore_mem>>)
        %dma_wait3A = arith.constant 0 : i32
        %dma_wait3A_37 = tpu.memref_slice %arg16[%arg1, %dma_wait3A] : memref<16x10240xf32, #tpu.memory_space<vmem_shared>> -> memref<1x10240xf32, #tpu.memory_space<vmem_shared>>
        %dma_wait3A_38 = tpu.memref_squeeze %dma_wait3A_37 : memref<1x10240xf32, #tpu.memory_space<vmem_shared>> -> memref<10240xf32, #tpu.memory_space<vmem_shared>>
        %dma_wait3A_39 = arith.constant 0 : i32
        %dma_wait3A_40 = tpu.memref_slice %arg16[%arg1, %dma_wait3A_39] : memref<16x10240xf32, #tpu.memory_space<vmem_shared>> -> memref<1x10240xf32, #tpu.memory_space<vmem_shared>>
        %dma_wait3A_41 = tpu.memref_squeeze %dma_wait3A_40 : memref<1x10240xf32, #tpu.memory_space<vmem_shared>> -> memref<10240xf32, #tpu.memory_space<vmem_shared>>
        tpu.wait_dma2 semaphore(%run_scoped3A : memref<!tpu.dma_semaphore, #tpu.memory_space<semaphore_mem>>) src(%arg7 : memref<10240xf32, #tpu.memory_space<vmem>>) dst(%dma_wait3A_41 : memref<10240xf32, #tpu.memory_space<vmem_shared>>)
        tpu.yield
      }) : () -> ()
      %barrier3A = arith.constant 0 : index
      tpu.barrier barrier_id(%barrier3A)
      %mul3A_19 = arith.constant 640 : i32
      %mul3A_20 = arith.muli %arg1, %mul3A_19 : i32
      "tpu.region"() ({
        %run_scoped3A = tpu.sem_alloc : memref<!tpu.dma_semaphore, #tpu.memory_space<semaphore_mem>>
        %dma_start3A = arith.constant 0 : i32
        %dma_start3A_32 = tpu.memref_slice %arg16[%dma_start3A, %mul3A_20] : memref<16x10240xf32, #tpu.memory_space<vmem_shared>> -> memref<16x640xf32, #tpu.memory_space<vmem_shared>>
        %dma_start3A_33 = arith.constant 0 : i32
        %dma_start3A_34 = tpu.memref_slice %arg16[%dma_start3A_33, %mul3A_20] : memref<16x10240xf32, #tpu.memory_space<vmem_shared>> -> memref<16x640xf32, #tpu.memory_space<vmem_shared>>
        tpu.enqueue_dma source(%dma_start3A_34 : memref<16x640xf32, #tpu.memory_space<vmem_shared>>) target(%arg13 : memref<16x640xf32, #tpu.memory_space<vmem>>) target_semaphore(%run_scoped3A : memref<!tpu.dma_semaphore, #tpu.memory_space<semaphore_mem>>)
        %dma_wait3A = arith.constant 0 : i32
        %dma_wait3A_35 = tpu.memref_slice %arg16[%dma_wait3A, %mul3A_20] : memref<16x10240xf32, #tpu.memory_space<vmem_shared>> -> memref<16x640xf32, #tpu.memory_space<vmem_shared>>
        %dma_wait3A_36 = arith.constant 0 : i32
        %dma_wait3A_37 = tpu.memref_slice %arg16[%dma_wait3A_36, %mul3A_20] : memref<16x10240xf32, #tpu.memory_space<vmem_shared>> -> memref<16x640xf32, #tpu.memory_space<vmem_shared>>
        tpu.wait_dma2 semaphore(%run_scoped3A : memref<!tpu.dma_semaphore, #tpu.memory_space<semaphore_mem>>) src(%dma_wait3A_37 : memref<16x640xf32, #tpu.memory_space<vmem_shared>>) dst(%arg13 : memref<16x640xf32, #tpu.memory_space<vmem>>)
        tpu.yield
      }) : () -> ()
      %parallel_loop3A_21 = arith.constant 0 : i32
      %parallel_loop3A_22 = arith.constant 40 : i32
      %parallel_loop3A_23 = arith.constant 1 : i32
      scf.for %parallel_loop3A_32 = %parallel_loop3A_21 to %parallel_loop3A_22 step %parallel_loop3A_23  : i32 {
        %parallel_loop3A_33 = arith.constant 16 : i32
        %parallel_loop3A_34 = arith.muli %parallel_loop3A_32, %parallel_loop3A_33 : i32
        %parallel_loop3A_35 = arith.constant 0 : i32
        %parallel_loop3A_36 = arith.index_cast %parallel_loop3A_35 : i32 to index
        %parallel_loop3A_37 = arith.index_cast %parallel_loop3A_34 : i32 to index
        %parallel_loop3A_38 = tpu.vector_load %arg13[%parallel_loop3A_36, %parallel_loop3A_37] {strides = array<i32>} : memref<16x640xf32, #tpu.memory_space<vmem>>, vector<16xf32>,
        %parallel_loop3A_39 = arith.constant 16 : i32
        %parallel_loop3A_40 = arith.muli %parallel_loop3A_32, %parallel_loop3A_39 : i32
        %parallel_loop3A_41 = arith.constant 1 : i32
        %parallel_loop3A_42 = arith.index_cast %parallel_loop3A_41 : i32 to index
        %parallel_loop3A_43 = arith.index_cast %parallel_loop3A_40 : i32 to index
        %parallel_loop3A_44 = tpu.vector_load %arg13[%parallel_loop3A_42, %parallel_loop3A_43] {strides = array<i32>} : memref<16x640xf32, #tpu.memory_space<vmem>>, vector<16xf32>,
        %parallel_loop3A_45 = arith.addf %parallel_loop3A_38, %parallel_loop3A_44 : vector<16xf32>
        %parallel_loop3A_46 = arith.constant 16 : i32
        %parallel_loop3A_47 = arith.muli %parallel_loop3A_32, %parallel_loop3A_46 : i32
        %parallel_loop3A_48 = arith.constant 2 : i32
        %parallel_loop3A_49 = arith.index_cast %parallel_loop3A_48 : i32 to index
        %parallel_loop3A_50 = arith.index_cast %parallel_loop3A_47 : i32 to index
        %parallel_loop3A_51 = tpu.vector_load %arg13[%parallel_loop3A_49, %parallel_loop3A_50] {strides = array<i32>} : memref<16x640xf32, #tpu.memory_space<vmem>>, vector<16xf32>,
        %parallel_loop3A_52 = arith.addf %parallel_loop3A_45, %parallel_loop3A_51 : vector<16xf32>
        %parallel_loop3A_53 = arith.constant 16 : i32
        %parallel_loop3A_54 = arith.muli %parallel_loop3A_32, %parallel_loop3A_53 : i32
        %parallel_loop3A_55 = arith.constant 3 : i32
        %parallel_loop3A_56 = arith.index_cast %parallel_loop3A_55 : i32 to index
        %parallel_loop3A_57 = arith.index_cast %parallel_loop3A_54 : i32 to index
        %parallel_loop3A_58 = tpu.vector_load %arg13[%parallel_loop3A_56, %parallel_loop3A_57] {strides = array<i32>} : memref<16x640xf32, #tpu.memory_space<vmem>>, vector<16xf32>,
        %parallel_loop3A_59 = arith.addf %parallel_loop3A_52, %parallel_loop3A_58 : vector<16xf32>
        %parallel_loop3A_60 = arith.constant 16 : i32
        %parallel_loop3A_61 = arith.muli %parallel_loop3A_32, %parallel_loop3A_60 : i32
        %parallel_loop3A_62 = arith.constant 4 : i32
        %parallel_loop3A_63 = arith.index_cast %parallel_loop3A_62 : i32 to index
        %parallel_loop3A_64 = arith.index_cast %parallel_loop3A_61 : i32 to index
        %parallel_loop3A_65 = tpu.vector_load %arg13[%parallel_loop3A_63, %parallel_loop3A_64] {strides = array<i32>} : memref<16x640xf32, #tpu.memory_space<vmem>>, vector<16xf32>,
        %parallel_loop3A_66 = arith.addf %parallel_loop3A_59, %parallel_loop3A_65 : vector<16xf32>
        %parallel_loop3A_67 = arith.constant 16 : i32
        %parallel_loop3A_68 = arith.muli %parallel_loop3A_32, %parallel_loop3A_67 : i32
        %parallel_loop3A_69 = arith.constant 5 : i32
        %parallel_loop3A_70 = arith.index_cast %parallel_loop3A_69 : i32 to index
        %parallel_loop3A_71 = arith.index_cast %parallel_loop3A_68 : i32 to index
        %parallel_loop3A_72 = tpu.vector_load %arg13[%parallel_loop3A_70, %parallel_loop3A_71] {strides = array<i32>} : memref<16x640xf32, #tpu.memory_space<vmem>>, vector<16xf32>,
        %parallel_loop3A_73 = arith.addf %parallel_loop3A_66, %parallel_loop3A_72 : vector<16xf32>
        %parallel_loop3A_74 = arith.constant 16 : i32
        %parallel_loop3A_75 = arith.muli %parallel_loop3A_32, %parallel_loop3A_74 : i32
        %parallel_loop3A_76 = arith.constant 6 : i32
        %parallel_loop3A_77 = arith.index_cast %parallel_loop3A_76 : i32 to index
        %parallel_loop3A_78 = arith.index_cast %parallel_loop3A_75 : i32 to index
        %parallel_loop3A_79 = tpu.vector_load %arg13[%parallel_loop3A_77, %parallel_loop3A_78] {strides = array<i32>} : memref<16x640xf32, #tpu.memory_space<vmem>>, vector<16xf32>,
        %parallel_loop3A_80 = arith.addf %parallel_loop3A_73, %parallel_loop3A_79 : vector<16xf32>
        %parallel_loop3A_81 = arith.constant 16 : i32
        %parallel_loop3A_82 = arith.muli %parallel_loop3A_32, %parallel_loop3A_81 : i32
        %parallel_loop3A_83 = arith.constant 7 : i32
        %parallel_loop3A_84 = arith.index_cast %parallel_loop3A_83 : i32 to index
        %parallel_loop3A_85 = arith.index_cast %parallel_loop3A_82 : i32 to index
        %parallel_loop3A_86 = tpu.vector_load %arg13[%parallel_loop3A_84, %parallel_loop3A_85] {strides = array<i32>} : memref<16x640xf32, #tpu.memory_space<vmem>>, vector<16xf32>,
        %parallel_loop3A_87 = arith.addf %parallel_loop3A_80, %parallel_loop3A_86 : vector<16xf32>
        %parallel_loop3A_88 = arith.constant 16 : i32
        %parallel_loop3A_89 = arith.muli %parallel_loop3A_32, %parallel_loop3A_88 : i32
        %parallel_loop3A_90 = arith.constant 8 : i32
        %parallel_loop3A_91 = arith.index_cast %parallel_loop3A_90 : i32 to index
        %parallel_loop3A_92 = arith.index_cast %parallel_loop3A_89 : i32 to index
        %parallel_loop3A_93 = tpu.vector_load %arg13[%parallel_loop3A_91, %parallel_loop3A_92] {strides = array<i32>} : memref<16x640xf32, #tpu.memory_space<vmem>>, vector<16xf32>,
        %parallel_loop3A_94 = arith.addf %parallel_loop3A_87, %parallel_loop3A_93 : vector<16xf32>
        %parallel_loop3A_95 = arith.constant 16 : i32
        %parallel_loop3A_96 = arith.muli %parallel_loop3A_32, %parallel_loop3A_95 : i32
        %parallel_loop3A_97 = arith.constant 9 : i32
        %parallel_loop3A_98 = arith.index_cast %parallel_loop3A_97 : i32 to index
        %parallel_loop3A_99 = arith.index_cast %parallel_loop3A_96 : i32 to index
        %parallel_loop3A_100 = tpu.vector_load %arg13[%parallel_loop3A_98, %parallel_loop3A_99] {strides = array<i32>} : memref<16x640xf32, #tpu.memory_space<vmem>>, vector<16xf32>,
        %parallel_loop3A_101 = arith.addf %parallel_loop3A_94, %parallel_loop3A_100 : vector<16xf32>
        %parallel_loop3A_102 = arith.constant 16 : i32
        %parallel_loop3A_103 = arith.muli %parallel_loop3A_32, %parallel_loop3A_102 : i32
        %parallel_loop3A_104 = arith.constant 10 : i32
        %parallel_loop3A_105 = arith.index_cast %parallel_loop3A_104 : i32 to index
        %parallel_loop3A_106 = arith.index_cast %parallel_loop3A_103 : i32 to index
        %parallel_loop3A_107 = tpu.vector_load %arg13[%parallel_loop3A_105, %parallel_loop3A_106] {strides = array<i32>} : memref<16x640xf32, #tpu.memory_space<vmem>>, vector<16xf32>,
        %parallel_loop3A_108 = arith.addf %parallel_loop3A_101, %parallel_loop3A_107 : vector<16xf32>
        %parallel_loop3A_109 = arith.constant 16 : i32
        %parallel_loop3A_110 = arith.muli %parallel_loop3A_32, %parallel_loop3A_109 : i32
        %parallel_loop3A_111 = arith.constant 11 : i32
        %parallel_loop3A_112 = arith.index_cast %parallel_loop3A_111 : i32 to index
        %parallel_loop3A_113 = arith.index_cast %parallel_loop3A_110 : i32 to index
        %parallel_loop3A_114 = tpu.vector_load %arg13[%parallel_loop3A_112, %parallel_loop3A_113] {strides = array<i32>} : memref<16x640xf32, #tpu.memory_space<vmem>>, vector<16xf32>,
        %parallel_loop3A_115 = arith.addf %parallel_loop3A_108, %parallel_loop3A_114 : vector<16xf32>
        %parallel_loop3A_116 = arith.constant 16 : i32
        %parallel_loop3A_117 = arith.muli %parallel_loop3A_32, %parallel_loop3A_116 : i32
        %parallel_loop3A_118 = arith.constant 12 : i32
        %parallel_loop3A_119 = arith.index_cast %parallel_loop3A_118 : i32 to index
        %parallel_loop3A_120 = arith.index_cast %parallel_loop3A_117 : i32 to index
        %parallel_loop3A_121 = tpu.vector_load %arg13[%parallel_loop3A_119, %parallel_loop3A_120] {strides = array<i32>} : memref<16x640xf32, #tpu.memory_space<vmem>>, vector<16xf32>,
        %parallel_loop3A_122 = arith.addf %parallel_loop3A_115, %parallel_loop3A_121 : vector<16xf32>
        %parallel_loop3A_123 = arith.constant 16 : i32
        %parallel_loop3A_124 = arith.muli %parallel_loop3A_32, %parallel_loop3A_123 : i32
        %parallel_loop3A_125 = arith.constant 13 : i32
        %parallel_loop3A_126 = arith.index_cast %parallel_loop3A_125 : i32 to index
        %parallel_loop3A_127 = arith.index_cast %parallel_loop3A_124 : i32 to index
        %parallel_loop3A_128 = tpu.vector_load %arg13[%parallel_loop3A_126, %parallel_loop3A_127] {strides = array<i32>} : memref<16x640xf32, #tpu.memory_space<vmem>>, vector<16xf32>,
        %parallel_loop3A_129 = arith.addf %parallel_loop3A_122, %parallel_loop3A_128 : vector<16xf32>
        %parallel_loop3A_130 = arith.constant 16 : i32
        %parallel_loop3A_131 = arith.muli %parallel_loop3A_32, %parallel_loop3A_130 : i32
        %parallel_loop3A_132 = arith.constant 14 : i32
        %parallel_loop3A_133 = arith.index_cast %parallel_loop3A_132 : i32 to index
        %parallel_loop3A_134 = arith.index_cast %parallel_loop3A_131 : i32 to index
        %parallel_loop3A_135 = tpu.vector_load %arg13[%parallel_loop3A_133, %parallel_loop3A_134] {strides = array<i32>} : memref<16x640xf32, #tpu.memory_space<vmem>>, vector<16xf32>,
        %parallel_loop3A_136 = arith.addf %parallel_loop3A_129, %parallel_loop3A_135 : vector<16xf32>
        %parallel_loop3A_137 = arith.constant 16 : i32
        %parallel_loop3A_138 = arith.muli %parallel_loop3A_32, %parallel_loop3A_137 : i32
        %parallel_loop3A_139 = arith.constant 15 : i32
        %parallel_loop3A_140 = arith.index_cast %parallel_loop3A_139 : i32 to index
        %parallel_loop3A_141 = arith.index_cast %parallel_loop3A_138 : i32 to index
        %parallel_loop3A_142 = tpu.vector_load %arg13[%parallel_loop3A_140, %parallel_loop3A_141] {strides = array<i32>} : memref<16x640xf32, #tpu.memory_space<vmem>>, vector<16xf32>,
        %parallel_loop3A_143 = arith.addf %parallel_loop3A_136, %parallel_loop3A_142 : vector<16xf32>
        %parallel_loop3A_144 = arith.constant 1.000000e+00 : f32
        %parallel_loop3A_145 = vector.broadcast %parallel_loop3A_144 : f32 to vector<16xf32>
        %parallel_loop3A_146 = arith.addf %parallel_loop3A_143, %parallel_loop3A_145 : vector<16xf32>
        %parallel_loop3A_147 = vector.bitcast %parallel_loop3A_146 : vector<16xf32> to vector<16xi32>
        %parallel_loop3A_148 = arith.constant 1 : i32
        %parallel_loop3A_149 = vector.broadcast %parallel_loop3A_148 : i32 to vector<16xi32>
        %parallel_loop3A_150 = arith.shrsi %parallel_loop3A_147, %parallel_loop3A_149 : vector<16xi32>
        %parallel_loop3A_151 = arith.constant 1597463007 : i32
        %parallel_loop3A_152 = vector.broadcast %parallel_loop3A_151 : i32 to vector<16xi32>
        %parallel_loop3A_153 = arith.subi %parallel_loop3A_152, %parallel_loop3A_150 : vector<16xi32>
        %parallel_loop3A_154 = vector.bitcast %parallel_loop3A_153 : vector<16xi32> to vector<16xf32>
        %parallel_loop3A_155 = arith.constant 5.000000e-01 : f32
        %parallel_loop3A_156 = vector.broadcast %parallel_loop3A_155 : f32 to vector<16xf32>
        %parallel_loop3A_157 = arith.mulf %parallel_loop3A_156, %parallel_loop3A_146 : vector<16xf32>
        %parallel_loop3A_158 = arith.mulf %parallel_loop3A_157, %parallel_loop3A_154 : vector<16xf32>
        %parallel_loop3A_159 = arith.mulf %parallel_loop3A_158, %parallel_loop3A_154 : vector<16xf32>
        %parallel_loop3A_160 = arith.constant 1.500000e+00 : f32
        %parallel_loop3A_161 = vector.broadcast %parallel_loop3A_160 : f32 to vector<16xf32>
        %parallel_loop3A_162 = arith.subf %parallel_loop3A_161, %parallel_loop3A_159 : vector<16xf32>
        %parallel_loop3A_163 = arith.mulf %parallel_loop3A_154, %parallel_loop3A_162 : vector<16xf32>
        %parallel_loop3A_164 = arith.constant 5.000000e-01 : f32
        %parallel_loop3A_165 = vector.broadcast %parallel_loop3A_164 : f32 to vector<16xf32>
        %parallel_loop3A_166 = arith.mulf %parallel_loop3A_165, %parallel_loop3A_146 : vector<16xf32>
        %parallel_loop3A_167 = arith.mulf %parallel_loop3A_166, %parallel_loop3A_163 : vector<16xf32>
        %parallel_loop3A_168 = arith.mulf %parallel_loop3A_167, %parallel_loop3A_163 : vector<16xf32>
        %parallel_loop3A_169 = arith.constant 1.500000e+00 : f32
        %parallel_loop3A_170 = vector.broadcast %parallel_loop3A_169 : f32 to vector<16xf32>
        %parallel_loop3A_171 = arith.subf %parallel_loop3A_170, %parallel_loop3A_168 : vector<16xf32>
        %parallel_loop3A_172 = arith.mulf %parallel_loop3A_163, %parallel_loop3A_171 : vector<16xf32>
        %parallel_loop3A_173 = arith.constant 5.000000e-01 : f32
        %parallel_loop3A_174 = vector.broadcast %parallel_loop3A_173 : f32 to vector<16xf32>
        %parallel_loop3A_175 = arith.mulf %parallel_loop3A_174, %parallel_loop3A_146 : vector<16xf32>
        %parallel_loop3A_176 = arith.mulf %parallel_loop3A_175, %parallel_loop3A_172 : vector<16xf32>
        %parallel_loop3A_177 = arith.mulf %parallel_loop3A_176, %parallel_loop3A_172 : vector<16xf32>
        %parallel_loop3A_178 = arith.constant 1.500000e+00 : f32
        %parallel_loop3A_179 = vector.broadcast %parallel_loop3A_178 : f32 to vector<16xf32>
        %parallel_loop3A_180 = arith.subf %parallel_loop3A_179, %parallel_loop3A_177 : vector<16xf32>
        %parallel_loop3A_181 = arith.mulf %parallel_loop3A_172, %parallel_loop3A_180 : vector<16xf32>
        %parallel_loop3A_182 = arith.constant 16 : i32
        %parallel_loop3A_183 = arith.muli %parallel_loop3A_32, %parallel_loop3A_182 : i32
        %parallel_loop3A_184 = arith.index_cast %parallel_loop3A_183 : i32 to index
        %parallel_loop3A_185 = tpu.vector_load %arg14[%parallel_loop3A_184] {strides = array<i32>} : memref<640xf32, #tpu.memory_space<vmem>>, vector<16xf32>,
        tpu.vector_store %arg14[%parallel_loop3A_184], %parallel_loop3A_181 {strides = array<i32>} : memref<640xf32, #tpu.memory_space<vmem>>, vector<16xf32>,
        %parallel_loop3A_186 = arith.mulf %parallel_loop3A_181, %parallel_loop3A_181 : vector<16xf32>
        %parallel_loop3A_187 = arith.constant 16 : i32
        %parallel_loop3A_188 = arith.muli %parallel_loop3A_32, %parallel_loop3A_187 : i32
        %parallel_loop3A_189 = arith.index_cast %parallel_loop3A_188 : i32 to index
        %parallel_loop3A_190 = tpu.vector_load %arg15[%parallel_loop3A_189] {strides = array<i32>} : memref<640xf32, #tpu.memory_space<vmem>>, vector<16xf32>,
        tpu.vector_store %arg15[%parallel_loop3A_189], %parallel_loop3A_186 {strides = array<i32>} : memref<640xf32, #tpu.memory_space<vmem>>, vector<16xf32>,
      } {sc.loop_unroll_factor = 4 : i64, sc.parallel_access}
      "tpu.region"() ({
        %run_scoped3A = tpu.sem_alloc : memref<!tpu.dma_semaphore, #tpu.memory_space<semaphore_mem>>
        %dma_start3A = tpu.memref_slice %arg17[%mul3A_20] : memref<10240xf32, #tpu.memory_space<vmem_shared>> -> memref<640xf32, #tpu.memory_space<vmem_shared>>
        %dma_start3A_32 = tpu.memref_slice %arg17[%mul3A_20] : memref<10240xf32, #tpu.memory_space<vmem_shared>> -> memref<640xf32, #tpu.memory_space<vmem_shared>>
        tpu.enqueue_dma source(%arg14 : memref<640xf32, #tpu.memory_space<vmem>>) target(%dma_start3A_32 : memref<640xf32, #tpu.memory_space<vmem_shared>>) target_semaphore(%run_scoped3A : memref<!tpu.dma_semaphore, #tpu.memory_space<semaphore_mem>>)
        %dma_wait3A = tpu.memref_slice %arg17[%mul3A_20] : memref<10240xf32, #tpu.memory_space<vmem_shared>> -> memref<640xf32, #tpu.memory_space<vmem_shared>>
        %dma_wait3A_33 = tpu.memref_slice %arg17[%mul3A_20] : memref<10240xf32, #tpu.memory_space<vmem_shared>> -> memref<640xf32, #tpu.memory_space<vmem_shared>>
        tpu.wait_dma2 semaphore(%run_scoped3A : memref<!tpu.dma_semaphore, #tpu.memory_space<semaphore_mem>>) src(%arg14 : memref<640xf32, #tpu.memory_space<vmem>>) dst(%dma_wait3A_33 : memref<640xf32, #tpu.memory_space<vmem_shared>>)
        tpu.yield
      }) : () -> ()
      "tpu.region"() ({
        %run_scoped3A = tpu.sem_alloc : memref<!tpu.dma_semaphore, #tpu.memory_space<semaphore_mem>>
        %dma_start3A = tpu.memref_slice %arg5[%mul3A_20] : memref<10240xf32, #tpu.memory_space<hbm>> -> memref<640xf32, #tpu.memory_space<hbm>>
        %dma_start3A_32 = tpu.memref_slice %arg5[%mul3A_20] : memref<10240xf32, #tpu.memory_space<hbm>> -> memref<640xf32, #tpu.memory_space<hbm>>
        tpu.enqueue_dma source(%arg15 : memref<640xf32, #tpu.memory_space<vmem>>) target(%dma_start3A_32 : memref<640xf32, #tpu.memory_space<hbm>>) target_semaphore(%run_scoped3A : memref<!tpu.dma_semaphore, #tpu.memory_space<semaphore_mem>>)
        %dma_wait3A = tpu.memref_slice %arg5[%mul3A_20] : memref<10240xf32, #tpu.memory_space<hbm>> -> memref<640xf32, #tpu.memory_space<hbm>>
        %dma_wait3A_33 = tpu.memref_slice %arg5[%mul3A_20] : memref<10240xf32, #tpu.memory_space<hbm>> -> memref<640xf32, #tpu.memory_space<hbm>>
        tpu.wait_dma2 semaphore(%run_scoped3A : memref<!tpu.dma_semaphore, #tpu.memory_space<semaphore_mem>>) src(%arg15 : memref<640xf32, #tpu.memory_space<vmem>>) dst(%dma_wait3A_33 : memref<640xf32, #tpu.memory_space<hbm>>)
        tpu.yield
      }) : () -> ()
      %barrier3A_24 = arith.constant 0 : index
      tpu.barrier barrier_id(%barrier3A_24)
      "tpu.region"() ({
        %run_scoped3A = tpu.sem_alloc : memref<!tpu.dma_semaphore, #tpu.memory_space<semaphore_mem>>
        tpu.enqueue_dma source(%arg17 : memref<10240xf32, #tpu.memory_space<vmem_shared>>) target(%arg8 : memref<10240xf32, #tpu.memory_space<vmem>>) target_semaphore(%run_scoped3A : memref<!tpu.dma_semaphore, #tpu.memory_space<semaphore_mem>>)
        tpu.wait_dma2 semaphore(%run_scoped3A : memref<!tpu.dma_semaphore, #tpu.memory_space<semaphore_mem>>) src(%arg17 : memref<10240xf32, #tpu.memory_space<vmem_shared>>) dst(%arg8 : memref<10240xf32, #tpu.memory_space<vmem>>)
        tpu.yield
      }) : () -> ()
      "tpu.region"() ({
        %run_scoped3A = tpu.sem_alloc : memref<!tpu.dma_semaphore, #tpu.memory_space<semaphore_mem>>
        %dma_start3A = tpu.memref_slice %arg2[%mul3A_2] : memref<640000xi32, #tpu.memory_space<hbm>> -> memref<20480xi32, #tpu.memory_space<hbm>>
        %dma_start3A_32 = tpu.memref_slice %arg2[%mul3A_2] : memref<640000xi32, #tpu.memory_space<hbm>> -> memref<20480xi32, #tpu.memory_space<hbm>>
        tpu.enqueue_dma source(%dma_start3A_32 : memref<20480xi32, #tpu.memory_space<hbm>>) target(%arg9 : memref<20480xi32, #tpu.memory_space<vmem>>) target_semaphore(%run_scoped3A : memref<!tpu.dma_semaphore, #tpu.memory_space<semaphore_mem>>)
        %dma_wait3A = tpu.memref_slice %arg2[%mul3A_2] : memref<640000xi32, #tpu.memory_space<hbm>> -> memref<20480xi32, #tpu.memory_space<hbm>>
        %dma_wait3A_33 = tpu.memref_slice %arg2[%mul3A_2] : memref<640000xi32, #tpu.memory_space<hbm>> -> memref<20480xi32, #tpu.memory_space<hbm>>
        tpu.wait_dma2 semaphore(%run_scoped3A : memref<!tpu.dma_semaphore, #tpu.memory_space<semaphore_mem>>) src(%dma_wait3A_33 : memref<20480xi32, #tpu.memory_space<hbm>>) dst(%arg9 : memref<20480xi32, #tpu.memory_space<vmem>>)
        tpu.yield
      }) : () -> ()
      %parallel_loop3A_25 = arith.constant 0 : i32
      %parallel_loop3A_26 = arith.constant 1 : i32
      scf.for %parallel_loop3A_32 = %parallel_loop3A_25 to %shift_right_arithmetic3A_5 step %parallel_loop3A_26  : i32 {
        %parallel_loop3A_33 = arith.constant 16 : i32
        %parallel_loop3A_34 = arith.muli %parallel_loop3A_32, %parallel_loop3A_33 : i32
        %parallel_loop3A_35 = arith.index_cast %parallel_loop3A_34 : i32 to index
        %parallel_loop3A_36 = tpu.vector_load %arg9[%parallel_loop3A_35] {strides = array<i32>} : memref<20480xi32, #tpu.memory_space<vmem>>, vector<16xi32>,
        %parallel_loop3A_37 = arith.constant 16 : i32
        %parallel_loop3A_38 = arith.muli %parallel_loop3A_32, %parallel_loop3A_37 : i32
        %parallel_loop3A_39 = arith.index_cast %parallel_loop3A_38 : i32 to index
        %parallel_loop3A_40 = tpu.vector_load %arg10[%parallel_loop3A_39] {strides = array<i32>} : memref<20480xi32, #tpu.memory_space<vmem>>, vector<16xi32>,
        %parallel_loop3A_41 = arith.constant 3 : i32
        %parallel_loop3A_42 = arith.shrsi %parallel_loop3A_32, %parallel_loop3A_41 : i32
        %parallel_loop3A_43 = arith.constant 7 : i32
        %parallel_loop3A_44 = arith.andi %parallel_loop3A_32, %parallel_loop3A_43 : i32
        %parallel_loop3A_45 = arith.constant 16 : i32
        %parallel_loop3A_46 = arith.muli %parallel_loop3A_44, %parallel_loop3A_45 : i32
        %parallel_loop3A_47 = arith.index_cast %parallel_loop3A_42 : i32 to index
        %parallel_loop3A_48 = arith.index_cast %parallel_loop3A_46 : i32 to index
        %parallel_loop3A_49 = tpu.vector_load %arg11[%parallel_loop3A_47, %parallel_loop3A_48] {strides = array<i32>} : memref<160x128xf32, #tpu.memory_space<vmem>>, vector<16xf32>,
        %parallel_loop3A_50 = tpu.vector_load_idx %arg8[%parallel_loop3A_36] : memref<10240xf32, #tpu.memory_space<vmem>>[vector<16xi32>], vector<16xf32>,
        %parallel_loop3A_51 = arith.mulf %parallel_loop3A_50, %parallel_loop3A_49 : vector<16xf32>
        %parallel_loop3A_52 = tpu.vector_load_idx %arg8[%parallel_loop3A_40] : memref<10240xf32, #tpu.memory_space<vmem>>[vector<16xi32>], vector<16xf32>,
        %parallel_loop3A_53 = arith.mulf %parallel_loop3A_51, %parallel_loop3A_52 : vector<16xf32>
        %parallel_loop3A_54 = arith.constant 16 : i32
        %parallel_loop3A_55 = arith.muli %parallel_loop3A_32, %parallel_loop3A_54 : i32
        %parallel_loop3A_56 = arith.index_cast %parallel_loop3A_55 : i32 to index
        %parallel_loop3A_57 = tpu.vector_load %arg12[%parallel_loop3A_56] {strides = array<i32>} : memref<20480xf32, #tpu.memory_space<vmem>>, vector<16xf32>,
        tpu.vector_store %arg12[%parallel_loop3A_56], %parallel_loop3A_53 {strides = array<i32>} : memref<20480xf32, #tpu.memory_space<vmem>>, vector<16xf32>,
        %parallel_loop3A_58 = arith.constant 14 : i32
        %parallel_loop3A_59 = vector.broadcast %parallel_loop3A_58 : i32 to vector<16xi32>
        %parallel_loop3A_60 = arith.shli %parallel_loop3A_36, %parallel_loop3A_59 : vector<16xi32>
        %parallel_loop3A_61 = arith.ori %parallel_loop3A_60, %parallel_loop3A_40 : vector<16xi32>
        %parallel_loop3A_62 = arith.constant 16 : i32
        %parallel_loop3A_63 = arith.muli %parallel_loop3A_32, %parallel_loop3A_62 : i32
        %parallel_loop3A_64 = arith.index_cast %parallel_loop3A_63 : i32 to index
        %parallel_loop3A_65 = tpu.vector_load %arg9[%parallel_loop3A_64] {strides = array<i32>} : memref<20480xi32, #tpu.memory_space<vmem>>, vector<16xi32>,
        tpu.vector_store %arg9[%parallel_loop3A_64], %parallel_loop3A_61 {strides = array<i32>} : memref<20480xi32, #tpu.memory_space<vmem>>, vector<16xi32>,
      } {sc.loop_unroll_factor = 8 : i64, sc.parallel_access}
      "tpu.region"() ({
        %run_scoped3A = tpu.sem_alloc : memref<!tpu.dma_semaphore, #tpu.memory_space<semaphore_mem>>
        %dma_start3A = arith.constant 0 : i32
        %dma_start3A_32 = tpu.memref_slice %arg12[%dma_start3A] : memref<20480xf32, #tpu.memory_space<vmem>> -> memref<12800xf32, #tpu.memory_space<vmem>>
        %dma_start3A_33 = tpu.memref_slice %arg4[%mul3A_2] : memref<320000xf32, #tpu.memory_space<hbm>> -> memref<12800xf32, #tpu.memory_space<hbm>>
        %dma_start3A_34 = tpu.memref_slice %arg4[%mul3A_2] : memref<320000xf32, #tpu.memory_space<hbm>> -> memref<12800xf32, #tpu.memory_space<hbm>>
        %dma_start3A_35 = arith.constant 0 : i32
        %dma_start3A_36 = tpu.memref_slice %arg12[%dma_start3A_35] : memref<20480xf32, #tpu.memory_space<vmem>> -> memref<12800xf32, #tpu.memory_space<vmem>>
        tpu.enqueue_dma source(%dma_start3A_36 : memref<12800xf32, #tpu.memory_space<vmem>>) target(%dma_start3A_34 : memref<12800xf32, #tpu.memory_space<hbm>>) target_semaphore(%run_scoped3A : memref<!tpu.dma_semaphore, #tpu.memory_space<semaphore_mem>>)
        %dma_wait3A = arith.constant 0 : i32
        %dma_wait3A_37 = tpu.memref_slice %arg12[%dma_wait3A] : memref<20480xf32, #tpu.memory_space<vmem>> -> memref<12800xf32, #tpu.memory_space<vmem>>
        %dma_wait3A_38 = tpu.memref_slice %arg4[%mul3A_2] : memref<320000xf32, #tpu.memory_space<hbm>> -> memref<12800xf32, #tpu.memory_space<hbm>>
        %dma_wait3A_39 = tpu.memref_slice %arg4[%mul3A_2] : memref<320000xf32, #tpu.memory_space<hbm>> -> memref<12800xf32, #tpu.memory_space<hbm>>
        %dma_wait3A_40 = arith.constant 0 : i32
        %dma_wait3A_41 = tpu.memref_slice %arg12[%dma_wait3A_40] : memref<20480xf32, #tpu.memory_space<vmem>> -> memref<12800xf32, #tpu.memory_space<vmem>>
        tpu.wait_dma2 semaphore(%run_scoped3A : memref<!tpu.dma_semaphore, #tpu.memory_space<semaphore_mem>>) src(%dma_wait3A_41 : memref<12800xf32, #tpu.memory_space<vmem>>) dst(%dma_wait3A_39 : memref<12800xf32, #tpu.memory_space<hbm>>)
        tpu.yield
      }) : () -> ()
      "tpu.region"() ({
        %run_scoped3A = tpu.sem_alloc : memref<!tpu.dma_semaphore, #tpu.memory_space<semaphore_mem>>
        %dma_start3A = arith.constant 0 : i32
        %dma_start3A_32 = tpu.memref_slice %arg9[%dma_start3A] : memref<20480xi32, #tpu.memory_space<vmem>> -> memref<12800xi32, #tpu.memory_space<vmem>>
        %dma_start3A_33 = tpu.memref_slice %arg6[%mul3A_2] : memref<320000xi32, #tpu.memory_space<hbm>> -> memref<12800xi32, #tpu.memory_space<hbm>>
        %dma_start3A_34 = tpu.memref_slice %arg6[%mul3A_2] : memref<320000xi32, #tpu.memory_space<hbm>> -> memref<12800xi32, #tpu.memory_space<hbm>>
        %dma_start3A_35 = arith.constant 0 : i32
        %dma_start3A_36 = tpu.memref_slice %arg9[%dma_start3A_35] : memref<20480xi32, #tpu.memory_space<vmem>> -> memref<12800xi32, #tpu.memory_space<vmem>>
        tpu.enqueue_dma source(%dma_start3A_36 : memref<12800xi32, #tpu.memory_space<vmem>>) target(%dma_start3A_34 : memref<12800xi32, #tpu.memory_space<hbm>>) target_semaphore(%run_scoped3A : memref<!tpu.dma_semaphore, #tpu.memory_space<semaphore_mem>>)
        %dma_wait3A = arith.constant 0 : i32
        %dma_wait3A_37 = tpu.memref_slice %arg9[%dma_wait3A] : memref<20480xi32, #tpu.memory_space<vmem>> -> memref<12800xi32, #tpu.memory_space<vmem>>
        %dma_wait3A_38 = tpu.memref_slice %arg6[%mul3A_2] : memref<320000xi32, #tpu.memory_space<hbm>> -> memref<12800xi32, #tpu.memory_space<hbm>>
        %dma_wait3A_39 = tpu.memref_slice %arg6[%mul3A_2] : memref<320000xi32, #tpu.memory_space<hbm>> -> memref<12800xi32, #tpu.memory_space<hbm>>
        %dma_wait3A_40 = arith.constant 0 : i32
        %dma_wait3A_41 = tpu.memref_slice %arg9[%dma_wait3A_40] : memref<20480xi32, #tpu.memory_space<vmem>> -> memref<12800xi32, #tpu.memory_space<vmem>>
        tpu.wait_dma2 semaphore(%run_scoped3A : memref<!tpu.dma_semaphore, #tpu.memory_space<semaphore_mem>>) src(%dma_wait3A_41 : memref<12800xi32, #tpu.memory_space<vmem>>) dst(%dma_wait3A_39 : memref<12800xi32, #tpu.memory_space<hbm>>)
        tpu.yield
      }) : () -> ()
      %lt3A_27 = arith.constant 15 : i32
      %lt3A_28 = arith.cmpi slt, %arg1, %lt3A_27 : i32
      %convert_element_type3A_29 = arith.extui %lt3A_28 : i1 to i32
      %cond3A_30 = arith.constant 0 : i32
      %cond3A_31 = arith.cmpi ne, %convert_element_type3A_29, %cond3A_30 : i32
      scf.if %cond3A_31 {
        %add3A_32 = arith.constant 12800 : i32
        %add3A_33 = arith.addi %mul3A_2, %add3A_32 : i32
        "tpu.region"() ({
          %run_scoped3A = tpu.sem_alloc : memref<!tpu.dma_semaphore, #tpu.memory_space<semaphore_mem>>
          %dma_start3A = arith.constant 12800 : i32
          %dma_start3A_36 = tpu.memref_slice %arg12[%dma_start3A] : memref<20480xf32, #tpu.memory_space<vmem>> -> memref<7680xf32, #tpu.memory_space<vmem>>
          %dma_start3A_37 = tpu.memref_slice %arg4[%add3A_33] : memref<320000xf32, #tpu.memory_space<hbm>> -> memref<7680xf32, #tpu.memory_space<hbm>>
          %dma_start3A_38 = tpu.memref_slice %arg4[%add3A_33] : memref<320000xf32, #tpu.memory_space<hbm>> -> memref<7680xf32, #tpu.memory_space<hbm>>
          %dma_start3A_39 = arith.constant 12800 : i32
          %dma_start3A_40 = tpu.memref_slice %arg12[%dma_start3A_39] : memref<20480xf32, #tpu.memory_space<vmem>> -> memref<7680xf32, #tpu.memory_space<vmem>>
          tpu.enqueue_dma source(%dma_start3A_40 : memref<7680xf32, #tpu.memory_space<vmem>>) target(%dma_start3A_38 : memref<7680xf32, #tpu.memory_space<hbm>>) target_semaphore(%run_scoped3A : memref<!tpu.dma_semaphore, #tpu.memory_space<semaphore_mem>>)
          %dma_wait3A = arith.constant 12800 : i32
          %dma_wait3A_41 = tpu.memref_slice %arg12[%dma_wait3A] : memref<20480xf32, #tpu.memory_space<vmem>> -> memref<7680xf32, #tpu.memory_space<vmem>>
          %dma_wait3A_42 = tpu.memref_slice %arg4[%add3A_33] : memref<320000xf32, #tpu.memory_space<hbm>> -> memref<7680xf32, #tpu.memory_space<hbm>>
          %dma_wait3A_43 = tpu.memref_slice %arg4[%add3A_33] : memref<320000xf32, #tpu.memory_space<hbm>> -> memref<7680xf32, #tpu.memory_space<hbm>>
          %dma_wait3A_44 = arith.constant 12800 : i32
          %dma_wait3A_45 = tpu.memref_slice %arg12[%dma_wait3A_44] : memref<20480xf32, #tpu.memory_space<vmem>> -> memref<7680xf32, #tpu.memory_space<vmem>>
          tpu.wait_dma2 semaphore(%run_scoped3A : memref<!tpu.dma_semaphore, #tpu.memory_space<semaphore_mem>>) src(%dma_wait3A_45 : memref<7680xf32, #tpu.memory_space<vmem>>) dst(%dma_wait3A_43 : memref<7680xf32, #tpu.memory_space<hbm>>)
          tpu.yield
        }) : () -> ()
        %add3A_34 = arith.constant 12800 : i32
        %add3A_35 = arith.addi %mul3A_2, %add3A_34 : i32
        "tpu.region"() ({
          %run_scoped3A = tpu.sem_alloc : memref<!tpu.dma_semaphore, #tpu.memory_space<semaphore_mem>>
          %dma_start3A = arith.constant 12800 : i32
          %dma_start3A_36 = tpu.memref_slice %arg9[%dma_start3A] : memref<20480xi32, #tpu.memory_space<vmem>> -> memref<7680xi32, #tpu.memory_space<vmem>>
          %dma_start3A_37 = tpu.memref_slice %arg6[%add3A_35] : memref<320000xi32, #tpu.memory_space<hbm>> -> memref<7680xi32, #tpu.memory_space<hbm>>
          %dma_start3A_38 = tpu.memref_slice %arg6[%add3A_35] : memref<320000xi32, #tpu.memory_space<hbm>> -> memref<7680xi32, #tpu.memory_space<hbm>>
          %dma_start3A_39 = arith.constant 12800 : i32
          %dma_start3A_40 = tpu.memref_slice %arg9[%dma_start3A_39] : memref<20480xi32, #tpu.memory_space<vmem>> -> memref<7680xi32, #tpu.memory_space<vmem>>
          tpu.enqueue_dma source(%dma_start3A_40 : memref<7680xi32, #tpu.memory_space<vmem>>) target(%dma_start3A_38 : memref<7680xi32, #tpu.memory_space<hbm>>) target_semaphore(%run_scoped3A : memref<!tpu.dma_semaphore, #tpu.memory_space<semaphore_mem>>)
          %dma_wait3A = arith.constant 12800 : i32
          %dma_wait3A_41 = tpu.memref_slice %arg9[%dma_wait3A] : memref<20480xi32, #tpu.memory_space<vmem>> -> memref<7680xi32, #tpu.memory_space<vmem>>
          %dma_wait3A_42 = tpu.memref_slice %arg6[%add3A_35] : memref<320000xi32, #tpu.memory_space<hbm>> -> memref<7680xi32, #tpu.memory_space<hbm>>
          %dma_wait3A_43 = tpu.memref_slice %arg6[%add3A_35] : memref<320000xi32, #tpu.memory_space<hbm>> -> memref<7680xi32, #tpu.memory_space<hbm>>
          %dma_wait3A_44 = arith.constant 12800 : i32
          %dma_wait3A_45 = tpu.memref_slice %arg9[%dma_wait3A_44] : memref<20480xi32, #tpu.memory_space<vmem>> -> memref<7680xi32, #tpu.memory_space<vmem>>
          tpu.wait_dma2 semaphore(%run_scoped3A : memref<!tpu.dma_semaphore, #tpu.memory_space<semaphore_mem>>) src(%dma_wait3A_45 : memref<7680xi32, #tpu.memory_space<vmem>>) dst(%dma_wait3A_43 : memref<7680xi32, #tpu.memory_space<hbm>>)
          tpu.yield
        }) : () -> ()
      } else {
      }
    } else {
    }
    return
  }
}

module attributes {stable_mosaic.version = 14 : i64} {
  func.func @_ew_body(%arg0: i32, %arg1: memref<256x2048xf32, #tpu.memory_space<vmem>>, %arg2: memref<2048x128xf32, #tpu.memory_space<vmem>>, %arg3: memref<1x1xf32, #tpu.memory_space<vmem>>, %arg4: memref<256x128xf32, #tpu.memory_space<vmem>>) attributes {dimension_semantics = [#tpu.dimension_semantics<arbitrary>], iteration_bounds = array<i64: 10>, scalar_prefetch = 0 : i64, scratch_operands = 0 : i64, tpu.core_type = #tpu.core_type<tc>, window_params = [{transform_indices = @transform_0, window_bounds = array<i64: 256, 2048>}, {pipeline_mode = #tpu.pipeline_mode<synchronous>, transform_indices = @transform_1, window_bounds = array<i64: 2048, 128>}, {pipeline_mode = #tpu.pipeline_mode<synchronous>, transform_indices = @transform_2, window_bounds = array<i64: 1, 1>}, {transform_indices = @transform_3, window_bounds = array<i64: 256, 128>}]} {
    %get3A = arith.constant 0 : index
    %get3A_0 = arith.constant 0 : index
    %get3A_1 = vector.load %arg1[%get3A, %get3A_0] : memref<256x2048xf32, #tpu.memory_space<vmem>>, vector<256x2048xf32>
    %get3A_2 = arith.constant 0 : index
    %get3A_3 = arith.constant 0 : index
    %get3A_4 = vector.load %arg2[%get3A_2, %get3A_3] : memref<2048x128xf32, #tpu.memory_space<vmem>>, vector<2048x128xf32>
    %dot_general3A = arith.constant dense<0.000000e+00> : vector<256x128xf32>
    %dot_general3A_5 = tpu.matmul %get3A_1, %get3A_4, %dot_general3A {dimension_numbers = #tpu.dot_dimension_numbers<[1], [0], [0], [1], [0, 0, 1, 1], [], []>, transpose_lhs_hint = false} : vector<256x2048xf32>, vector<2048x128xf32>, vector<256x128xf32> -> vector<256x128xf32>
    %get3A_6 = arith.constant 0 : index
    %get3A_7 = arith.constant 0 : index
    %get3A_8 = vector.load %arg3[%get3A_6, %get3A_7] : memref<1x1xf32, #tpu.memory_space<vmem>>, vector<1x1xf32>
    %get3A_9 = vector.extract %get3A_8[0, 0] : f32 from vector<1x1xf32>
    %add3A = vector.broadcast %get3A_9 : f32 to vector<256x128xf32>
    %add3A_10 = arith.addf %dot_general3A_5, %add3A : vector<256x128xf32>
    %custom_jvp_call3A = arith.constant 0.000000e+00 : f32
    %max3A = vector.broadcast %custom_jvp_call3A : f32 to vector<256x128xf32>
    %max3A_11 = arith.maximumf %add3A_10, %max3A : vector<256x128xf32>
    %sub3A = vector.broadcast %custom_jvp_call3A : f32 to vector<256x128xf32>
    %sub3A_12 = arith.subf %add3A_10, %sub3A : vector<256x128xf32>
    %ne3A = arith.cmpf one, %sub3A_12, %sub3A_12 : vector<256x128xf32>
    %add3A_13 = vector.broadcast %custom_jvp_call3A : f32 to vector<256x128xf32>
    %add3A_14 = arith.addf %add3A_10, %add3A_13 : vector<256x128xf32>
    %abs3A = math.absf %sub3A_12 : vector<256x128xf32>
    %neg3A = arith.constant 0.000000e+00 : f32
    %neg3A_15 = vector.broadcast %neg3A : f32 to vector<256x128xf32>
    %neg3A_16 = arith.subf %neg3A_15, %abs3A : vector<256x128xf32>
    %exp3A = math.exp %neg3A_16 : vector<256x128xf32>
    %log1p3A = math.log1p %exp3A : vector<256x128xf32>
    %add3A_17 = arith.addf %max3A_11, %log1p3A : vector<256x128xf32>
    %select_n3A = arith.select %ne3A, %add3A_14, %add3A_17 : vector<256x128xi1>, vector<256x128xf32>
    %swap3A = arith.constant 0 : index
    %swap3A_18 = arith.constant 0 : index
    %swap3A_19 = vector.load %arg4[%swap3A, %swap3A_18] : memref<256x128xf32, #tpu.memory_space<vmem>>, vector<256x128xf32>
    tpu.vector_store %arg4[%swap3A, %swap3A_18], %select_n3A {strides = array<i32>} : memref<256x128xf32, #tpu.memory_space<vmem>>, vector<256x128xf32>,
    return
  }
  func.func @transform_0(%arg0: i32) -> (i32, i32) {
    %c0_i32 = arith.constant 0 : i32
    %c0_i32_0 = arith.constant 0 : i32
    return %arg0, %c0_i32 : i32, i32
  }
  func.func @transform_1(%arg0: i32) -> (i32, i32) {
    %c0_i32 = arith.constant 0 : i32
    %c0_i32_0 = arith.constant 0 : i32
    %c0_i32_1 = arith.constant 0 : i32
    return %c0_i32, %c0_i32_0 : i32, i32
  }
  func.func @transform_2(%arg0: i32) -> (i32, i32) {
    %c0_i32 = arith.constant 0 : i32
    %c0_i32_0 = arith.constant 0 : i32
    %c0_i32_1 = arith.constant 0 : i32
    return %c0_i32, %c0_i32_0 : i32, i32
  }
  func.func @transform_3(%arg0: i32) -> (i32, i32) {
    %c0_i32 = arith.constant 0 : i32
    %c0_i32_0 = arith.constant 0 : i32
    return %arg0, %c0_i32 : i32, i32
  }
}

module attributes {stable_mosaic.version = 14 : i64} {
  func.func @_xwt_body(%arg0: i32, %arg1: memref<128x128xf32, #tpu.memory_space<vmem>>, %arg2: memref<1024x128xf32, #tpu.memory_space<vmem>>, %arg3: memref<128x1024xf32, #tpu.memory_space<vmem>>, %arg4: memref<64x1024xi32, #tpu.memory_space<vmem>>) attributes {dimension_semantics = [#tpu.dimension_semantics<arbitrary>], iteration_bounds = array<i64: 10>, scalar_prefetch = 0 : i64, scratch_operands = 0 : i64, tpu.core_type = #tpu.core_type<tc>, window_params = [{pipeline_mode = #tpu.pipeline_mode<synchronous>, transform_indices = @transform_0, window_bounds = array<i64: 128, 128>}, {transform_indices = @transform_1, window_bounds = array<i64: 1024, 128>}, {transform_indices = @transform_2, window_bounds = array<i64: 128, 1024>}, {transform_indices = @transform_3, window_bounds = array<i64: 64, 1024>}]} {
    %get3A = arith.constant 0 : index
    %get3A_0 = arith.constant 0 : index
    %get3A_1 = vector.load %arg1[%get3A, %get3A_0] : memref<128x128xf32, #tpu.memory_space<vmem>>, vector<128x128xf32>
    %get3A_2 = arith.constant 0 : index
    %get3A_3 = arith.constant 0 : index
    %get3A_4 = vector.load %arg2[%get3A_2, %get3A_3] : memref<1024x128xf32, #tpu.memory_space<vmem>>, vector<1024x128xf32>
    %dot_general3A = arith.constant dense<0.000000e+00> : vector<128x1024xf32>
    %dot_general3A_5 = tpu.matmul %get3A_1, %get3A_4, %dot_general3A {dimension_numbers = #tpu.dot_dimension_numbers<[1], [1], [0], [0], [0, 0, 1, 0], [], []>, transpose_lhs_hint = false} : vector<128x128xf32>, vector<1024x128xf32>, vector<128x1024xf32> -> vector<128x1024xf32>
    %swap3A = arith.constant 0 : index
    %swap3A_6 = arith.constant 0 : index
    %swap3A_7 = vector.load %arg3[%swap3A, %swap3A_6] : memref<128x1024xf32, #tpu.memory_space<vmem>>, vector<128x1024xf32>
    tpu.vector_store %arg3[%swap3A, %swap3A_6], %dot_general3A_5 {strides = array<i32>} : memref<128x1024xf32, #tpu.memory_space<vmem>>, vector<128x1024xf32>,
    %convert_element_type3A = arith.truncf %dot_general3A_5 : vector<128x1024xf32> to vector<128x1024xbf16>
    %slice3A = vector.extract_strided_slice %convert_element_type3A {offsets = [0, 0], sizes = [64, 1024], strides = [1, 1]} : vector<128x1024xbf16> to vector<64x1024xbf16>
    %bitcast_convert_type3A = tpu.bitcast %slice3A : vector<64x1024xbf16> -> vector<64x1024xi16>
    %convert_element_type3A_8 = arith.extui %bitcast_convert_type3A : vector<64x1024xi16> to vector<64x1024xi32>
    %slice3A_9 = vector.extract_strided_slice %convert_element_type3A {offsets = [64, 0], sizes = [64, 1024], strides = [1, 1]} : vector<128x1024xbf16> to vector<64x1024xbf16>
    %bitcast_convert_type3A_10 = tpu.bitcast %slice3A_9 : vector<64x1024xbf16> -> vector<64x1024xi16>
    %convert_element_type3A_11 = arith.extui %bitcast_convert_type3A_10 : vector<64x1024xi16> to vector<64x1024xi32>
    %shift_left3A = arith.constant 16 : i32
    %shift_left3A_12 = vector.broadcast %shift_left3A : i32 to vector<64x1024xi32>
    %shift_left3A_13 = arith.shli %convert_element_type3A_11, %shift_left3A_12 : vector<64x1024xi32>
    %or3A = arith.ori %shift_left3A_13, %convert_element_type3A_8 : vector<64x1024xi32>
    %bitcast_convert_type3A_14 = tpu.bitcast %or3A : vector<64x1024xi32> -> vector<64x1024xi32>
    %swap3A_15 = arith.constant 0 : index
    %swap3A_16 = arith.constant 0 : index
    %swap3A_17 = vector.load %arg4[%swap3A_15, %swap3A_16] : memref<64x1024xi32, #tpu.memory_space<vmem>>, vector<64x1024xi32>
    tpu.vector_store %arg4[%swap3A_15, %swap3A_16], %bitcast_convert_type3A_14 {strides = array<i32>} : memref<64x1024xi32, #tpu.memory_space<vmem>>, vector<64x1024xi32>,
    return
  }
  func.func @transform_0(%arg0: i32) -> (i32, i32) {
    %c0_i32 = arith.constant 0 : i32
    %c0_i32_0 = arith.constant 0 : i32
    %c0_i32_1 = arith.constant 0 : i32
    return %c0_i32, %c0_i32_0 : i32, i32
  }
  func.func @transform_1(%arg0: i32) -> (i32, i32) {
    %c0_i32 = arith.constant 0 : i32
    %c0_i32_0 = arith.constant 0 : i32
    return %arg0, %c0_i32 : i32, i32
  }
  func.func @transform_2(%arg0: i32) -> (i32, i32) {
    %c0_i32 = arith.constant 0 : i32
    %c0_i32_0 = arith.constant 0 : i32
    return %c0_i32, %arg0 : i32, i32
  }
  func.func @transform_3(%arg0: i32) -> (i32, i32) {
    %c0_i32 = arith.constant 0 : i32
    %c0_i32_0 = arith.constant 0 : i32
    return %c0_i32, %arg0 : i32, i32
  }
}

module attributes {stable_mosaic.version = 14 : i64} {
  func.func @_mid_body(%arg0: i32, %arg1: memref<128x1024xf32, #tpu.memory_space<vmem>>, %arg2: memref<128x1024xf32, #tpu.memory_space<vmem>>, %arg3: memref<1x1x1024xf32, #tpu.memory_space<vmem>>, %arg4: memref<128x1xf32, #tpu.memory_space<vmem>>, %arg5: memref<128x128xf32, #tpu.memory_space<vmem>>, %arg6: memref<128x1024xf32, #tpu.memory_space<vmem>>, %arg7: memref<64x1024xi32, #tpu.memory_space<vmem>>) attributes {dimension_semantics = [#tpu.dimension_semantics<arbitrary>], iteration_bounds = array<i64: 10>, scalar_prefetch = 0 : i64, scratch_operands = 0 : i64, tpu.core_type = #tpu.core_type<tc>, window_params = [{transform_indices = @transform_0, window_bounds = array<i64: 128, 1024>}, {transform_indices = @transform_1, window_bounds = array<i64: 128, 1024>}, {transform_indices = @transform_2, window_bounds = array<i64: 1, 1, 1024>}, {pipeline_mode = #tpu.pipeline_mode<synchronous>, transform_indices = @transform_3, window_bounds = array<i64: 128, 1>}, {pipeline_mode = #tpu.pipeline_mode<synchronous>, transform_indices = @transform_4, window_bounds = array<i64: 128, 128>}, {transform_indices = @transform_5, window_bounds = array<i64: 128, 1024>}, {transform_indices = @transform_6, window_bounds = array<i64: 64, 1024>}]} {
    %get3A = arith.constant 0 : index
    %get3A_0 = arith.constant 0 : index
    %get3A_1 = vector.load %arg1[%get3A, %get3A_0] : memref<128x1024xf32, #tpu.memory_space<vmem>>, vector<128x1024xf32>
    %get3A_2 = arith.constant 0 : index
    %get3A_3 = arith.constant 0 : index
    %get3A_4 = vector.load %arg2[%get3A_2, %get3A_3] : memref<128x1024xf32, #tpu.memory_space<vmem>>, vector<128x1024xf32>
    %get3A_5 = arith.constant 0 : index
    %get3A_6 = arith.constant 0 : index
    %get3A_7 = arith.constant 0 : index
    %get3A_8 = vector.load %arg3[%get3A_5, %get3A_6, %get3A_7] : memref<1x1x1024xf32, #tpu.memory_space<vmem>>, vector<1x1x1024xf32>
    %get3A_9 = vector.shape_cast %get3A_8 : vector<1x1x1024xf32> to vector<1x1024xf32>
    %mul3A = vector.broadcast %get3A_9 : vector<1x1024xf32> to vector<128x1024xf32>
    %mul3A_10 = arith.mulf %get3A_4, %mul3A : vector<128x1024xf32>
    %add3A = arith.addf %get3A_1, %mul3A_10 : vector<128x1024xf32>
    %get3A_11 = arith.constant 0 : index
    %get3A_12 = arith.constant 0 : index
    %get3A_13 = vector.load %arg4[%get3A_11, %get3A_12] : memref<128x1xf32, #tpu.memory_space<vmem>>, vector<128x1xf32>
    %add3A_14 = vector.broadcast %get3A_13 : vector<128x1xf32> to vector<128x1024xf32>
    %add3A_15 = arith.addf %add3A, %add3A_14 : vector<128x1024xf32>
    %tanh3A = math.tanh %add3A_15 : vector<128x1024xf32>
    %get3A_16 = arith.constant 0 : index
    %get3A_17 = arith.constant 0 : index
    %get3A_18 = vector.load %arg5[%get3A_16, %get3A_17] : memref<128x128xf32, #tpu.memory_space<vmem>>, vector<128x128xf32>
    %dot_general3A = arith.constant dense<0.000000e+00> : vector<128x1024xf32>
    %dot_general3A_19 = tpu.matmul %get3A_18, %tanh3A, %dot_general3A {dimension_numbers = #tpu.dot_dimension_numbers<[1], [0], [0], [1], [0, 0, 1, 1], [], []>, transpose_lhs_hint = false} : vector<128x128xf32>, vector<128x1024xf32>, vector<128x1024xf32> -> vector<128x1024xf32>
    %swap3A = arith.constant 0 : index
    %swap3A_20 = arith.constant 0 : index
    %swap3A_21 = vector.load %arg6[%swap3A, %swap3A_20] : memref<128x1024xf32, #tpu.memory_space<vmem>>, vector<128x1024xf32>
    tpu.vector_store %arg6[%swap3A, %swap3A_20], %dot_general3A_19 {strides = array<i32>} : memref<128x1024xf32, #tpu.memory_space<vmem>>, vector<128x1024xf32>,
    %convert_element_type3A = arith.truncf %dot_general3A_19 : vector<128x1024xf32> to vector<128x1024xbf16>
    %slice3A = vector.extract_strided_slice %convert_element_type3A {offsets = [0, 0], sizes = [64, 1024], strides = [1, 1]} : vector<128x1024xbf16> to vector<64x1024xbf16>
    %bitcast_convert_type3A = tpu.bitcast %slice3A : vector<64x1024xbf16> -> vector<64x1024xi16>
    %convert_element_type3A_22 = arith.extui %bitcast_convert_type3A : vector<64x1024xi16> to vector<64x1024xi32>
    %slice3A_23 = vector.extract_strided_slice %convert_element_type3A {offsets = [64, 0], sizes = [64, 1024], strides = [1, 1]} : vector<128x1024xbf16> to vector<64x1024xbf16>
    %bitcast_convert_type3A_24 = tpu.bitcast %slice3A_23 : vector<64x1024xbf16> -> vector<64x1024xi16>
    %convert_element_type3A_25 = arith.extui %bitcast_convert_type3A_24 : vector<64x1024xi16> to vector<64x1024xi32>
    %shift_left3A = arith.constant 16 : i32
    %shift_left3A_26 = vector.broadcast %shift_left3A : i32 to vector<64x1024xi32>
    %shift_left3A_27 = arith.shli %convert_element_type3A_25, %shift_left3A_26 : vector<64x1024xi32>
    %or3A = arith.ori %shift_left3A_27, %convert_element_type3A_22 : vector<64x1024xi32>
    %bitcast_convert_type3A_28 = tpu.bitcast %or3A : vector<64x1024xi32> -> vector<64x1024xi32>
    %swap3A_29 = arith.constant 0 : index
    %swap3A_30 = arith.constant 0 : index
    %swap3A_31 = vector.load %arg7[%swap3A_29, %swap3A_30] : memref<64x1024xi32, #tpu.memory_space<vmem>>, vector<64x1024xi32>
    tpu.vector_store %arg7[%swap3A_29, %swap3A_30], %bitcast_convert_type3A_28 {strides = array<i32>} : memref<64x1024xi32, #tpu.memory_space<vmem>>, vector<64x1024xi32>,
    return
  }
  func.func @transform_0(%arg0: i32) -> (i32, i32) {
    %c0_i32 = arith.constant 0 : i32
    %c0_i32_0 = arith.constant 0 : i32
    return %c0_i32, %arg0 : i32, i32
  }
  func.func @transform_1(%arg0: i32) -> (i32, i32) {
    %c0_i32 = arith.constant 0 : i32
    %c0_i32_0 = arith.constant 0 : i32
    return %c0_i32, %arg0 : i32, i32
  }
  func.func @transform_2(%arg0: i32) -> (i32, i32, i32) {
    %c0_i32 = arith.constant 0 : i32
    %c0_i32_0 = arith.constant 0 : i32
    %c0_i32_1 = arith.constant 0 : i32
    return %arg0, %c0_i32, %c0_i32_0 : i32, i32, i32
  }
  func.func @transform_3(%arg0: i32) -> (i32, i32) {
    %c0_i32 = arith.constant 0 : i32
    %c0_i32_0 = arith.constant 0 : i32
    %c0_i32_1 = arith.constant 0 : i32
    return %c0_i32, %c0_i32_0 : i32, i32
  }
  func.func @transform_4(%arg0: i32) -> (i32, i32) {
    %c0_i32 = arith.constant 0 : i32
    %c0_i32_0 = arith.constant 0 : i32
    %c0_i32_1 = arith.constant 0 : i32
    return %c0_i32, %c0_i32_0 : i32, i32
  }
  func.func @transform_5(%arg0: i32) -> (i32, i32) {
    %c0_i32 = arith.constant 0 : i32
    %c0_i32_0 = arith.constant 0 : i32
    return %c0_i32, %arg0 : i32, i32
  }
  func.func @transform_6(%arg0: i32) -> (i32, i32) {
    %c0_i32 = arith.constant 0 : i32
    %c0_i32_0 = arith.constant 0 : i32
    return %c0_i32, %arg0 : i32, i32
  }
}

module attributes {stable_mosaic.version = 14 : i64} {
  func.func @_fin_body(%arg0: i32, %arg1: memref<128x1024xf32, #tpu.memory_space<vmem>>, %arg2: memref<128x1024xf32, #tpu.memory_space<vmem>>, %arg3: memref<1x1x1024xf32, #tpu.memory_space<vmem>>, %arg4: memref<128x1xf32, #tpu.memory_space<vmem>>, %arg5: memref<1024x128xf32, #tpu.memory_space<vmem>>, %arg6: memref<1024x128xf32, #tpu.memory_space<vmem>>) attributes {dimension_semantics = [#tpu.dimension_semantics<arbitrary>], iteration_bounds = array<i64: 10>, scalar_prefetch = 0 : i64, scratch_operands = 0 : i64, tpu.core_type = #tpu.core_type<tc>, window_params = [{transform_indices = @transform_0, window_bounds = array<i64: 128, 1024>}, {transform_indices = @transform_1, window_bounds = array<i64: 128, 1024>}, {transform_indices = @transform_2, window_bounds = array<i64: 1, 1, 1024>}, {pipeline_mode = #tpu.pipeline_mode<synchronous>, transform_indices = @transform_3, window_bounds = array<i64: 128, 1>}, {transform_indices = @transform_4, window_bounds = array<i64: 1024, 128>}, {transform_indices = @transform_5, window_bounds = array<i64: 1024, 128>}]} {
    %get3A = arith.constant 0 : index
    %get3A_0 = arith.constant 0 : index
    %get3A_1 = vector.load %arg1[%get3A, %get3A_0] : memref<128x1024xf32, #tpu.memory_space<vmem>>, vector<128x1024xf32>
    %get3A_2 = arith.constant 0 : index
    %get3A_3 = arith.constant 0 : index
    %get3A_4 = vector.load %arg2[%get3A_2, %get3A_3] : memref<128x1024xf32, #tpu.memory_space<vmem>>, vector<128x1024xf32>
    %get3A_5 = arith.constant 0 : index
    %get3A_6 = arith.constant 0 : index
    %get3A_7 = arith.constant 0 : index
    %get3A_8 = vector.load %arg3[%get3A_5, %get3A_6, %get3A_7] : memref<1x1x1024xf32, #tpu.memory_space<vmem>>, vector<1x1x1024xf32>
    %get3A_9 = vector.shape_cast %get3A_8 : vector<1x1x1024xf32> to vector<1x1024xf32>
    %mul3A = vector.broadcast %get3A_9 : vector<1x1024xf32> to vector<128x1024xf32>
    %mul3A_10 = arith.mulf %get3A_4, %mul3A : vector<128x1024xf32>
    %add3A = arith.addf %get3A_1, %mul3A_10 : vector<128x1024xf32>
    %get3A_11 = arith.constant 0 : index
    %get3A_12 = arith.constant 0 : index
    %get3A_13 = vector.load %arg4[%get3A_11, %get3A_12] : memref<128x1xf32, #tpu.memory_space<vmem>>, vector<128x1xf32>
    %add3A_14 = vector.broadcast %get3A_13 : vector<128x1xf32> to vector<128x1024xf32>
    %add3A_15 = arith.addf %add3A, %add3A_14 : vector<128x1024xf32>
    %transpose3A = tpu.transpose %add3A_15, [1, 0] : vector<128x1024xf32> -> vector<1024x128xf32>
    %get3A_16 = arith.constant 0 : index
    %get3A_17 = arith.constant 0 : index
    %get3A_18 = vector.load %arg5[%get3A_16, %get3A_17] : memref<1024x128xf32, #tpu.memory_space<vmem>>, vector<1024x128xf32>
    %add3A_19 = arith.addf %transpose3A, %get3A_18 : vector<1024x128xf32>
    %swap3A = arith.constant 0 : index
    %swap3A_20 = arith.constant 0 : index
    %swap3A_21 = vector.load %arg6[%swap3A, %swap3A_20] : memref<1024x128xf32, #tpu.memory_space<vmem>>, vector<1024x128xf32>
    tpu.vector_store %arg6[%swap3A, %swap3A_20], %add3A_19 {strides = array<i32>} : memref<1024x128xf32, #tpu.memory_space<vmem>>, vector<1024x128xf32>,
    return
  }
  func.func @transform_0(%arg0: i32) -> (i32, i32) {
    %c0_i32 = arith.constant 0 : i32
    %c0_i32_0 = arith.constant 0 : i32
    return %c0_i32, %arg0 : i32, i32
  }
  func.func @transform_1(%arg0: i32) -> (i32, i32) {
    %c0_i32 = arith.constant 0 : i32
    %c0_i32_0 = arith.constant 0 : i32
    return %c0_i32, %arg0 : i32, i32
  }
  func.func @transform_2(%arg0: i32) -> (i32, i32, i32) {
    %c0_i32 = arith.constant 0 : i32
    %c0_i32_0 = arith.constant 0 : i32
    %c0_i32_1 = arith.constant 0 : i32
    return %arg0, %c0_i32, %c0_i32_0 : i32, i32, i32
  }
  func.func @transform_3(%arg0: i32) -> (i32, i32) {
    %c0_i32 = arith.constant 0 : i32
    %c0_i32_0 = arith.constant 0 : i32
    %c0_i32_1 = arith.constant 0 : i32
    return %c0_i32, %c0_i32_0 : i32, i32
  }
  func.func @transform_4(%arg0: i32) -> (i32, i32) {
    %c0_i32 = arith.constant 0 : i32
    %c0_i32_0 = arith.constant 0 : i32
    return %arg0, %c0_i32 : i32, i32
  }
  func.func @transform_5(%arg0: i32) -> (i32, i32) {
    %c0_i32 = arith.constant 0 : i32
    %c0_i32_0 = arith.constant 0 : i32
    return %arg0, %c0_i32 : i32, i32
  }
}

</mosaic_0001>

<sc_bundles>
// kernel: kernel.12.cloned.1.call-start
scs
__scs_entry_jumppad:
0x0: {  	(pc) =	sbr.rel $0x88, $3  }
0x1: {  	(tag) =	ssettag $0x0;
	lr =	simm.s32 $0x1  }
0x2: {  	[smem:$0x3F98] =	sst lr;
	_ =	strace $0xD0000000  }
0x3: {  	_ = 	snop  }
0x4: {  	_ = 	snop  }
0x5: {  	_ = 	snop  }
0x6: {  	_ = 	snop  }
0x7: {  	_ = 	snop  }
__scs_overlays_trampoline_lowered:
0x8: {  	[smem:$0x3FA7] =	sst s0  }
0x9: {  	[smem:$0x3FA8] =	sst s1  }
0xa: {  	[smem:$0x3FA9] =	sst s2  }
0xb: {  	[smem:$0x3FAA] =	sst s3  }
0xc: {  	[smem:$0x3FAB] =	sst s4  }
0xd: {  	[smem:$0x3FAC] =	sst s5  }
0xe: {  	[smem:$0x3FAD] =	sst s6  }
0xf: {  	[smem:$0x3FAE] =	sst s7  }
0x10: {  	[smem:$0x3FAF] =	sst s8  }
0x11: {  	[smem:$0x3FB0] =	sst s9;
	s0 =	simm.s32 @!p0 $0x0  }
0x12: {  	s1 =	sld [smem:$0x3F96];
	s0 =	simm.s32 @p0 $0x1  }
0x13: {  	[smem:$0x3FB1] =	sst s0;
	s0 =	simm.s32 @!p1 $0x0  }
0x14: {  	s2 =	sld [smem:$0x3F95];
	s0 =	simm.s32 @p1 $0x1  }
0x15: {  	[smem:$0x3FB2] =	sst s0;
	s0 =	simm.s32 @!p2 $0x0  }
0x16: {  	s3 =	sld [smem:$0x3FDB];
	s0 =	simm.s32 @p2 $0x1  }
0x17: {  	s4 =	simm.s32 $0x1BF5;
	[smem:$0x3FB4] =	sst s0  }
0x18: {  	s0 =	sld [smem:$0x3F97];
	_ =	swait.ge [sflag:s4], $0x0  }
0x19: {  	s7 =	sld [smem:$0x3F98]  }
0x1a: {  	s8 =	sadd.s32 $0xFFFFE003, lr  }
0x1b: {  	s9 =	sadd.s32 $0xFFFFFEF7, lr;
	s5 =	simm.s32 $0xFFFFFFFF;
	p2 =	slt.u32 s8, $0xFFFFF086  }
0x1c: {  	p1 =	slt.u32 s9, $0xF7A;
	s5 =	simm.s32 @!p2 $0x0  }
0x1d: {  	s5 =	simm.s32 @p1 $0x1;
	p0 =	seq.s32 s7, s2  }
0x1e: {  	s7 =	smul.u32 @!p0 $0xF7A, s2;
	p2 =	seq.s32 @!p0 s5, $0x0  }
0x1f: {  	s9 =	smul.u32 $0xF7A, s1;
	s8 =	simm.s32 @!p0 $0x1BF5;
	p2 =	por !p2, p0  }
0x20: {  	[sflag:s8] =	ssyncset.s32 @!p0 $0xFFFFF086;
	s6 =	sadd.s32 @!p0 s3, s7;
	s7 =	simm.s32 @!p0 $0x108  }
0x21: {  	s3 =	sadd.s32 s3, s9;
	s6 =	sadd.s32 @!p0 $0x88, s6;
	s7 =	simm.s32 @p2 $0x1082  }
0x22: {  	[simem:s7], [sflag:s8] =	dma.local @!p0 [hbm:s6], $0xF7A  }
0x23: {  	s9 =	sor.u32 $0xD0000000, s2;
	s6 =	simm.s32 $0x108;
	_ =	swait.ge @!p0 [sflag:s8], $0x0  }
0x24: {  	s3 =	sadd.s32 $0x88, s3;
	s6 =	simm.s32 @!p1 $0x1082;
	[sflag:s4] =	ssyncset.s32 $0xFFFFF086  }
0x25: {  	[simem:s6], [sflag:s4] =	dma.local [hbm:s3], $0xF7A  }
0x26: {  	[smem:$0x3F98] =	sst s1;
	(tag) =	ssettag s2;
	_ =	strace s9  }
0x27: {  	s1 =	sld [smem:$0x3FA8]  }
0x28: {  	s2 =	sld [smem:$0x3FA9]  }
0x29: {  	s4 =	sld [smem:$0x3FAB]  }
0x2a: {  	p0 =	seq.s32 s5, $0x0;
	s5 =	sld [smem:$0x3FAC]  }
0x2b: {  	s6 =	sld [smem:$0x3FAD]  }
0x2c: {  	s7 =	sld [smem:$0x3FAE]  }
0x2d: {  	s3 =	simm.s32 $0x108;
	s8 =	sld [smem:$0x3FAF]  }
0x2e: {  	s3 =	simm.s32 @!p0 $0x1082;
	s9 =	sld [smem:$0x3FB0]  }
0x2f: {  	lr =	sadd.s32 s0, s3;
	s0 =	sld [smem:$0x3FA7]  }
0x30: {  	s3 =	sld [smem:$0x3FAA]  }
0x31: {  	[smem:$0x3FB3] =	sst s10  }
0x32: {  	s10 =	sld [smem:$0x3FB1];
	_ =	sdelay $0x3  }
0x33: {  	p0 =	seq.s32 s10, $0x1;
	s10 =	sld [smem:$0x3FB3];
	_ =	sdelay $0x3  }
0x34: {  	[smem:$0x3FB3] =	sst s10  }
0x35: {  	s10 =	sld [smem:$0x3FB2];
	_ =	sdelay $0x3  }
0x36: {  	p1 =	seq.s32 s10, $0x1;
	s10 =	sld [smem:$0x3FB3];
	_ =	sdelay $0x3  }
0x37: {  	[smem:$0x3FB3] =	sst s10  }
0x38: {  	s10 =	sld [smem:$0x3FB4]  }
0x39: {  	_ = 	snop;
	(pc) =	sbr.ind lr, $3  }
0x3a: {  	_ = 	snop  }
0x3b: {  	_ = 	snop  }
0x3c: {  	p2 =	seq.s32 s10, $0x1;
	s10 =	sld [smem:$0x3FB3]  }
0x3d: {  	_ =	shalt  }
0x3e: {  	_ =	shalt  }
0x3f: {  	_ =	shalt  }
0x40: {  	_ =	shalt  }
0x41: {  	_ =	shalt  }
0x42: {  	_ =	shalt  }
0x43: {  	_ =	shalt  }
0x44: {  	_ =	shalt  }
0x45: {  	_ =	shalt  }
0x46: {  	_ =	shalt  }
0x47: {  	_ =	shalt  }
0x48: {  	_ =	shalt  }
0x49: {  	_ =	shalt  }
0x4a: {  	_ =	shalt  }
0x4b: {  	_ =	shalt  }
0x4c: {  	_ =	shalt  }
0x4d: {  	_ =	shalt  }
0x4e: {  	_ =	shalt  }
0x4f: {  	_ =	shalt  }
0x50: {  	_ =	shalt  }
0x51: {  	_ =	shalt  }
0x52: {  	_ =	shalt  }
0x53: {  	_ =	shalt  }
0x54: {  	_ =	shalt  }
0x55: {  	_ =	shalt  }
0x56: {  	_ =	shalt  }
0x57: {  	_ =	shalt  }
0x58: {  	_ =	shalt  }
0x59: {  	_ =	shalt  }
0x5a: {  	_ =	shalt  }
0x5b: {  	_ =	shalt  }
0x5c: {  	_ =	shalt  }
0x5d: {  	_ =	shalt  }
0x5e: {  	_ =	shalt  }
0x5f: {  	_ =	shalt  }
0x60: {  	_ =	shalt  }
0x61: {  	_ =	shalt  }
0x62: {  	_ =	shalt  }
0x63: {  	_ =	shalt  }
0x64: {  	_ =	shalt  }
0x65: {  	_ =	shalt  }
0x66: {  	_ =	shalt  }
0x67: {  	_ =	shalt  }
0x68: {  	_ =	shalt  }
0x69: {  	_ =	shalt  }
0x6a: {  	_ =	shalt  }
0x6b: {  	_ =	shalt  }
0x6c: {  	_ =	shalt  }
0x6d: {  	_ =	shalt  }
0x6e: {  	_ =	shalt  }
0x6f: {  	_ =	shalt  }
0x70: {  	_ =	shalt  }
0x71: {  	_ =	shalt  }
0x72: {  	_ =	shalt  }
0x73: {  	_ =	shalt  }
0x74: {  	_ =	shalt  }
0x75: {  	_ =	shalt  }
0x76: {  	_ =	shalt  }
0x77: {  	_ =	shalt  }
0x78: {  	_ =	shalt  }
0x79: {  	_ =	shalt  }
0x7a: {  	_ =	shalt  }
0x7b: {  	_ =	shalt  }
0x7c: {  	_ =	shalt  }
0x7d: {  	_ =	shalt  }
0x7e: {  	_ =	shalt  }
0x7f: {  	_ =	shalt  }
0x80: {  	_ =	shalt  }
0x81: {  	_ =	shalt  }
0x82: {  	_ =	shalt  }
0x83: {  	_ =	shalt  }
0x84: {  	_ =	shalt  }
0x85: {  	_ =	shalt  }
0x86: {  	_ =	shalt  }
0x87: {  	_ =	shalt  }
.Lfunc_end0:
.L_simem_size_0:
called_computation.1_lowered:
.L_overlay_start_0:
0x88: {  	s2 =	sld [smem:$0x3FD9]  }
0x89: {  	s3 =	sld [smem:$0x3FFE];
	_ =	sdelay $0x1  }
0x8a: {  	s1 =	srdreg.scid  }
0x8b: {  	s0 =	sand.u32 $0x1, s1  }
0x8c: {  	s17 =	sshll.u32 s0, $0xA;
	s2 =	sadd.s32 s3, s2  }
0x8d: {  	s2 =	sadd.s32 s2, s17  }
0x8e: {  	[smem:$0x3FBF] =	sst s2  }
0x8f: {  	_ = 	snop  }
0x90: {  	s2 =	sld [smem:$0x3FD0];
	(tm) =	ssettm $0x1  }
0x91: {  	s18 =	sld [smem:$0x3FFB];
	_ =	sdelay $0x3  }
0x92: {  	_ =	strace s18  }
0x93: {  	s3 =	sld [smem:$0x3FFC];
	_ =	sdelay $0x3  }
0x94: {  	_ =	strace s3  }
0x95: {  	s3 =	sld [smem:$0x3FFD];
	_ =	sdelay $0x3  }
0x96: {  	_ =	strace s3  }
0x97: {  	_ =	strace $0x8FFFFFFF  }
0x98: {  	s19 =	sld [smem:$0x3FDB];
	_ =	sdelay $0x1  }
0x99: {  	s4 =	simm.s32 $_scs_section_size  }
0x9a: {  	s5 =	simm.s32 $_size__tile_overlayer_lowered;
	s6 =	simm.s32 $_tile_overlayer_lowered  }
0x9b: {  	s22 =	simm.s32 $0x1BFF;
	s21 =	sshll.u32 s6, $0x1;
	s3 =	sadd.s32 s4, s19  }
0x9c: {  	s7 =	simm.s32 $0x0;
	s20 =	sshll.u32 s5, $0x1;
	s5 =	sadd.s32 s21, s3  }
0x9d: {  	[timem:s7], [sflag:s22] =	dma.local [hbm:s5], s20  }
0x9e: {  	_ =	swait.ge [sflag:s22], s20  }
0x9f: {  	s4 =	ssub.s32 $0x0, s20;
	[sflag:s22] =	ssyncset.done $0x0  }
0xa0: {  	[sflag:s22] =	ssyncadd.s32 s4;
	_ =	sdelay $0x1  }
0xa1: {  	s23 =	simm.s32 $0x1B8B  }
0xa2: {  	_ =	swait.ge [sflag:s23], $0x1  }
0xa3: {  	[sflag:s23] =	ssyncset.done $0x0  }
0xa4: {  	s25 =	simm.s32 $0x1B8E;
	s24 =	sld [smem:$0x3FFE];
	[sflag:s23] =	ssyncadd.s32 $0xFFFFFFFF  }
0xa5: {  	s26 =	simm.s32 $execute0_lowered;
	[smem:$0x3FD2] =	sst s25  }
0xa6: {  	s5 =	sshll.u32 s26, $0x1;
	_ =	strace $0x80000049;
	[dreg:$0x1] =	wrdreg $0xFFFFFFFF  }
0xa7: {  	s28 =	simm.s32 $_size_execute0_lowered;
	s3 =	sadd.s32 s3, s5;
	[dreg:$0x0] =	wrdreg $0x0  }
0xa8: {  	s5 =	sshll.u32 s28, $0x1;
	[dreg:$0x2] =	wrdreg s3  }
0xa9: {  	[dreg:$0x3] =	wrdreg s5  }
0xaa: {  	[dreg:$0x4] =	wrdreg $0xC0  }
0xab: {  	_ =	task [dreg:s7], $0x5FFFF  }
0xac: {  	[dreg:$0x1] =	wrdreg $0xFFFFFFFF  }
0xad: {  	[dreg:$0x0] =	wrdreg $0x60  }
0xae: {  	[dreg:$0x2] =	wrdreg s2  }
0xaf: {  	[dreg:$0x3] =	wrdreg s24  }
0xb0: {  	[dreg:$0x4] =	wrdreg $0x9  }
0xb1: {  	_ =	task.clear_ibuf [dreg:s7], $0x5FFFF;
	_ =	strace $0x90000049  }
0xb2: {  	s29 =	simm.s32 $0x9;
	_ =	strace $0x8000004B  }
0xb3: {  	_ =	swait.ge [sflag:s29], $0x1  }
0xb4: {  	[sflag:s29] =	ssyncadd.s32 $0xFFFFFFFF  }
0xb5: {  	_ =	strace $0x9000004B  }
0xb6: {  	_ =	sfence  }
0xb7: {  	s30 =	sld [smem:$0x0];
	_ =	sdelay $0x2  }
0xb8: {  	s31 =	sshll.u32 s1, $0xD;
	s1 =	sshrl.u32 s1, $0x2  }
0xb9: {  	s3 =	sand.u32 $0x4000, s31;
	s1 =	sadd.s32 s1, s30  }
0xba: {  	s0 =	sor.u32 s3, s0;
	s1 =	sshll.u32 s1, $0x11  }
0xbb: {  	s0 =	sor.u32 s1, s0  }
0xbc: {  	s0 =	sadd.s32 $0x8F2B, s0  }
0xbd: {  	[sflag:s0] =	ssyncadd.remote.s32 $0x1  }
0xbe: {  	_ =	sfence.sel $0xFFFF  }
0xbf: {  	[dreg:$0x0] =	wrdreg $0xFFFFFFFF;
	(pc) =	sbr.abs _section_cstart, $3  }
0xc0: {  	[dreg:$0x1] =	wrdreg $0xFFFFFFFF  }
0xc1: {  	_ =	task.clear_ibuf [dreg:s7], $0x2FFFF;
	_ =	strace $0x9FFFFFFF  }
0xc2: {  	(tm) =	ssettm $0x7FFFFFFF  }
0xc3: {  	_ =	shalt  }
tec
execute0_lowered:
.L_overlay_start_1:
0x0: {  	(tag) =	ssettag $0x1  }
0x1: {  	s5 =	rddreg [dreg:$0x0]  }
0x2: {  	s6 =	rddreg [dreg:$0x1]  }
0x3: {  	s0 =	rddreg [dreg:$0x2]  }
0x4: {  	s3 =	srdreg.scid;
	s1 =	stileid.u32  }
0x5: {  	s2 =	simm.s32 $0x0;
	s17 =	simm.s32 $0x3;
	s18 =	simm.s32 $0x1  }
0x6: {  	s19 =	simm.s32 $0x5000;
	s20 =	simm.s32 $0x2;
	s21 =	simm.s32 $0x0  }
0x7: {  	s7 =	sand.u32 $0x1, s3;
	s25 =	sshll.u32 s1, $0x1;
	[smem:$0x7FF] =	sst s2  }
0x8: {  	s26 =	sshrl.u32 s1, $0x1;
	s3 =	sadd.s32 $0x2B200, s6;
	s4 =	sadd.s32 $0x21400, s6  }
0x9: {  	s13 =	sadd.s32 $0x35000, s6;
	s11 =	sor.u32 s7, s25;
	_ =	strace $0x8000004A  }
0xa: {  	s8 =	smul.u32 $0x14000, s26;
	s7 =	ssub.s32 $0x2, s7;
	s9 =	sshll.u32 s11, $0x8  }
0xb: {  	s28 =	smul.u32 $0x320, s11;
	s29 =	sshrl.u32 s7, $0x1;
	s10 =	sadd.s32 $0x2, s11  }
0xc: {  	s11 =	sadd.s32 $0x3, s11;
	s9 =	sand.u32 $0x300, s9;
	s15 =	ssub.s32 s7, s29  }
0xd: {  	s12 =	sor.u32 s8, s9;
	s30 =	sadd.s32 $0x320, s28;
	s6 =	sadd.s32 s3, s28  }
0xe: {  	s7 =	sadd.s32 s4, s28;
	s14 =	sshrl.u32 s12, $0x3;
	s8 =	sadd.s32 s3, s30  }
0xf: {  	s9 =	sadd.s32 s4, s30;
	s16 =	sadd.s32 $0xA0000, s12;
	s5 =	sadd.s32 s5, s14  }
0x10: {  	s12 =	sadd.s32 s13, s14;
	s31 =	sshrl.u32 s16, $0x3;
	s14 =	smax.u32 s15, $0x1  }
0x11: {  	v0 =	vimm.f32 $0.0e+00;
	s15 =	simm.s32 $0x100;
	s16 =	simm.s32 $0x400;
	s13 =	sadd.s32 s13, s31  }
.LBB2_1:
0x12: {  	[tilespmem:s2], [sflag:$0x3] =	stream.strided.gather [hbm4b:s5+s15], $0x5000, s16, s15, $0x38;
	[tilespmem:$0x15400] =	vst v63  }
0x13: {  	_ =	swait.ge [sflag:s17], $0x5000  }
0x14: {  	[sflag:s17] =	ssyncset.done $0x0  }
0x15: {  	s22 =	simm.s32 $0x5100;
	[sflag:s17] =	ssyncadd.s32 $0xFFFFB000  }
0x16: {  	[tilespmem:s22+$0xFFFFFF00] =	vst v0  }
0x17: {  	[tilespmem:s22+$0xF0] =	vst v0  }
0x18: {  	[tilespmem:s22+$0x70] =	vst v0  }
0x19: {  	[tilespmem:s22+$0xFFFFFFF0] =	vst v0  }
0x1a: {  	[tilespmem:s22+$0xFFFFFF70] =	vst v0  }
0x1b: {  	[tilespmem:s22+$0xE0] =	vst v0  }
0x1c: {  	[tilespmem:s22+$0x60] =	vst v0  }
0x1d: {  	[tilespmem:s22+$0xFFFFFFE0] =	vst v0  }
0x1e: {  	[tilespmem:s22+$0xFFFFFF60] =	vst v0  }
0x1f: {  	[tilespmem:s22+$0xD0] =	vst v0  }
0x20: {  	[tilespmem:s22+$0x50] =	vst v0  }
0x21: {  	[tilespmem:s22+$0xFFFFFFD0] =	vst v0  }
0x22: {  	[tilespmem:s22+$0xFFFFFF50] =	vst v0  }
0x23: {  	[tilespmem:s22+$0xC0] =	vst v0  }
0x24: {  	[tilespmem:s22+$0x40] =	vst v0  }
0x25: {  	[tilespmem:s22+$0xFFFFFFC0] =	vst v0  }
0x26: {  	[tilespmem:s22+$0xFFFFFF40] =	vst v0  }
0x27: {  	[tilespmem:s22+$0xB0] =	vst v0  }
0x28: {  	[tilespmem:s22+$0x30] =	vst v0  }
0x29: {  	[tilespmem:s22+$0xFFFFFFB0] =	vst v0  }
0x2a: {  	[tilespmem:s22+$0xFFFFFF30] =	vst v0  }
0x2b: {  	[tilespmem:s22+$0xA0] =	vst v0  }
0x2c: {  	[tilespmem:s22+$0x20] =	vst v0  }
0x2d: {  	[tilespmem:s22+$0xFFFFFFA0] =	vst v0  }
0x2e: {  	[tilespmem:s22+$0xFFFFFF20] =	vst v0  }
0x2f: {  	[tilespmem:s22+$0x90] =	vst v0  }
0x30: {  	[tilespmem:s22+$0x10] =	vst v0  }
0x31: {  	[tilespmem:s22+$0xFFFFFF90] =	vst v0  }
0x32: {  	[tilespmem:s22+$0xFFFFFF10] =	vst v0  }
0x33: {  	[tilespmem:s22+$0x80] =	vst v0  }
0x34: {  	s23 =	simm.s32 $0x0;
	[tilespmem:s22+$0x0] =	vst v0  }
.LBB2_2:
0x35: {  	s23 =	sadd.s32 $0x8, s23;
	[tilespmem:s22+$0xFFFFFF80] =	vst v0;
	s22 =	sadd.s32 $0x200, s22  }
0x36: {  	[tilespmem:s22+$0xFFFFFF00] =	vst v0;
	p0 =	slt.u32 s23, $0x278  }
0x37: {  	[tilespmem:s22+$0xF0] =	vst v0  }
0x38: {  	[tilespmem:s22+$0x70] =	vst v0  }
0x39: {  	[tilespmem:s22+$0xFFFFFFF0] =	vst v0  }
0x3a: {  	[tilespmem:s22+$0xFFFFFF70] =	vst v0  }
0x3b: {  	[tilespmem:s22+$0xE0] =	vst v0  }
0x3c: {  	[tilespmem:s22+$0x60] =	vst v0  }
0x3d: {  	[tilespmem:s22+$0xFFFFFFE0] =	vst v0  }
0x3e: {  	[tilespmem:s22+$0xFFFFFF60] =	vst v0  }
0x3f: {  	[tilespmem:s22+$0xD0] =	vst v0  }
0x40: {  	[tilespmem:s22+$0x50] =	vst v0  }
0x41: {  	[tilespmem:s22+$0xFFFFFFD0] =	vst v0  }
0x42: {  	[tilespmem:s22+$0xFFFFFF50] =	vst v0  }
0x43: {  	[tilespmem:s22+$0xC0] =	vst v0  }
0x44: {  	[tilespmem:s22+$0x40] =	vst v0  }
0x45: {  	[tilespmem:s22+$0xFFFFFFC0] =	vst v0  }
0x46: {  	[tilespmem:s22+$0xFFFFFF40] =	vst v0  }
0x47: {  	[tilespmem:s22+$0xB0] =	vst v0  }
0x48: {  	[tilespmem:s22+$0x30] =	vst v0  }
0x49: {  	[tilespmem:s22+$0xFFFFFFB0] =	vst v0  }
0x4a: {  	[tilespmem:s22+$0xFFFFFF30] =	vst v0  }
0x4b: {  	[tilespmem:s22+$0xA0] =	vst v0  }
0x4c: {  	[tilespmem:s22+$0x20] =	vst v0  }
0x4d: {  	[tilespmem:s22+$0xFFFFFFA0] =	vst v0  }
0x4e: {  	[tilespmem:s22+$0xFFFFFF20] =	vst v0  }
0x4f: {  	[tilespmem:s22+$0x90] =	vst v0  }
.Ltmp0:
0x50: {  	[tilespmem:s22+$0x10] =	vst v0;
	(pc) =	sbr.rel @p0 .LBB2_2-.Ltmp0, $4  }
0x51: {  	[tilespmem:s22+$0xFFFFFF90] =	vst v0  }
0x52: {  	[tilespmem:s22+$0xFFFFFF10] =	vst v0  }
0x53: {  	[tilespmem:s22+$0x80] =	vst v0  }
0x54: {  	[tilespmem:s22+$0x0] =	vst v0  }
0x55: {  	s23 =	simm.s32 $0xF000  }
0x56: {  	[tilespmem:s22+$0xFFFFFF80] =	vst v0;
	s22 =	simm.s32 $0x10;
	s25 =	sadd.s32 $0x0, s6;
	s24 =	simm.s32 $0xF100  }
.LBB2_4:
0x57: {  	[tilespmem:s23], [sflag:$0x1] =	stream.linear.gather [hbm4b:s25+s2], $0x80, $0x38;
	[tilespmem:$0x15400] =	vst v63  }
0x58: {  	s25 =	smov.u32 s22;
	s23 =	smov.u32 s24;
	p0 =	sne.s32 s22, $0x310  }
.Ltmp1:
0x59: {  	s22 =	sadd.s32 $0x10, s22;
	(pc) =	sbr.rel @p0 .LBB2_4-.Ltmp1, $2  }
0x5a: {  	_ =	sdelay $0x2  }
0x5b: {  	s24 =	sadd.s32 $0x100, s24;
	s25 =	sadd.s32 s25, s6  }
0x5c: {  	[tilespmem:s23], [sflag:$0x1] =	stream.linear.gather [hbm4b:s25+s2], $0x80, $0x38;
	[tilespmem:$0x15400] =	vst v63  }
0x5d: {  	s22 =	simm.s32 $0x12200  }
0x5e: {  	s23 =	simm.s32 $0x10;
	s25 =	sadd.s32 $0x0, s7;
	s24 =	simm.s32 $0x12300  }
.LBB2_6:
0x5f: {  	[tilespmem:s22], [sflag:$0x1] =	stream.linear.gather [hbm4b:s25+s2], $0x80, $0x38;
	[tilespmem:$0x15400] =	vst v63  }
0x60: {  	s25 =	smov.u32 s23;
	s22 =	smov.u32 s24;
	p0 =	sne.s32 s23, $0x310  }
.Ltmp2:
0x61: {  	s23 =	sadd.s32 $0x10, s23;
	(pc) =	sbr.rel @p0 .LBB2_6-.Ltmp2, $2  }
0x62: {  	_ =	sdelay $0x2  }
0x63: {  	s24 =	sadd.s32 $0x100, s24;
	s25 =	sadd.s32 s25, s7  }
0x64: {  	[tilespmem:s22], [sflag:$0x1] =	stream.linear.gather [hbm4b:s25+s2], $0x80, $0x38;
	[tilespmem:$0x15400] =	vst v63  }
0x65: {  	s22 =	simm.s32 $0xF080  }
0x66: {  	s23 =	simm.s32 $0x10;
	s25 =	sadd.s32 $0x0, s8;
	s24 =	simm.s32 $0xF180  }
.LBB2_8:
0x67: {  	[tilespmem:s22], [sflag:$0x2] =	stream.linear.gather [hbm4b:s25+s2], $0x80, $0x38;
	[tilespmem:$0x15400] =	vst v63  }
0x68: {  	s25 =	smov.u32 s23;
	s22 =	smov.u32 s24;
	p0 =	sne.s32 s23, $0x310  }
.Ltmp3:
0x69: {  	s23 =	sadd.s32 $0x10, s23;
	(pc) =	sbr.rel @p0 .LBB2_8-.Ltmp3, $2  }
0x6a: {  	_ =	sdelay $0x2  }
0x6b: {  	s24 =	sadd.s32 $0x100, s24;
	s25 =	sadd.s32 s25, s8  }
0x6c: {  	[tilespmem:s22], [sflag:$0x2] =	stream.linear.gather [hbm4b:s25+s2], $0x80, $0x38;
	[tilespmem:$0x15400] =	vst v63  }
0x6d: {  	s22 =	simm.s32 $0x0;
	s23 =	simm.s32 $0x12280  }
0x6e: {  	s24 =	simm.s32 $0x10;
	s26 =	sadd.s32 $0x0, s9;
	s25 =	simm.s32 $0x12380  }
.LBB2_10:
0x6f: {  	[tilespmem:s23], [sflag:$0x2] =	stream.linear.gather [hbm4b:s26+s22], $0x80, $0x38;
	[tilespmem:$0x15400] =	vst v63  }
0x70: {  	s26 =	smov.u32 s24;
	s23 =	smov.u32 s25;
	p0 =	sne.s32 s24, $0x310  }
.Ltmp4:
0x71: {  	s24 =	sadd.s32 $0x10, s24;
	(pc) =	sbr.rel @p0 .LBB2_10-.Ltmp4, $2  }
0x72: {  	_ =	sdelay $0x2  }
0x73: {  	s25 =	sadd.s32 $0x100, s25;
	s26 =	sadd.s32 s26, s9  }
0x74: {  	[tilespmem:s23], [sflag:$0x2] =	stream.linear.gather [hbm4b:s26+s22], $0x80, $0x38;
	[tilespmem:$0x15400] =	vst v63  }
.LBB2_12:
0x75: {  	_ =	swait.ge [sflag:s18], $0x1900  }
0x76: {  	[sflag:s18] =	ssyncset.done $0x0  }
0x77: {  	[sflag:s18] =	ssyncadd.s32 $0xFFFFE700  }
0x78: {  	_ =	swait.ge [sflag:s18], $0x1900  }
0x79: {  	s23 =	simm.s32 $0xFFFFFFF0;
	[sflag:s18] =	ssyncset.done $0x0  }
0x7a: {  	s24 =	simm.s32 $0x12300;
	s25 =	simm.s32 $0xF100;
	[sflag:s18] =	ssyncadd.s32 $0xFFFFE700  }
.LBB2_13:
0x7b: {  	v1 =	vld [tilespmem:s25+$0xFFFFFF00];
	_ =	sdelay $0x4  }
0x7c: {  	v6 =	vld [tilespmem:s25+$0xFFFFFF20];
	v2 =	vshra.s32 v1, $0xE  }
0x7d: {  	v8 =	vld [tilespmem:s24+$0xFFFFFF00];
	v3 =	vshll.u32 v2, $0x1  }
0x7e: {  	v10 =	vld [tilespmem:s25+$0xFFFFFF30];
	v2 =	vand.u32 $0x7F, v2;
	v3 =	vand.u32 $0xFFFFFF00, v3  }
0x7f: {  	v2 =	vor.u32 v2, v3;
	v3 =	vld [tilespmem:s25+$0xFFFFFF10]  }
0x80: {  	v60 =	vld [tilespmem:s24+$0xFFFFFF10]  }
0x81: {  	v23 =	vld [tilespmem:s24+$0xFFFFFF20];
	v9 =	vshll.u32 v1, $0x2;
	v11 =	vshra.s32 v6, $0xE  }
0x82: {  	v18 =	vld [tilespmem:s24+$0xFFFFFF30];
	v1 =	vand.u32 $0x7F, v1;
	v9 =	vand.u32 $0xFE00, v9;
	v59 =	vshll.u32 v11, $0x1  }
0x83: {  	v30 =	vld [tilespmem:s25+$0xFFFFFF40];
	v11 =	vand.u32 $0x7F, v11;
	v1 =	vor.u32 v1, v9;
	v9 =	vand.u32 $0xFFFFFF00, v59  }
0x84: {  	v40 =	vld [tilespmem:s25+$0xFFFFFF50];
	v9 =	vor.u32 v11, v9;
	v5 =	vshra.s32 v3, $0xE  }
0x85: {  	v43 =	vld [tilespmem:s25+$0xFFFFFF60];
	v15 =	vshra.s32 v10, $0xE;
	v7 =	vshll.u32 v5, $0x1  }
0x86: {  	v16 =	vshll.u32 v15, $0x1;
	v4 =	vld.idx.msk [tilespmem:v2+s2+$0x0], $0xffff;
	v5 =	vand.u32 $0x7F, v5;
	v7 =	vand.u32 $0xFFFFFF00, v7  }
0x87: {  	v48 =	vld [tilespmem:s24+$0xFFFFFF40];
	v61 =	vand.u32 $0x7F, v15;
	v62 =	vand.u32 $0xFFFFFF00, v16;
	v5 =	vor.u32 v5, v7  }
0x88: {  	v50 =	vld [tilespmem:s25+$0xFFFFFF70];
	v63 =	vor.u32 v61, v62  }
0x89: {  	v24 =	vshll.u32 v6, $0x2;
	v6 =	vand.u32 $0x7F, v6;
	v19 =	vshll.u32 v10, $0x2;
	v21 =	vld.idx.msk [tilespmem:v9+s2+$0x0], $0xffff  }
0x8a: {  	v56 =	vld [tilespmem:s24+$0xFFFFFF50];
	v10 =	vand.u32 $0x7F, v10;
	v25 =	vand.u32 $0xFE00, v24;
	v12 =	vor.u32 $0x100, v1  }
0x8b: {  	v6 =	vor.u32 v6, v25;
	v62 =	vld [tilespmem:s24+$0xFFFFFF70];
	v2 =	vor.u32 $0x80, v2;
	v58 =	vshll.u32 v4, $0x10  }
0x8c: {  	v17 =	vor.u32 $0x100, v6;
	v4 =	vand.u32 $0xFFFF0000, v4;
	v7 =	vmul.f32 v58, v8;
	v13 =	vld.idx.msk [tilespmem:v5+s2+$0x0], $0xffff  }
0x8d: {  	v14 =	vshll.u32 v3, $0x2;
	v3 =	vand.u32 $0x7F, v3;
	v26 =	vld.idx.msk [tilespmem:v63+s2+$0x0], $0xffff;
	v4 =	vmul.f32 v4, v8  }
0x8e: {  	v9 =	vor.u32 $0x80, v9;
	v14 =	vand.u32 $0xFE00, v14;
	v27 =	vshll.u32 v21, $0x10;
	[tilespmem:v1+s19+$0x0] =	vst.idx.add.f32.msk $0xffff, v7  }
0x8f: {  	v3 =	vor.u32 v3, v14;
	v29 =	vmul.f32 v27, v23;
	[tilespmem:v12+s19+$0x0] =	vst.idx.add.f32.msk $0xffff, v4;
	v12 =	vand.u32 $0xFFFF0000, v21  }
0x90: {  	v28 =	vand.u32 $0xFE00, v19;
	v22 =	vor.u32 $0x100, v3;
	v2 =	vld.idx.msk [tilespmem:v2+s2+$0x0], $0xffff;
	v12 =	vmul.f32 v12, v23  }
0x91: {  	v10 =	vor.u32 v10, v28;
	[tilespmem:v6+s19+$0x0] =	vst.idx.add.f32.msk $0xffff, v29;
	v20 =	vshll.u32 v13, $0x10  }
0x92: {  	v5 =	vor.u32 $0x80, v5;
	[tilespmem:v17+s19+$0x0] =	vst.idx.add.f32.msk $0xffff, v12;
	v13 =	vand.u32 $0xFFFF0000, v13;
	v7 =	vmul.f32 v20, v60  }
0x93: {  	v33 =	vor.u32 $0x80, v1;
	v31 =	vshll.u32 v26, $0x10;
	v9 =	vld.idx.msk [tilespmem:v9+s2+$0x0], $0xffff;
	v13 =	vmul.f32 v13, v60  }
0x94: {  	v37 =	vshra.s32 v30, $0xE;
	v32 =	vmul.f32 v31, v18;
	v1 =	vor.u32 $0x180, v1;
	[tilespmem:v3+s19+$0x0] =	vst.idx.add.f32.msk $0xffff, v7  }
0x95: {  	v44 =	vshra.s32 v40, $0xE;
	v34 =	vshll.u32 v2, $0x10;
	[tilespmem:v22+s19+$0x0] =	vst.idx.add.f32.msk $0xffff, v13;
	v13 =	vor.u32 $0x100, v10  }
0x96: {  	v49 =	vshll.u32 v30, $0x2;
	[tilespmem:v10+s19+$0x0] =	vst.idx.add.f32.msk $0xffff, v32;
	v2 =	vand.u32 $0xFFFF0000, v2;
	v35 =	vmul.f32 v34, v8  }
0x97: {  	v4 =	vor.u32 $0x80, v63;
	v7 =	vand.u32 $0xFFFF0000, v26;
	v2 =	vmul.f32 v2, v8;
	v5 =	vld.idx.msk [tilespmem:v5+s2+$0x0], $0xffff  }
0x98: {  	v39 =	vshll.u32 v37, $0x1;
	v42 =	vor.u32 $0x80, v6;
	v7 =	vmul.f32 v7, v18;
	[tilespmem:v33+s19+$0x0] =	vst.idx.add.f32.msk $0xffff, v35  }
0x99: {  	v36 =	vor.u32 $0x80, v3;
	v6 =	vor.u32 $0x180, v6;
	v3 =	vor.u32 $0x180, v3;
	[tilespmem:v1+s19+$0x0] =	vst.idx.add.f32.msk $0xffff, v2  }
0x9a: {  	v2 =	vshll.u32 v9, $0x10;
	[tilespmem:v13+s19+$0x0] =	vst.idx.add.f32.msk $0xffff, v7;
	v7 =	vand.u32 $0x7F, v37;
	v13 =	vand.u32 $0xFFFFFF00, v39  }
0x9b: {  	v21 =	vld [tilespmem:s25+$0x0];
	v41 =	vand.u32 $0xFFFF0000, v9;
	v2 =	vmul.f32 v2, v23;
	v7 =	vor.u32 v7, v13  }
0x9c: {  	v38 =	vshll.u32 v5, $0x10;
	v4 =	vld.idx.msk [tilespmem:v4+s2+$0x0], $0xffff;
	v1 =	vand.u32 $0xFFFF0000, v5;
	v5 =	vmul.f32 v41, v23  }
0x9d: {  	v51 =	vshra.s32 v43, $0xE;
	v47 =	vshll.u32 v44, $0x1;
	[tilespmem:v42+s19+$0x0] =	vst.idx.add.f32.msk $0xffff, v2;
	v8 =	vmul.f32 v38, v60  }
0x9e: {  	v15 =	vand.u32 $0xFE00, v49;
	v53 =	vshll.u32 v51, $0x1;
	v45 =	vor.u32 $0x80, v10;
	[tilespmem:v6+s19+$0x0] =	vst.idx.add.f32.msk $0xffff, v5  }
0x9f: {  	v1 =	vmul.f32 v1, v60;
	v6 =	vand.u32 $0xFFFFFF00, v53;
	[tilespmem:v36+s19+$0x0] =	vst.idx.add.f32.msk $0xffff, v8;
	v8 =	vand.u32 $0x7F, v51  }
0xa0: {  	v10 =	vor.u32 $0x180, v10;
	v13 =	vand.u32 $0xFFFFFF00, v47;
	v6 =	vor.u32 v8, v6;
	v46 =	vld.idx.msk [tilespmem:v7+s2+$0x0], $0xffff  }
0xa1: {  	[tilespmem:v3+s19+$0x0] =	vst.idx.add.f32.msk $0xffff, v1;
	v1 =	vshll.u32 v4, $0x10;
	v3 =	vand.u32 $0xFFFF0000, v4;
	v4 =	vand.u32 $0x7F, v44  }
0xa2: {  	v16 =	vand.u32 $0x7F, v30;
	v41 =	vld [tilespmem:s25+$0x10];
	v4 =	vor.u32 v4, v13;
	v1 =	vmul.f32 v1, v18  }
0xa3: {  	v2 =	vor.u32 v16, v15;
	v60 =	vld [tilespmem:s24+$0xFFFFFF60];
	v3 =	vmul.f32 v3, v18  }
0xa4: {  	v55 =	vshra.s32 v50, $0xE;
	v52 =	vor.u32 $0x100, v2;
	[tilespmem:v45+s19+$0x0] =	vst.idx.add.f32.msk $0xffff, v1  }
0xa5: {  	v57 =	vshll.u32 v40, $0x2;
	v61 =	vshll.u32 v43, $0x2;
	[tilespmem:v10+s19+$0x0] =	vst.idx.add.f32.msk $0xffff, v3;
	v1 =	vshll.u32 v46, $0x10  }
0xa6: {  	v7 =	vor.u32 $0x80, v7;
	v58 =	vld.idx.msk [tilespmem:v6+s2+$0x0], $0xffff;
	v3 =	vand.u32 $0xFFFF0000, v46;
	v1 =	vmul.f32 v1, v48  }
0xa7: {  	v20 =	vshll.u32 v50, $0x2;
	v26 =	vand.u32 $0x7F, v50;
	v3 =	vmul.f32 v3, v48;
	v54 =	vld.idx.msk [tilespmem:v4+s2+$0x0], $0xffff  }
0xa8: {  	v9 =	vand.u32 $0x7F, v43;
	v16 =	vand.u32 $0xFE00, v61;
	[tilespmem:v2+s19+$0x0] =	vst.idx.add.f32.msk $0xffff, v1;
	v1 =	vshll.u32 v55, $0x1  }
0xa9: {  	v9 =	vor.u32 v9, v16;
	[tilespmem:v52+s19+$0x0] =	vst.idx.add.f32.msk $0xffff, v3;
	v3 =	vand.u32 $0x7F, v55;
	v1 =	vand.u32 $0xFFFFFF00, v1  }
0xaa: {  	v51 =	vld [tilespmem:s24+$0x0];
	v10 =	vand.u32 $0xFE00, v57;
	v1 =	vor.u32 v3, v1;
	v3 =	vand.u32 $0x7F, v40  }
0xab: {  	v47 =	vshra.s32 v41, $0xE;
	v24 =	vshll.u32 v58, $0x10;
	v7 =	vld.idx.msk [tilespmem:v7+s2+$0x0], $0xffff;
	v3 =	vor.u32 v3, v10  }
0xac: {  	v49 =	vshll.u32 v47, $0x1;
	v50 =	vand.u32 $0x7F, v47;
	v47 =	vld [tilespmem:s25+$0x50];
	v29 =	vmul.f32 v24, v60  }
0xad: {  	v34 =	vshra.s32 v21, $0xE;
	v59 =	vshll.u32 v54, $0x10;
	v8 =	vand.u32 $0xFFFF0000, v54;
	v54 =	vld [tilespmem:s25+$0x30]  }
0xae: {  	v35 =	vor.u32 $0x80, v2;
	v10 =	vor.u32 $0x100, v3;
	v12 =	vmul.f32 v59, v56;
	[tilespmem:v9+s19+$0x0] =	vst.idx.add.f32.msk $0xffff, v29  }
0xaf: {  	v25 =	vor.u32 $0x100, v9;
	v36 =	vshll.u32 v34, $0x1;
	v4 =	vor.u32 $0x80, v4;
	v63 =	vld.idx.msk [tilespmem:v1+s2+$0x0], $0xffff  }
0xb0: {  	v8 =	vmul.f32 v8, v56;
	v39 =	vshll.u32 v7, $0x10;
	v7 =	vand.u32 $0xFFFF0000, v7;
	[tilespmem:v3+s19+$0x0] =	vst.idx.add.f32.msk $0xffff, v12  }
0xb1: {  	v38 =	vand.u32 $0xFFFFFF00, v36;
	v40 =	vmul.f32 v39, v48;
	v7 =	vmul.f32 v7, v48;
	v48 =	vld [tilespmem:s25+$0x20]  }
0xb2: {  	v24 =	vshra.s32 v54, $0xE;
	v36 =	vshll.u32 v54, $0x2;
	v17 =	vand.u32 $0x7F, v54;
	v54 =	vld [tilespmem:s25+$0x60]  }
0xb3: {  	v27 =	vand.u32 $0xFE00, v20;
	v2 =	vor.u32 $0x180, v2;
	[tilespmem:v10+s19+$0x0] =	vst.idx.add.f32.msk $0xffff, v8  }
0xb4: {  	v6 =	vor.u32 $0x80, v6;
	v28 =	vand.u32 $0xFFFF0000, v58;
	v19 =	vand.u32 $0xFE00, v36;
	v36 =	vld [tilespmem:s24+$0x50]  }
0xb5: {  	v30 =	vor.u32 v26, v27;
	v8 =	vmul.f32 v28, v60;
	v4 =	vld.idx.msk [tilespmem:v4+s2+$0x0], $0xffff  }
0xb6: {  	v12 =	vor.u32 $0x100, v30;
	[tilespmem:v35+s19+$0x0] =	vst.idx.add.f32.msk $0xffff, v40  }
0xb7: {  	v1 =	vor.u32 $0x80, v1;
	[tilespmem:v25+s19+$0x0] =	vst.idx.add.f32.msk $0xffff, v8;
	v31 =	vshll.u32 v63, $0x10  }
0xb8: {  	v42 =	vor.u32 $0x80, v3;
	[tilespmem:v2+s19+$0x0] =	vst.idx.add.f32.msk $0xffff, v7;
	v32 =	vand.u32 $0xFFFF0000, v63;
	v33 =	vmul.f32 v31, v62  }
0xb9: {  	v3 =	vor.u32 $0x180, v3;
	v6 =	vld.idx.msk [tilespmem:v6+s2+$0x0], $0xffff;
	v13 =	vmul.f32 v32, v62  }
0xba: {  	v37 =	vand.u32 $0x7F, v34;
	[tilespmem:v30+s19+$0x0] =	vst.idx.add.f32.msk $0xffff, v33;
	v43 =	vshll.u32 v4, $0x10  }
0xbb: {  	v8 =	vor.u32 v37, v38;
	v4 =	vand.u32 $0xFFFF0000, v4;
	[tilespmem:v12+s19+$0x0] =	vst.idx.add.f32.msk $0xffff, v13;
	v2 =	vmul.f32 v43, v56  }
0xbc: {  	v11 =	vor.u32 $0x180, v30;
	v4 =	vmul.f32 v4, v56;
	v1 =	vld.idx.msk [tilespmem:v1+s2+$0x0], $0xffff  }
0xbd: {  	v53 =	vshll.u32 v21, $0x2;
	v45 =	vor.u32 $0x80, v9;
	v13 =	vand.u32 $0xFFFFFF00, v49;
	[tilespmem:v42+s19+$0x0] =	vst.idx.add.f32.msk $0xffff, v2  }
0xbe: {  	v23 =	vshll.u32 v41, $0x2;
	v55 =	vand.u32 $0x7F, v21;
	[tilespmem:v3+s19+$0x0] =	vst.idx.add.f32.msk $0xffff, v4;
	v4 =	vor.u32 v50, v13  }
0xbf: {  	v37 =	vld [tilespmem:s25+$0x40];
	v57 =	vshra.s32 v48, $0xE;
	v44 =	vshll.u32 v6, $0x10;
	v3 =	vor.u32 $0x80, v30  }
0xc0: {  	v9 =	vor.u32 $0x180, v9;
	v59 =	vshll.u32 v57, $0x1;
	v46 =	vld.idx.msk [tilespmem:v8+s2+$0x0], $0xffff;
	v5 =	vmul.f32 v44, v60  }
0xc1: {  	v25 =	vand.u32 $0xFE00, v23;
	v63 =	vld [tilespmem:s24+$0x10];
	v7 =	vand.u32 $0xFFFFFF00, v59;
	v2 =	vshll.u32 v1, $0x10  }
0xc2: {  	v56 =	vand.u32 $0xFE00, v53;
	v6 =	vand.u32 $0xFFFF0000, v6;
	[tilespmem:v45+s19+$0x0] =	vst.idx.add.f32.msk $0xffff, v5;
	v2 =	vmul.f32 v2, v62  }
0xc3: {  	v6 =	vmul.f32 v6, v60;
	v5 =	vor.u32 v55, v56;
	v1 =	vand.u32 $0xFFFF0000, v1;
	v61 =	vld.idx.msk [tilespmem:v4+s2+$0x0], $0xffff  }
0xc4: {  	v1 =	vmul.f32 v1, v62;
	[tilespmem:v3+s19+$0x0] =	vst.idx.add.f32.msk $0xffff, v2;
	v2 =	vor.u32 $0x100, v5;
	v3 =	vand.u32 $0x7F, v57  }
0xc5: {  	v31 =	vld [tilespmem:s24+$0x20];
	v52 =	vshll.u32 v46, $0x10;
	v58 =	vand.u32 $0xFFFF0000, v46;
	v3 =	vor.u32 v3, v7  }
0xc6: {  	v60 =	vmul.f32 v52, v51;
	v62 =	vor.u32 $0x80, v8;
	[tilespmem:v11+s19+$0x0] =	vst.idx.add.f32.msk $0xffff, v1;
	v1 =	vand.u32 $0x7F, v41  }
0xc7: {  	v26 =	vshll.u32 v24, $0x1;
	[tilespmem:v9+s19+$0x0] =	vst.idx.add.f32.msk $0xffff, v6;
	v6 =	vmul.f32 v58, v51;
	v27 =	vor.u32 v1, v25  }
0xc8: {  	v28 =	vand.u32 $0xFFFFFF00, v26;
	[tilespmem:v5+s19+$0x0] =	vst.idx.add.f32.msk $0xffff, v60;
	v1 =	vand.u32 $0x7F, v24  }
0xc9: {  	[tilespmem:v2+s19+$0x0] =	vst.idx.add.f32.msk $0xffff, v6;
	v2 =	vor.u32 v1, v28;
	v1 =	vshll.u32 v61, $0x10  }
0xca: {  	v32 =	vshll.u32 v48, $0x2;
	v30 =	vor.u32 $0x100, v27;
	v29 =	vld.idx.msk [tilespmem:v3+s2+$0x0], $0xffff;
	v1 =	vmul.f32 v1, v63  }
0xcb: {  	v43 =	vshra.s32 v37, $0xE;
	v13 =	vand.u32 $0xFE00, v32;
	v7 =	vld.idx.msk [tilespmem:v62+s2+$0x0], $0xffff  }
0xcc: {  	v4 =	vor.u32 $0x80, v4;
	v10 =	vand.u32 $0xFFFF0000, v61;
	[tilespmem:v27+s19+$0x0] =	vst.idx.add.f32.msk $0xffff, v1;
	v1 =	vand.u32 $0x7F, v48  }
0xcd: {  	v26 =	vand.u32 $0x7F, v37;
	v10 =	vmul.f32 v10, v63;
	v61 =	vld [tilespmem:s25+$0x70];
	v13 =	vor.u32 v1, v13  }
0xce: {  	v56 =	vshra.s32 v47, $0xE;
	v42 =	vor.u32 $0x80, v5;
	v46 =	vshll.u32 v43, $0x1;
	v1 =	vld [tilespmem:s24+$0x30]  }
0xcf: {  	v59 =	vshll.u32 v56, $0x1;
	v5 =	vor.u32 $0x180, v5;
	[tilespmem:v30+s19+$0x0] =	vst.idx.add.f32.msk $0xffff, v10;
	v34 =	vshll.u32 v29, $0x10  }
0xd0: {  	v33 =	vld.idx.msk [tilespmem:v2+s2+$0x0], $0xffff;
	v35 =	vor.u32 $0x100, v13;
	v44 =	vshll.u32 v7, $0x10;
	v38 =	vmul.f32 v34, v31  }
0xd1: {  	v11 =	vor.u32 v17, v19;
	v17 =	vand.u32 $0x7F, v43;
	v4 =	vld.idx.msk [tilespmem:v4+s2+$0x0], $0xffff;
	v18 =	vmul.f32 v44, v51  }
0xd2: {  	v43 =	vshll.u32 v54, $0x2;
	v3 =	vor.u32 $0x80, v3;
	v6 =	vand.u32 $0xFFFF0000, v29;
	[tilespmem:v13+s19+$0x0] =	vst.idx.add.f32.msk $0xffff, v38  }
0xd3: {  	v40 =	vor.u32 $0x100, v11;
	v7 =	vand.u32 $0xFFFF0000, v7;
	v6 =	vmul.f32 v6, v31;
	[tilespmem:v42+s19+$0x0] =	vst.idx.add.f32.msk $0xffff, v18  }
0xd4: {  	v25 =	vshra.s32 v54, $0xE;
	v52 =	vor.u32 $0x180, v27;
	v7 =	vmul.f32 v7, v51;
	v42 =	vld [tilespmem:s24+$0x60]  }
0xd5: {  	v51 =	vor.u32 $0x80, v27;
	v39 =	vshll.u32 v33, $0x10;
	[tilespmem:v35+s19+$0x0] =	vst.idx.add.f32.msk $0xffff, v6;
	v15 =	vand.u32 $0xFFFF0000, v33  }
0xd6: {  	v49 =	vshll.u32 v4, $0x10;
	[tilespmem:v5+s19+$0x0] =	vst.idx.add.f32.msk $0xffff, v7;
	v45 =	vmul.f32 v15, v1;
	v15 =	vand.u32 $0xFFFFFF00, v46  }
0xd7: {  	v4 =	vand.u32 $0xFFFF0000, v4;
	v41 =	vmul.f32 v39, v1;
	v3 =	vld.idx.msk [tilespmem:v3+s2+$0x0], $0xffff;
	v48 =	vor.u32 v17, v15  }
0xd8: {  	v28 =	vshll.u32 v25, $0x1;
	v50 =	vmul.f32 v49, v63;
	v4 =	vmul.f32 v4, v63;
	v63 =	vld [tilespmem:s24+$0x40]  }
0xd9: {  	v30 =	vand.u32 $0xFFFFFF00, v28;
	v2 =	vor.u32 $0x80, v2;
	v29 =	vand.u32 $0x7F, v25;
	[tilespmem:v11+s19+$0x0] =	vst.idx.add.f32.msk $0xffff, v41  }
0xda: {  	v24 =	vshll.u32 v37, $0x2;
	v57 =	vor.u32 $0x80, v13;
	v5 =	vor.u32 v29, v30;
	[tilespmem:v51+s19+$0x0] =	vst.idx.add.f32.msk $0xffff, v50  }
0xdb: {  	v13 =	vor.u32 $0x180, v13;
	v7 =	vand.u32 $0x7F, v56;
	v17 =	vand.u32 $0xFFFFFF00, v59;
	[tilespmem:v40+s19+$0x0] =	vst.idx.add.f32.msk $0xffff, v45  }
0xdc: {  	v7 =	vor.u32 v7, v17;
	v53 =	vshll.u32 v3, $0x10;
	v3 =	vand.u32 $0xFFFF0000, v3;
	v58 =	vld.idx.msk [tilespmem:v48+s2+$0x0], $0xffff  }
0xdd: {  	[tilespmem:v52+s19+$0x0] =	vst.idx.add.f32.msk $0xffff, v4;
	v55 =	vmul.f32 v53, v31;
	v3 =	vmul.f32 v3, v31;
	v31 =	vshra.s32 v61, $0xE  }
0xde: {  	v37 =	vshll.u32 v47, $0x2;
	v27 =	vand.u32 $0xFE00, v24;
	v2 =	vld.idx.msk [tilespmem:v2+s2+$0x0], $0xffff;
	v33 =	vshll.u32 v31, $0x1  }
0xdf: {  	v4 =	vor.u32 v26, v27;
	v39 =	vld.idx.msk [tilespmem:v5+s2+$0x0], $0xffff;
	v8 =	vand.u32 $0x7F, v31;
	v35 =	vand.u32 $0xFFFFFF00, v33  }
0xe0: {  	v23 =	vor.u32 $0x80, v11;
	v14 =	vand.u32 $0xFE00, v37;
	[tilespmem:v57+s19+$0x0] =	vst.idx.add.f32.msk $0xffff, v55;
	v8 =	vor.u32 v8, v35  }
0xe1: {  	v44 =	vand.u32 $0x7F, v54;
	v45 =	vand.u32 $0xFE00, v43;
	[tilespmem:v13+s19+$0x0] =	vst.idx.add.f32.msk $0xffff, v3;
	v3 =	vshll.u32 v58, $0x10  }
0xe2: {  	v22 =	vshll.u32 v61, $0x2;
	v10 =	vor.u32 v44, v45;
	v32 =	vld.idx.msk [tilespmem:v7+s2+$0x0], $0xffff;
	v3 =	vmul.f32 v3, v63  }
0xe3: {  	v49 =	vld [tilespmem:s24+$0x70];
	v6 =	vor.u32 $0x80, v48;
	v34 =	vor.u32 $0x100, v4;
	v60 =	vshll.u32 v2, $0x10  }
0xe4: {  	v50 =	vshll.u32 v39, $0x10;
	v62 =	vmul.f32 v60, v1;
	[tilespmem:v4+s19+$0x0] =	vst.idx.add.f32.msk $0xffff, v3;
	v3 =	vand.u32 $0x7F, v47  }
0xe5: {  	v52 =	vmul.f32 v50, v42;
	v38 =	vand.u32 $0xFFFF0000, v58;
	v47 =	vld.idx.msk [tilespmem:v8+s2+$0x0], $0xffff;
	v3 =	vor.u32 v3, v14  }
0xe6: {  	v21 =	vand.u32 $0x7F, v61;
	[tilespmem:v23+s19+$0x0] =	vst.idx.add.f32.msk $0xffff, v62;
	v12 =	vmul.f32 v38, v63;
	v41 =	vor.u32 $0x100, v3  }
0xe7: {  	v22 =	vand.u32 $0xFE00, v22;
	v7 =	vor.u32 $0x80, v7;
	v40 =	vshll.u32 v32, $0x10;
	[tilespmem:v10+s19+$0x0] =	vst.idx.add.f32.msk $0xffff, v52  }
0xe8: {  	v53 =	vor.u32 v21, v22;
	v9 =	vand.u32 $0xFFFF0000, v32;
	v46 =	vmul.f32 v40, v36;
	[tilespmem:v34+s19+$0x0] =	vst.idx.add.f32.msk $0xffff, v12  }
0xe9: {  	v48 =	vor.u32 $0x100, v10;
	v9 =	vmul.f32 v9, v36;
	v6 =	vld.idx.msk [tilespmem:v6+s2+$0x0], $0xffff  }
0xea: {  	v5 =	vor.u32 $0x80, v5;
	v54 =	vshll.u32 v47, $0x10;
	[tilespmem:v3+s19+$0x0] =	vst.idx.add.f32.msk $0xffff, v46  }
0xeb: {  	v55 =	vor.u32 $0x100, v53;
	v51 =	vand.u32 $0xFFFF0000, v39;
	v56 =	vmul.f32 v54, v49;
	[tilespmem:v41+s19+$0x0] =	vst.idx.add.f32.msk $0xffff, v9  }
0xec: {  	v8 =	vor.u32 $0x80, v8;
	v9 =	vmul.f32 v51, v42;
	v7 =	vld.idx.msk [tilespmem:v7+s2+$0x0], $0xffff  }
0xed: {  	v11 =	vor.u32 $0x180, v11;
	v12 =	vand.u32 $0xFFFF0000, v47;
	[tilespmem:v53+s19+$0x0] =	vst.idx.add.f32.msk $0xffff, v56  }
0xee: {  	v57 =	vor.u32 $0x80, v4;
	v12 =	vmul.f32 v12, v49;
	[tilespmem:v48+s19+$0x0] =	vst.idx.add.f32.msk $0xffff, v9  }
0xef: {  	v2 =	vand.u32 $0xFFFF0000, v2;
	v4 =	vor.u32 $0x180, v4;
	v5 =	vld.idx.msk [tilespmem:v5+s2+$0x0], $0xffff  }
0xf0: {  	v1 =	vmul.f32 v2, v1;
	v58 =	vor.u32 $0x80, v3;
	v2 =	vshll.u32 v6, $0x10;
	[tilespmem:v55+s19+$0x0] =	vst.idx.add.f32.msk $0xffff, v12  }
0xf1: {  	v3 =	vor.u32 $0x180, v3;
	v6 =	vand.u32 $0xFFFF0000, v6;
	v2 =	vmul.f32 v2, v63;
	v8 =	vld.idx.msk [tilespmem:v8+s2+$0x0], $0xffff  }
0xf2: {  	v60 =	vor.u32 $0x80, v10;
	[tilespmem:v11+s19+$0x0] =	vst.idx.add.f32.msk $0xffff, v1;
	v1 =	vmul.f32 v6, v63;
	v59 =	vshll.u32 v7, $0x10  }
0xf3: {  	v61 =	vor.u32 $0x180, v10;
	[tilespmem:v57+s19+$0x0] =	vst.idx.add.f32.msk $0xffff, v2;
	v2 =	vand.u32 $0xFFFF0000, v7;
	v6 =	vmul.f32 v59, v36  }
0xf4: {  	s23 =	sadd.s32 $0x10, s23;
	v62 =	vor.u32 $0x80, v53;
	[tilespmem:v4+s19+$0x0] =	vst.idx.add.f32.msk $0xffff, v1;
	v1 =	vmul.f32 v2, v36;
	v2 =	vshll.u32 v5, $0x10  }
0xf5: {  	p0 =	slt.u32 s23, $0x180;
	v63 =	vor.u32 $0x180, v53;
	v5 =	vand.u32 $0xFFFF0000, v5;
	[tilespmem:v58+s19+$0x0] =	vst.idx.add.f32.msk $0xffff, v6;
	v2 =	vmul.f32 v2, v42  }
.Ltmp5:
0xf6: {  	[tilespmem:v3+s19+$0x0] =	vst.idx.add.f32.msk $0xffff, v1;
	v1 =	vmul.f32 v5, v42;
	v3 =	vshll.u32 v8, $0x10;
	(pc) =	sbr.rel @p0 .LBB2_13-.Ltmp5, $4  }
0xf7: {  	[tilespmem:v60+s19+$0x0] =	vst.idx.add.f32.msk $0xffff, v2;
	v2 =	vand.u32 $0xFFFF0000, v8;
	v3 =	vmul.f32 v3, v49  }
0xf8: {  	[tilespmem:v61+s19+$0x0] =	vst.idx.add.f32.msk $0xffff, v1;
	v1 =	vmul.f32 v2, v49  }
0xf9: {  	[tilespmem:v62+s19+$0x0] =	vst.idx.add.f32.msk $0xffff, v3  }
0xfa: {  	s25 =	sadd.s32 $0x200, s25;
	s24 =	sadd.s32 $0x200, s24;
	[tilespmem:v63+s19+$0x0] =	vst.idx.add.f32.msk $0xffff, v1  }
0xfb: {  	p0 =	seq.s32 s22, $0x18  }
.Ltmp6:
0xfc: {  	_ = 	snop;
	(pc) =	sbr.rel @p0 .LBB2_20-.Ltmp6, $2  }
0xfd: {  	_ =	sdelay $0x2  }
0xfe: {  	s23 =	sshll.u32 s22, $0x1  }
0xff: {  	s24 =	sadd.s32 s23, s10  }
0x100: {  	s25 =	smulhi.u32 $0x51EB851F, s24;
	_ =	sdelay $0x1  }
0x101: {  	s25 =	sshrl.u32 s25, $0x4  }
0x102: {  	s25 =	smul.u32 $0x32, s25;
	_ =	sdelay $0x1  }
0x103: {  	s24 =	ssub.s32 s24, s25  }
0x104: {  	s24 =	smul.u32 $0x320, s24;
	_ =	sdelay $0x1  }
0x105: {  	s26 =	simm.s32 $0xF000;
	s25 =	sadd.s32 s3, s24  }
0x106: {  	s28 =	simm.s32 $0x10;
	s29 =	simm.s32 $0xF100;
	s30 =	sadd.s32 $0x0, s25  }
.LBB2_16:
0x107: {  	[tilespmem:s26], [sflag:$0x1] =	stream.linear.gather [hbm4b:s30+s2], $0x80, $0x38;
	[tilespmem:$0x15400] =	vst v63  }
0x108: {  	s30 =	smov.u32 s28;
	s26 =	smov.u32 s29;
	p1 =	sne.s32 s28, $0x310  }
.Ltmp7:
0x109: {  	s28 =	sadd.s32 $0x10, s28;
	(pc) =	sbr.rel @p1 .LBB2_16-.Ltmp7, $2  }
0x10a: {  	_ =	sdelay $0x2  }
0x10b: {  	s29 =	sadd.s32 $0x100, s29;
	s30 =	sadd.s32 s30, s25  }
0x10c: {  	[tilespmem:s26], [sflag:$0x1] =	stream.linear.gather [hbm4b:s30+s2], $0x80, $0x38;
	[tilespmem:$0x15400] =	vst v63  }
0x10d: {  	s24 =	sadd.s32 s4, s24;
	s25 =	simm.s32 $0x12200  }
0x10e: {  	s26 =	simm.s32 $0x10;
	s28 =	simm.s32 $0x12300;
	s29 =	sadd.s32 $0x0, s24  }
.LBB2_18:
0x10f: {  	[tilespmem:s25], [sflag:$0x1] =	stream.linear.gather [hbm4b:s29+s2], $0x80, $0x38;
	[tilespmem:$0x15400] =	vst v63  }
0x110: {  	s29 =	smov.u32 s26;
	s25 =	smov.u32 s28;
	p1 =	sne.s32 s26, $0x310  }
.Ltmp8:
0x111: {  	s26 =	sadd.s32 $0x10, s26;
	(pc) =	sbr.rel @p1 .LBB2_18-.Ltmp8, $2  }
0x112: {  	_ =	sdelay $0x2  }
0x113: {  	s28 =	sadd.s32 $0x100, s28;
	s29 =	sadd.s32 s29, s24  }
0x114: {  	[tilespmem:s25], [sflag:$0x1] =	stream.linear.gather [hbm4b:s29+s2], $0x80, $0x38;
	[tilespmem:$0x15400] =	vst v63  }
.LBB2_20:
0x115: {  	_ =	swait.ge [sflag:s20], $0x1900  }
0x116: {  	[sflag:s20] =	ssyncset.done $0x0  }
0x117: {  	[sflag:s20] =	ssyncadd.s32 $0xFFFFE700  }
0x118: {  	_ =	swait.ge [sflag:s20], $0x1900  }
0x119: {  	s24 =	simm.s32 $0xFFFFFFF0;
	[sflag:s20] =	ssyncset.done $0x0  }
0x11a: {  	s25 =	simm.s32 $0x12380;
	s26 =	simm.s32 $0xF180;
	[sflag:s20] =	ssyncadd.s32 $0xFFFFE700  }
.LBB2_21:
0x11b: {  	v1 =	vld [tilespmem:s26+$0xFFFFFF00];
	_ =	sdelay $0x4  }
0x11c: {  	v6 =	vld [tilespmem:s26+$0xFFFFFF20];
	v2 =	vshra.s32 v1, $0xE  }
0x11d: {  	v8 =	vld [tilespmem:s25+$0xFFFFFF00];
	v3 =	vshll.u32 v2, $0x1  }
0x11e: {  	v10 =	vld [tilespmem:s26+$0xFFFFFF30];
	v2 =	vand.u32 $0x7F, v2;
	v3 =	vand.u32 $0xFFFFFF00, v3  }
0x11f: {  	v2 =	vor.u32 v2, v3;
	v3 =	vld [tilespmem:s26+$0xFFFFFF10]  }
0x120: {  	v60 =	vld [tilespmem:s25+$0xFFFFFF10]  }
0x121: {  	v23 =	vld [tilespmem:s25+$0xFFFFFF20];
	v9 =	vshll.u32 v1, $0x2;
	v11 =	vshra.s32 v6, $0xE  }
0x122: {  	v18 =	vld [tilespmem:s25+$0xFFFFFF30];
	v1 =	vand.u32 $0x7F, v1;
	v9 =	vand.u32 $0xFE00, v9;
	v59 =	vshll.u32 v11, $0x1  }
0x123: {  	v30 =	vld [tilespmem:s26+$0xFFFFFF40];
	v11 =	vand.u32 $0x7F, v11;
	v1 =	vor.u32 v1, v9;
	v9 =	vand.u32 $0xFFFFFF00, v59  }
0x124: {  	v40 =	vld [tilespmem:s26+$0xFFFFFF50];
	v9 =	vor.u32 v11, v9;
	v5 =	vshra.s32 v3, $0xE  }
0x125: {  	v43 =	vld [tilespmem:s26+$0xFFFFFF60];
	v15 =	vshra.s32 v10, $0xE;
	v7 =	vshll.u32 v5, $0x1  }
0x126: {  	v16 =	vshll.u32 v15, $0x1;
	v4 =	vld.idx.msk [tilespmem:v2+s2+$0x0], $0xffff;
	v5 =	vand.u32 $0x7F, v5;
	v7 =	vand.u32 $0xFFFFFF00, v7  }
0x127: {  	v48 =	vld [tilespmem:s25+$0xFFFFFF40];
	v61 =	vand.u32 $0x7F, v15;
	v62 =	vand.u32 $0xFFFFFF00, v16;
	v5 =	vor.u32 v5, v7  }
0x128: {  	v50 =	vld [tilespmem:s26+$0xFFFFFF70];
	v63 =	vor.u32 v61, v62  }
0x129: {  	v24 =	vshll.u32 v6, $0x2;
	v6 =	vand.u32 $0x7F, v6;
	v19 =	vshll.u32 v10, $0x2;
	v21 =	vld.idx.msk [tilespmem:v9+s2+$0x0], $0xffff  }
0x12a: {  	v56 =	vld [tilespmem:s25+$0xFFFFFF50];
	v10 =	vand.u32 $0x7F, v10;
	v25 =	vand.u32 $0xFE00, v24;
	v12 =	vor.u32 $0x100, v1  }
0x12b: {  	v6 =	vor.u32 v6, v25;
	v62 =	vld [tilespmem:s25+$0xFFFFFF70];
	v2 =	vor.u32 $0x80, v2;
	v58 =	vshll.u32 v4, $0x10  }
0x12c: {  	v17 =	vor.u32 $0x100, v6;
	v4 =	vand.u32 $0xFFFF0000, v4;
	v7 =	vmul.f32 v58, v8;
	v13 =	vld.idx.msk [tilespmem:v5+s2+$0x0], $0xffff  }
0x12d: {  	v14 =	vshll.u32 v3, $0x2;
	v3 =	vand.u32 $0x7F, v3;
	v26 =	vld.idx.msk [tilespmem:v63+s2+$0x0], $0xffff;
	v4 =	vmul.f32 v4, v8  }
0x12e: {  	v9 =	vor.u32 $0x80, v9;
	v14 =	vand.u32 $0xFE00, v14;
	v27 =	vshll.u32 v21, $0x10;
	[tilespmem:v1+s19+$0x0] =	vst.idx.add.f32.msk $0xffff, v7  }
0x12f: {  	v3 =	vor.u32 v3, v14;
	v29 =	vmul.f32 v27, v23;
	[tilespmem:v12+s19+$0x0] =	vst.idx.add.f32.msk $0xffff, v4;
	v12 =	vand.u32 $0xFFFF0000, v21  }
0x130: {  	v28 =	vand.u32 $0xFE00, v19;
	v22 =	vor.u32 $0x100, v3;
	v2 =	vld.idx.msk [tilespmem:v2+s2+$0x0], $0xffff;
	v12 =	vmul.f32 v12, v23  }
0x131: {  	v10 =	vor.u32 v10, v28;
	[tilespmem:v6+s19+$0x0] =	vst.idx.add.f32.msk $0xffff, v29;
	v20 =	vshll.u32 v13, $0x10  }
0x132: {  	v5 =	vor.u32 $0x80, v5;
	[tilespmem:v17+s19+$0x0] =	vst.idx.add.f32.msk $0xffff, v12;
	v13 =	vand.u32 $0xFFFF0000, v13;
	v7 =	vmul.f32 v20, v60  }
0x133: {  	v33 =	vor.u32 $0x80, v1;
	v31 =	vshll.u32 v26, $0x10;
	v9 =	vld.idx.msk [tilespmem:v9+s2+$0x0], $0xffff;
	v13 =	vmul.f32 v13, v60  }
0x134: {  	v37 =	vshra.s32 v30, $0xE;
	v32 =	vmul.f32 v31, v18;
	v1 =	vor.u32 $0x180, v1;
	[tilespmem:v3+s19+$0x0] =	vst.idx.add.f32.msk $0xffff, v7  }
0x135: {  	v44 =	vshra.s32 v40, $0xE;
	v34 =	vshll.u32 v2, $0x10;
	[tilespmem:v22+s19+$0x0] =	vst.idx.add.f32.msk $0xffff, v13;
	v13 =	vor.u32 $0x100, v10  }
0x136: {  	v49 =	vshll.u32 v30, $0x2;
	[tilespmem:v10+s19+$0x0] =	vst.idx.add.f32.msk $0xffff, v32;
	v2 =	vand.u32 $0xFFFF0000, v2;
	v35 =	vmul.f32 v34, v8  }
0x137: {  	v4 =	vor.u32 $0x80, v63;
	v7 =	vand.u32 $0xFFFF0000, v26;
	v2 =	vmul.f32 v2, v8;
	v5 =	vld.idx.msk [tilespmem:v5+s2+$0x0], $0xffff  }
0x138: {  	v39 =	vshll.u32 v37, $0x1;
	v42 =	vor.u32 $0x80, v6;
	v7 =	vmul.f32 v7, v18;
	[tilespmem:v33+s19+$0x0] =	vst.idx.add.f32.msk $0xffff, v35  }
0x139: {  	v36 =	vor.u32 $0x80, v3;
	v6 =	vor.u32 $0x180, v6;
	v3 =	vor.u32 $0x180, v3;
	[tilespmem:v1+s19+$0x0] =	vst.idx.add.f32.msk $0xffff, v2  }
0x13a: {  	v2 =	vshll.u32 v9, $0x10;
	[tilespmem:v13+s19+$0x0] =	vst.idx.add.f32.msk $0xffff, v7;
	v7 =	vand.u32 $0x7F, v37;
	v13 =	vand.u32 $0xFFFFFF00, v39  }
0x13b: {  	v21 =	vld [tilespmem:s26+$0x0];
	v41 =	vand.u32 $0xFFFF0000, v9;
	v2 =	vmul.f32 v2, v23;
	v7 =	vor.u32 v7, v13  }
0x13c: {  	v38 =	vshll.u32 v5, $0x10;
	v4 =	vld.idx.msk [tilespmem:v4+s2+$0x0], $0xffff;
	v1 =	vand.u32 $0xFFFF0000, v5;
	v5 =	vmul.f32 v41, v23  }
0x13d: {  	v51 =	vshra.s32 v43, $0xE;
	v47 =	vshll.u32 v44, $0x1;
	[tilespmem:v42+s19+$0x0] =	vst.idx.add.f32.msk $0xffff, v2;
	v8 =	vmul.f32 v38, v60  }
0x13e: {  	v15 =	vand.u32 $0xFE00, v49;
	v53 =	vshll.u32 v51, $0x1;
	v45 =	vor.u32 $0x80, v10;
	[tilespmem:v6+s19+$0x0] =	vst.idx.add.f32.msk $0xffff, v5  }
0x13f: {  	v1 =	vmul.f32 v1, v60;
	v6 =	vand.u32 $0xFFFFFF00, v53;
	[tilespmem:v36+s19+$0x0] =	vst.idx.add.f32.msk $0xffff, v8;
	v8 =	vand.u32 $0x7F, v51  }
0x140: {  	v10 =	vor.u32 $0x180, v10;
	v13 =	vand.u32 $0xFFFFFF00, v47;
	v6 =	vor.u32 v8, v6;
	v46 =	vld.idx.msk [tilespmem:v7+s2+$0x0], $0xffff  }
0x141: {  	[tilespmem:v3+s19+$0x0] =	vst.idx.add.f32.msk $0xffff, v1;
	v1 =	vshll.u32 v4, $0x10;
	v3 =	vand.u32 $0xFFFF0000, v4;
	v4 =	vand.u32 $0x7F, v44  }
0x142: {  	v16 =	vand.u32 $0x7F, v30;
	v41 =	vld [tilespmem:s26+$0x10];
	v4 =	vor.u32 v4, v13;
	v1 =	vmul.f32 v1, v18  }
0x143: {  	v2 =	vor.u32 v16, v15;
	v60 =	vld [tilespmem:s25+$0xFFFFFF60];
	v3 =	vmul.f32 v3, v18  }
0x144: {  	v55 =	vshra.s32 v50, $0xE;
	v52 =	vor.u32 $0x100, v2;
	[tilespmem:v45+s19+$0x0] =	vst.idx.add.f32.msk $0xffff, v1  }
0x145: {  	v57 =	vshll.u32 v40, $0x2;
	v61 =	vshll.u32 v43, $0x2;
	[tilespmem:v10+s19+$0x0] =	vst.idx.add.f32.msk $0xffff, v3;
	v1 =	vshll.u32 v46, $0x10  }
0x146: {  	v7 =	vor.u32 $0x80, v7;
	v58 =	vld.idx.msk [tilespmem:v6+s2+$0x0], $0xffff;
	v3 =	vand.u32 $0xFFFF0000, v46;
	v1 =	vmul.f32 v1, v48  }
0x147: {  	v20 =	vshll.u32 v50, $0x2;
	v26 =	vand.u32 $0x7F, v50;
	v3 =	vmul.f32 v3, v48;
	v54 =	vld.idx.msk [tilespmem:v4+s2+$0x0], $0xffff  }
0x148: {  	v9 =	vand.u32 $0x7F, v43;
	v16 =	vand.u32 $0xFE00, v61;
	[tilespmem:v2+s19+$0x0] =	vst.idx.add.f32.msk $0xffff, v1;
	v1 =	vshll.u32 v55, $0x1  }
0x149: {  	v9 =	vor.u32 v9, v16;
	[tilespmem:v52+s19+$0x0] =	vst.idx.add.f32.msk $0xffff, v3;
	v3 =	vand.u32 $0x7F, v55;
	v1 =	vand.u32 $0xFFFFFF00, v1  }
0x14a: {  	v51 =	vld [tilespmem:s25+$0x0];
	v10 =	vand.u32 $0xFE00, v57;
	v1 =	vor.u32 v3, v1;
	v3 =	vand.u32 $0x7F, v40  }
0x14b: {  	v47 =	vshra.s32 v41, $0xE;
	v24 =	vshll.u32 v58, $0x10;
	v7 =	vld.idx.msk [tilespmem:v7+s2+$0x0], $0xffff;
	v3 =	vor.u32 v3, v10  }
0x14c: {  	v49 =	vshll.u32 v47, $0x1;
	v50 =	vand.u32 $0x7F, v47;
	v47 =	vld [tilespmem:s26+$0x50];
	v29 =	vmul.f32 v24, v60  }
0x14d: {  	v34 =	vshra.s32 v21, $0xE;
	v59 =	vshll.u32 v54, $0x10;
	v8 =	vand.u32 $0xFFFF0000, v54;
	v54 =	vld [tilespmem:s26+$0x30]  }
0x14e: {  	v35 =	vor.u32 $0x80, v2;
	v10 =	vor.u32 $0x100, v3;
	v12 =	vmul.f32 v59, v56;
	[tilespmem:v9+s19+$0x0] =	vst.idx.add.f32.msk $0xffff, v29  }
0x14f: {  	v25 =	vor.u32 $0x100, v9;
	v36 =	vshll.u32 v34, $0x1;
	v4 =	vor.u32 $0x80, v4;
	v63 =	vld.idx.msk [tilespmem:v1+s2+$0x0], $0xffff  }
0x150: {  	v8 =	vmul.f32 v8, v56;
	v39 =	vshll.u32 v7, $0x10;
	v7 =	vand.u32 $0xFFFF0000, v7;
	[tilespmem:v3+s19+$0x0] =	vst.idx.add.f32.msk $0xffff, v12  }
0x151: {  	v38 =	vand.u32 $0xFFFFFF00, v36;
	v40 =	vmul.f32 v39, v48;
	v7 =	vmul.f32 v7, v48;
	v48 =	vld [tilespmem:s26+$0x20]  }
0x152: {  	v24 =	vshra.s32 v54, $0xE;
	v36 =	vshll.u32 v54, $0x2;
	v17 =	vand.u32 $0x7F, v54;
	v54 =	vld [tilespmem:s26+$0x60]  }
0x153: {  	v27 =	vand.u32 $0xFE00, v20;
	v2 =	vor.u32 $0x180, v2;
	[tilespmem:v10+s19+$0x0] =	vst.idx.add.f32.msk $0xffff, v8  }
0x154: {  	v6 =	vor.u32 $0x80, v6;
	v28 =	vand.u32 $0xFFFF0000, v58;
	v19 =	vand.u32 $0xFE00, v36;
	v36 =	vld [tilespmem:s25+$0x50]  }
0x155: {  	v30 =	vor.u32 v26, v27;
	v8 =	vmul.f32 v28, v60;
	v4 =	vld.idx.msk [tilespmem:v4+s2+$0x0], $0xffff  }
0x156: {  	v12 =	vor.u32 $0x100, v30;
	[tilespmem:v35+s19+$0x0] =	vst.idx.add.f32.msk $0xffff, v40  }
0x157: {  	v1 =	vor.u32 $0x80, v1;
	[tilespmem:v25+s19+$0x0] =	vst.idx.add.f32.msk $0xffff, v8;
	v31 =	vshll.u32 v63, $0x10  }
0x158: {  	v42 =	vor.u32 $0x80, v3;
	[tilespmem:v2+s19+$0x0] =	vst.idx.add.f32.msk $0xffff, v7;
	v32 =	vand.u32 $0xFFFF0000, v63;
	v33 =	vmul.f32 v31, v62  }
0x159: {  	v3 =	vor.u32 $0x180, v3;
	v6 =	vld.idx.msk [tilespmem:v6+s2+$0x0], $0xffff;
	v13 =	vmul.f32 v32, v62  }
0x15a: {  	v37 =	vand.u32 $0x7F, v34;
	[tilespmem:v30+s19+$0x0] =	vst.idx.add.f32.msk $0xffff, v33;
	v43 =	vshll.u32 v4, $0x10  }
0x15b: {  	v8 =	vor.u32 v37, v38;
	v4 =	vand.u32 $0xFFFF0000, v4;
	[tilespmem:v12+s19+$0x0] =	vst.idx.add.f32.msk $0xffff, v13;
	v2 =	vmul.f32 v43, v56  }
0x15c: {  	v11 =	vor.u32 $0x180, v30;
	v4 =	vmul.f32 v4, v56;
	v1 =	vld.idx.msk [tilespmem:v1+s2+$0x0], $0xffff  }
0x15d: {  	v53 =	vshll.u32 v21, $0x2;
	v45 =	vor.u32 $0x80, v9;
	v13 =	vand.u32 $0xFFFFFF00, v49;
	[tilespmem:v42+s19+$0x0] =	vst.idx.add.f32.msk $0xffff, v2  }
0x15e: {  	v23 =	vshll.u32 v41, $0x2;
	v55 =	vand.u32 $0x7F, v21;
	[tilespmem:v3+s19+$0x0] =	vst.idx.add.f32.msk $0xffff, v4;
	v4 =	vor.u32 v50, v13  }
0x15f: {  	v37 =	vld [tilespmem:s26+$0x40];
	v57 =	vshra.s32 v48, $0xE;
	v44 =	vshll.u32 v6, $0x10;
	v3 =	vor.u32 $0x80, v30  }
0x160: {  	v9 =	vor.u32 $0x180, v9;
	v59 =	vshll.u32 v57, $0x1;
	v46 =	vld.idx.msk [tilespmem:v8+s2+$0x0], $0xffff;
	v5 =	vmul.f32 v44, v60  }
0x161: {  	v25 =	vand.u32 $0xFE00, v23;
	v63 =	vld [tilespmem:s25+$0x10];
	v7 =	vand.u32 $0xFFFFFF00, v59;
	v2 =	vshll.u32 v1, $0x10  }
0x162: {  	v56 =	vand.u32 $0xFE00, v53;
	v6 =	vand.u32 $0xFFFF0000, v6;
	[tilespmem:v45+s19+$0x0] =	vst.idx.add.f32.msk $0xffff, v5;
	v2 =	vmul.f32 v2, v62  }
0x163: {  	v6 =	vmul.f32 v6, v60;
	v5 =	vor.u32 v55, v56;
	v1 =	vand.u32 $0xFFFF0000, v1;
	v61 =	vld.idx.msk [tilespmem:v4+s2+$0x0], $0xffff  }
0x164: {  	v1 =	vmul.f32 v1, v62;
	[tilespmem:v3+s19+$0x0] =	vst.idx.add.f32.msk $0xffff, v2;
	v2 =	vor.u32 $0x100, v5;
	v3 =	vand.u32 $0x7F, v57  }
0x165: {  	v31 =	vld [tilespmem:s25+$0x20];
	v52 =	vshll.u32 v46, $0x10;
	v58 =	vand.u32 $0xFFFF0000, v46;
	v3 =	vor.u32 v3, v7  }
0x166: {  	v60 =	vmul.f32 v52, v51;
	v62 =	vor.u32 $0x80, v8;
	[tilespmem:v11+s19+$0x0] =	vst.idx.add.f32.msk $0xffff, v1;
	v1 =	vand.u32 $0x7F, v41  }
0x167: {  	v26 =	vshll.u32 v24, $0x1;
	[tilespmem:v9+s19+$0x0] =	vst.idx.add.f32.msk $0xffff, v6;
	v6 =	vmul.f32 v58, v51;
	v27 =	vor.u32 v1, v25  }
0x168: {  	v28 =	vand.u32 $0xFFFFFF00, v26;
	[tilespmem:v5+s19+$0x0] =	vst.idx.add.f32.msk $0xffff, v60;
	v1 =	vand.u32 $0x7F, v24  }
0x169: {  	[tilespmem:v2+s19+$0x0] =	vst.idx.add.f32.msk $0xffff, v6;
	v2 =	vor.u32 v1, v28;
	v1 =	vshll.u32 v61, $0x10  }
0x16a: {  	v32 =	vshll.u32 v48, $0x2;
	v30 =	vor.u32 $0x100, v27;
	v29 =	vld.idx.msk [tilespmem:v3+s2+$0x0], $0xffff;
	v1 =	vmul.f32 v1, v63  }
0x16b: {  	v43 =	vshra.s32 v37, $0xE;
	v13 =	vand.u32 $0xFE00, v32;
	v7 =	vld.idx.msk [tilespmem:v62+s2+$0x0], $0xffff  }
0x16c: {  	v4 =	vor.u32 $0x80, v4;
	v10 =	vand.u32 $0xFFFF0000, v61;
	[tilespmem:v27+s19+$0x0] =	vst.idx.add.f32.msk $0xffff, v1;
	v1 =	vand.u32 $0x7F, v48  }
0x16d: {  	v26 =	vand.u32 $0x7F, v37;
	v10 =	vmul.f32 v10, v63;
	v61 =	vld [tilespmem:s26+$0x70];
	v13 =	vor.u32 v1, v13  }
0x16e: {  	v56 =	vshra.s32 v47, $0xE;
	v42 =	vor.u32 $0x80, v5;
	v46 =	vshll.u32 v43, $0x1;
	v1 =	vld [tilespmem:s25+$0x30]  }
0x16f: {  	v59 =	vshll.u32 v56, $0x1;
	v5 =	vor.u32 $0x180, v5;
	[tilespmem:v30+s19+$0x0] =	vst.idx.add.f32.msk $0xffff, v10;
	v34 =	vshll.u32 v29, $0x10  }
0x170: {  	v33 =	vld.idx.msk [tilespmem:v2+s2+$0x0], $0xffff;
	v35 =	vor.u32 $0x100, v13;
	v44 =	vshll.u32 v7, $0x10;
	v38 =	vmul.f32 v34, v31  }
0x171: {  	v11 =	vor.u32 v17, v19;
	v17 =	vand.u32 $0x7F, v43;
	v4 =	vld.idx.msk [tilespmem:v4+s2+$0x0], $0xffff;
	v18 =	vmul.f32 v44, v51  }
0x172: {  	v43 =	vshll.u32 v54, $0x2;
	v3 =	vor.u32 $0x80, v3;
	v6 =	vand.u32 $0xFFFF0000, v29;
	[tilespmem:v13+s19+$0x0] =	vst.idx.add.f32.msk $0xffff, v38  }
0x173: {  	v40 =	vor.u32 $0x100, v11;
	v7 =	vand.u32 $0xFFFF0000, v7;
	v6 =	vmul.f32 v6, v31;
	[tilespmem:v42+s19+$0x0] =	vst.idx.add.f32.msk $0xffff, v18  }
0x174: {  	v25 =	vshra.s32 v54, $0xE;
	v52 =	vor.u32 $0x180, v27;
	v7 =	vmul.f32 v7, v51;
	v42 =	vld [tilespmem:s25+$0x60]  }
0x175: {  	v51 =	vor.u32 $0x80, v27;
	v39 =	vshll.u32 v33, $0x10;
	[tilespmem:v35+s19+$0x0] =	vst.idx.add.f32.msk $0xffff, v6;
	v15 =	vand.u32 $0xFFFF0000, v33  }
0x176: {  	v49 =	vshll.u32 v4, $0x10;
	[tilespmem:v5+s19+$0x0] =	vst.idx.add.f32.msk $0xffff, v7;
	v45 =	vmul.f32 v15, v1;
	v15 =	vand.u32 $0xFFFFFF00, v46  }
0x177: {  	v4 =	vand.u32 $0xFFFF0000, v4;
	v41 =	vmul.f32 v39, v1;
	v3 =	vld.idx.msk [tilespmem:v3+s2+$0x0], $0xffff;
	v48 =	vor.u32 v17, v15  }
0x178: {  	v28 =	vshll.u32 v25, $0x1;
	v50 =	vmul.f32 v49, v63;
	v4 =	vmul.f32 v4, v63;
	v63 =	vld [tilespmem:s25+$0x40]  }
0x179: {  	v30 =	vand.u32 $0xFFFFFF00, v28;
	v2 =	vor.u32 $0x80, v2;
	v29 =	vand.u32 $0x7F, v25;
	[tilespmem:v11+s19+$0x0] =	vst.idx.add.f32.msk $0xffff, v41  }
0x17a: {  	v24 =	vshll.u32 v37, $0x2;
	v57 =	vor.u32 $0x80, v13;
	v5 =	vor.u32 v29, v30;
	[tilespmem:v51+s19+$0x0] =	vst.idx.add.f32.msk $0xffff, v50  }
0x17b: {  	v13 =	vor.u32 $0x180, v13;
	v7 =	vand.u32 $0x7F, v56;
	v17 =	vand.u32 $0xFFFFFF00, v59;
	[tilespmem:v40+s19+$0x0] =	vst.idx.add.f32.msk $0xffff, v45  }
0x17c: {  	v7 =	vor.u32 v7, v17;
	v53 =	vshll.u32 v3, $0x10;
	v3 =	vand.u32 $0xFFFF0000, v3;
	v58 =	vld.idx.msk [tilespmem:v48+s2+$0x0], $0xffff  }
0x17d: {  	[tilespmem:v52+s19+$0x0] =	vst.idx.add.f32.msk $0xffff, v4;
	v55 =	vmul.f32 v53, v31;
	v3 =	vmul.f32 v3, v31;
	v31 =	vshra.s32 v61, $0xE  }
0x17e: {  	v37 =	vshll.u32 v47, $0x2;
	v27 =	vand.u32 $0xFE00, v24;
	v2 =	vld.idx.msk [tilespmem:v2+s2+$0x0], $0xffff;
	v33 =	vshll.u32 v31, $0x1  }
0x17f: {  	v4 =	vor.u32 v26, v27;
	v39 =	vld.idx.msk [tilespmem:v5+s2+$0x0], $0xffff;
	v8 =	vand.u32 $0x7F, v31;
	v35 =	vand.u32 $0xFFFFFF00, v33  }
0x180: {  	v23 =	vor.u32 $0x80, v11;
	v14 =	vand.u32 $0xFE00, v37;
	[tilespmem:v57+s19+$0x0] =	vst.idx.add.f32.msk $0xffff, v55;
	v8 =	vor.u32 v8, v35  }
0x181: {  	v44 =	vand.u32 $0x7F, v54;
	v45 =	vand.u32 $0xFE00, v43;
	[tilespmem:v13+s19+$0x0] =	vst.idx.add.f32.msk $0xffff, v3;
	v3 =	vshll.u32 v58, $0x10  }
0x182: {  	v22 =	vshll.u32 v61, $0x2;
	v10 =	vor.u32 v44, v45;
	v32 =	vld.idx.msk [tilespmem:v7+s2+$0x0], $0xffff;
	v3 =	vmul.f32 v3, v63  }
0x183: {  	v49 =	vld [tilespmem:s25+$0x70];
	v6 =	vor.u32 $0x80, v48;
	v34 =	vor.u32 $0x100, v4;
	v60 =	vshll.u32 v2, $0x10  }
0x184: {  	v50 =	vshll.u32 v39, $0x10;
	v62 =	vmul.f32 v60, v1;
	[tilespmem:v4+s19+$0x0] =	vst.idx.add.f32.msk $0xffff, v3;
	v3 =	vand.u32 $0x7F, v47  }
0x185: {  	v52 =	vmul.f32 v50, v42;
	v38 =	vand.u32 $0xFFFF0000, v58;
	v47 =	vld.idx.msk [tilespmem:v8+s2+$0x0], $0xffff;
	v3 =	vor.u32 v3, v14  }
0x186: {  	v21 =	vand.u32 $0x7F, v61;
	[tilespmem:v23+s19+$0x0] =	vst.idx.add.f32.msk $0xffff, v62;
	v12 =	vmul.f32 v38, v63;
	v41 =	vor.u32 $0x100, v3  }
0x187: {  	v22 =	vand.u32 $0xFE00, v22;
	v7 =	vor.u32 $0x80, v7;
	v40 =	vshll.u32 v32, $0x10;
	[tilespmem:v10+s19+$0x0] =	vst.idx.add.f32.msk $0xffff, v52  }
0x188: {  	v53 =	vor.u32 v21, v22;
	v9 =	vand.u32 $0xFFFF0000, v32;
	v46 =	vmul.f32 v40, v36;
	[tilespmem:v34+s19+$0x0] =	vst.idx.add.f32.msk $0xffff, v12  }
0x189: {  	v48 =	vor.u32 $0x100, v10;
	v9 =	vmul.f32 v9, v36;
	v6 =	vld.idx.msk [tilespmem:v6+s2+$0x0], $0xffff  }
0x18a: {  	v5 =	vor.u32 $0x80, v5;
	v54 =	vshll.u32 v47, $0x10;
	[tilespmem:v3+s19+$0x0] =	vst.idx.add.f32.msk $0xffff, v46  }
0x18b: {  	v55 =	vor.u32 $0x100, v53;
	v51 =	vand.u32 $0xFFFF0000, v39;
	v56 =	vmul.f32 v54, v49;
	[tilespmem:v41+s19+$0x0] =	vst.idx.add.f32.msk $0xffff, v9  }
0x18c: {  	v8 =	vor.u32 $0x80, v8;
	v9 =	vmul.f32 v51, v42;
	v7 =	vld.idx.msk [tilespmem:v7+s2+$0x0], $0xffff  }
0x18d: {  	v11 =	vor.u32 $0x180, v11;
	v12 =	vand.u32 $0xFFFF0000, v47;
	[tilespmem:v53+s19+$0x0] =	vst.idx.add.f32.msk $0xffff, v56  }
0x18e: {  	v57 =	vor.u32 $0x80, v4;
	v12 =	vmul.f32 v12, v49;
	[tilespmem:v48+s19+$0x0] =	vst.idx.add.f32.msk $0xffff, v9  }
0x18f: {  	v2 =	vand.u32 $0xFFFF0000, v2;
	v4 =	vor.u32 $0x180, v4;
	v5 =	vld.idx.msk [tilespmem:v5+s2+$0x0], $0xffff  }
0x190: {  	v1 =	vmul.f32 v2, v1;
	v58 =	vor.u32 $0x80, v3;
	v2 =	vshll.u32 v6, $0x10;
	[tilespmem:v55+s19+$0x0] =	vst.idx.add.f32.msk $0xffff, v12  }
0x191: {  	v3 =	vor.u32 $0x180, v3;
	v6 =	vand.u32 $0xFFFF0000, v6;
	v2 =	vmul.f32 v2, v63;
	v8 =	vld.idx.msk [tilespmem:v8+s2+$0x0], $0xffff  }
0x192: {  	v60 =	vor.u32 $0x80, v10;
	[tilespmem:v11+s19+$0x0] =	vst.idx.add.f32.msk $0xffff, v1;
	v1 =	vmul.f32 v6, v63;
	v59 =	vshll.u32 v7, $0x10  }
0x193: {  	v61 =	vor.u32 $0x180, v10;
	[tilespmem:v57+s19+$0x0] =	vst.idx.add.f32.msk $0xffff, v2;
	v2 =	vand.u32 $0xFFFF0000, v7;
	v6 =	vmul.f32 v59, v36  }
0x194: {  	s24 =	sadd.s32 $0x10, s24;
	v62 =	vor.u32 $0x80, v53;
	[tilespmem:v4+s19+$0x0] =	vst.idx.add.f32.msk $0xffff, v1;
	v1 =	vmul.f32 v2, v36;
	v2 =	vshll.u32 v5, $0x10  }
0x195: {  	p1 =	slt.u32 s24, $0x180;
	v63 =	vor.u32 $0x180, v53;
	v5 =	vand.u32 $0xFFFF0000, v5;
	[tilespmem:v58+s19+$0x0] =	vst.idx.add.f32.msk $0xffff, v6;
	v2 =	vmul.f32 v2, v42  }
.Ltmp9:
0x196: {  	[tilespmem:v3+s19+$0x0] =	vst.idx.add.f32.msk $0xffff, v1;
	v1 =	vmul.f32 v5, v42;
	v3 =	vshll.u32 v8, $0x10;
	(pc) =	sbr.rel @p1 .LBB2_21-.Ltmp9, $4  }
0x197: {  	[tilespmem:v60+s19+$0x0] =	vst.idx.add.f32.msk $0xffff, v2;
	v2 =	vand.u32 $0xFFFF0000, v8;
	v3 =	vmul.f32 v3, v49  }
0x198: {  	[tilespmem:v61+s19+$0x0] =	vst.idx.add.f32.msk $0xffff, v1;
	v1 =	vmul.f32 v2, v49  }
0x199: {  	[tilespmem:v62+s19+$0x0] =	vst.idx.add.f32.msk $0xffff, v3  }
0x19a: {  	s26 =	sadd.s32 $0x200, s26;
	s25 =	sadd.s32 $0x200, s25;
	[tilespmem:v63+s19+$0x0] =	vst.idx.add.f32.msk $0xffff, v1  }
.Ltmp10:
0x19b: {  	(pc) =	sbr.rel @p0 .LBB2_28-.Ltmp10, $1  }
0x19c: {  	_ =	sdelay $0x3  }
0x19d: {  	s23 =	sadd.s32 s23, s11  }
0x19e: {  	s24 =	smulhi.u32 $0x51EB851F, s23;
	_ =	sdelay $0x1  }
0x19f: {  	s24 =	sshrl.u32 s24, $0x4  }
0x1a0: {  	s24 =	smul.u32 $0x32, s24;
	_ =	sdelay $0x1  }
0x1a1: {  	s23 =	ssub.s32 s23, s24  }
0x1a2: {  	s23 =	smul.u32 $0x320, s23;
	_ =	sdelay $0x1  }
0x1a3: {  	s25 =	simm.s32 $0xF080;
	s24 =	sadd.s32 s3, s23  }
0x1a4: {  	s26 =	simm.s32 $0x10;
	s28 =	simm.s32 $0xF180;
	s29 =	sadd.s32 $0x0, s24  }
.LBB2_24:
0x1a5: {  	[tilespmem:s25], [sflag:$0x2] =	stream.linear.gather [hbm4b:s29+s2], $0x80, $0x38;
	[tilespmem:$0x15400] =	vst v63  }
0x1a6: {  	s29 =	smov.u32 s26;
	s25 =	smov.u32 s28;
	p0 =	sne.s32 s26, $0x310  }
.Ltmp11:
0x1a7: {  	s26 =	sadd.s32 $0x10, s26;
	(pc) =	sbr.rel @p0 .LBB2_24-.Ltmp11, $2  }
0x1a8: {  	_ =	sdelay $0x2  }
0x1a9: {  	s28 =	sadd.s32 $0x100, s28;
	s29 =	sadd.s32 s29, s24  }
0x1aa: {  	[tilespmem:s25], [sflag:$0x2] =	stream.linear.gather [hbm4b:s29+s2], $0x80, $0x38;
	[tilespmem:$0x15400] =	vst v63  }
0x1ab: {  	s23 =	sadd.s32 s4, s23;
	s24 =	simm.s32 $0x12280  }
0x1ac: {  	s25 =	simm.s32 $0x10;
	s26 =	simm.s32 $0x12380;
	s28 =	sadd.s32 $0x0, s23  }
.LBB2_26:
0x1ad: {  	[tilespmem:s24], [sflag:$0x2] =	stream.linear.gather [hbm4b:s28+s2], $0x80, $0x38;
	[tilespmem:$0x15400] =	vst v63  }
0x1ae: {  	s28 =	smov.u32 s25;
	s24 =	smov.u32 s26;
	p0 =	sne.s32 s25, $0x310  }
.Ltmp12:
0x1af: {  	s25 =	sadd.s32 $0x10, s25;
	(pc) =	sbr.rel @p0 .LBB2_26-.Ltmp12, $2  }
0x1b0: {  	_ =	sdelay $0x2  }
0x1b1: {  	s26 =	sadd.s32 $0x100, s26;
	s28 =	sadd.s32 s28, s23  }
.Ltmp13:
0x1b2: {  	(pc) =	sbr.rel .LBB2_12-.Ltmp13, $3  }
0x1b3: {  	_ =	sdelay $0x1  }
0x1b4: {  	[tilespmem:s24], [sflag:$0x2] =	stream.linear.gather [hbm4b:s28+s2], $0x80, $0x38;
	[tilespmem:$0x15400] =	vst v63  }
0x1b5: {  	s22 =	sadd.s32 $0x1, s22  }
.LBB2_28:
0x1b6: {  	s22 =	simm.s32 $0x5000  }
0x1b7: {  	s23 =	simm.s32 $0x80;
	s25 =	sadd.s32 $0x0, s12;
	s24 =	simm.s32 $0x5200  }
.LBB2_29:
0x1b8: {  	[hbm4b:s25+s2] =	stream.linear.scatter [tilespmem:s22], [sflag:$0x3], $0x100, $0x38;
	[tilespmem:$0x15400] =	vst v63  }
0x1b9: {  	s25 =	smov.u32 s23;
	s22 =	smov.u32 s24;
	p0 =	sne.s32 s23, $0x2780  }
.Ltmp14:
0x1ba: {  	s23 =	sadd.s32 $0x80, s23;
	(pc) =	sbr.rel @p0 .LBB2_29-.Ltmp14, $2  }
0x1bb: {  	_ =	sdelay $0x2  }
0x1bc: {  	s24 =	sadd.s32 $0x200, s24;
	s25 =	sadd.s32 s25, s12  }
0x1bd: {  	[hbm4b:s25+s2] =	stream.linear.scatter [tilespmem:s22], [sflag:$0x3], $0x100, $0x38;
	[tilespmem:$0x15400] =	vst v63  }
0x1be: {  	_ =	swait.ge [sflag:s17], $0x5000  }
0x1bf: {  	s22 =	simm.s32 $0x5100;
	s23 =	simm.s32 $0x80;
	[sflag:s17] =	ssyncset.done $0x0  }
0x1c0: {  	s25 =	sadd.s32 $0x0, s13;
	s24 =	simm.s32 $0x5300;
	[sflag:s17] =	ssyncadd.s32 $0xFFFFB000  }
.LBB2_31:
0x1c1: {  	[hbm4b:s25+s2] =	stream.linear.scatter [tilespmem:s22], [sflag:$0x3], $0x100, $0x38;
	[tilespmem:$0x15400] =	vst v63  }
0x1c2: {  	s25 =	smov.u32 s23;
	s22 =	smov.u32 s24;
	p0 =	sne.s32 s23, $0x2780  }
.Ltmp15:
0x1c3: {  	s23 =	sadd.s32 $0x80, s23;
	(pc) =	sbr.rel @p0 .LBB2_31-.Ltmp15, $2  }
0x1c4: {  	_ =	sdelay $0x2  }
0x1c5: {  	s24 =	sadd.s32 $0x200, s24;
	s25 =	sadd.s32 s25, s13  }
0x1c6: {  	s21 =	sadd.s32 $0x1, s21  }
0x1c7: {  	p0 =	sne.s32 s21, s14  }
.Ltmp16:
0x1c8: {  	_ = 	snop;
	(pc) =	sbr.rel @p0 .LBB2_1-.Ltmp16, $4  }
0x1c9: {  	[hbm4b:s25+s2] =	stream.linear.scatter [tilespmem:s22], [sflag:$0x3], $0x100, $0x38;
	[tilespmem:$0x15400] =	vst v63  }
0x1ca: {  	_ =	swait.ge [sflag:s17], $0x5000  }
0x1cb: {  	[sflag:s17] =	ssyncset.done $0x0  }
0x1cc: {  	[sflag:s17] =	ssyncadd.s32 $0xFFFFB000  }
0x1cd: {  	_ =	sfence.sel $0x180000  }
0x1ce: {  	[bflag:$0x0] =	sbarrier.arrive $0xFFFF  }
0x1cf: {  	p0 =	sne.s32 s1, $0x0;
	_ =	strace $0x9000004A  }
0x1d0: {  	s0 =	sadd.s32 @!p0 $0x100000, s0;
	[bflag:$0x2] =	sbarrier.arrive $0xFFFF  }
0x1d1: {  	[sflag:s0] =	ssyncadd.tile.s32 @!p0 $0x1;
	_ =	shalt  }
.Lfunc_end2:
_tile_overlayer_lowered:
.L_overlay_start_2:
0x1d2: {  	(tag) =	ssettag $0x2  }
0x1d3: {  	s0 =	rddreg [dreg:$0x0];
	s2 =	stileid.u32  }
0x1d4: {  	s1 =	rddreg [dreg:$0x1];
	p0 =	sne.s32 s2, $0x0  }
0x1d5: {  	s3 =	rddreg [dreg:$0x2];
	[bflag:$0x3] =	sbarrier.arrive $0xFFFF;
	s2 =	simm.s32 @!p0 $0x1C03  }
0x1d6: {  	[timem:s3], [sflag:s2] =	dma.local @!p0 [hbm:s0], s1  }
0x1d7: {  	s0 =	simm.s32 @!p0 $0x3  }
0x1d8: {  	_ =	swait.ge @!p0 [sflag:s0], s1  }
0x1d9: {  	s1 =	ssub.s32 @!p0 $0x0, s1;
	[sflag:s0] =	ssyncset.done @!p0 $0x0  }
0x1da: {  	[sflag:s0] =	ssyncadd.s32 @!p0 s1  }
0x1db: {  	[bflag:$0x3] =	sbarrier.arrive $0xFFFF  }
0x1dc: {  	_ =	shalt  }

// kernel: kernel.15.cloned.1.call-start
scs
__scs_entry_jumppad:
0x0: {  	(pc) =	sbr.rel $0x88, $3  }
0x1: {  	(tag) =	ssettag $0x0;
	lr =	simm.s32 $0x1  }
0x2: {  	[smem:$0x3F98] =	sst lr;
	_ =	strace $0xD0000000  }
0x3: {  	_ = 	snop  }
0x4: {  	_ = 	snop  }
0x5: {  	_ = 	snop  }
0x6: {  	_ = 	snop  }
0x7: {  	_ = 	snop  }
__scs_overlays_trampoline_lowered:
0x8: {  	[smem:$0x3FA7] =	sst s0  }
0x9: {  	[smem:$0x3FA8] =	sst s1  }
0xa: {  	[smem:$0x3FA9] =	sst s2  }
0xb: {  	[smem:$0x3FAA] =	sst s3  }
0xc: {  	[smem:$0x3FAB] =	sst s4  }
0xd: {  	[smem:$0x3FAC] =	sst s5  }
0xe: {  	[smem:$0x3FAD] =	sst s6  }
0xf: {  	[smem:$0x3FAE] =	sst s7  }
0x10: {  	[smem:$0x3FAF] =	sst s8  }
0x11: {  	[smem:$0x3FB0] =	sst s9;
	s0 =	simm.s32 @!p0 $0x0  }
0x12: {  	s1 =	sld [smem:$0x3F96];
	s0 =	simm.s32 @p0 $0x1  }
0x13: {  	[smem:$0x3FB1] =	sst s0;
	s0 =	simm.s32 @!p1 $0x0  }
0x14: {  	s2 =	sld [smem:$0x3F95];
	s0 =	simm.s32 @p1 $0x1  }
0x15: {  	[smem:$0x3FB2] =	sst s0;
	s0 =	simm.s32 @!p2 $0x0  }
0x16: {  	s3 =	sld [smem:$0x3FDB];
	s0 =	simm.s32 @p2 $0x1  }
0x17: {  	s4 =	simm.s32 $0x1BF5;
	[smem:$0x3FB4] =	sst s0  }
0x18: {  	s0 =	sld [smem:$0x3F97];
	_ =	swait.ge [sflag:s4], $0x0  }
0x19: {  	s7 =	sld [smem:$0x3F98]  }
0x1a: {  	s8 =	sadd.s32 $0xFFFFE003, lr  }
0x1b: {  	s9 =	sadd.s32 $0xFFFFFEF7, lr;
	s5 =	simm.s32 $0xFFFFFFFF;
	p2 =	slt.u32 s8, $0xFFFFF086  }
0x1c: {  	p1 =	slt.u32 s9, $0xF7A;
	s5 =	simm.s32 @!p2 $0x0  }
0x1d: {  	s5 =	simm.s32 @p1 $0x1;
	p0 =	seq.s32 s7, s2  }
0x1e: {  	s7 =	smul.u32 @!p0 $0xF7A, s2;
	p2 =	seq.s32 @!p0 s5, $0x0  }
0x1f: {  	s9 =	smul.u32 $0xF7A, s1;
	s8 =	simm.s32 @!p0 $0x1BF5;
	p2 =	por !p2, p0  }
0x20: {  	[sflag:s8] =	ssyncset.s32 @!p0 $0xFFFFF086;
	s6 =	sadd.s32 @!p0 s3, s7;
	s7 =	simm.s32 @!p0 $0x108  }
0x21: {  	s3 =	sadd.s32 s3, s9;
	s6 =	sadd.s32 @!p0 $0x88, s6;
	s7 =	simm.s32 @p2 $0x1082  }
0x22: {  	[simem:s7], [sflag:s8] =	dma.local @!p0 [hbm:s6], $0xF7A  }
0x23: {  	s9 =	sor.u32 $0xD0000000, s2;
	s6 =	simm.s32 $0x108;
	_ =	swait.ge @!p0 [sflag:s8], $0x0  }
0x24: {  	s3 =	sadd.s32 $0x88, s3;
	s6 =	simm.s32 @!p1 $0x1082;
	[sflag:s4] =	ssyncset.s32 $0xFFFFF086  }
0x25: {  	[simem:s6], [sflag:s4] =	dma.local [hbm:s3], $0xF7A  }
0x26: {  	[smem:$0x3F98] =	sst s1;
	(tag) =	ssettag s2;
	_ =	strace s9  }
0x27: {  	s1 =	sld [smem:$0x3FA8]  }
0x28: {  	s2 =	sld [smem:$0x3FA9]  }
0x29: {  	s4 =	sld [smem:$0x3FAB]  }
0x2a: {  	p0 =	seq.s32 s5, $0x0;
	s5 =	sld [smem:$0x3FAC]  }
0x2b: {  	s6 =	sld [smem:$0x3FAD]  }
0x2c: {  	s7 =	sld [smem:$0x3FAE]  }
0x2d: {  	s3 =	simm.s32 $0x108;
	s8 =	sld [smem:$0x3FAF]  }
0x2e: {  	s3 =	simm.s32 @!p0 $0x1082;
	s9 =	sld [smem:$0x3FB0]  }
0x2f: {  	lr =	sadd.s32 s0, s3;
	s0 =	sld [smem:$0x3FA7]  }
0x30: {  	s3 =	sld [smem:$0x3FAA]  }
0x31: {  	[smem:$0x3FB3] =	sst s10  }
0x32: {  	s10 =	sld [smem:$0x3FB1];
	_ =	sdelay $0x3  }
0x33: {  	p0 =	seq.s32 s10, $0x1;
	s10 =	sld [smem:$0x3FB3];
	_ =	sdelay $0x3  }
0x34: {  	[smem:$0x3FB3] =	sst s10  }
0x35: {  	s10 =	sld [smem:$0x3FB2];
	_ =	sdelay $0x3  }
0x36: {  	p1 =	seq.s32 s10, $0x1;
	s10 =	sld [smem:$0x3FB3];
	_ =	sdelay $0x3  }
0x37: {  	[smem:$0x3FB3] =	sst s10  }
0x38: {  	s10 =	sld [smem:$0x3FB4]  }
0x39: {  	_ = 	snop;
	(pc) =	sbr.ind lr, $3  }
0x3a: {  	_ = 	snop  }
0x3b: {  	_ = 	snop  }
0x3c: {  	p2 =	seq.s32 s10, $0x1;
	s10 =	sld [smem:$0x3FB3]  }
0x3d: {  	_ =	shalt  }
0x3e: {  	_ =	shalt  }
0x3f: {  	_ =	shalt  }
0x40: {  	_ =	shalt  }
0x41: {  	_ =	shalt  }
0x42: {  	_ =	shalt  }
0x43: {  	_ =	shalt  }
0x44: {  	_ =	shalt  }
0x45: {  	_ =	shalt  }
0x46: {  	_ =	shalt  }
0x47: {  	_ =	shalt  }
0x48: {  	_ =	shalt  }
0x49: {  	_ =	shalt  }
0x4a: {  	_ =	shalt  }
0x4b: {  	_ =	shalt  }
0x4c: {  	_ =	shalt  }
0x4d: {  	_ =	shalt  }
0x4e: {  	_ =	shalt  }
0x4f: {  	_ =	shalt  }
0x50: {  	_ =	shalt  }
0x51: {  	_ =	shalt  }
0x52: {  	_ =	shalt  }
0x53: {  	_ =	shalt  }
0x54: {  	_ =	shalt  }
0x55: {  	_ =	shalt  }
0x56: {  	_ =	shalt  }
0x57: {  	_ =	shalt  }
0x58: {  	_ =	shalt  }
0x59: {  	_ =	shalt  }
0x5a: {  	_ =	shalt  }
0x5b: {  	_ =	shalt  }
0x5c: {  	_ =	shalt  }
0x5d: {  	_ =	shalt  }
0x5e: {  	_ =	shalt  }
0x5f: {  	_ =	shalt  }
0x60: {  	_ =	shalt  }
0x61: {  	_ =	shalt  }
0x62: {  	_ =	shalt  }
0x63: {  	_ =	shalt  }
0x64: {  	_ =	shalt  }
0x65: {  	_ =	shalt  }
0x66: {  	_ =	shalt  }
0x67: {  	_ =	shalt  }
0x68: {  	_ =	shalt  }
0x69: {  	_ =	shalt  }
0x6a: {  	_ =	shalt  }
0x6b: {  	_ =	shalt  }
0x6c: {  	_ =	shalt  }
0x6d: {  	_ =	shalt  }
0x6e: {  	_ =	shalt  }
0x6f: {  	_ =	shalt  }
0x70: {  	_ =	shalt  }
0x71: {  	_ =	shalt  }
0x72: {  	_ =	shalt  }
0x73: {  	_ =	shalt  }
0x74: {  	_ =	shalt  }
0x75: {  	_ =	shalt  }
0x76: {  	_ =	shalt  }
0x77: {  	_ =	shalt  }
0x78: {  	_ =	shalt  }
0x79: {  	_ =	shalt  }
0x7a: {  	_ =	shalt  }
0x7b: {  	_ =	shalt  }
0x7c: {  	_ =	shalt  }
0x7d: {  	_ =	shalt  }
0x7e: {  	_ =	shalt  }
0x7f: {  	_ =	shalt  }
0x80: {  	_ =	shalt  }
0x81: {  	_ =	shalt  }
0x82: {  	_ =	shalt  }
0x83: {  	_ =	shalt  }
0x84: {  	_ =	shalt  }
0x85: {  	_ =	shalt  }
0x86: {  	_ =	shalt  }
0x87: {  	_ =	shalt  }
.Lfunc_end0:
.L_simem_size_0:
called_computation.2_lowered:
.L_overlay_start_0:
0x88: {  	s2 =	sld [smem:$0x3FD9]  }
0x89: {  	s3 =	sld [smem:$0x3FFE];
	_ =	sdelay $0x1  }
0x8a: {  	s1 =	srdreg.scid  }
0x8b: {  	s0 =	sand.u32 $0x1, s1  }
0x8c: {  	s17 =	sshll.u32 s0, $0xA;
	s2 =	sadd.s32 s3, s2  }
0x8d: {  	s2 =	sadd.s32 s2, s17  }
0x8e: {  	[smem:$0x3FBF] =	sst s2  }
0x8f: {  	_ = 	snop  }
0x90: {  	s2 =	sld [smem:$0x3FD0];
	(tm) =	ssettm $0x1  }
0x91: {  	s18 =	sld [smem:$0x3FFB];
	_ =	sdelay $0x3  }
0x92: {  	_ =	strace s18  }
0x93: {  	s3 =	sld [smem:$0x3FFC];
	_ =	sdelay $0x3  }
0x94: {  	_ =	strace s3  }
0x95: {  	s3 =	sld [smem:$0x3FFD];
	_ =	sdelay $0x3  }
0x96: {  	_ =	strace s3  }
0x97: {  	_ =	strace $0x8FFFFFFF  }
0x98: {  	s19 =	sld [smem:$0x3FDB];
	_ =	sdelay $0x1  }
0x99: {  	s4 =	simm.s32 $_scs_section_size  }
0x9a: {  	s5 =	simm.s32 $_size__tile_overlayer_lowered;
	s6 =	simm.s32 $_tile_overlayer_lowered  }
0x9b: {  	s22 =	simm.s32 $0x1BFF;
	s21 =	sshll.u32 s6, $0x1;
	s3 =	sadd.s32 s4, s19  }
0x9c: {  	s7 =	simm.s32 $0x0;
	s20 =	sshll.u32 s5, $0x1;
	s5 =	sadd.s32 s21, s3  }
0x9d: {  	[timem:s7], [sflag:s22] =	dma.local [hbm:s5], s20  }
0x9e: {  	_ =	swait.ge [sflag:s22], s20  }
0x9f: {  	s4 =	ssub.s32 $0x0, s20;
	[sflag:s22] =	ssyncset.done $0x0  }
0xa0: {  	[sflag:s22] =	ssyncadd.s32 s4;
	_ =	sdelay $0x1  }
0xa1: {  	s23 =	simm.s32 $0x1B8B  }
0xa2: {  	_ =	swait.ge [sflag:s23], $0x1  }
0xa3: {  	[sflag:s23] =	ssyncset.done $0x0  }
0xa4: {  	s25 =	simm.s32 $0x1B8E;
	s24 =	sld [smem:$0x3FFE];
	[sflag:s23] =	ssyncadd.s32 $0xFFFFFFFF  }
0xa5: {  	s26 =	simm.s32 $execute0_lowered;
	[smem:$0x3FD2] =	sst s25  }
0xa6: {  	s5 =	sshll.u32 s26, $0x1;
	_ =	strace $0x8000004C;
	[dreg:$0x1] =	wrdreg $0xFFFFFFFF  }
0xa7: {  	s28 =	simm.s32 $_size_execute0_lowered;
	s3 =	sadd.s32 s3, s5;
	[dreg:$0x0] =	wrdreg $0x0  }
0xa8: {  	s5 =	sshll.u32 s28, $0x1;
	[dreg:$0x2] =	wrdreg s3  }
0xa9: {  	[dreg:$0x3] =	wrdreg s5  }
0xaa: {  	[dreg:$0x4] =	wrdreg $0xC0  }
0xab: {  	_ =	task [dreg:s7], $0x5FFFF  }
0xac: {  	[dreg:$0x1] =	wrdreg $0xFFFFFFFF  }
0xad: {  	[dreg:$0x0] =	wrdreg $0x60  }
0xae: {  	[dreg:$0x2] =	wrdreg s2  }
0xaf: {  	[dreg:$0x3] =	wrdreg s24  }
0xb0: {  	[dreg:$0x4] =	wrdreg $0x9  }
0xb1: {  	_ =	task.clear_ibuf [dreg:s7], $0x5FFFF;
	_ =	strace $0x9000004C  }
0xb2: {  	s29 =	simm.s32 $0x9;
	_ =	strace $0x8000004E  }
0xb3: {  	_ =	swait.ge [sflag:s29], $0x1  }
0xb4: {  	[sflag:s29] =	ssyncadd.s32 $0xFFFFFFFF  }
0xb5: {  	_ =	strace $0x9000004E  }
0xb6: {  	_ =	sfence  }
0xb7: {  	s30 =	sld [smem:$0x0];
	_ =	sdelay $0x2  }
0xb8: {  	s31 =	sshll.u32 s1, $0xD;
	s1 =	sshrl.u32 s1, $0x2  }
0xb9: {  	s3 =	sand.u32 $0x4000, s31;
	s1 =	sadd.s32 s1, s30  }
0xba: {  	s0 =	sor.u32 s3, s0;
	s1 =	sshll.u32 s1, $0x11  }
0xbb: {  	s0 =	sor.u32 s1, s0  }
0xbc: {  	s0 =	sadd.s32 $0x8F2B, s0  }
0xbd: {  	[sflag:s0] =	ssyncadd.remote.s32 $0x1  }
0xbe: {  	_ =	sfence.sel $0xFFFF  }
0xbf: {  	[dreg:$0x0] =	wrdreg $0xFFFFFFFF;
	(pc) =	sbr.abs _section_cstart, $3  }
0xc0: {  	[dreg:$0x1] =	wrdreg $0xFFFFFFFF  }
0xc1: {  	_ =	task.clear_ibuf [dreg:s7], $0x2FFFF;
	_ =	strace $0x9FFFFFFF  }
0xc2: {  	(tm) =	ssettm $0x7FFFFFFF  }
0xc3: {  	_ =	shalt  }
tec
execute0_lowered:
.L_overlay_start_1:
0x0: {  	(tag) =	ssettag $0x1  }
0x1: {  	s5 =	rddreg [dreg:$0x0]  }
0x2: {  	s6 =	rddreg [dreg:$0x1]  }
0x3: {  	s0 =	rddreg [dreg:$0x2]  }
0x4: {  	s3 =	srdreg.scid;
	s1 =	stileid.u32  }
0x5: {  	s2 =	simm.s32 $0x0;
	s17 =	simm.s32 $0x3;
	s18 =	simm.s32 $0x1  }
0x6: {  	s19 =	simm.s32 $0x5000;
	s20 =	simm.s32 $0x2;
	s21 =	simm.s32 $0x0  }
0x7: {  	s7 =	sand.u32 $0x1, s3;
	s25 =	sshll.u32 s1, $0x1;
	[smem:$0x7FF] =	sst s2  }
0x8: {  	s26 =	sshrl.u32 s1, $0x1;
	s3 =	sadd.s32 $0x2B200, s6;
	s4 =	sadd.s32 $0x21400, s6  }
0x9: {  	s13 =	sadd.s32 $0x35000, s6;
	s11 =	sor.u32 s7, s25;
	_ =	strace $0x8000004D  }
0xa: {  	s8 =	smul.u32 $0x14000, s26;
	s7 =	ssub.s32 $0x2, s7;
	s9 =	sshll.u32 s11, $0x8  }
0xb: {  	s28 =	smul.u32 $0x320, s11;
	s29 =	sshrl.u32 s7, $0x1;
	s10 =	sadd.s32 $0x2, s11  }
0xc: {  	s11 =	sadd.s32 $0x3, s11;
	s9 =	sand.u32 $0x300, s9;
	s15 =	ssub.s32 s7, s29  }
0xd: {  	s12 =	sor.u32 s8, s9;
	s30 =	sadd.s32 $0x320, s28;
	s6 =	sadd.s32 s3, s28  }
0xe: {  	s7 =	sadd.s32 s4, s28;
	s14 =	sshrl.u32 s12, $0x3;
	s8 =	sadd.s32 s3, s30  }
0xf: {  	s9 =	sadd.s32 s4, s30;
	s16 =	sadd.s32 $0xA0000, s12;
	s5 =	sadd.s32 s5, s14  }
0x10: {  	s12 =	sadd.s32 s13, s14;
	s31 =	sshrl.u32 s16, $0x3;
	s14 =	smax.u32 s15, $0x1  }
0x11: {  	v0 =	vimm.f32 $0.0e+00;
	s15 =	simm.s32 $0x100;
	s16 =	simm.s32 $0x400;
	s13 =	sadd.s32 s13, s31  }
.LBB2_1:
0x12: {  	[tilespmem:s2], [sflag:$0x3] =	stream.strided.gather [hbm4b:s5+s15], $0x5000, s16, s15, $0x38;
	[tilespmem:$0x15400] =	vst v63  }
0x13: {  	_ =	swait.ge [sflag:s17], $0x5000  }
0x14: {  	[sflag:s17] =	ssyncset.done $0x0  }
0x15: {  	s22 =	simm.s32 $0x5100;
	[sflag:s17] =	ssyncadd.s32 $0xFFFFB000  }
0x16: {  	[tilespmem:s22+$0xFFFFFF00] =	vst v0  }
0x17: {  	[tilespmem:s22+$0xF0] =	vst v0  }
0x18: {  	[tilespmem:s22+$0x70] =	vst v0  }
0x19: {  	[tilespmem:s22+$0xFFFFFFF0] =	vst v0  }
0x1a: {  	[tilespmem:s22+$0xFFFFFF70] =	vst v0  }
0x1b: {  	[tilespmem:s22+$0xE0] =	vst v0  }
0x1c: {  	[tilespmem:s22+$0x60] =	vst v0  }
0x1d: {  	[tilespmem:s22+$0xFFFFFFE0] =	vst v0  }
0x1e: {  	[tilespmem:s22+$0xFFFFFF60] =	vst v0  }
0x1f: {  	[tilespmem:s22+$0xD0] =	vst v0  }
0x20: {  	[tilespmem:s22+$0x50] =	vst v0  }
0x21: {  	[tilespmem:s22+$0xFFFFFFD0] =	vst v0  }
0x22: {  	[tilespmem:s22+$0xFFFFFF50] =	vst v0  }
0x23: {  	[tilespmem:s22+$0xC0] =	vst v0  }
0x24: {  	[tilespmem:s22+$0x40] =	vst v0  }
0x25: {  	[tilespmem:s22+$0xFFFFFFC0] =	vst v0  }
0x26: {  	[tilespmem:s22+$0xFFFFFF40] =	vst v0  }
0x27: {  	[tilespmem:s22+$0xB0] =	vst v0  }
0x28: {  	[tilespmem:s22+$0x30] =	vst v0  }
0x29: {  	[tilespmem:s22+$0xFFFFFFB0] =	vst v0  }
0x2a: {  	[tilespmem:s22+$0xFFFFFF30] =	vst v0  }
0x2b: {  	[tilespmem:s22+$0xA0] =	vst v0  }
0x2c: {  	[tilespmem:s22+$0x20] =	vst v0  }
0x2d: {  	[tilespmem:s22+$0xFFFFFFA0] =	vst v0  }
0x2e: {  	[tilespmem:s22+$0xFFFFFF20] =	vst v0  }
0x2f: {  	[tilespmem:s22+$0x90] =	vst v0  }
0x30: {  	[tilespmem:s22+$0x10] =	vst v0  }
0x31: {  	[tilespmem:s22+$0xFFFFFF90] =	vst v0  }
0x32: {  	[tilespmem:s22+$0xFFFFFF10] =	vst v0  }
0x33: {  	[tilespmem:s22+$0x80] =	vst v0  }
0x34: {  	s23 =	simm.s32 $0x0;
	[tilespmem:s22+$0x0] =	vst v0  }
.LBB2_2:
0x35: {  	s23 =	sadd.s32 $0x8, s23;
	[tilespmem:s22+$0xFFFFFF80] =	vst v0;
	s22 =	sadd.s32 $0x200, s22  }
0x36: {  	[tilespmem:s22+$0xFFFFFF00] =	vst v0;
	p0 =	slt.u32 s23, $0x278  }
0x37: {  	[tilespmem:s22+$0xF0] =	vst v0  }
0x38: {  	[tilespmem:s22+$0x70] =	vst v0  }
0x39: {  	[tilespmem:s22+$0xFFFFFFF0] =	vst v0  }
0x3a: {  	[tilespmem:s22+$0xFFFFFF70] =	vst v0  }
0x3b: {  	[tilespmem:s22+$0xE0] =	vst v0  }
0x3c: {  	[tilespmem:s22+$0x60] =	vst v0  }
0x3d: {  	[tilespmem:s22+$0xFFFFFFE0] =	vst v0  }
0x3e: {  	[tilespmem:s22+$0xFFFFFF60] =	vst v0  }
0x3f: {  	[tilespmem:s22+$0xD0] =	vst v0  }
0x40: {  	[tilespmem:s22+$0x50] =	vst v0  }
0x41: {  	[tilespmem:s22+$0xFFFFFFD0] =	vst v0  }
0x42: {  	[tilespmem:s22+$0xFFFFFF50] =	vst v0  }
0x43: {  	[tilespmem:s22+$0xC0] =	vst v0  }
0x44: {  	[tilespmem:s22+$0x40] =	vst v0  }
0x45: {  	[tilespmem:s22+$0xFFFFFFC0] =	vst v0  }
0x46: {  	[tilespmem:s22+$0xFFFFFF40] =	vst v0  }
0x47: {  	[tilespmem:s22+$0xB0] =	vst v0  }
0x48: {  	[tilespmem:s22+$0x30] =	vst v0  }
0x49: {  	[tilespmem:s22+$0xFFFFFFB0] =	vst v0  }
0x4a: {  	[tilespmem:s22+$0xFFFFFF30] =	vst v0  }
0x4b: {  	[tilespmem:s22+$0xA0] =	vst v0  }
0x4c: {  	[tilespmem:s22+$0x20] =	vst v0  }
0x4d: {  	[tilespmem:s22+$0xFFFFFFA0] =	vst v0  }
0x4e: {  	[tilespmem:s22+$0xFFFFFF20] =	vst v0  }
0x4f: {  	[tilespmem:s22+$0x90] =	vst v0  }
.Ltmp0:
0x50: {  	[tilespmem:s22+$0x10] =	vst v0;
	(pc) =	sbr.rel @p0 .LBB2_2-.Ltmp0, $4  }
0x51: {  	[tilespmem:s22+$0xFFFFFF90] =	vst v0  }
0x52: {  	[tilespmem:s22+$0xFFFFFF10] =	vst v0  }
0x53: {  	[tilespmem:s22+$0x80] =	vst v0  }
0x54: {  	[tilespmem:s22+$0x0] =	vst v0  }
0x55: {  	s23 =	simm.s32 $0xF000  }
0x56: {  	[tilespmem:s22+$0xFFFFFF80] =	vst v0;
	s22 =	simm.s32 $0x10;
	s25 =	sadd.s32 $0x0, s6;
	s24 =	simm.s32 $0xF100  }
.LBB2_4:
0x57: {  	[tilespmem:s23], [sflag:$0x1] =	stream.linear.gather [hbm4b:s25+s2], $0x80, $0x38;
	[tilespmem:$0x15400] =	vst v63  }
0x58: {  	s25 =	smov.u32 s22;
	s23 =	smov.u32 s24;
	p0 =	sne.s32 s22, $0x310  }
.Ltmp1:
0x59: {  	s22 =	sadd.s32 $0x10, s22;
	(pc) =	sbr.rel @p0 .LBB2_4-.Ltmp1, $2  }
0x5a: {  	_ =	sdelay $0x2  }
0x5b: {  	s24 =	sadd.s32 $0x100, s24;
	s25 =	sadd.s32 s25, s6  }
0x5c: {  	[tilespmem:s23], [sflag:$0x1] =	stream.linear.gather [hbm4b:s25+s2], $0x80, $0x38;
	[tilespmem:$0x15400] =	vst v63  }
0x5d: {  	s22 =	simm.s32 $0x12200  }
0x5e: {  	s23 =	simm.s32 $0x10;
	s25 =	sadd.s32 $0x0, s7;
	s24 =	simm.s32 $0x12300  }
.LBB2_6:
0x5f: {  	[tilespmem:s22], [sflag:$0x1] =	stream.linear.gather [hbm4b:s25+s2], $0x80, $0x38;
	[tilespmem:$0x15400] =	vst v63  }
0x60: {  	s25 =	smov.u32 s23;
	s22 =	smov.u32 s24;
	p0 =	sne.s32 s23, $0x310  }
.Ltmp2:
0x61: {  	s23 =	sadd.s32 $0x10, s23;
	(pc) =	sbr.rel @p0 .LBB2_6-.Ltmp2, $2  }
0x62: {  	_ =	sdelay $0x2  }
0x63: {  	s24 =	sadd.s32 $0x100, s24;
	s25 =	sadd.s32 s25, s7  }
0x64: {  	[tilespmem:s22], [sflag:$0x1] =	stream.linear.gather [hbm4b:s25+s2], $0x80, $0x38;
	[tilespmem:$0x15400] =	vst v63  }
0x65: {  	s22 =	simm.s32 $0xF080  }
0x66: {  	s23 =	simm.s32 $0x10;
	s25 =	sadd.s32 $0x0, s8;
	s24 =	simm.s32 $0xF180  }
.LBB2_8:
0x67: {  	[tilespmem:s22], [sflag:$0x2] =	stream.linear.gather [hbm4b:s25+s2], $0x80, $0x38;
	[tilespmem:$0x15400] =	vst v63  }
0x68: {  	s25 =	smov.u32 s23;
	s22 =	smov.u32 s24;
	p0 =	sne.s32 s23, $0x310  }
.Ltmp3:
0x69: {  	s23 =	sadd.s32 $0x10, s23;
	(pc) =	sbr.rel @p0 .LBB2_8-.Ltmp3, $2  }
0x6a: {  	_ =	sdelay $0x2  }
0x6b: {  	s24 =	sadd.s32 $0x100, s24;
	s25 =	sadd.s32 s25, s8  }
0x6c: {  	[tilespmem:s22], [sflag:$0x2] =	stream.linear.gather [hbm4b:s25+s2], $0x80, $0x38;
	[tilespmem:$0x15400] =	vst v63  }
0x6d: {  	s22 =	simm.s32 $0x0;
	s23 =	simm.s32 $0x12280  }
0x6e: {  	s24 =	simm.s32 $0x10;
	s26 =	sadd.s32 $0x0, s9;
	s25 =	simm.s32 $0x12380  }
.LBB2_10:
0x6f: {  	[tilespmem:s23], [sflag:$0x2] =	stream.linear.gather [hbm4b:s26+s22], $0x80, $0x38;
	[tilespmem:$0x15400] =	vst v63  }
0x70: {  	s26 =	smov.u32 s24;
	s23 =	smov.u32 s25;
	p0 =	sne.s32 s24, $0x310  }
.Ltmp4:
0x71: {  	s24 =	sadd.s32 $0x10, s24;
	(pc) =	sbr.rel @p0 .LBB2_10-.Ltmp4, $2  }
0x72: {  	_ =	sdelay $0x2  }
0x73: {  	s25 =	sadd.s32 $0x100, s25;
	s26 =	sadd.s32 s26, s9  }
0x74: {  	[tilespmem:s23], [sflag:$0x2] =	stream.linear.gather [hbm4b:s26+s22], $0x80, $0x38;
	[tilespmem:$0x15400] =	vst v63  }
.LBB2_12:
0x75: {  	_ =	swait.ge [sflag:s18], $0x1900  }
0x76: {  	[sflag:s18] =	ssyncset.done $0x0  }
0x77: {  	[sflag:s18] =	ssyncadd.s32 $0xFFFFE700  }
0x78: {  	_ =	swait.ge [sflag:s18], $0x1900  }
0x79: {  	s23 =	simm.s32 $0xFFFFFFF0;
	[sflag:s18] =	ssyncset.done $0x0  }
0x7a: {  	s24 =	simm.s32 $0x12300;
	s25 =	simm.s32 $0xF100;
	[sflag:s18] =	ssyncadd.s32 $0xFFFFE700  }
.LBB2_13:
0x7b: {  	v1 =	vld [tilespmem:s25+$0xFFFFFF00];
	_ =	sdelay $0x4  }
0x7c: {  	v6 =	vld [tilespmem:s25+$0xFFFFFF20];
	v2 =	vshra.s32 v1, $0xE  }
0x7d: {  	v8 =	vld [tilespmem:s24+$0xFFFFFF00];
	v3 =	vshll.u32 v2, $0x1  }
0x7e: {  	v10 =	vld [tilespmem:s25+$0xFFFFFF30];
	v2 =	vand.u32 $0x7F, v2;
	v3 =	vand.u32 $0xFFFFFF00, v3  }
0x7f: {  	v2 =	vor.u32 v2, v3;
	v3 =	vld [tilespmem:s25+$0xFFFFFF10]  }
0x80: {  	v60 =	vld [tilespmem:s24+$0xFFFFFF10]  }
0x81: {  	v23 =	vld [tilespmem:s24+$0xFFFFFF20];
	v9 =	vshll.u32 v1, $0x2;
	v11 =	vshra.s32 v6, $0xE  }
0x82: {  	v18 =	vld [tilespmem:s24+$0xFFFFFF30];
	v1 =	vand.u32 $0x7F, v1;
	v9 =	vand.u32 $0xFE00, v9;
	v59 =	vshll.u32 v11, $0x1  }
0x83: {  	v30 =	vld [tilespmem:s25+$0xFFFFFF40];
	v11 =	vand.u32 $0x7F, v11;
	v1 =	vor.u32 v1, v9;
	v9 =	vand.u32 $0xFFFFFF00, v59  }
0x84: {  	v40 =	vld [tilespmem:s25+$0xFFFFFF50];
	v9 =	vor.u32 v11, v9;
	v5 =	vshra.s32 v3, $0xE  }
0x85: {  	v43 =	vld [tilespmem:s25+$0xFFFFFF60];
	v15 =	vshra.s32 v10, $0xE;
	v7 =	vshll.u32 v5, $0x1  }
0x86: {  	v16 =	vshll.u32 v15, $0x1;
	v4 =	vld.idx.msk [tilespmem:v2+s2+$0x0], $0xffff;
	v5 =	vand.u32 $0x7F, v5;
	v7 =	vand.u32 $0xFFFFFF00, v7  }
0x87: {  	v48 =	vld [tilespmem:s24+$0xFFFFFF40];
	v61 =	vand.u32 $0x7F, v15;
	v62 =	vand.u32 $0xFFFFFF00, v16;
	v5 =	vor.u32 v5, v7  }
0x88: {  	v50 =	vld [tilespmem:s25+$0xFFFFFF70];
	v63 =	vor.u32 v61, v62  }
0x89: {  	v24 =	vshll.u32 v6, $0x2;
	v6 =	vand.u32 $0x7F, v6;
	v19 =	vshll.u32 v10, $0x2;
	v21 =	vld.idx.msk [tilespmem:v9+s2+$0x0], $0xffff  }
0x8a: {  	v56 =	vld [tilespmem:s24+$0xFFFFFF50];
	v10 =	vand.u32 $0x7F, v10;
	v25 =	vand.u32 $0xFE00, v24;
	v12 =	vor.u32 $0x100, v1  }
0x8b: {  	v6 =	vor.u32 v6, v25;
	v62 =	vld [tilespmem:s24+$0xFFFFFF70];
	v2 =	vor.u32 $0x80, v2;
	v58 =	vshll.u32 v4, $0x10  }
0x8c: {  	v17 =	vor.u32 $0x100, v6;
	v4 =	vand.u32 $0xFFFF0000, v4;
	v7 =	vmul.f32 v58, v8;
	v13 =	vld.idx.msk [tilespmem:v5+s2+$0x0], $0xffff  }
0x8d: {  	v14 =	vshll.u32 v3, $0x2;
	v3 =	vand.u32 $0x7F, v3;
	v26 =	vld.idx.msk [tilespmem:v63+s2+$0x0], $0xffff;
	v4 =	vmul.f32 v4, v8  }
0x8e: {  	v9 =	vor.u32 $0x80, v9;
	v14 =	vand.u32 $0xFE00, v14;
	v27 =	vshll.u32 v21, $0x10;
	[tilespmem:v1+s19+$0x0] =	vst.idx.add.f32.msk $0xffff, v7  }
0x8f: {  	v3 =	vor.u32 v3, v14;
	v29 =	vmul.f32 v27, v23;
	[tilespmem:v12+s19+$0x0] =	vst.idx.add.f32.msk $0xffff, v4;
	v12 =	vand.u32 $0xFFFF0000, v21  }
0x90: {  	v28 =	vand.u32 $0xFE00, v19;
	v22 =	vor.u32 $0x100, v3;
	v2 =	vld.idx.msk [tilespmem:v2+s2+$0x0], $0xffff;
	v12 =	vmul.f32 v12, v23  }
0x91: {  	v10 =	vor.u32 v10, v28;
	[tilespmem:v6+s19+$0x0] =	vst.idx.add.f32.msk $0xffff, v29;
	v20 =	vshll.u32 v13, $0x10  }
0x92: {  	v5 =	vor.u32 $0x80, v5;
	[tilespmem:v17+s19+$0x0] =	vst.idx.add.f32.msk $0xffff, v12;
	v13 =	vand.u32 $0xFFFF0000, v13;
	v7 =	vmul.f32 v20, v60  }
0x93: {  	v33 =	vor.u32 $0x80, v1;
	v31 =	vshll.u32 v26, $0x10;
	v9 =	vld.idx.msk [tilespmem:v9+s2+$0x0], $0xffff;
	v13 =	vmul.f32 v13, v60  }
0x94: {  	v37 =	vshra.s32 v30, $0xE;
	v32 =	vmul.f32 v31, v18;
	v1 =	vor.u32 $0x180, v1;
	[tilespmem:v3+s19+$0x0] =	vst.idx.add.f32.msk $0xffff, v7  }
0x95: {  	v44 =	vshra.s32 v40, $0xE;
	v34 =	vshll.u32 v2, $0x10;
	[tilespmem:v22+s19+$0x0] =	vst.idx.add.f32.msk $0xffff, v13;
	v13 =	vor.u32 $0x100, v10  }
0x96: {  	v49 =	vshll.u32 v30, $0x2;
	[tilespmem:v10+s19+$0x0] =	vst.idx.add.f32.msk $0xffff, v32;
	v2 =	vand.u32 $0xFFFF0000, v2;
	v35 =	vmul.f32 v34, v8  }
0x97: {  	v4 =	vor.u32 $0x80, v63;
	v7 =	vand.u32 $0xFFFF0000, v26;
	v2 =	vmul.f32 v2, v8;
	v5 =	vld.idx.msk [tilespmem:v5+s2+$0x0], $0xffff  }
0x98: {  	v39 =	vshll.u32 v37, $0x1;
	v42 =	vor.u32 $0x80, v6;
	v7 =	vmul.f32 v7, v18;
	[tilespmem:v33+s19+$0x0] =	vst.idx.add.f32.msk $0xffff, v35  }
0x99: {  	v36 =	vor.u32 $0x80, v3;
	v6 =	vor.u32 $0x180, v6;
	v3 =	vor.u32 $0x180, v3;
	[tilespmem:v1+s19+$0x0] =	vst.idx.add.f32.msk $0xffff, v2  }
0x9a: {  	v2 =	vshll.u32 v9, $0x10;
	[tilespmem:v13+s19+$0x0] =	vst.idx.add.f32.msk $0xffff, v7;
	v7 =	vand.u32 $0x7F, v37;
	v13 =	vand.u32 $0xFFFFFF00, v39  }
0x9b: {  	v21 =	vld [tilespmem:s25+$0x0];
	v41 =	vand.u32 $0xFFFF0000, v9;
	v2 =	vmul.f32 v2, v23;
	v7 =	vor.u32 v7, v13  }
0x9c: {  	v38 =	vshll.u32 v5, $0x10;
	v4 =	vld.idx.msk [tilespmem:v4+s2+$0x0], $0xffff;
	v1 =	vand.u32 $0xFFFF0000, v5;
	v5 =	vmul.f32 v41, v23  }
0x9d: {  	v51 =	vshra.s32 v43, $0xE;
	v47 =	vshll.u32 v44, $0x1;
	[tilespmem:v42+s19+$0x0] =	vst.idx.add.f32.msk $0xffff, v2;
	v8 =	vmul.f32 v38, v60  }
0x9e: {  	v15 =	vand.u32 $0xFE00, v49;
	v53 =	vshll.u32 v51, $0x1;
	v45 =	vor.u32 $0x80, v10;
	[tilespmem:v6+s19+$0x0] =	vst.idx.add.f32.msk $0xffff, v5  }
0x9f: {  	v1 =	vmul.f32 v1, v60;
	v6 =	vand.u32 $0xFFFFFF00, v53;
	[tilespmem:v36+s19+$0x0] =	vst.idx.add.f32.msk $0xffff, v8;
	v8 =	vand.u32 $0x7F, v51  }
0xa0: {  	v10 =	vor.u32 $0x180, v10;
	v13 =	vand.u32 $0xFFFFFF00, v47;
	v6 =	vor.u32 v8, v6;
	v46 =	vld.idx.msk [tilespmem:v7+s2+$0x0], $0xffff  }
0xa1: {  	[tilespmem:v3+s19+$0x0] =	vst.idx.add.f32.msk $0xffff, v1;
	v1 =	vshll.u32 v4, $0x10;
	v3 =	vand.u32 $0xFFFF0000, v4;
	v4 =	vand.u32 $0x7F, v44  }
0xa2: {  	v16 =	vand.u32 $0x7F, v30;
	v41 =	vld [tilespmem:s25+$0x10];
	v4 =	vor.u32 v4, v13;
	v1 =	vmul.f32 v1, v18  }
0xa3: {  	v2 =	vor.u32 v16, v15;
	v60 =	vld [tilespmem:s24+$0xFFFFFF60];
	v3 =	vmul.f32 v3, v18  }
0xa4: {  	v55 =	vshra.s32 v50, $0xE;
	v52 =	vor.u32 $0x100, v2;
	[tilespmem:v45+s19+$0x0] =	vst.idx.add.f32.msk $0xffff, v1  }
0xa5: {  	v57 =	vshll.u32 v40, $0x2;
	v61 =	vshll.u32 v43, $0x2;
	[tilespmem:v10+s19+$0x0] =	vst.idx.add.f32.msk $0xffff, v3;
	v1 =	vshll.u32 v46, $0x10  }
0xa6: {  	v7 =	vor.u32 $0x80, v7;
	v58 =	vld.idx.msk [tilespmem:v6+s2+$0x0], $0xffff;
	v3 =	vand.u32 $0xFFFF0000, v46;
	v1 =	vmul.f32 v1, v48  }
0xa7: {  	v20 =	vshll.u32 v50, $0x2;
	v26 =	vand.u32 $0x7F, v50;
	v3 =	vmul.f32 v3, v48;
	v54 =	vld.idx.msk [tilespmem:v4+s2+$0x0], $0xffff  }
0xa8: {  	v9 =	vand.u32 $0x7F, v43;
	v16 =	vand.u32 $0xFE00, v61;
	[tilespmem:v2+s19+$0x0] =	vst.idx.add.f32.msk $0xffff, v1;
	v1 =	vshll.u32 v55, $0x1  }
0xa9: {  	v9 =	vor.u32 v9, v16;
	[tilespmem:v52+s19+$0x0] =	vst.idx.add.f32.msk $0xffff, v3;
	v3 =	vand.u32 $0x7F, v55;
	v1 =	vand.u32 $0xFFFFFF00, v1  }
0xaa: {  	v51 =	vld [tilespmem:s24+$0x0];
	v10 =	vand.u32 $0xFE00, v57;
	v1 =	vor.u32 v3, v1;
	v3 =	vand.u32 $0x7F, v40  }
0xab: {  	v47 =	vshra.s32 v41, $0xE;
	v24 =	vshll.u32 v58, $0x10;
	v7 =	vld.idx.msk [tilespmem:v7+s2+$0x0], $0xffff;
	v3 =	vor.u32 v3, v10  }
0xac: {  	v49 =	vshll.u32 v47, $0x1;
	v50 =	vand.u32 $0x7F, v47;
	v47 =	vld [tilespmem:s25+$0x50];
	v29 =	vmul.f32 v24, v60  }
0xad: {  	v34 =	vshra.s32 v21, $0xE;
	v59 =	vshll.u32 v54, $0x10;
	v8 =	vand.u32 $0xFFFF0000, v54;
	v54 =	vld [tilespmem:s25+$0x30]  }
0xae: {  	v35 =	vor.u32 $0x80, v2;
	v10 =	vor.u32 $0x100, v3;
	v12 =	vmul.f32 v59, v56;
	[tilespmem:v9+s19+$0x0] =	vst.idx.add.f32.msk $0xffff, v29  }
0xaf: {  	v25 =	vor.u32 $0x100, v9;
	v36 =	vshll.u32 v34, $0x1;
	v4 =	vor.u32 $0x80, v4;
	v63 =	vld.idx.msk [tilespmem:v1+s2+$0x0], $0xffff  }
0xb0: {  	v8 =	vmul.f32 v8, v56;
	v39 =	vshll.u32 v7, $0x10;
	v7 =	vand.u32 $0xFFFF0000, v7;
	[tilespmem:v3+s19+$0x0] =	vst.idx.add.f32.msk $0xffff, v12  }
0xb1: {  	v38 =	vand.u32 $0xFFFFFF00, v36;
	v40 =	vmul.f32 v39, v48;
	v7 =	vmul.f32 v7, v48;
	v48 =	vld [tilespmem:s25+$0x20]  }
0xb2: {  	v24 =	vshra.s32 v54, $0xE;
	v36 =	vshll.u32 v54, $0x2;
	v17 =	vand.u32 $0x7F, v54;
	v54 =	vld [tilespmem:s25+$0x60]  }
0xb3: {  	v27 =	vand.u32 $0xFE00, v20;
	v2 =	vor.u32 $0x180, v2;
	[tilespmem:v10+s19+$0x0] =	vst.idx.add.f32.msk $0xffff, v8  }
0xb4: {  	v6 =	vor.u32 $0x80, v6;
	v28 =	vand.u32 $0xFFFF0000, v58;
	v19 =	vand.u32 $0xFE00, v36;
	v36 =	vld [tilespmem:s24+$0x50]  }
0xb5: {  	v30 =	vor.u32 v26, v27;
	v8 =	vmul.f32 v28, v60;
	v4 =	vld.idx.msk [tilespmem:v4+s2+$0x0], $0xffff  }
0xb6: {  	v12 =	vor.u32 $0x100, v30;
	[tilespmem:v35+s19+$0x0] =	vst.idx.add.f32.msk $0xffff, v40  }
0xb7: {  	v1 =	vor.u32 $0x80, v1;
	[tilespmem:v25+s19+$0x0] =	vst.idx.add.f32.msk $0xffff, v8;
	v31 =	vshll.u32 v63, $0x10  }
0xb8: {  	v42 =	vor.u32 $0x80, v3;
	[tilespmem:v2+s19+$0x0] =	vst.idx.add.f32.msk $0xffff, v7;
	v32 =	vand.u32 $0xFFFF0000, v63;
	v33 =	vmul.f32 v31, v62  }
0xb9: {  	v3 =	vor.u32 $0x180, v3;
	v6 =	vld.idx.msk [tilespmem:v6+s2+$0x0], $0xffff;
	v13 =	vmul.f32 v32, v62  }
0xba: {  	v37 =	vand.u32 $0x7F, v34;
	[tilespmem:v30+s19+$0x0] =	vst.idx.add.f32.msk $0xffff, v33;
	v43 =	vshll.u32 v4, $0x10  }
0xbb: {  	v8 =	vor.u32 v37, v38;
	v4 =	vand.u32 $0xFFFF0000, v4;
	[tilespmem:v12+s19+$0x0] =	vst.idx.add.f32.msk $0xffff, v13;
	v2 =	vmul.f32 v43, v56  }
0xbc: {  	v11 =	vor.u32 $0x180, v30;
	v4 =	vmul.f32 v4, v56;
	v1 =	vld.idx.msk [tilespmem:v1+s2+$0x0], $0xffff  }
0xbd: {  	v53 =	vshll.u32 v21, $0x2;
	v45 =	vor.u32 $0x80, v9;
	v13 =	vand.u32 $0xFFFFFF00, v49;
	[tilespmem:v42+s19+$0x0] =	vst.idx.add.f32.msk $0xffff, v2  }
0xbe: {  	v23 =	vshll.u32 v41, $0x2;
	v55 =	vand.u32 $0x7F, v21;
	[tilespmem:v3+s19+$0x0] =	vst.idx.add.f32.msk $0xffff, v4;
	v4 =	vor.u32 v50, v13  }
0xbf: {  	v37 =	vld [tilespmem:s25+$0x40];
	v57 =	vshra.s32 v48, $0xE;
	v44 =	vshll.u32 v6, $0x10;
	v3 =	vor.u32 $0x80, v30  }
0xc0: {  	v9 =	vor.u32 $0x180, v9;
	v59 =	vshll.u32 v57, $0x1;
	v46 =	vld.idx.msk [tilespmem:v8+s2+$0x0], $0xffff;
	v5 =	vmul.f32 v44, v60  }
0xc1: {  	v25 =	vand.u32 $0xFE00, v23;
	v63 =	vld [tilespmem:s24+$0x10];
	v7 =	vand.u32 $0xFFFFFF00, v59;
	v2 =	vshll.u32 v1, $0x10  }
0xc2: {  	v56 =	vand.u32 $0xFE00, v53;
	v6 =	vand.u32 $0xFFFF0000, v6;
	[tilespmem:v45+s19+$0x0] =	vst.idx.add.f32.msk $0xffff, v5;
	v2 =	vmul.f32 v2, v62  }
0xc3: {  	v6 =	vmul.f32 v6, v60;
	v5 =	vor.u32 v55, v56;
	v1 =	vand.u32 $0xFFFF0000, v1;
	v61 =	vld.idx.msk [tilespmem:v4+s2+$0x0], $0xffff  }
0xc4: {  	v1 =	vmul.f32 v1, v62;
	[tilespmem:v3+s19+$0x0] =	vst.idx.add.f32.msk $0xffff, v2;
	v2 =	vor.u32 $0x100, v5;
	v3 =	vand.u32 $0x7F, v57  }
0xc5: {  	v31 =	vld [tilespmem:s24+$0x20];
	v52 =	vshll.u32 v46, $0x10;
	v58 =	vand.u32 $0xFFFF0000, v46;
	v3 =	vor.u32 v3, v7  }
0xc6: {  	v60 =	vmul.f32 v52, v51;
	v62 =	vor.u32 $0x80, v8;
	[tilespmem:v11+s19+$0x0] =	vst.idx.add.f32.msk $0xffff, v1;
	v1 =	vand.u32 $0x7F, v41  }
0xc7: {  	v26 =	vshll.u32 v24, $0x1;
	[tilespmem:v9+s19+$0x0] =	vst.idx.add.f32.msk $0xffff, v6;
	v6 =	vmul.f32 v58, v51;
	v27 =	vor.u32 v1, v25  }
0xc8: {  	v28 =	vand.u32 $0xFFFFFF00, v26;
	[tilespmem:v5+s19+$0x0] =	vst.idx.add.f32.msk $0xffff, v60;
	v1 =	vand.u32 $0x7F, v24  }
0xc9: {  	[tilespmem:v2+s19+$0x0] =	vst.idx.add.f32.msk $0xffff, v6;
	v2 =	vor.u32 v1, v28;
	v1 =	vshll.u32 v61, $0x10  }
0xca: {  	v32 =	vshll.u32 v48, $0x2;
	v30 =	vor.u32 $0x100, v27;
	v29 =	vld.idx.msk [tilespmem:v3+s2+$0x0], $0xffff;
	v1 =	vmul.f32 v1, v63  }
0xcb: {  	v43 =	vshra.s32 v37, $0xE;
	v13 =	vand.u32 $0xFE00, v32;
	v7 =	vld.idx.msk [tilespmem:v62+s2+$0x0], $0xffff  }
0xcc: {  	v4 =	vor.u32 $0x80, v4;
	v10 =	vand.u32 $0xFFFF0000, v61;
	[tilespmem:v27+s19+$0x0] =	vst.idx.add.f32.msk $0xffff, v1;
	v1 =	vand.u32 $0x7F, v48  }
0xcd: {  	v26 =	vand.u32 $0x7F, v37;
	v10 =	vmul.f32 v10, v63;
	v61 =	vld [tilespmem:s25+$0x70];
	v13 =	vor.u32 v1, v13  }
0xce: {  	v56 =	vshra.s32 v47, $0xE;
	v42 =	vor.u32 $0x80, v5;
	v46 =	vshll.u32 v43, $0x1;
	v1 =	vld [tilespmem:s24+$0x30]  }
0xcf: {  	v59 =	vshll.u32 v56, $0x1;
	v5 =	vor.u32 $0x180, v5;
	[tilespmem:v30+s19+$0x0] =	vst.idx.add.f32.msk $0xffff, v10;
	v34 =	vshll.u32 v29, $0x10  }
0xd0: {  	v33 =	vld.idx.msk [tilespmem:v2+s2+$0x0], $0xffff;
	v35 =	vor.u32 $0x100, v13;
	v44 =	vshll.u32 v7, $0x10;
	v38 =	vmul.f32 v34, v31  }
0xd1: {  	v11 =	vor.u32 v17, v19;
	v17 =	vand.u32 $0x7F, v43;
	v4 =	vld.idx.msk [tilespmem:v4+s2+$0x0], $0xffff;
	v18 =	vmul.f32 v44, v51  }
0xd2: {  	v43 =	vshll.u32 v54, $0x2;
	v3 =	vor.u32 $0x80, v3;
	v6 =	vand.u32 $0xFFFF0000, v29;
	[tilespmem:v13+s19+$0x0] =	vst.idx.add.f32.msk $0xffff, v38  }
0xd3: {  	v40 =	vor.u32 $0x100, v11;
	v7 =	vand.u32 $0xFFFF0000, v7;
	v6 =	vmul.f32 v6, v31;
	[tilespmem:v42+s19+$0x0] =	vst.idx.add.f32.msk $0xffff, v18  }
0xd4: {  	v25 =	vshra.s32 v54, $0xE;
	v52 =	vor.u32 $0x180, v27;
	v7 =	vmul.f32 v7, v51;
	v42 =	vld [tilespmem:s24+$0x60]  }
0xd5: {  	v51 =	vor.u32 $0x80, v27;
	v39 =	vshll.u32 v33, $0x10;
	[tilespmem:v35+s19+$0x0] =	vst.idx.add.f32.msk $0xffff, v6;
	v15 =	vand.u32 $0xFFFF0000, v33  }
0xd6: {  	v49 =	vshll.u32 v4, $0x10;
	[tilespmem:v5+s19+$0x0] =	vst.idx.add.f32.msk $0xffff, v7;
	v45 =	vmul.f32 v15, v1;
	v15 =	vand.u32 $0xFFFFFF00, v46  }
0xd7: {  	v4 =	vand.u32 $0xFFFF0000, v4;
	v41 =	vmul.f32 v39, v1;
	v3 =	vld.idx.msk [tilespmem:v3+s2+$0x0], $0xffff;
	v48 =	vor.u32 v17, v15  }
0xd8: {  	v28 =	vshll.u32 v25, $0x1;
	v50 =	vmul.f32 v49, v63;
	v4 =	vmul.f32 v4, v63;
	v63 =	vld [tilespmem:s24+$0x40]  }
0xd9: {  	v30 =	vand.u32 $0xFFFFFF00, v28;
	v2 =	vor.u32 $0x80, v2;
	v29 =	vand.u32 $0x7F, v25;
	[tilespmem:v11+s19+$0x0] =	vst.idx.add.f32.msk $0xffff, v41  }
0xda: {  	v24 =	vshll.u32 v37, $0x2;
	v57 =	vor.u32 $0x80, v13;
	v5 =	vor.u32 v29, v30;
	[tilespmem:v51+s19+$0x0] =	vst.idx.add.f32.msk $0xffff, v50  }
0xdb: {  	v13 =	vor.u32 $0x180, v13;
	v7 =	vand.u32 $0x7F, v56;
	v17 =	vand.u32 $0xFFFFFF00, v59;
	[tilespmem:v40+s19+$0x0] =	vst.idx.add.f32.msk $0xffff, v45  }
0xdc: {  	v7 =	vor.u32 v7, v17;
	v53 =	vshll.u32 v3, $0x10;
	v3 =	vand.u32 $0xFFFF0000, v3;
	v58 =	vld.idx.msk [tilespmem:v48+s2+$0x0], $0xffff  }
0xdd: {  	[tilespmem:v52+s19+$0x0] =	vst.idx.add.f32.msk $0xffff, v4;
	v55 =	vmul.f32 v53, v31;
	v3 =	vmul.f32 v3, v31;
	v31 =	vshra.s32 v61, $0xE  }
0xde: {  	v37 =	vshll.u32 v47, $0x2;
	v27 =	vand.u32 $0xFE00, v24;
	v2 =	vld.idx.msk [tilespmem:v2+s2+$0x0], $0xffff;
	v33 =	vshll.u32 v31, $0x1  }
0xdf: {  	v4 =	vor.u32 v26, v27;
	v39 =	vld.idx.msk [tilespmem:v5+s2+$0x0], $0xffff;
	v8 =	vand.u32 $0x7F, v31;
	v35 =	vand.u32 $0xFFFFFF00, v33  }
0xe0: {  	v23 =	vor.u32 $0x80, v11;
	v14 =	vand.u32 $0xFE00, v37;
	[tilespmem:v57+s19+$0x0] =	vst.idx.add.f32.msk $0xffff, v55;
	v8 =	vor.u32 v8, v35  }
0xe1: {  	v44 =	vand.u32 $0x7F, v54;
	v45 =	vand.u32 $0xFE00, v43;
	[tilespmem:v13+s19+$0x0] =	vst.idx.add.f32.msk $0xffff, v3;
	v3 =	vshll.u32 v58, $0x10  }
0xe2: {  	v22 =	vshll.u32 v61, $0x2;
	v10 =	vor.u32 v44, v45;
	v32 =	vld.idx.msk [tilespmem:v7+s2+$0x0], $0xffff;
	v3 =	vmul.f32 v3, v63  }
0xe3: {  	v49 =	vld [tilespmem:s24+$0x70];
	v6 =	vor.u32 $0x80, v48;
	v34 =	vor.u32 $0x100, v4;
	v60 =	vshll.u32 v2, $0x10  }
0xe4: {  	v50 =	vshll.u32 v39, $0x10;
	v62 =	vmul.f32 v60, v1;
	[tilespmem:v4+s19+$0x0] =	vst.idx.add.f32.msk $0xffff, v3;
	v3 =	vand.u32 $0x7F, v47  }
0xe5: {  	v52 =	vmul.f32 v50, v42;
	v38 =	vand.u32 $0xFFFF0000, v58;
	v47 =	vld.idx.msk [tilespmem:v8+s2+$0x0], $0xffff;
	v3 =	vor.u32 v3, v14  }
0xe6: {  	v21 =	vand.u32 $0x7F, v61;
	[tilespmem:v23+s19+$0x0] =	vst.idx.add.f32.msk $0xffff, v62;
	v12 =	vmul.f32 v38, v63;
	v41 =	vor.u32 $0x100, v3  }
0xe7: {  	v22 =	vand.u32 $0xFE00, v22;
	v7 =	vor.u32 $0x80, v7;
	v40 =	vshll.u32 v32, $0x10;
	[tilespmem:v10+s19+$0x0] =	vst.idx.add.f32.msk $0xffff, v52  }
0xe8: {  	v53 =	vor.u32 v21, v22;
	v9 =	vand.u32 $0xFFFF0000, v32;
	v46 =	vmul.f32 v40, v36;
	[tilespmem:v34+s19+$0x0] =	vst.idx.add.f32.msk $0xffff, v12  }
0xe9: {  	v48 =	vor.u32 $0x100, v10;
	v9 =	vmul.f32 v9, v36;
	v6 =	vld.idx.msk [tilespmem:v6+s2+$0x0], $0xffff  }
0xea: {  	v5 =	vor.u32 $0x80, v5;
	v54 =	vshll.u32 v47, $0x10;
	[tilespmem:v3+s19+$0x0] =	vst.idx.add.f32.msk $0xffff, v46  }
0xeb: {  	v55 =	vor.u32 $0x100, v53;
	v51 =	vand.u32 $0xFFFF0000, v39;
	v56 =	vmul.f32 v54, v49;
	[tilespmem:v41+s19+$0x0] =	vst.idx.add.f32.msk $0xffff, v9  }
0xec: {  	v8 =	vor.u32 $0x80, v8;
	v9 =	vmul.f32 v51, v42;
	v7 =	vld.idx.msk [tilespmem:v7+s2+$0x0], $0xffff  }
0xed: {  	v11 =	vor.u32 $0x180, v11;
	v12 =	vand.u32 $0xFFFF0000, v47;
	[tilespmem:v53+s19+$0x0] =	vst.idx.add.f32.msk $0xffff, v56  }
0xee: {  	v57 =	vor.u32 $0x80, v4;
	v12 =	vmul.f32 v12, v49;
	[tilespmem:v48+s19+$0x0] =	vst.idx.add.f32.msk $0xffff, v9  }
0xef: {  	v2 =	vand.u32 $0xFFFF0000, v2;
	v4 =	vor.u32 $0x180, v4;
	v5 =	vld.idx.msk [tilespmem:v5+s2+$0x0], $0xffff  }
0xf0: {  	v1 =	vmul.f32 v2, v1;
	v58 =	vor.u32 $0x80, v3;
	v2 =	vshll.u32 v6, $0x10;
	[tilespmem:v55+s19+$0x0] =	vst.idx.add.f32.msk $0xffff, v12  }
0xf1: {  	v3 =	vor.u32 $0x180, v3;
	v6 =	vand.u32 $0xFFFF0000, v6;
	v2 =	vmul.f32 v2, v63;
	v8 =	vld.idx.msk [tilespmem:v8+s2+$0x0], $0xffff  }
0xf2: {  	v60 =	vor.u32 $0x80, v10;
	[tilespmem:v11+s19+$0x0] =	vst.idx.add.f32.msk $0xffff, v1;
	v1 =	vmul.f32 v6, v63;
	v59 =	vshll.u32 v7, $0x10  }
0xf3: {  	v61 =	vor.u32 $0x180, v10;
	[tilespmem:v57+s19+$0x0] =	vst.idx.add.f32.msk $0xffff, v2;
	v2 =	vand.u32 $0xFFFF0000, v7;
	v6 =	vmul.f32 v59, v36  }
0xf4: {  	s23 =	sadd.s32 $0x10, s23;
	v62 =	vor.u32 $0x80, v53;
	[tilespmem:v4+s19+$0x0] =	vst.idx.add.f32.msk $0xffff, v1;
	v1 =	vmul.f32 v2, v36;
	v2 =	vshll.u32 v5, $0x10  }
0xf5: {  	p0 =	slt.u32 s23, $0x180;
	v63 =	vor.u32 $0x180, v53;
	v5 =	vand.u32 $0xFFFF0000, v5;
	[tilespmem:v58+s19+$0x0] =	vst.idx.add.f32.msk $0xffff, v6;
	v2 =	vmul.f32 v2, v42  }
.Ltmp5:
0xf6: {  	[tilespmem:v3+s19+$0x0] =	vst.idx.add.f32.msk $0xffff, v1;
	v1 =	vmul.f32 v5, v42;
	v3 =	vshll.u32 v8, $0x10;
	(pc) =	sbr.rel @p0 .LBB2_13-.Ltmp5, $4  }
0xf7: {  	[tilespmem:v60+s19+$0x0] =	vst.idx.add.f32.msk $0xffff, v2;
	v2 =	vand.u32 $0xFFFF0000, v8;
	v3 =	vmul.f32 v3, v49  }
0xf8: {  	[tilespmem:v61+s19+$0x0] =	vst.idx.add.f32.msk $0xffff, v1;
	v1 =	vmul.f32 v2, v49  }
0xf9: {  	[tilespmem:v62+s19+$0x0] =	vst.idx.add.f32.msk $0xffff, v3  }
0xfa: {  	s25 =	sadd.s32 $0x200, s25;
	s24 =	sadd.s32 $0x200, s24;
	[tilespmem:v63+s19+$0x0] =	vst.idx.add.f32.msk $0xffff, v1  }
0xfb: {  	p0 =	seq.s32 s22, $0x18  }
.Ltmp6:
0xfc: {  	_ = 	snop;
	(pc) =	sbr.rel @p0 .LBB2_20-.Ltmp6, $2  }
0xfd: {  	_ =	sdelay $0x2  }
0xfe: {  	s23 =	sshll.u32 s22, $0x1  }
0xff: {  	s24 =	sadd.s32 s23, s10  }
0x100: {  	s25 =	smulhi.u32 $0x51EB851F, s24;
	_ =	sdelay $0x1  }
0x101: {  	s25 =	sshrl.u32 s25, $0x4  }
0x102: {  	s25 =	smul.u32 $0x32, s25;
	_ =	sdelay $0x1  }
0x103: {  	s24 =	ssub.s32 s24, s25  }
0x104: {  	s24 =	smul.u32 $0x320, s24;
	_ =	sdelay $0x1  }
0x105: {  	s26 =	simm.s32 $0xF000;
	s25 =	sadd.s32 s3, s24  }
0x106: {  	s28 =	simm.s32 $0x10;
	s29 =	simm.s32 $0xF100;
	s30 =	sadd.s32 $0x0, s25  }
.LBB2_16:
0x107: {  	[tilespmem:s26], [sflag:$0x1] =	stream.linear.gather [hbm4b:s30+s2], $0x80, $0x38;
	[tilespmem:$0x15400] =	vst v63  }
0x108: {  	s30 =	smov.u32 s28;
	s26 =	smov.u32 s29;
	p1 =	sne.s32 s28, $0x310  }
.Ltmp7:
0x109: {  	s28 =	sadd.s32 $0x10, s28;
	(pc) =	sbr.rel @p1 .LBB2_16-.Ltmp7, $2  }
0x10a: {  	_ =	sdelay $0x2  }
0x10b: {  	s29 =	sadd.s32 $0x100, s29;
	s30 =	sadd.s32 s30, s25  }
0x10c: {  	[tilespmem:s26], [sflag:$0x1] =	stream.linear.gather [hbm4b:s30+s2], $0x80, $0x38;
	[tilespmem:$0x15400] =	vst v63  }
0x10d: {  	s24 =	sadd.s32 s4, s24;
	s25 =	simm.s32 $0x12200  }
0x10e: {  	s26 =	simm.s32 $0x10;
	s28 =	simm.s32 $0x12300;
	s29 =	sadd.s32 $0x0, s24  }
.LBB2_18:
0x10f: {  	[tilespmem:s25], [sflag:$0x1] =	stream.linear.gather [hbm4b:s29+s2], $0x80, $0x38;
	[tilespmem:$0x15400] =	vst v63  }
0x110: {  	s29 =	smov.u32 s26;
	s25 =	smov.u32 s28;
	p1 =	sne.s32 s26, $0x310  }
.Ltmp8:
0x111: {  	s26 =	sadd.s32 $0x10, s26;
	(pc) =	sbr.rel @p1 .LBB2_18-.Ltmp8, $2  }
0x112: {  	_ =	sdelay $0x2  }
0x113: {  	s28 =	sadd.s32 $0x100, s28;
	s29 =	sadd.s32 s29, s24  }
0x114: {  	[tilespmem:s25], [sflag:$0x1] =	stream.linear.gather [hbm4b:s29+s2], $0x80, $0x38;
	[tilespmem:$0x15400] =	vst v63  }
.LBB2_20:
0x115: {  	_ =	swait.ge [sflag:s20], $0x1900  }
0x116: {  	[sflag:s20] =	ssyncset.done $0x0  }
0x117: {  	[sflag:s20] =	ssyncadd.s32 $0xFFFFE700  }
0x118: {  	_ =	swait.ge [sflag:s20], $0x1900  }
0x119: {  	s24 =	simm.s32 $0xFFFFFFF0;
	[sflag:s20] =	ssyncset.done $0x0  }
0x11a: {  	s25 =	simm.s32 $0x12380;
	s26 =	simm.s32 $0xF180;
	[sflag:s20] =	ssyncadd.s32 $0xFFFFE700  }
.LBB2_21:
0x11b: {  	v1 =	vld [tilespmem:s26+$0xFFFFFF00];
	_ =	sdelay $0x4  }
0x11c: {  	v6 =	vld [tilespmem:s26+$0xFFFFFF20];
	v2 =	vshra.s32 v1, $0xE  }
0x11d: {  	v8 =	vld [tilespmem:s25+$0xFFFFFF00];
	v3 =	vshll.u32 v2, $0x1  }
0x11e: {  	v10 =	vld [tilespmem:s26+$0xFFFFFF30];
	v2 =	vand.u32 $0x7F, v2;
	v3 =	vand.u32 $0xFFFFFF00, v3  }
0x11f: {  	v2 =	vor.u32 v2, v3;
	v3 =	vld [tilespmem:s26+$0xFFFFFF10]  }
0x120: {  	v60 =	vld [tilespmem:s25+$0xFFFFFF10]  }
0x121: {  	v23 =	vld [tilespmem:s25+$0xFFFFFF20];
	v9 =	vshll.u32 v1, $0x2;
	v11 =	vshra.s32 v6, $0xE  }
0x122: {  	v18 =	vld [tilespmem:s25+$0xFFFFFF30];
	v1 =	vand.u32 $0x7F, v1;
	v9 =	vand.u32 $0xFE00, v9;
	v59 =	vshll.u32 v11, $0x1  }
0x123: {  	v30 =	vld [tilespmem:s26+$0xFFFFFF40];
	v11 =	vand.u32 $0x7F, v11;
	v1 =	vor.u32 v1, v9;
	v9 =	vand.u32 $0xFFFFFF00, v59  }
0x124: {  	v40 =	vld [tilespmem:s26+$0xFFFFFF50];
	v9 =	vor.u32 v11, v9;
	v5 =	vshra.s32 v3, $0xE  }
0x125: {  	v43 =	vld [tilespmem:s26+$0xFFFFFF60];
	v15 =	vshra.s32 v10, $0xE;
	v7 =	vshll.u32 v5, $0x1  }
0x126: {  	v16 =	vshll.u32 v15, $0x1;
	v4 =	vld.idx.msk [tilespmem:v2+s2+$0x0], $0xffff;
	v5 =	vand.u32 $0x7F, v5;
	v7 =	vand.u32 $0xFFFFFF00, v7  }
0x127: {  	v48 =	vld [tilespmem:s25+$0xFFFFFF40];
	v61 =	vand.u32 $0x7F, v15;
	v62 =	vand.u32 $0xFFFFFF00, v16;
	v5 =	vor.u32 v5, v7  }
0x128: {  	v50 =	vld [tilespmem:s26+$0xFFFFFF70];
	v63 =	vor.u32 v61, v62  }
0x129: {  	v24 =	vshll.u32 v6, $0x2;
	v6 =	vand.u32 $0x7F, v6;
	v19 =	vshll.u32 v10, $0x2;
	v21 =	vld.idx.msk [tilespmem:v9+s2+$0x0], $0xffff  }
0x12a: {  	v56 =	vld [tilespmem:s25+$0xFFFFFF50];
	v10 =	vand.u32 $0x7F, v10;
	v25 =	vand.u32 $0xFE00, v24;
	v12 =	vor.u32 $0x100, v1  }
0x12b: {  	v6 =	vor.u32 v6, v25;
	v62 =	vld [tilespmem:s25+$0xFFFFFF70];
	v2 =	vor.u32 $0x80, v2;
	v58 =	vshll.u32 v4, $0x10  }
0x12c: {  	v17 =	vor.u32 $0x100, v6;
	v4 =	vand.u32 $0xFFFF0000, v4;
	v7 =	vmul.f32 v58, v8;
	v13 =	vld.idx.msk [tilespmem:v5+s2+$0x0], $0xffff  }
0x12d: {  	v14 =	vshll.u32 v3, $0x2;
	v3 =	vand.u32 $0x7F, v3;
	v26 =	vld.idx.msk [tilespmem:v63+s2+$0x0], $0xffff;
	v4 =	vmul.f32 v4, v8  }
0x12e: {  	v9 =	vor.u32 $0x80, v9;
	v14 =	vand.u32 $0xFE00, v14;
	v27 =	vshll.u32 v21, $0x10;
	[tilespmem:v1+s19+$0x0] =	vst.idx.add.f32.msk $0xffff, v7  }
0x12f: {  	v3 =	vor.u32 v3, v14;
	v29 =	vmul.f32 v27, v23;
	[tilespmem:v12+s19+$0x0] =	vst.idx.add.f32.msk $0xffff, v4;
	v12 =	vand.u32 $0xFFFF0000, v21  }
0x130: {  	v28 =	vand.u32 $0xFE00, v19;
	v22 =	vor.u32 $0x100, v3;
	v2 =	vld.idx.msk [tilespmem:v2+s2+$0x0], $0xffff;
	v12 =	vmul.f32 v12, v23  }
0x131: {  	v10 =	vor.u32 v10, v28;
	[tilespmem:v6+s19+$0x0] =	vst.idx.add.f32.msk $0xffff, v29;
	v20 =	vshll.u32 v13, $0x10  }
0x132: {  	v5 =	vor.u32 $0x80, v5;
	[tilespmem:v17+s19+$0x0] =	vst.idx.add.f32.msk $0xffff, v12;
	v13 =	vand.u32 $0xFFFF0000, v13;
	v7 =	vmul.f32 v20, v60  }
0x133: {  	v33 =	vor.u32 $0x80, v1;
	v31 =	vshll.u32 v26, $0x10;
	v9 =	vld.idx.msk [tilespmem:v9+s2+$0x0], $0xffff;
	v13 =	vmul.f32 v13, v60  }
0x134: {  	v37 =	vshra.s32 v30, $0xE;
	v32 =	vmul.f32 v31, v18;
	v1 =	vor.u32 $0x180, v1;
	[tilespmem:v3+s19+$0x0] =	vst.idx.add.f32.msk $0xffff, v7  }
0x135: {  	v44 =	vshra.s32 v40, $0xE;
	v34 =	vshll.u32 v2, $0x10;
	[tilespmem:v22+s19+$0x0] =	vst.idx.add.f32.msk $0xffff, v13;
	v13 =	vor.u32 $0x100, v10  }
0x136: {  	v49 =	vshll.u32 v30, $0x2;
	[tilespmem:v10+s19+$0x0] =	vst.idx.add.f32.msk $0xffff, v32;
	v2 =	vand.u32 $0xFFFF0000, v2;
	v35 =	vmul.f32 v34, v8  }
0x137: {  	v4 =	vor.u32 $0x80, v63;
	v7 =	vand.u32 $0xFFFF0000, v26;
	v2 =	vmul.f32 v2, v8;
	v5 =	vld.idx.msk [tilespmem:v5+s2+$0x0], $0xffff  }
0x138: {  	v39 =	vshll.u32 v37, $0x1;
	v42 =	vor.u32 $0x80, v6;
	v7 =	vmul.f32 v7, v18;
	[tilespmem:v33+s19+$0x0] =	vst.idx.add.f32.msk $0xffff, v35  }
0x139: {  	v36 =	vor.u32 $0x80, v3;
	v6 =	vor.u32 $0x180, v6;
	v3 =	vor.u32 $0x180, v3;
	[tilespmem:v1+s19+$0x0] =	vst.idx.add.f32.msk $0xffff, v2  }
0x13a: {  	v2 =	vshll.u32 v9, $0x10;
	[tilespmem:v13+s19+$0x0] =	vst.idx.add.f32.msk $0xffff, v7;
	v7 =	vand.u32 $0x7F, v37;
	v13 =	vand.u32 $0xFFFFFF00, v39  }
0x13b: {  	v21 =	vld [tilespmem:s26+$0x0];
	v41 =	vand.u32 $0xFFFF0000, v9;
	v2 =	vmul.f32 v2, v23;
	v7 =	vor.u32 v7, v13  }
0x13c: {  	v38 =	vshll.u32 v5, $0x10;
	v4 =	vld.idx.msk [tilespmem:v4+s2+$0x0], $0xffff;
	v1 =	vand.u32 $0xFFFF0000, v5;
	v5 =	vmul.f32 v41, v23  }
0x13d: {  	v51 =	vshra.s32 v43, $0xE;
	v47 =	vshll.u32 v44, $0x1;
	[tilespmem:v42+s19+$0x0] =	vst.idx.add.f32.msk $0xffff, v2;
	v8 =	vmul.f32 v38, v60  }
0x13e: {  	v15 =	vand.u32 $0xFE00, v49;
	v53 =	vshll.u32 v51, $0x1;
	v45 =	vor.u32 $0x80, v10;
	[tilespmem:v6+s19+$0x0] =	vst.idx.add.f32.msk $0xffff, v5  }
0x13f: {  	v1 =	vmul.f32 v1, v60;
	v6 =	vand.u32 $0xFFFFFF00, v53;
	[tilespmem:v36+s19+$0x0] =	vst.idx.add.f32.msk $0xffff, v8;
	v8 =	vand.u32 $0x7F, v51  }
0x140: {  	v10 =	vor.u32 $0x180, v10;
	v13 =	vand.u32 $0xFFFFFF00, v47;
	v6 =	vor.u32 v8, v6;
	v46 =	vld.idx.msk [tilespmem:v7+s2+$0x0], $0xffff  }
0x141: {  	[tilespmem:v3+s19+$0x0] =	vst.idx.add.f32.msk $0xffff, v1;
	v1 =	vshll.u32 v4, $0x10;
	v3 =	vand.u32 $0xFFFF0000, v4;
	v4 =	vand.u32 $0x7F, v44  }
0x142: {  	v16 =	vand.u32 $0x7F, v30;
	v41 =	vld [tilespmem:s26+$0x10];
	v4 =	vor.u32 v4, v13;
	v1 =	vmul.f32 v1, v18  }
0x143: {  	v2 =	vor.u32 v16, v15;
	v60 =	vld [tilespmem:s25+$0xFFFFFF60];
	v3 =	vmul.f32 v3, v18  }
0x144: {  	v55 =	vshra.s32 v50, $0xE;
	v52 =	vor.u32 $0x100, v2;
	[tilespmem:v45+s19+$0x0] =	vst.idx.add.f32.msk $0xffff, v1  }
0x145: {  	v57 =	vshll.u32 v40, $0x2;
	v61 =	vshll.u32 v43, $0x2;
	[tilespmem:v10+s19+$0x0] =	vst.idx.add.f32.msk $0xffff, v3;
	v1 =	vshll.u32 v46, $0x10  }
0x146: {  	v7 =	vor.u32 $0x80, v7;
	v58 =	vld.idx.msk [tilespmem:v6+s2+$0x0], $0xffff;
	v3 =	vand.u32 $0xFFFF0000, v46;
	v1 =	vmul.f32 v1, v48  }
0x147: {  	v20 =	vshll.u32 v50, $0x2;
	v26 =	vand.u32 $0x7F, v50;
	v3 =	vmul.f32 v3, v48;
	v54 =	vld.idx.msk [tilespmem:v4+s2+$0x0], $0xffff  }
0x148: {  	v9 =	vand.u32 $0x7F, v43;
	v16 =	vand.u32 $0xFE00, v61;
	[tilespmem:v2+s19+$0x0] =	vst.idx.add.f32.msk $0xffff, v1;
	v1 =	vshll.u32 v55, $0x1  }
0x149: {  	v9 =	vor.u32 v9, v16;
	[tilespmem:v52+s19+$0x0] =	vst.idx.add.f32.msk $0xffff, v3;
	v3 =	vand.u32 $0x7F, v55;
	v1 =	vand.u32 $0xFFFFFF00, v1  }
0x14a: {  	v51 =	vld [tilespmem:s25+$0x0];
	v10 =	vand.u32 $0xFE00, v57;
	v1 =	vor.u32 v3, v1;
	v3 =	vand.u32 $0x7F, v40  }
0x14b: {  	v47 =	vshra.s32 v41, $0xE;
	v24 =	vshll.u32 v58, $0x10;
	v7 =	vld.idx.msk [tilespmem:v7+s2+$0x0], $0xffff;
	v3 =	vor.u32 v3, v10  }
0x14c: {  	v49 =	vshll.u32 v47, $0x1;
	v50 =	vand.u32 $0x7F, v47;
	v47 =	vld [tilespmem:s26+$0x50];
	v29 =	vmul.f32 v24, v60  }
0x14d: {  	v34 =	vshra.s32 v21, $0xE;
	v59 =	vshll.u32 v54, $0x10;
	v8 =	vand.u32 $0xFFFF0000, v54;
	v54 =	vld [tilespmem:s26+$0x30]  }
0x14e: {  	v35 =	vor.u32 $0x80, v2;
	v10 =	vor.u32 $0x100, v3;
	v12 =	vmul.f32 v59, v56;
	[tilespmem:v9+s19+$0x0] =	vst.idx.add.f32.msk $0xffff, v29  }
0x14f: {  	v25 =	vor.u32 $0x100, v9;
	v36 =	vshll.u32 v34, $0x1;
	v4 =	vor.u32 $0x80, v4;
	v63 =	vld.idx.msk [tilespmem:v1+s2+$0x0], $0xffff  }
0x150: {  	v8 =	vmul.f32 v8, v56;
	v39 =	vshll.u32 v7, $0x10;
	v7 =	vand.u32 $0xFFFF0000, v7;
	[tilespmem:v3+s19+$0x0] =	vst.idx.add.f32.msk $0xffff, v12  }
0x151: {  	v38 =	vand.u32 $0xFFFFFF00, v36;
	v40 =	vmul.f32 v39, v48;
	v7 =	vmul.f32 v7, v48;
	v48 =	vld [tilespmem:s26+$0x20]  }
0x152: {  	v24 =	vshra.s32 v54, $0xE;
	v36 =	vshll.u32 v54, $0x2;
	v17 =	vand.u32 $0x7F, v54;
	v54 =	vld [tilespmem:s26+$0x60]  }
0x153: {  	v27 =	vand.u32 $0xFE00, v20;
	v2 =	vor.u32 $0x180, v2;
	[tilespmem:v10+s19+$0x0] =	vst.idx.add.f32.msk $0xffff, v8  }
0x154: {  	v6 =	vor.u32 $0x80, v6;
	v28 =	vand.u32 $0xFFFF0000, v58;
	v19 =	vand.u32 $0xFE00, v36;
	v36 =	vld [tilespmem:s25+$0x50]  }
0x155: {  	v30 =	vor.u32 v26, v27;
	v8 =	vmul.f32 v28, v60;
	v4 =	vld.idx.msk [tilespmem:v4+s2+$0x0], $0xffff  }
0x156: {  	v12 =	vor.u32 $0x100, v30;
	[tilespmem:v35+s19+$0x0] =	vst.idx.add.f32.msk $0xffff, v40  }
0x157: {  	v1 =	vor.u32 $0x80, v1;
	[tilespmem:v25+s19+$0x0] =	vst.idx.add.f32.msk $0xffff, v8;
	v31 =	vshll.u32 v63, $0x10  }
0x158: {  	v42 =	vor.u32 $0x80, v3;
	[tilespmem:v2+s19+$0x0] =	vst.idx.add.f32.msk $0xffff, v7;
	v32 =	vand.u32 $0xFFFF0000, v63;
	v33 =	vmul.f32 v31, v62  }
0x159: {  	v3 =	vor.u32 $0x180, v3;
	v6 =	vld.idx.msk [tilespmem:v6+s2+$0x0], $0xffff;
	v13 =	vmul.f32 v32, v62  }
0x15a: {  	v37 =	vand.u32 $0x7F, v34;
	[tilespmem:v30+s19+$0x0] =	vst.idx.add.f32.msk $0xffff, v33;
	v43 =	vshll.u32 v4, $0x10  }
0x15b: {  	v8 =	vor.u32 v37, v38;
	v4 =	vand.u32 $0xFFFF0000, v4;
	[tilespmem:v12+s19+$0x0] =	vst.idx.add.f32.msk $0xffff, v13;
	v2 =	vmul.f32 v43, v56  }
0x15c: {  	v11 =	vor.u32 $0x180, v30;
	v4 =	vmul.f32 v4, v56;
	v1 =	vld.idx.msk [tilespmem:v1+s2+$0x0], $0xffff  }
0x15d: {  	v53 =	vshll.u32 v21, $0x2;
	v45 =	vor.u32 $0x80, v9;
	v13 =	vand.u32 $0xFFFFFF00, v49;
	[tilespmem:v42+s19+$0x0] =	vst.idx.add.f32.msk $0xffff, v2  }
0x15e: {  	v23 =	vshll.u32 v41, $0x2;
	v55 =	vand.u32 $0x7F, v21;
	[tilespmem:v3+s19+$0x0] =	vst.idx.add.f32.msk $0xffff, v4;
	v4 =	vor.u32 v50, v13  }
0x15f: {  	v37 =	vld [tilespmem:s26+$0x40];
	v57 =	vshra.s32 v48, $0xE;
	v44 =	vshll.u32 v6, $0x10;
	v3 =	vor.u32 $0x80, v30  }
0x160: {  	v9 =	vor.u32 $0x180, v9;
	v59 =	vshll.u32 v57, $0x1;
	v46 =	vld.idx.msk [tilespmem:v8+s2+$0x0], $0xffff;
	v5 =	vmul.f32 v44, v60  }
0x161: {  	v25 =	vand.u32 $0xFE00, v23;
	v63 =	vld [tilespmem:s25+$0x10];
	v7 =	vand.u32 $0xFFFFFF00, v59;
	v2 =	vshll.u32 v1, $0x10  }
0x162: {  	v56 =	vand.u32 $0xFE00, v53;
	v6 =	vand.u32 $0xFFFF0000, v6;
	[tilespmem:v45+s19+$0x0] =	vst.idx.add.f32.msk $0xffff, v5;
	v2 =	vmul.f32 v2, v62  }
0x163: {  	v6 =	vmul.f32 v6, v60;
	v5 =	vor.u32 v55, v56;
	v1 =	vand.u32 $0xFFFF0000, v1;
	v61 =	vld.idx.msk [tilespmem:v4+s2+$0x0], $0xffff  }
0x164: {  	v1 =	vmul.f32 v1, v62;
	[tilespmem:v3+s19+$0x0] =	vst.idx.add.f32.msk $0xffff, v2;
	v2 =	vor.u32 $0x100, v5;
	v3 =	vand.u32 $0x7F, v57  }
0x165: {  	v31 =	vld [tilespmem:s25+$0x20];
	v52 =	vshll.u32 v46, $0x10;
	v58 =	vand.u32 $0xFFFF0000, v46;
	v3 =	vor.u32 v3, v7  }
0x166: {  	v60 =	vmul.f32 v52, v51;
	v62 =	vor.u32 $0x80, v8;
	[tilespmem:v11+s19+$0x0] =	vst.idx.add.f32.msk $0xffff, v1;
	v1 =	vand.u32 $0x7F, v41  }
0x167: {  	v26 =	vshll.u32 v24, $0x1;
	[tilespmem:v9+s19+$0x0] =	vst.idx.add.f32.msk $0xffff, v6;
	v6 =	vmul.f32 v58, v51;
	v27 =	vor.u32 v1, v25  }
0x168: {  	v28 =	vand.u32 $0xFFFFFF00, v26;
	[tilespmem:v5+s19+$0x0] =	vst.idx.add.f32.msk $0xffff, v60;
	v1 =	vand.u32 $0x7F, v24  }
0x169: {  	[tilespmem:v2+s19+$0x0] =	vst.idx.add.f32.msk $0xffff, v6;
	v2 =	vor.u32 v1, v28;
	v1 =	vshll.u32 v61, $0x10  }
0x16a: {  	v32 =	vshll.u32 v48, $0x2;
	v30 =	vor.u32 $0x100, v27;
	v29 =	vld.idx.msk [tilespmem:v3+s2+$0x0], $0xffff;
	v1 =	vmul.f32 v1, v63  }
0x16b: {  	v43 =	vshra.s32 v37, $0xE;
	v13 =	vand.u32 $0xFE00, v32;
	v7 =	vld.idx.msk [tilespmem:v62+s2+$0x0], $0xffff  }
0x16c: {  	v4 =	vor.u32 $0x80, v4;
	v10 =	vand.u32 $0xFFFF0000, v61;
	[tilespmem:v27+s19+$0x0] =	vst.idx.add.f32.msk $0xffff, v1;
	v1 =	vand.u32 $0x7F, v48  }
0x16d: {  	v26 =	vand.u32 $0x7F, v37;
	v10 =	vmul.f32 v10, v63;
	v61 =	vld [tilespmem:s26+$0x70];
	v13 =	vor.u32 v1, v13  }
0x16e: {  	v56 =	vshra.s32 v47, $0xE;
	v42 =	vor.u32 $0x80, v5;
	v46 =	vshll.u32 v43, $0x1;
	v1 =	vld [tilespmem:s25+$0x30]  }
0x16f: {  	v59 =	vshll.u32 v56, $0x1;
	v5 =	vor.u32 $0x180, v5;
	[tilespmem:v30+s19+$0x0] =	vst.idx.add.f32.msk $0xffff, v10;
	v34 =	vshll.u32 v29, $0x10  }
0x170: {  	v33 =	vld.idx.msk [tilespmem:v2+s2+$0x0], $0xffff;
	v35 =	vor.u32 $0x100, v13;
	v44 =	vshll.u32 v7, $0x10;
	v38 =	vmul.f32 v34, v31  }
0x171: {  	v11 =	vor.u32 v17, v19;
	v17 =	vand.u32 $0x7F, v43;
	v4 =	vld.idx.msk [tilespmem:v4+s2+$0x0], $0xffff;
	v18 =	vmul.f32 v44, v51  }
0x172: {  	v43 =	vshll.u32 v54, $0x2;
	v3 =	vor.u32 $0x80, v3;
	v6 =	vand.u32 $0xFFFF0000, v29;
	[tilespmem:v13+s19+$0x0] =	vst.idx.add.f32.msk $0xffff, v38  }
0x173: {  	v40 =	vor.u32 $0x100, v11;
	v7 =	vand.u32 $0xFFFF0000, v7;
	v6 =	vmul.f32 v6, v31;
	[tilespmem:v42+s19+$0x0] =	vst.idx.add.f32.msk $0xffff, v18  }
0x174: {  	v25 =	vshra.s32 v54, $0xE;
	v52 =	vor.u32 $0x180, v27;
	v7 =	vmul.f32 v7, v51;
	v42 =	vld [tilespmem:s25+$0x60]  }
0x175: {  	v51 =	vor.u32 $0x80, v27;
	v39 =	vshll.u32 v33, $0x10;
	[tilespmem:v35+s19+$0x0] =	vst.idx.add.f32.msk $0xffff, v6;
	v15 =	vand.u32 $0xFFFF0000, v33  }
0x176: {  	v49 =	vshll.u32 v4, $0x10;
	[tilespmem:v5+s19+$0x0] =	vst.idx.add.f32.msk $0xffff, v7;
	v45 =	vmul.f32 v15, v1;
	v15 =	vand.u32 $0xFFFFFF00, v46  }
0x177: {  	v4 =	vand.u32 $0xFFFF0000, v4;
	v41 =	vmul.f32 v39, v1;
	v3 =	vld.idx.msk [tilespmem:v3+s2+$0x0], $0xffff;
	v48 =	vor.u32 v17, v15  }
0x178: {  	v28 =	vshll.u32 v25, $0x1;
	v50 =	vmul.f32 v49, v63;
	v4 =	vmul.f32 v4, v63;
	v63 =	vld [tilespmem:s25+$0x40]  }
0x179: {  	v30 =	vand.u32 $0xFFFFFF00, v28;
	v2 =	vor.u32 $0x80, v2;
	v29 =	vand.u32 $0x7F, v25;
	[tilespmem:v11+s19+$0x0] =	vst.idx.add.f32.msk $0xffff, v41  }
0x17a: {  	v24 =	vshll.u32 v37, $0x2;
	v57 =	vor.u32 $0x80, v13;
	v5 =	vor.u32 v29, v30;
	[tilespmem:v51+s19+$0x0] =	vst.idx.add.f32.msk $0xffff, v50  }
0x17b: {  	v13 =	vor.u32 $0x180, v13;
	v7 =	vand.u32 $0x7F, v56;
	v17 =	vand.u32 $0xFFFFFF00, v59;
	[tilespmem:v40+s19+$0x0] =	vst.idx.add.f32.msk $0xffff, v45  }
0x17c: {  	v7 =	vor.u32 v7, v17;
	v53 =	vshll.u32 v3, $0x10;
	v3 =	vand.u32 $0xFFFF0000, v3;
	v58 =	vld.idx.msk [tilespmem:v48+s2+$0x0], $0xffff  }
0x17d: {  	[tilespmem:v52+s19+$0x0] =	vst.idx.add.f32.msk $0xffff, v4;
	v55 =	vmul.f32 v53, v31;
	v3 =	vmul.f32 v3, v31;
	v31 =	vshra.s32 v61, $0xE  }
0x17e: {  	v37 =	vshll.u32 v47, $0x2;
	v27 =	vand.u32 $0xFE00, v24;
	v2 =	vld.idx.msk [tilespmem:v2+s2+$0x0], $0xffff;
	v33 =	vshll.u32 v31, $0x1  }
0x17f: {  	v4 =	vor.u32 v26, v27;
	v39 =	vld.idx.msk [tilespmem:v5+s2+$0x0], $0xffff;
	v8 =	vand.u32 $0x7F, v31;
	v35 =	vand.u32 $0xFFFFFF00, v33  }
0x180: {  	v23 =	vor.u32 $0x80, v11;
	v14 =	vand.u32 $0xFE00, v37;
	[tilespmem:v57+s19+$0x0] =	vst.idx.add.f32.msk $0xffff, v55;
	v8 =	vor.u32 v8, v35  }
0x181: {  	v44 =	vand.u32 $0x7F, v54;
	v45 =	vand.u32 $0xFE00, v43;
	[tilespmem:v13+s19+$0x0] =	vst.idx.add.f32.msk $0xffff, v3;
	v3 =	vshll.u32 v58, $0x10  }
0x182: {  	v22 =	vshll.u32 v61, $0x2;
	v10 =	vor.u32 v44, v45;
	v32 =	vld.idx.msk [tilespmem:v7+s2+$0x0], $0xffff;
	v3 =	vmul.f32 v3, v63  }
0x183: {  	v49 =	vld [tilespmem:s25+$0x70];
	v6 =	vor.u32 $0x80, v48;
	v34 =	vor.u32 $0x100, v4;
	v60 =	vshll.u32 v2, $0x10  }
0x184: {  	v50 =	vshll.u32 v39, $0x10;
	v62 =	vmul.f32 v60, v1;
	[tilespmem:v4+s19+$0x0] =	vst.idx.add.f32.msk $0xffff, v3;
	v3 =	vand.u32 $0x7F, v47  }
0x185: {  	v52 =	vmul.f32 v50, v42;
	v38 =	vand.u32 $0xFFFF0000, v58;
	v47 =	vld.idx.msk [tilespmem:v8+s2+$0x0], $0xffff;
	v3 =	vor.u32 v3, v14  }
0x186: {  	v21 =	vand.u32 $0x7F, v61;
	[tilespmem:v23+s19+$0x0] =	vst.idx.add.f32.msk $0xffff, v62;
	v12 =	vmul.f32 v38, v63;
	v41 =	vor.u32 $0x100, v3  }
0x187: {  	v22 =	vand.u32 $0xFE00, v22;
	v7 =	vor.u32 $0x80, v7;
	v40 =	vshll.u32 v32, $0x10;
	[tilespmem:v10+s19+$0x0] =	vst.idx.add.f32.msk $0xffff, v52  }
0x188: {  	v53 =	vor.u32 v21, v22;
	v9 =	vand.u32 $0xFFFF0000, v32;
	v46 =	vmul.f32 v40, v36;
	[tilespmem:v34+s19+$0x0] =	vst.idx.add.f32.msk $0xffff, v12  }
0x189: {  	v48 =	vor.u32 $0x100, v10;
	v9 =	vmul.f32 v9, v36;
	v6 =	vld.idx.msk [tilespmem:v6+s2+$0x0], $0xffff  }
0x18a: {  	v5 =	vor.u32 $0x80, v5;
	v54 =	vshll.u32 v47, $0x10;
	[tilespmem:v3+s19+$0x0] =	vst.idx.add.f32.msk $0xffff, v46  }
0x18b: {  	v55 =	vor.u32 $0x100, v53;
	v51 =	vand.u32 $0xFFFF0000, v39;
	v56 =	vmul.f32 v54, v49;
	[tilespmem:v41+s19+$0x0] =	vst.idx.add.f32.msk $0xffff, v9  }
0x18c: {  	v8 =	vor.u32 $0x80, v8;
	v9 =	vmul.f32 v51, v42;
	v7 =	vld.idx.msk [tilespmem:v7+s2+$0x0], $0xffff  }
0x18d: {  	v11 =	vor.u32 $0x180, v11;
	v12 =	vand.u32 $0xFFFF0000, v47;
	[tilespmem:v53+s19+$0x0] =	vst.idx.add.f32.msk $0xffff, v56  }
0x18e: {  	v57 =	vor.u32 $0x80, v4;
	v12 =	vmul.f32 v12, v49;
	[tilespmem:v48+s19+$0x0] =	vst.idx.add.f32.msk $0xffff, v9  }
0x18f: {  	v2 =	vand.u32 $0xFFFF0000, v2;
	v4 =	vor.u32 $0x180, v4;
	v5 =	vld.idx.msk [tilespmem:v5+s2+$0x0], $0xffff  }
0x190: {  	v1 =	vmul.f32 v2, v1;
	v58 =	vor.u32 $0x80, v3;
	v2 =	vshll.u32 v6, $0x10;
	[tilespmem:v55+s19+$0x0] =	vst.idx.add.f32.msk $0xffff, v12  }
0x191: {  	v3 =	vor.u32 $0x180, v3;
	v6 =	vand.u32 $0xFFFF0000, v6;
	v2 =	vmul.f32 v2, v63;
	v8 =	vld.idx.msk [tilespmem:v8+s2+$0x0], $0xffff  }
0x192: {  	v60 =	vor.u32 $0x80, v10;
	[tilespmem:v11+s19+$0x0] =	vst.idx.add.f32.msk $0xffff, v1;
	v1 =	vmul.f32 v6, v63;
	v59 =	vshll.u32 v7, $0x10  }
0x193: {  	v61 =	vor.u32 $0x180, v10;
	[tilespmem:v57+s19+$0x0] =	vst.idx.add.f32.msk $0xffff, v2;
	v2 =	vand.u32 $0xFFFF0000, v7;
	v6 =	vmul.f32 v59, v36  }
0x194: {  	s24 =	sadd.s32 $0x10, s24;
	v62 =	vor.u32 $0x80, v53;
	[tilespmem:v4+s19+$0x0] =	vst.idx.add.f32.msk $0xffff, v1;
	v1 =	vmul.f32 v2, v36;
	v2 =	vshll.u32 v5, $0x10  }
0x195: {  	p1 =	slt.u32 s24, $0x180;
	v63 =	vor.u32 $0x180, v53;
	v5 =	vand.u32 $0xFFFF0000, v5;
	[tilespmem:v58+s19+$0x0] =	vst.idx.add.f32.msk $0xffff, v6;
	v2 =	vmul.f32 v2, v42  }
.Ltmp9:
0x196: {  	[tilespmem:v3+s19+$0x0] =	vst.idx.add.f32.msk $0xffff, v1;
	v1 =	vmul.f32 v5, v42;
	v3 =	vshll.u32 v8, $0x10;
	(pc) =	sbr.rel @p1 .LBB2_21-.Ltmp9, $4  }
0x197: {  	[tilespmem:v60+s19+$0x0] =	vst.idx.add.f32.msk $0xffff, v2;
	v2 =	vand.u32 $0xFFFF0000, v8;
	v3 =	vmul.f32 v3, v49  }
0x198: {  	[tilespmem:v61+s19+$0x0] =	vst.idx.add.f32.msk $0xffff, v1;
	v1 =	vmul.f32 v2, v49  }
0x199: {  	[tilespmem:v62+s19+$0x0] =	vst.idx.add.f32.msk $0xffff, v3  }
0x19a: {  	s26 =	sadd.s32 $0x200, s26;
	s25 =	sadd.s32 $0x200, s25;
	[tilespmem:v63+s19+$0x0] =	vst.idx.add.f32.msk $0xffff, v1  }
.Ltmp10:
0x19b: {  	(pc) =	sbr.rel @p0 .LBB2_28-.Ltmp10, $1  }
0x19c: {  	_ =	sdelay $0x3  }
0x19d: {  	s23 =	sadd.s32 s23, s11  }
0x19e: {  	s24 =	smulhi.u32 $0x51EB851F, s23;
	_ =	sdelay $0x1  }
0x19f: {  	s24 =	sshrl.u32 s24, $0x4  }
0x1a0: {  	s24 =	smul.u32 $0x32, s24;
	_ =	sdelay $0x1  }
0x1a1: {  	s23 =	ssub.s32 s23, s24  }
0x1a2: {  	s23 =	smul.u32 $0x320, s23;
	_ =	sdelay $0x1  }
0x1a3: {  	s25 =	simm.s32 $0xF080;
	s24 =	sadd.s32 s3, s23  }
0x1a4: {  	s26 =	simm.s32 $0x10;
	s28 =	simm.s32 $0xF180;
	s29 =	sadd.s32 $0x0, s24  }
.LBB2_24:
0x1a5: {  	[tilespmem:s25], [sflag:$0x2] =	stream.linear.gather [hbm4b:s29+s2], $0x80, $0x38;
	[tilespmem:$0x15400] =	vst v63  }
0x1a6: {  	s29 =	smov.u32 s26;
	s25 =	smov.u32 s28;
	p0 =	sne.s32 s26, $0x310  }
.Ltmp11:
0x1a7: {  	s26 =	sadd.s32 $0x10, s26;
	(pc) =	sbr.rel @p0 .LBB2_24-.Ltmp11, $2  }
0x1a8: {  	_ =	sdelay $0x2  }
0x1a9: {  	s28 =	sadd.s32 $0x100, s28;
	s29 =	sadd.s32 s29, s24  }
0x1aa: {  	[tilespmem:s25], [sflag:$0x2] =	stream.linear.gather [hbm4b:s29+s2], $0x80, $0x38;
	[tilespmem:$0x15400] =	vst v63  }
0x1ab: {  	s23 =	sadd.s32 s4, s23;
	s24 =	simm.s32 $0x12280  }
0x1ac: {  	s25 =	simm.s32 $0x10;
	s26 =	simm.s32 $0x12380;
	s28 =	sadd.s32 $0x0, s23  }
.LBB2_26:
0x1ad: {  	[tilespmem:s24], [sflag:$0x2] =	stream.linear.gather [hbm4b:s28+s2], $0x80, $0x38;
	[tilespmem:$0x15400] =	vst v63  }
0x1ae: {  	s28 =	smov.u32 s25;
	s24 =	smov.u32 s26;
	p0 =	sne.s32 s25, $0x310  }
.Ltmp12:
0x1af: {  	s25 =	sadd.s32 $0x10, s25;
	(pc) =	sbr.rel @p0 .LBB2_26-.Ltmp12, $2  }
0x1b0: {  	_ =	sdelay $0x2  }
0x1b1: {  	s26 =	sadd.s32 $0x100, s26;
	s28 =	sadd.s32 s28, s23  }
.Ltmp13:
0x1b2: {  	(pc) =	sbr.rel .LBB2_12-.Ltmp13, $3  }
0x1b3: {  	_ =	sdelay $0x1  }
0x1b4: {  	[tilespmem:s24], [sflag:$0x2] =	stream.linear.gather [hbm4b:s28+s2], $0x80, $0x38;
	[tilespmem:$0x15400] =	vst v63  }
0x1b5: {  	s22 =	sadd.s32 $0x1, s22  }
.LBB2_28:
0x1b6: {  	s22 =	simm.s32 $0x5000  }
0x1b7: {  	s23 =	simm.s32 $0x80;
	s25 =	sadd.s32 $0x0, s12;
	s24 =	simm.s32 $0x5200  }
.LBB2_29:
0x1b8: {  	[hbm4b:s25+s2] =	stream.linear.scatter [tilespmem:s22], [sflag:$0x3], $0x100, $0x38;
	[tilespmem:$0x15400] =	vst v63  }
0x1b9: {  	s25 =	smov.u32 s23;
	s22 =	smov.u32 s24;
	p0 =	sne.s32 s23, $0x2780  }
.Ltmp14:
0x1ba: {  	s23 =	sadd.s32 $0x80, s23;
	(pc) =	sbr.rel @p0 .LBB2_29-.Ltmp14, $2  }
0x1bb: {  	_ =	sdelay $0x2  }
0x1bc: {  	s24 =	sadd.s32 $0x200, s24;
	s25 =	sadd.s32 s25, s12  }
0x1bd: {  	[hbm4b:s25+s2] =	stream.linear.scatter [tilespmem:s22], [sflag:$0x3], $0x100, $0x38;
	[tilespmem:$0x15400] =	vst v63  }
0x1be: {  	_ =	swait.ge [sflag:s17], $0x5000  }
0x1bf: {  	s22 =	simm.s32 $0x5100;
	s23 =	simm.s32 $0x80;
	[sflag:s17] =	ssyncset.done $0x0  }
0x1c0: {  	s25 =	sadd.s32 $0x0, s13;
	s24 =	simm.s32 $0x5300;
	[sflag:s17] =	ssyncadd.s32 $0xFFFFB000  }
.LBB2_31:
0x1c1: {  	[hbm4b:s25+s2] =	stream.linear.scatter [tilespmem:s22], [sflag:$0x3], $0x100, $0x38;
	[tilespmem:$0x15400] =	vst v63  }
0x1c2: {  	s25 =	smov.u32 s23;
	s22 =	smov.u32 s24;
	p0 =	sne.s32 s23, $0x2780  }
.Ltmp15:
0x1c3: {  	s23 =	sadd.s32 $0x80, s23;
	(pc) =	sbr.rel @p0 .LBB2_31-.Ltmp15, $2  }
0x1c4: {  	_ =	sdelay $0x2  }
0x1c5: {  	s24 =	sadd.s32 $0x200, s24;
	s25 =	sadd.s32 s25, s13  }
0x1c6: {  	s21 =	sadd.s32 $0x1, s21  }
0x1c7: {  	p0 =	sne.s32 s21, s14  }
.Ltmp16:
0x1c8: {  	_ = 	snop;
	(pc) =	sbr.rel @p0 .LBB2_1-.Ltmp16, $4  }
0x1c9: {  	[hbm4b:s25+s2] =	stream.linear.scatter [tilespmem:s22], [sflag:$0x3], $0x100, $0x38;
	[tilespmem:$0x15400] =	vst v63  }
0x1ca: {  	_ =	swait.ge [sflag:s17], $0x5000  }
0x1cb: {  	[sflag:s17] =	ssyncset.done $0x0  }
0x1cc: {  	[sflag:s17] =	ssyncadd.s32 $0xFFFFB000  }
0x1cd: {  	_ =	sfence.sel $0x180000  }
0x1ce: {  	[bflag:$0x0] =	sbarrier.arrive $0xFFFF  }
0x1cf: {  	p0 =	sne.s32 s1, $0x0;
	_ =	strace $0x9000004D  }
0x1d0: {  	s0 =	sadd.s32 @!p0 $0x100000, s0;
	[bflag:$0x2] =	sbarrier.arrive $0xFFFF  }
0x1d1: {  	[sflag:s0] =	ssyncadd.tile.s32 @!p0 $0x1;
	_ =	shalt  }
.Lfunc_end2:
_tile_overlayer_lowered:
.L_overlay_start_2:
0x1d2: {  	(tag) =	ssettag $0x2  }
0x1d3: {  	s0 =	rddreg [dreg:$0x0];
	s2 =	stileid.u32  }
0x1d4: {  	s1 =	rddreg [dreg:$0x1];
	p0 =	sne.s32 s2, $0x0  }
0x1d5: {  	s3 =	rddreg [dreg:$0x2];
	[bflag:$0x3] =	sbarrier.arrive $0xFFFF;
	s2 =	simm.s32 @!p0 $0x1C03  }
0x1d6: {  	[timem:s3], [sflag:s2] =	dma.local @!p0 [hbm:s0], s1  }
0x1d7: {  	s0 =	simm.s32 @!p0 $0x3  }
0x1d8: {  	_ =	swait.ge @!p0 [sflag:s0], s1  }
0x1d9: {  	s1 =	ssub.s32 @!p0 $0x0, s1;
	[sflag:s0] =	ssyncset.done @!p0 $0x0  }
0x1da: {  	[sflag:s0] =	ssyncadd.s32 @!p0 s1  }
0x1db: {  	[bflag:$0x3] =	sbarrier.arrive $0xFFFF  }
0x1dc: {  	_ =	shalt  }

// kernel: kernel.9.cloned.1.call-start
scs
__scs_entry_jumppad:
0x0: {  	(pc) =	sbr.rel $0x88, $3  }
0x1: {  	(tag) =	ssettag $0x0;
	lr =	simm.s32 $0x1  }
0x2: {  	[smem:$0x3F98] =	sst lr;
	_ =	strace $0xD0000000  }
0x3: {  	_ = 	snop  }
0x4: {  	_ = 	snop  }
0x5: {  	_ = 	snop  }
0x6: {  	_ = 	snop  }
0x7: {  	_ = 	snop  }
__scs_overlays_trampoline_lowered:
0x8: {  	[smem:$0x3FA7] =	sst s0  }
0x9: {  	[smem:$0x3FA8] =	sst s1  }
0xa: {  	[smem:$0x3FA9] =	sst s2  }
0xb: {  	[smem:$0x3FAA] =	sst s3  }
0xc: {  	[smem:$0x3FAB] =	sst s4  }
0xd: {  	[smem:$0x3FAC] =	sst s5  }
0xe: {  	[smem:$0x3FAD] =	sst s6  }
0xf: {  	[smem:$0x3FAE] =	sst s7  }
0x10: {  	[smem:$0x3FAF] =	sst s8  }
0x11: {  	[smem:$0x3FB0] =	sst s9;
	s0 =	simm.s32 @!p0 $0x0  }
0x12: {  	s1 =	sld [smem:$0x3F96];
	s0 =	simm.s32 @p0 $0x1  }
0x13: {  	[smem:$0x3FB1] =	sst s0;
	s0 =	simm.s32 @!p1 $0x0  }
0x14: {  	s2 =	sld [smem:$0x3F95];
	s0 =	simm.s32 @p1 $0x1  }
0x15: {  	[smem:$0x3FB2] =	sst s0;
	s0 =	simm.s32 @!p2 $0x0  }
0x16: {  	s3 =	sld [smem:$0x3FDB];
	s0 =	simm.s32 @p2 $0x1  }
0x17: {  	s4 =	simm.s32 $0x1BF5;
	[smem:$0x3FB4] =	sst s0  }
0x18: {  	s0 =	sld [smem:$0x3F97];
	_ =	swait.ge [sflag:s4], $0x0  }
0x19: {  	s7 =	sld [smem:$0x3F98]  }
0x1a: {  	s8 =	sadd.s32 $0xFFFFE003, lr  }
0x1b: {  	s9 =	sadd.s32 $0xFFFFFEF7, lr;
	s5 =	simm.s32 $0xFFFFFFFF;
	p2 =	slt.u32 s8, $0xFFFFF086  }
0x1c: {  	p1 =	slt.u32 s9, $0xF7A;
	s5 =	simm.s32 @!p2 $0x0  }
0x1d: {  	s5 =	simm.s32 @p1 $0x1;
	p0 =	seq.s32 s7, s2  }
0x1e: {  	s7 =	smul.u32 @!p0 $0xF7A, s2;
	p2 =	seq.s32 @!p0 s5, $0x0  }
0x1f: {  	s9 =	smul.u32 $0xF7A, s1;
	s8 =	simm.s32 @!p0 $0x1BF5;
	p2 =	por !p2, p0  }
0x20: {  	[sflag:s8] =	ssyncset.s32 @!p0 $0xFFFFF086;
	s6 =	sadd.s32 @!p0 s3, s7;
	s7 =	simm.s32 @!p0 $0x108  }
0x21: {  	s3 =	sadd.s32 s3, s9;
	s6 =	sadd.s32 @!p0 $0x88, s6;
	s7 =	simm.s32 @p2 $0x1082  }
0x22: {  	[simem:s7], [sflag:s8] =	dma.local @!p0 [hbm:s6], $0xF7A  }
0x23: {  	s9 =	sor.u32 $0xD0000000, s2;
	s6 =	simm.s32 $0x108;
	_ =	swait.ge @!p0 [sflag:s8], $0x0  }
0x24: {  	s3 =	sadd.s32 $0x88, s3;
	s6 =	simm.s32 @!p1 $0x1082;
	[sflag:s4] =	ssyncset.s32 $0xFFFFF086  }
0x25: {  	[simem:s6], [sflag:s4] =	dma.local [hbm:s3], $0xF7A  }
0x26: {  	[smem:$0x3F98] =	sst s1;
	(tag) =	ssettag s2;
	_ =	strace s9  }
0x27: {  	s1 =	sld [smem:$0x3FA8]  }
0x28: {  	s2 =	sld [smem:$0x3FA9]  }
0x29: {  	s4 =	sld [smem:$0x3FAB]  }
0x2a: {  	p0 =	seq.s32 s5, $0x0;
	s5 =	sld [smem:$0x3FAC]  }
0x2b: {  	s6 =	sld [smem:$0x3FAD]  }
0x2c: {  	s7 =	sld [smem:$0x3FAE]  }
0x2d: {  	s3 =	simm.s32 $0x108;
	s8 =	sld [smem:$0x3FAF]  }
0x2e: {  	s3 =	simm.s32 @!p0 $0x1082;
	s9 =	sld [smem:$0x3FB0]  }
0x2f: {  	lr =	sadd.s32 s0, s3;
	s0 =	sld [smem:$0x3FA7]  }
0x30: {  	s3 =	sld [smem:$0x3FAA]  }
0x31: {  	[smem:$0x3FB3] =	sst s10  }
0x32: {  	s10 =	sld [smem:$0x3FB1];
	_ =	sdelay $0x3  }
0x33: {  	p0 =	seq.s32 s10, $0x1;
	s10 =	sld [smem:$0x3FB3];
	_ =	sdelay $0x3  }
0x34: {  	[smem:$0x3FB3] =	sst s10  }
0x35: {  	s10 =	sld [smem:$0x3FB2];
	_ =	sdelay $0x3  }
0x36: {  	p1 =	seq.s32 s10, $0x1;
	s10 =	sld [smem:$0x3FB3];
	_ =	sdelay $0x3  }
0x37: {  	[smem:$0x3FB3] =	sst s10  }
0x38: {  	s10 =	sld [smem:$0x3FB4]  }
0x39: {  	_ = 	snop;
	(pc) =	sbr.ind lr, $3  }
0x3a: {  	_ = 	snop  }
0x3b: {  	_ = 	snop  }
0x3c: {  	p2 =	seq.s32 s10, $0x1;
	s10 =	sld [smem:$0x3FB3]  }
0x3d: {  	_ =	shalt  }
0x3e: {  	_ =	shalt  }
0x3f: {  	_ =	shalt  }
0x40: {  	_ =	shalt  }
0x41: {  	_ =	shalt  }
0x42: {  	_ =	shalt  }
0x43: {  	_ =	shalt  }
0x44: {  	_ =	shalt  }
0x45: {  	_ =	shalt  }
0x46: {  	_ =	shalt  }
0x47: {  	_ =	shalt  }
0x48: {  	_ =	shalt  }
0x49: {  	_ =	shalt  }
0x4a: {  	_ =	shalt  }
0x4b: {  	_ =	shalt  }
0x4c: {  	_ =	shalt  }
0x4d: {  	_ =	shalt  }
0x4e: {  	_ =	shalt  }
0x4f: {  	_ =	shalt  }
0x50: {  	_ =	shalt  }
0x51: {  	_ =	shalt  }
0x52: {  	_ =	shalt  }
0x53: {  	_ =	shalt  }
0x54: {  	_ =	shalt  }
0x55: {  	_ =	shalt  }
0x56: {  	_ =	shalt  }
0x57: {  	_ =	shalt  }
0x58: {  	_ =	shalt  }
0x59: {  	_ =	shalt  }
0x5a: {  	_ =	shalt  }
0x5b: {  	_ =	shalt  }
0x5c: {  	_ =	shalt  }
0x5d: {  	_ =	shalt  }
0x5e: {  	_ =	shalt  }
0x5f: {  	_ =	shalt  }
0x60: {  	_ =	shalt  }
0x61: {  	_ =	shalt  }
0x62: {  	_ =	shalt  }
0x63: {  	_ =	shalt  }
0x64: {  	_ =	shalt  }
0x65: {  	_ =	shalt  }
0x66: {  	_ =	shalt  }
0x67: {  	_ =	shalt  }
0x68: {  	_ =	shalt  }
0x69: {  	_ =	shalt  }
0x6a: {  	_ =	shalt  }
0x6b: {  	_ =	shalt  }
0x6c: {  	_ =	shalt  }
0x6d: {  	_ =	shalt  }
0x6e: {  	_ =	shalt  }
0x6f: {  	_ =	shalt  }
0x70: {  	_ =	shalt  }
0x71: {  	_ =	shalt  }
0x72: {  	_ =	shalt  }
0x73: {  	_ =	shalt  }
0x74: {  	_ =	shalt  }
0x75: {  	_ =	shalt  }
0x76: {  	_ =	shalt  }
0x77: {  	_ =	shalt  }
0x78: {  	_ =	shalt  }
0x79: {  	_ =	shalt  }
0x7a: {  	_ =	shalt  }
0x7b: {  	_ =	shalt  }
0x7c: {  	_ =	shalt  }
0x7d: {  	_ =	shalt  }
0x7e: {  	_ =	shalt  }
0x7f: {  	_ =	shalt  }
0x80: {  	_ =	shalt  }
0x81: {  	_ =	shalt  }
0x82: {  	_ =	shalt  }
0x83: {  	_ =	shalt  }
0x84: {  	_ =	shalt  }
0x85: {  	_ =	shalt  }
0x86: {  	_ =	shalt  }
0x87: {  	_ =	shalt  }
.Lfunc_end0:
.L_simem_size_0:
called_computation_lowered:
.L_overlay_start_0:
0x88: {  	s2 =	sld [smem:$0x3FD9]  }
0x89: {  	s3 =	sld [smem:$0x3FFE];
	_ =	sdelay $0x1  }
0x8a: {  	s1 =	srdreg.scid  }
0x8b: {  	s0 =	sand.u32 $0x1, s1  }
0x8c: {  	s16 =	sshll.u32 s0, $0xA;
	s2 =	sadd.s32 s3, s2  }
0x8d: {  	s2 =	sadd.s32 s2, s16  }
0x8e: {  	[smem:$0x3FBF] =	sst s2  }
0x8f: {  	_ = 	snop  }
0x90: {  	(tm) =	ssettm $0x1  }
0x91: {  	s17 =	sld [smem:$0x3FFB];
	_ =	sdelay $0x3  }
0x92: {  	_ =	strace s17  }
0x93: {  	s2 =	sld [smem:$0x3FFC];
	_ =	sdelay $0x3  }
0x94: {  	_ =	strace s2  }
0x95: {  	s2 =	sld [smem:$0x3FFD];
	_ =	sdelay $0x3  }
0x96: {  	_ =	strace s2  }
0x97: {  	_ =	strace $0x8FFFFFFF  }
0x98: {  	s18 =	sld [smem:$0x3FDB];
	_ =	sdelay $0x1  }
0x99: {  	s19 =	simm.s32 $_scs_section_size  }
0x9a: {  	s4 =	simm.s32 $_size__tile_overlayer_lowered;
	s5 =	simm.s32 $_tile_overlayer_lowered  }
0x9b: {  	s22 =	simm.s32 $0x1BFF;
	s21 =	sshll.u32 s5, $0x1;
	s2 =	sadd.s32 s19, s18  }
0x9c: {  	s6 =	simm.s32 $0x0;
	s20 =	sshll.u32 s4, $0x1;
	s4 =	sadd.s32 s21, s2  }
0x9d: {  	[timem:s6], [sflag:s22] =	dma.local [hbm:s4], s20  }
0x9e: {  	_ =	swait.ge [sflag:s22], s20  }
0x9f: {  	s3 =	ssub.s32 $0x0, s20;
	[sflag:s22] =	ssyncset.done $0x0  }
0xa0: {  	[sflag:s22] =	ssyncadd.s32 s3;
	_ =	sdelay $0x1  }
0xa1: {  	s23 =	simm.s32 $0x1B8B  }
0xa2: {  	_ =	swait.ge [sflag:s23], $0x1  }
0xa3: {  	[sflag:s23] =	ssyncset.done $0x0  }
0xa4: {  	s25 =	simm.s32 $0x1B8E;
	s24 =	sld [smem:$0x3FFE];
	[sflag:s23] =	ssyncadd.s32 $0xFFFFFFFF  }
0xa5: {  	s26 =	simm.s32 $execute0_lowered;
	[smem:$0x3FD2] =	sst s25  }
0xa6: {  	s4 =	sshll.u32 s26, $0x1;
	_ =	strace $0x80000046;
	[dreg:$0x1] =	wrdreg $0xFFFFFFFF  }
0xa7: {  	s28 =	simm.s32 $_size_execute0_lowered;
	s2 =	sadd.s32 s2, s4;
	[dreg:$0x0] =	wrdreg $0x0  }
0xa8: {  	s4 =	sshll.u32 s28, $0x1;
	[dreg:$0x2] =	wrdreg s2  }
0xa9: {  	[dreg:$0x3] =	wrdreg s4  }
0xaa: {  	[dreg:$0x4] =	wrdreg $0xC0  }
0xab: {  	_ =	task [dreg:s6], $0x5FFFF  }
0xac: {  	[dreg:$0x1] =	wrdreg $0xFFFFFFFF  }
0xad: {  	[dreg:$0x0] =	wrdreg $0x60  }
0xae: {  	[dreg:$0x2] =	wrdreg s24  }
0xaf: {  	[dreg:$0x3] =	wrdreg $0x1BD000  }
0xb0: {  	[dreg:$0x4] =	wrdreg $0x1E5000  }
0xb1: {  	[dreg:$0x5] =	wrdreg $0x9  }
0xb2: {  	_ =	task.clear_ibuf [dreg:s6], $0x6FFFF;
	_ =	strace $0x90000046  }
0xb3: {  	s29 =	simm.s32 $0x9;
	_ =	strace $0x80000048  }
0xb4: {  	_ =	swait.ge [sflag:s29], $0x1  }
0xb5: {  	[sflag:s29] =	ssyncadd.s32 $0xFFFFFFFF  }
0xb6: {  	_ =	strace $0x90000048  }
0xb7: {  	_ =	sfence  }
0xb8: {  	s30 =	sld [smem:$0x0];
	_ =	sdelay $0x2  }
0xb9: {  	s31 =	sshll.u32 s1, $0xD;
	s1 =	sshrl.u32 s1, $0x2  }
0xba: {  	s3 =	sand.u32 $0x4000, s31;
	s1 =	sadd.s32 s1, s30  }
0xbb: {  	s0 =	sor.u32 s3, s0;
	s1 =	sshll.u32 s1, $0x11  }
0xbc: {  	s0 =	sor.u32 s1, s0  }
0xbd: {  	s0 =	sadd.s32 $0x8F2B, s0  }
0xbe: {  	[sflag:s0] =	ssyncadd.remote.s32 $0x1  }
0xbf: {  	_ =	sfence.sel $0xFFFF  }
0xc0: {  	[dreg:$0x0] =	wrdreg $0xFFFFFFFF;
	(pc) =	sbr.abs _section_cstart, $3  }
0xc1: {  	[dreg:$0x1] =	wrdreg $0xFFFFFFFF  }
0xc2: {  	_ =	task.clear_ibuf [dreg:s6], $0x2FFFF;
	_ =	strace $0x9FFFFFFF  }
0xc3: {  	(tm) =	ssettm $0x7FFFFFFF  }
tec
execute0_lowered:
.L_overlay_start_1:
0x0: {  	(tag) =	ssettag $0x1  }
0x1: {  	s3 =	srdreg.scid  }
0x2: {  	s3 =	sand.u32 $0x1, s3  }
0x3: {  	p0 =	seq.s32 s3, $0x1  }
.Ltmp0:
0x4: {  	s1 =	rddreg [dreg:$0x0];
	(pc) =	sbr.rel @p0 .LBB2_10-.Ltmp0, $4  }
0x5: {  	s0 =	rddreg [dreg:$0x1]  }
0x6: {  	s11 =	rddreg [dreg:$0x2];
	s2 =	simm.s32 $0x0  }
0x7: {  	[smem:$0x7FF] =	sst s2  }
0x8: {  	s4 =	rddreg [dreg:$0x3];
	s10 =	stileid.u32;
	_ =	strace $0x80000047  }
0x9: {  	s3 =	smul.u32 $0x5000, s10;
	_ =	sdelay $0x1  }
0xa: {  	s4 =	sadd.s32 $0x3400, s1;
	s5 =	sshrl.u32 s3, $0x3  }
0xb: {  	s7 =	sadd.s32 s4, s5  }
0xc: {  	s6 =	simm.s32 $0xA000;
	s17 =	simm.s32 $0x1;
	s4 =	sadd.s32 $0x9C40, s7  }
0xd: {  	[tilespmem:s6], [sflag:$0x1] =	stream.linear.gather [hbm4b:s4+s2], $0x3200, $0x38;
	[tilespmem:$0x1E780] =	vst v63  }
0xe: {  	p0 =	seq.s32 s10, $0xF;
	_ =	swait.ge [sflag:s17], $0x3200  }
0xf: {  	s8 =	simm.s32 @!p0 $0xD200;
	s6 =	sadd.s32 $0xA280, s7;
	[sflag:s17] =	ssyncset.done $0x0  }
0x10: {  	[dreg:$0x11] =	wrdreg s7;
	s7 =	simm.s32 @!p0 $0x0;
	[sflag:s17] =	ssyncadd.s32 $0xFFFFCE00  }
0x11: {  	[tilespmem:s8], [sflag:$0x1] =	stream.linear.gather @!p0 [hbm4b:s6+s7], $0x1E00, $0x38;
	[tilespmem:$0x1E780] =	vst v63  }
0x12: {  	s18 =	smul.u32 $0xA00, s10;
	s7 =	simm.s32 @!p0 $0x1  }
0x13: {  	_ =	swait.ge @!p0 [sflag:s7], $0x1E00  }
0x14: {  	s6 =	sadd.s32 s18, s1;
	[sflag:s7] =	ssyncset.done @!p0 $0x0  }
0x15: {  	s20 =	simm.s32 $0xF000;
	s6 =	sadd.s32 $0x16E00, s6;
	[sflag:s7] =	ssyncadd.s32 @!p0 $0xFFFFE200  }
0x16: {  	[tilespmem:s20], [sflag:$0x1] =	stream.linear.gather [hbm4b:s6+s2], $0x5000, $0x38;
	[tilespmem:$0x1E780] =	vst v63  }
0x17: {  	_ =	swait.ge [sflag:s17], $0x5000  }
0x18: {  	[sflag:s17] =	ssyncset.done $0x0  }
0x19: {  	v0 =	vimm.f32 $0.0e+00;
	s2 =	simm.s32 $0x40;
	[sflag:s17] =	ssyncadd.s32 $0xFFFFB000  }
0x1a: {  	s19 =	smul.u32 $0x280, s10;
	[tilespmem:s2+$0xFFFFFFC0] =	vst v0  }
0x1b: {  	[tilespmem:s2+$0x30] =	vst v0  }
0x1c: {  	s21 =	sshrl.u32 s19, $0x3;
	[tilespmem:s2+$0x20] =	vst v0  }
0x1d: {  	s26 =	sadd.s32 s19, s11;
	s6 =	sadd.s32 s21, s1;
	[tilespmem:s2+$0x10] =	vst v0  }
0x1e: {  	s28 =	sadd.s32 $0x20E00, s6;
	[dreg:$0x13] =	wrdreg s26  }
0x1f: {  	s22 =	sshrl.u32 s10, $0x3;
	s24 =	sadd.s32 $0x21400, s1;
	[dreg:$0x12] =	wrdreg s28  }
0x20: {  	s9 =	sadd.s32 $0x2B200, s1;
	s23 =	smul.u32 $0x50000, s22;
	s29 =	sadd.s32 s24, s5;
	[tilespmem:s2+$0x0] =	vst v0  }
0x21: {  	s25 =	sshll.u32 s10, $0x7;
	s30 =	sadd.s32 s9, s5;
	[dreg:$0xf] =	wrdreg s29  }
0x22: {  	s31 =	sadd.s32 $0x640, s5;
	s7 =	sshrl.u32 s23, $0x2;
	[dreg:$0xe] =	wrdreg s30  }
0x23: {  	s3 =	sshrl.u32 s3, $0x2;
	s4 =	sadd.s32 s24, s31;
	s7 =	sadd.s32 s7, s0;
	[tilespmem:s2+$0xFFFFFFF0] =	vst v0  }
0x24: {  	s0 =	sadd.s32 s3, s0;
	s3 =	sadd.s32 s9, s31;
	[dreg:$0xd] =	wrdreg s4  }
0x25: {  	s10 =	simm.s32 $0x320;
	s1 =	sand.u32 $0x380, s25;
	[dreg:$0xc] =	wrdreg s3  }
0x26: {  	s10 =	simm.s32 @!p0 $0x500;
	s1 =	sadd.s32 s1, s7;
	s3 =	simm.s32 $0x0;
	[tilespmem:s2+$0xFFFFFFE0] =	vst v0  }
.LBB2_2:
0x27: {  	s3 =	sadd.s32 $0x8, s3;
	[tilespmem:s2+$0xFFFFFFD0] =	vst v0;
	s2 =	sadd.s32 $0x80, s2  }
0x28: {  	[tilespmem:s2+$0xFFFFFFC0] =	vst v0;
	p1 =	slt.u32 s3, $0x278  }
0x29: {  	[tilespmem:s2+$0x30] =	vst v0  }
.Ltmp1:
0x2a: {  	[tilespmem:s2+$0x20] =	vst v0;
	(pc) =	sbr.rel @p1 .LBB2_2-.Ltmp1, $4  }
0x2b: {  	[tilespmem:s2+$0x10] =	vst v0  }
0x2c: {  	[tilespmem:s2+$0x0] =	vst v0  }
0x2d: {  	[tilespmem:s2+$0xFFFFFFF0] =	vst v0  }
0x2e: {  	[tilespmem:s2+$0xFFFFFFE0] =	vst v0  }
0x2f: {  	[tilespmem:s2+$0xFFFFFFD0] =	vst v0;
	s4 =	simm.s32 $0xA040  }
0x30: {  	v0 =	vld [tilespmem:s4+$0x30]  }
0x31: {  	v1 =	vld [tilespmem:s4+$0xFFFFFFD0]  }
0x32: {  	s3 =	simm.s32 $0xF040;
	v2 =	vld [tilespmem:s4+$0xFFFFFFE0]  }
0x33: {  	v3 =	vld [tilespmem:s3+$0x30]  }
0x34: {  	v4 =	vld [tilespmem:s4+$0xFFFFFFF0]  }
0x35: {  	v5 =	vld [tilespmem:s4+$0x0]  }
0x36: {  	v6 =	vld [tilespmem:s4+$0x10]  }
0x37: {  	v7 =	vld [tilespmem:s4+$0x20]  }
0x38: {  	v62 =	vld [tilespmem:s4+$0xFFFFFFC0]  }
0x39: {  	v63 =	vld [tilespmem:s3+$0xFFFFFFC0]  }
0x3a: {  	v8 =	vld [tilespmem:s3+$0xFFFFFFD0]  }
0x3b: {  	v9 =	vld [tilespmem:s3+$0xFFFFFFE0]  }
0x3c: {  	v10 =	vld [tilespmem:s3+$0xFFFFFFF0]  }
0x3d: {  	v11 =	vld [tilespmem:s3+$0x0]  }
0x3e: {  	v12 =	vld [tilespmem:s3+$0x10]  }
0x3f: {  	s2 =	simm.s32 $0x0;
	v13 =	vld [tilespmem:s3+$0x20]  }
0x40: {  	[tilespmem:v0+s2+$0x0] =	vst.idx.add.f32.msk $0xffff, v3  }
0x41: {  	[tilespmem:v62+s2+$0x0] =	vst.idx.add.f32.msk $0xffff, v63  }
0x42: {  	p1 =	sgt.u32 s10, $0x8;
	[tilespmem:v1+s2+$0x0] =	vst.idx.add.f32.msk $0xffff, v8  }
.Ltmp2:
0x43: {  	[tilespmem:v2+s2+$0x0] =	vst.idx.add.f32.msk $0xffff, v9;
	(pc) =	sbr.rel @!p1 .LBB2_5-.Ltmp2, $4  }
0x44: {  	[tilespmem:v4+s2+$0x0] =	vst.idx.add.f32.msk $0xffff, v10  }
0x45: {  	[tilespmem:v5+s2+$0x0] =	vst.idx.add.f32.msk $0xffff, v11  }
0x46: {  	[tilespmem:v6+s2+$0x0] =	vst.idx.add.f32.msk $0xffff, v12  }
0x47: {  	s5 =	simm.s32 $0xA0C0;
	s4 =	simm.s32 $0x8;
	[tilespmem:v7+s2+$0x0] =	vst.idx.add.f32.msk $0xffff, v13  }
.LBB2_4:
0x48: {  	v0 =	vld [tilespmem:s5+$0x30];
	s4 =	sadd.s32 $0x8, s4  }
0x49: {  	v1 =	vld [tilespmem:s5+$0xFFFFFFD0];
	p1 =	slt.u32 s4, s10  }
0x4a: {  	s3 =	sadd.s32 $0x80, s3;
	v2 =	vld [tilespmem:s5+$0xFFFFFFE0]  }
0x4b: {  	v3 =	vld [tilespmem:s3+$0x30]  }
0x4c: {  	v4 =	vld [tilespmem:s5+$0xFFFFFFF0]  }
0x4d: {  	v5 =	vld [tilespmem:s5+$0x0]  }
0x4e: {  	v6 =	vld [tilespmem:s5+$0x10]  }
0x4f: {  	v7 =	vld [tilespmem:s5+$0x20]  }
0x50: {  	[tilespmem:v0+s2+$0x0] =	vst.idx.add.f32.msk $0xffff, v3  }
0x51: {  	v0 =	vld [tilespmem:s5+$0xFFFFFFC0]  }
0x52: {  	v3 =	vld [tilespmem:s3+$0xFFFFFFC0]  }
0x53: {  	v8 =	vld [tilespmem:s3+$0xFFFFFFD0]  }
0x54: {  	v9 =	vld [tilespmem:s3+$0xFFFFFFE0]  }
0x55: {  	v10 =	vld [tilespmem:s3+$0xFFFFFFF0]  }
0x56: {  	v11 =	vld [tilespmem:s3+$0x0]  }
0x57: {  	v12 =	vld [tilespmem:s3+$0x10]  }
0x58: {  	v13 =	vld [tilespmem:s3+$0x20]  }
0x59: {  	[tilespmem:v0+s2+$0x0] =	vst.idx.add.f32.msk $0xffff, v3  }
0x5a: {  	[tilespmem:v1+s2+$0x0] =	vst.idx.add.f32.msk $0xffff, v8  }
.Ltmp3:
0x5b: {  	[tilespmem:v2+s2+$0x0] =	vst.idx.add.f32.msk $0xffff, v9;
	(pc) =	sbr.rel @p1 .LBB2_4-.Ltmp3, $4  }
0x5c: {  	[tilespmem:v4+s2+$0x0] =	vst.idx.add.f32.msk $0xffff, v10  }
0x5d: {  	[tilespmem:v5+s2+$0x0] =	vst.idx.add.f32.msk $0xffff, v11  }
0x5e: {  	[tilespmem:v6+s2+$0x0] =	vst.idx.add.f32.msk $0xffff, v12  }
0x5f: {  	s5 =	sadd.s32 $0x80, s5;
	[tilespmem:v7+s2+$0x0] =	vst.idx.add.f32.msk $0xffff, v13  }
.LBB2_5:
0x60: {  	[dreg:$0x10] =	wrdreg s10;
	s2 =	simm.s32 $0x80  }
0x61: {  	s3 =	simm.s32 $0x400;
	s18 =	simm.s32 $0x0;
	s25 =	simm.s32 $0x1  }
0x62: {  	[spmem:s1] =	stream.strided.scatter [tilespmem:s18], [sflag:$0x1], $0x2800, s3, s2, $0x38;
	[tilespmem:$0x1E780] =	vst v63  }
0x63: {  	_ =	swait.ge [sflag:s25], $0x2800  }
0x64: {  	[sflag:s25] =	ssyncset.done $0x0  }
0x65: {  	s26 =	simm.s32 $0x1400;
	[sflag:s25] =	ssyncadd.s32 $0xFFFFD800  }
0x66: {  	s28 =	simm.s32 $0x14000;
	s4 =	simm.s32 $0x19000;
	[bflag:$0x0] =	sbarrier.arrive $0xFFFF  }
0x67: {  	[tilespmem:s4], [sflag:$0x1] =	stream.strided.gather [spmem:s0], $0x2800, s28, s26, $0x38;
	[tilespmem:$0x1E780] =	vst v63  }
0x68: {  	s31 =	sand.u32 $0x1C00, s18;
	s0 =	sand.u32 $0x40, s18;
	_ =	swait.ge [sflag:s25], $0x2800  }
0x69: {  	s9 =	sadd.s32 $0x19000, s31;
	s20 =	sor.u32 $0x30, s0;
	[sflag:s25] =	ssyncset.done $0x0  }
0x6a: {  	s10 =	sor.u32 s20, s9;
	[sflag:s25] =	ssyncadd.s32 $0xFFFFD800  }
0x6b: {  	v0 =	vld [tilespmem:s10+$0x0]  }
0x6c: {  	s6 =	sor.u32 s0, s9;
	v1 =	vld [tilespmem:s10+$0x80]  }
0x6d: {  	v2 =	vld [tilespmem:s6+$0x0]  }
0x6e: {  	v3 =	vld [tilespmem:s10+$0x100]  }
0x6f: {  	s19 =	sor.u32 $0x10, s0;
	v4 =	vld [tilespmem:s6+$0x80]  }
0x70: {  	s7 =	sor.u32 s19, s9;
	v5 =	vld [tilespmem:s10+$0x180]  }
0x71: {  	v6 =	vld [tilespmem:s7+$0x0]  }
0x72: {  	v7 =	vld [tilespmem:s10+$0x200]  }
0x73: {  	s17 =	sor.u32 $0x20, s0;
	v8 =	vld [tilespmem:s7+$0x80]  }
0x74: {  	s8 =	sor.u32 s17, s9;
	v9 =	vld [tilespmem:s10+$0x280]  }
0x75: {  	v10 =	vld [tilespmem:s8+$0x0]  }
0x76: {  	v11 =	vld [tilespmem:s10+$0x300]  }
0x77: {  	v12 =	vld [tilespmem:s8+$0x80]  }
0x78: {  	s9 =	sadd.s32 $0x1A400, s31;
	v13 =	vld [tilespmem:s10+$0x380]  }
0x79: {  	s11 =	sor.u32 s20, s9;
	v14 =	vld [tilespmem:s6+$0x100]  }
0x7a: {  	v15 =	vld [tilespmem:s11+$0x0]  }
0x7b: {  	v16 =	vld [tilespmem:s7+$0x100]  }
0x7c: {  	s5 =	sadd.s32 $0x1A580, s31;
	v18 =	vld [tilespmem:s8+$0x100]  }
0x7d: {  	s15 =	sor.u32 s20, s5;
	v20 =	vld [tilespmem:s6+$0x180]  }
0x7e: {  	s4 =	sadd.s32 $0x1A600, s31;
	v21 =	vld [tilespmem:s15+$0x0]  }
0x7f: {  	s16 =	sor.u32 s20, s4;
	v22 =	vld [tilespmem:s7+$0x180]  }
0x80: {  	v23 =	vld [tilespmem:s16+$0x0]  }
0x81: {  	v24 =	vld [tilespmem:s8+$0x180]  }
0x82: {  	v26 =	vld [tilespmem:s6+$0x200]  }
0x83: {  	v27 =	vld [tilespmem:s7+$0x200]  }
0x84: {  	v28 =	vld [tilespmem:s8+$0x200]  }
0x85: {  	v29 =	vld [tilespmem:s7+$0x280]  }
0x86: {  	v30 =	vld [tilespmem:s6+$0x300]  }
0x87: {  	v31 =	vld [tilespmem:s8+$0x300]  }
0x88: {  	v32 =	vld [tilespmem:s7+$0x380]  }
0x89: {  	s23 =	sor.u32 s0, s9;
	v52 =	vld [tilespmem:s8+$0x380]  }
0x8a: {  	s24 =	sor.u32 s19, s9;
	v33 =	vld [tilespmem:s23+$0x0]  }
0x8b: {  	s25 =	sor.u32 s17, s9;
	v53 =	vld [tilespmem:s24+$0x0]  }
0x8c: {  	v34 =	vld [tilespmem:s25+$0x0];
	s15 =	sor.u32 s19, s5  }
0x8d: {  	s2 =	sadd.s32 $0x1A700, s31;
	s16 =	sor.u32 s0, s4;
	v38 =	vld [tilespmem:s15+$0x0]  }
0x8e: {  	s24 =	sor.u32 s0, s2;
	v39 =	vld [tilespmem:s16+$0x0];
	v0 =	vadd.f32 v1, v0  }
0x8f: {  	s25 =	sor.u32 s19, s2;
	v60 =	vld [tilespmem:s24+$0x0]  }
0x90: {  	s21 =	sor.u32 s20, s2;
	s10 =	sadd.s32 $0x1A480, s31;
	s2 =	sor.u32 s17, s2;
	v62 =	vld [tilespmem:s25+$0x0];
	v0 =	vadd.f32 v3, v0  }
0x91: {  	s11 =	sadd.s32 $0x1A500, s31;
	s12 =	sor.u32 s20, s10;
	v63 =	vld [tilespmem:s2+$0x0]  }
0x92: {  	s13 =	sor.u32 s20, s11;
	v17 =	vld [tilespmem:s12+$0x0];
	v0 =	vadd.f32 v5, v0  }
0x93: {  	s26 =	sor.u32 s0, s10;
	v19 =	vld [tilespmem:s13+$0x0]  }
0x94: {  	s3 =	sadd.s32 $0x1A680, s31;
	s1 =	sadd.s32 $0x1A780, s31;
	s31 =	sor.u32 s19, s10;
	v54 =	vld [tilespmem:s26+$0x0];
	v0 =	vadd.f32 v7, v0  }
0x95: {  	s9 =	sor.u32 s0, s11;
	v35 =	vld [tilespmem:s31+$0x0]  }
0x96: {  	s12 =	sor.u32 s20, s3;
	v36 =	vld [tilespmem:s9+$0x0];
	v0 =	vadd.f32 v9, v0  }
0x97: {  	s13 =	sor.u32 s0, s5;
	v25 =	vld [tilespmem:s12+$0x0]  }
0x98: {  	s5 =	sor.u32 s17, s5;
	v57 =	vld [tilespmem:s13+$0x0];
	v0 =	vadd.f32 v11, v0  }
0x99: {  	s12 =	sor.u32 s17, s11;
	v58 =	vld [tilespmem:s5+$0x0]  }
0x9a: {  	v37 =	vld [tilespmem:s12+$0x0];
	v0 =	vadd.f32 v13, v0  }
0x9b: {  	s23 =	sor.u32 s19, s3;
	v1 =	vld [tilespmem:s21+$0x0];
	v2 =	vadd.f32 v4, v2;
	v4 =	vadd.f32 v8, v6  }
0x9c: {  	s21 =	sor.u32 s19, s4;
	s4 =	sor.u32 s17, s4;
	v6 =	vadd.f32 v12, v10;
	v10 =	vld [tilespmem:s23+$0x0];
	v0 =	vadd.f32 v15, v0  }
0x9d: {  	s22 =	sor.u32 s20, s1;
	v8 =	vld [tilespmem:s4+$0x0]  }
0x9e: {  	v3 =	vld [tilespmem:s22+$0x0];
	s22 =	sor.u32 s0, s3;
	v6 =	vadd.f32 v18, v6;
	s3 =	sor.u32 s17, s3;
	v0 =	vadd.f32 v17, v0  }
0x9f: {  	v2 =	vadd.f32 v14, v2;
	v4 =	vadd.f32 v16, v4;
	v59 =	vld [tilespmem:s3+$0x0]  }
0xa0: {  	v5 =	vld [tilespmem:s6+$0x280];
	v6 =	vadd.f32 v24, v6;
	v0 =	vadd.f32 v19, v0  }
0xa1: {  	s0 =	sor.u32 s0, s1;
	v2 =	vadd.f32 v20, v2;
	v4 =	vadd.f32 v22, v4;
	v7 =	vld [tilespmem:s8+$0x280]  }
0xa2: {  	v6 =	vadd.f32 v28, v6;
	v28 =	vld [tilespmem:s0+$0x0];
	v0 =	vadd.f32 v21, v0  }
0xa3: {  	v2 =	vadd.f32 v26, v2;
	v9 =	vld [tilespmem:s7+$0x300]  }
0xa4: {  	s8 =	sor.u32 s17, s10;
	v4 =	vadd.f32 v27, v4;
	v11 =	vld [tilespmem:s6+$0x380];
	v0 =	vadd.f32 v23, v0  }
0xa5: {  	s10 =	sor.u32 s19, s11;
	v55 =	vld [tilespmem:s8+$0x0];
	v2 =	vadd.f32 v5, v2  }
0xa6: {  	s31 =	sor.u32 s19, s1;
	v56 =	vld [tilespmem:s10+$0x0];
	v4 =	vadd.f32 v29, v4;
	v0 =	vadd.f32 v25, v0  }
0xa7: {  	s26 =	simm.s32 $0x200;
	s6 =	sor.u32 s17, s1;
	v6 =	vadd.f32 v7, v6;
	v7 =	vld [tilespmem:s31+$0x0];
	v2 =	vadd.f32 v30, v2  }
0xa8: {  	s5 =	sand.u32 $0x1C00, s26;
	s7 =	simm.s32 $0x40;
	v30 =	vld [tilespmem:s6+$0x0];
	v4 =	vadd.f32 v9, v4;
	v0 =	vadd.f32 v1, v0  }
0xa9: {  	s3 =	sadd.s32 $0x19000, s5;
	v6 =	vadd.f32 v31, v6;
	v2 =	vadd.f32 v11, v2;
	v1 =	vld [tilespmem:s21+$0x0];
	s21 =	sand.u32 $0x40, s7  }
0xaa: {  	v4 =	vadd.f32 v32, v4;
	s13 =	sor.u32 $0x30, s21;
	s9 =	sor.u32 s21, s3;
	v0 =	vadd.f32 v3, v0;
	v3 =	vld [tilespmem:s22+$0x0]  }
0xab: {  	v6 =	vadd.f32 v52, v6;
	v2 =	vadd.f32 v33, v2;
	s8 =	sor.u32 s13, s3;
	v40 =	vld [tilespmem:s9+$0x0]  }
0xac: {  	v4 =	vadd.f32 v53, v4;
	v9 =	vld [tilespmem:s8+$0x0]  }
0xad: {  	v6 =	vadd.f32 v34, v6;
	v2 =	vadd.f32 v54, v2;
	v11 =	vld [tilespmem:s8+$0x80]  }
0xae: {  	v4 =	vadd.f32 v35, v4;
	v42 =	vld [tilespmem:s9+$0x80]  }
0xaf: {  	v6 =	vadd.f32 v55, v6;
	v2 =	vadd.f32 v36, v2;
	v41 =	vld [tilespmem:s8+$0x100]  }
0xb0: {  	v4 =	vadd.f32 v56, v4;
	v47 =	vld [tilespmem:s9+$0x100]  }
0xb1: {  	v6 =	vadd.f32 v37, v6;
	v2 =	vadd.f32 v57, v2;
	v43 =	vld [tilespmem:s8+$0x180]  }
0xb2: {  	v4 =	vadd.f32 v38, v4;
	v50 =	vld [tilespmem:s9+$0x200];
	v9 =	vadd.f32 v11, v9  }
0xb3: {  	v6 =	vadd.f32 v58, v6;
	v0 =	vadd.f32 $1.000000000e+00, v0;
	v11 =	vld [tilespmem:s8+$0x200]  }
0xb4: {  	v2 =	vadd.f32 v39, v2;
	v52 =	vld [tilespmem:s9+$0x280];
	v9 =	vadd.f32 v41, v9  }
0xb5: {  	v44 =	vld [tilespmem:s8+$0x280];
	v1 =	vadd.f32 v1, v4;
	v61 =	vshra.s32 v0, $0x1;
	v0 =	vmul.f32 $5.000000000e-01, v0  }
0xb6: {  	v55 =	vld [tilespmem:s9+$0x380];
	v4 =	vadd.f32 v8, v6;
	v16 =	vsub.s32 $0x5F3759DF, v61;
	v9 =	vadd.f32 v43, v9  }
0xb7: {  	s24 =	sadd.s32 $0x1A680, s5;
	v45 =	vld [tilespmem:s8+$0x300];
	v2 =	vadd.f32 v3, v2;
	v1 =	vadd.f32 v10, v1;
	v5 =	vmul.f32 v16, v0  }
0xb8: {  	s22 =	sor.u32 s13, s24;
	v46 =	vld [tilespmem:s8+$0x380];
	v4 =	vadd.f32 v59, v4;
	v9 =	vadd.f32 v11, v9  }
0xb9: {  	s2 =	sadd.s32 $0x1A400, s5;
	s26 =	sadd.s32 $0x1A580, s5;
	s25 =	sadd.s32 $0x1A600, s5;
	v49 =	vld [tilespmem:s22+$0x0];
	v15 =	vadd.f32 v42, v40;
	v2 =	vadd.f32 v60, v2;
	v5 =	vmul.f32 v16, v5  }
0xba: {  	s23 =	sadd.s32 $0x1A700, s5;
	s10 =	sor.u32 s13, s2;
	s22 =	sadd.s32 $0x1A780, s5;
	v8 =	vld [tilespmem:s9+$0x180];
	v1 =	vadd.f32 v62, v1;
	v6 =	vadd.f32 v44, v9  }
0xbb: {  	s0 =	sadd.s32 $0x1A500, s5;
	s1 =	sadd.s32 $0x1A480, s5;
	v48 =	vld [tilespmem:s10+$0x0];
	s5 =	sor.u32 s13, s22;
	v4 =	vadd.f32 v63, v4;
	v5 =	vsub.f32 $1.500000000e+00, v5  }
0xbc: {  	s11 =	sor.u32 s13, s1;
	v51 =	vld [tilespmem:s5+$0x0];
	v15 =	vadd.f32 v47, v15;
	v6 =	vadd.f32 v45, v6  }
0xbd: {  	s12 =	sor.u32 s13, s0;
	v2 =	vadd.f32 v28, v2;
	v1 =	vadd.f32 v7, v1;
	v5 =	vmul.f32 v16, v5;
	v11 =	vld [tilespmem:s11+$0x0]  }
0xbe: {  	s16 =	sor.u32 s13, s25;
	v3 =	vld [tilespmem:s12+$0x0];
	v4 =	vadd.f32 v30, v4;
	v6 =	vadd.f32 v46, v6  }
0xbf: {  	s15 =	sor.u32 s13, s26;
	v10 =	vld [tilespmem:s16+$0x0];
	v8 =	vadd.f32 v8, v15;
	v2 =	vadd.f32 $1.000000000e+00, v2;
	v16 =	vmul.f32 v5, v0  }
0xc0: {  	s31 =	sor.u32 s13, s23;
	v1 =	vadd.f32 $1.000000000e+00, v1;
	v9 =	vld [tilespmem:s15+$0x0];
	s15 =	sor.u32 $0x10, s21;
	v6 =	vadd.f32 v48, v6  }
0xc1: {  	s16 =	sor.u32 $0x20, s21;
	v7 =	vld [tilespmem:s31+$0x0];
	v4 =	vadd.f32 $1.000000000e+00, v4;
	v8 =	vadd.f32 v50, v8;
	s8 =	sor.u32 s15, s3;
	v16 =	vmul.f32 v16, v5  }
0xc2: {  	v54 =	vshra.s32 v1, $0x1;
	v1 =	vmul.f32 $5.000000000e-01, v1;
	s3 =	sor.u32 s16, s3;
	v56 =	vld [tilespmem:s8+$0x0];
	v6 =	vadd.f32 v11, v6  }
0xc3: {  	v53 =	vshra.s32 v2, $0x1;
	v19 =	vsub.s32 $0x5F3759DF, v54;
	v59 =	vld [tilespmem:s3+$0x0];
	v16 =	vsub.f32 $1.500000000e+00, v16  }
0xc4: {  	v2 =	vmul.f32 $5.000000000e-01, v2;
	v60 =	vmul.f32 v19, v1;
	v61 =	vld [tilespmem:s3+$0x80];
	v3 =	vadd.f32 v3, v6  }
0xc5: {  	v57 =	vshra.s32 v4, $0x1;
	v18 =	vsub.s32 $0x5F3759DF, v53;
	v62 =	vld [tilespmem:s8+$0x100];
	v5 =	vmul.f32 v16, v5  }
0xc6: {  	v58 =	vmul.f32 v18, v2;
	v63 =	vld [tilespmem:s3+$0x100];
	v25 =	vmul.f32 v19, v60;
	v3 =	vadd.f32 v9, v3  }
0xc7: {  	v4 =	vmul.f32 $5.000000000e-01, v4;
	v22 =	vsub.s32 $0x5F3759DF, v57;
	v0 =	vmul.f32 v5, v0;
	v11 =	vld [tilespmem:s9+$0x300]  }
0xc8: {  	v29 =	vld [tilespmem:s8+$0x180];
	v23 =	vmul.f32 v18, v58;
	v25 =	vsub.f32 $1.500000000e+00, v25;
	v3 =	vadd.f32 v10, v3  }
0xc9: {  	v8 =	vadd.f32 v52, v8;
	v0 =	vmul.f32 v0, v5;
	v6 =	vld [tilespmem:s8+$0x80];
	v9 =	vmul.f32 v22, v4  }
0xca: {  	v31 =	vld [tilespmem:s8+$0x200];
	v30 =	vmul.f32 v19, v25;
	v33 =	vadd.f32 v61, v59;
	v3 =	vadd.f32 v49, v3  }
0xcb: {  	v32 =	vld [tilespmem:s8+$0x280];
	s9 =	sor.u32 s21, s2;
	v0 =	vsub.f32 $1.500000000e+00, v0;
	v9 =	vmul.f32 v22, v9;
	v10 =	vsub.f32 $1.500000000e+00, v23  }
0xcc: {  	v34 =	vmul.f32 v30, v1;
	v44 =	vld [tilespmem:s9+$0x0];
	v8 =	vadd.f32 v11, v8;
	v3 =	vadd.f32 v7, v3  }
0xcd: {  	v35 =	vld [tilespmem:s8+$0x300];
	v0 =	vmul.f32 v0, v5;
	v5 =	vsub.f32 $1.500000000e+00, v9;
	v9 =	vmul.f32 v18, v10  }
0xce: {  	v6 =	vadd.f32 v6, v56;
	v10 =	vld [tilespmem:s3+$0x180];
	v3 =	vadd.f32 v51, v3  }
0xcf: {  	v36 =	vld [tilespmem:s8+$0x380];
	v24 =	vmul.f32 v34, v30;
	v8 =	vadd.f32 v55, v8;
	v7 =	vmul.f32 v9, v2  }
0xd0: {  	s11 =	sor.u32 s21, s1;
	v38 =	vld [tilespmem:s3+$0x200];
	v6 =	vadd.f32 v62, v6;
	v5 =	vmul.f32 v22, v5;
	v3 =	vadd.f32 $1.000000000e+00, v3  }
0xd1: {  	v48 =	vld [tilespmem:s11+$0x0];
	v8 =	vadd.f32 v44, v8;
	v22 =	vadd.f32 v63, v33;
	v7 =	vmul.f32 v7, v9  }
0xd2: {  	v39 =	vld [tilespmem:s3+$0x280];
	v37 =	vmul.f32 v5, v4;
	v41 =	vshra.s32 v3, $0x1;
	v3 =	vmul.f32 $5.000000000e-01, v3  }
0xd3: {  	v40 =	vld [tilespmem:s3+$0x300];
	v10 =	vadd.f32 v10, v22;
	v7 =	vsub.f32 $1.500000000e+00, v7;
	v43 =	vsub.s32 $0x5F3759DF, v41  }
0xd4: {  	s12 =	sor.u32 s15, s1;
	s1 =	sor.u32 s16, s1;
	v42 =	vld [tilespmem:s3+$0x380];
	v6 =	vadd.f32 v29, v6;
	v17 =	vmul.f32 v37, v5;
	v45 =	vmul.f32 v43, v3  }
0xd5: {  	s5 =	sor.u32 s16, s26;
	v50 =	vld [tilespmem:s1+$0x0];
	v7 =	vmul.f32 v7, v9;
	v9 =	vadd.f32 v38, v10;
	v10 =	vsub.f32 $1.500000000e+00, v24  }
0xd6: {  	s10 =	sor.u32 s15, s2;
	v58 =	vld [tilespmem:s5+$0x0];
	v8 =	vadd.f32 v48, v8;
	v13 =	vmul.f32 v43, v45  }
0xd7: {  	v46 =	vld [tilespmem:s10+$0x0];
	s10 =	sor.u32 s15, s25;
	v6 =	vadd.f32 v31, v6;
	v17 =	vsub.f32 $1.500000000e+00, v17;
	v10 =	vmul.f32 v10, v30  }
0xd8: {  	v60 =	vld [tilespmem:s10+$0x0];
	s2 =	sor.u32 s16, s2;
	v57 =	vmul.f32 v0, v0;
	v9 =	vadd.f32 v39, v9;
	v11 =	vsub.f32 $1.500000000e+00, v13  }
0xd9: {  	s11 =	sor.u32 s16, s25;
	v47 =	vld [tilespmem:s2+$0x0];
	v6 =	vadd.f32 v32, v6;
	v5 =	vmul.f32 v17, v5;
	v1 =	vmul.f32 v10, v1  }
0xda: {  	v61 =	vld [tilespmem:s11+$0x0];
	v2 =	vmul.f32 v7, v2;
	v9 =	vadd.f32 v40, v9;
	v11 =	vmul.f32 v43, v11  }
0xdb: {  	s31 =	sor.u32 s21, s0;
	v49 =	vld [tilespmem:s12+$0x0];
	v6 =	vadd.f32 v35, v6;
	v4 =	vmul.f32 v5, v4;
	v1 =	vmul.f32 v1, v10  }
0xdc: {  	s2 =	sor.u32 s15, s0;
	s0 =	sor.u32 s16, s0;
	v51 =	vld [tilespmem:s31+$0x0];
	v2 =	vmul.f32 v2, v7;
	v9 =	vadd.f32 v42, v9;
	v54 =	vmul.f32 v11, v3  }
0xdd: {  	v53 =	vld [tilespmem:s0+$0x0];
	v6 =	vadd.f32 v36, v6;
	v4 =	vmul.f32 v4, v5;
	v1 =	vsub.f32 $1.500000000e+00, v1  }
0xde: {  	s6 =	sand.u32 $0x380, s18;
	v52 =	vld [tilespmem:s2+$0x0];
	s3 =	sor.u32 s21, s26;
	v2 =	vsub.f32 $1.500000000e+00, v2;
	v9 =	vadd.f32 v47, v9;
	v20 =	vmul.f32 v54, v11  }
0xdf: {  	s4 =	sor.u32 s15, s26;
	s9 =	sor.u32 s6, s20;
	v55 =	vld [tilespmem:s3+$0x0];
	v6 =	vadd.f32 v46, v6;
	v4 =	vsub.f32 $1.500000000e+00, v4;
	v1 =	vmul.f32 v1, v10  }
0xe0: {  	s8 =	sor.u32 s21, s25;
	v56 =	vld [tilespmem:s4+$0x0];
	[tilespmem:s9+$0x1B800] =	vst v0;
	v7 =	vmul.f32 v2, v7;
	v2 =	vadd.f32 v50, v9;
	v59 =	vsub.f32 $1.500000000e+00, v20  }
0xe1: {  	s12 =	sor.u32 s6, s19;
	s19 =	sor.u32 s15, s24;
	[tilespmem:s9+$0x1BA80] =	vst v57;
	v8 =	vadd.f32 v51, v8;
	v6 =	vadd.f32 v49, v6;
	v10 =	vld [tilespmem:s8+$0x0];
	v9 =	vmul.f32 v1, v1  }
0xe2: {  	s18 =	sor.u32 s21, s24;
	v62 =	vmul.f32 v4, v5;
	[tilespmem:s12+$0x1B800] =	vst v1;
	v4 =	vadd.f32 v53, v2;
	v2 =	vld [tilespmem:s19+$0x0];
	v0 =	vmul.f32 v59, v11  }
0xe3: {  	s20 =	sor.u32 s16, s24;
	s25 =	simm.s32 $0x1B800;
	[tilespmem:s12+$0x1BA80] =	vst v9;
	v11 =	vld [tilespmem:s18+$0x0]  }
0xe4: {  	s28 =	simm.s32 $0x1B800;
	v1 =	vadd.f32 v52, v6;
	v6 =	vadd.f32 v55, v8;
	v8 =	vmul.f32 v0, v3;
	v3 =	vld [tilespmem:s20+$0x0];
	[dreg:$0x5] =	wrdreg s25  }
0xe5: {  	s24 =	sor.u32 s21, s23;
	v5 =	vmul.f32 v7, v7;
	[tilespmem:s28+$0x0] =	vst v7;
	s28 =	simm.s32 $0x1BA80  }
0xe6: {  	s14 =	simm.s32 $0x1BA80;
	v1 =	vadd.f32 v56, v1;
	v63 =	vadd.f32 v58, v4;
	v7 =	vmul.f32 v62, v62;
	v4 =	vld [tilespmem:s24+$0x0];
	[dreg:$0x4] =	wrdreg s28  }
0xe7: {  	s30 =	sor.u32 s16, s22;
	s1 =	sor.u32 s6, s17;
	s26 =	sor.u32 s15, s23;
	v6 =	vadd.f32 v10, v6;
	v10 =	vmul.f32 v8, v0;
	[tilespmem:s14+$0x0] =	vst v5  }
0xe8: {  	s29 =	sor.u32 s15, s22;
	s17 =	simm.s32 $0x4;
	s31 =	sor.u32 s16, s23;
	v9 =	vadd.f32 v60, v1;
	v8 =	vadd.f32 v61, v63;
	v5 =	vld [tilespmem:s26+$0x0];
	[tilespmem:s1+$0x1BA80] =	vst v7  }
0xe9: {  	s3 =	sor.u32 s21, s22;
	s19 =	simm.s32 $0x80;
	s18 =	simm.s32 $0x400;
	[tilespmem:s1+$0x1B800] =	vst v62;
	v7 =	vadd.f32 v11, v6;
	v6 =	vld [tilespmem:s31+$0x0];
	v1 =	vsub.f32 $1.500000000e+00, v10  }
.LBB2_6:
0xea: {  	s25 =	sand.u32 $0x40, s19;
	s26 =	sand.u32 $0x1C00, s18;
	v10 =	vld [tilespmem:s3+$0x0]  }
0xeb: {  	s1 =	sadd.s32 $0x19000, s26;
	s2 =	sor.u32 $0x30, s25;
	v0 =	vmul.f32 v1, v0;
	v2 =	vadd.f32 v2, v9;
	v9 =	vld [tilespmem:s29+$0x0]  }
0xec: {  	s0 =	sor.u32 s2, s1;
	v1 =	vadd.f32 v4, v7;
	v4 =	vld [tilespmem:s30+$0x0]  }
0xed: {  	s5 =	sand.u32 $0x380, s7;
	v3 =	vadd.f32 v3, v8;
	v7 =	vld [tilespmem:s0+$0x0];
	v2 =	vadd.f32 v5, v2;
	v5 =	vmul.f32 v0, v0  }
0xee: {  	s31 =	sor.u32 s5, s13;
	s21 =	sor.u32 s25, s1;
	v8 =	vld [tilespmem:s0+$0x80]  }
0xef: {  	v3 =	vadd.f32 v6, v3;
	v6 =	vld [tilespmem:s21+$0x0];
	v1 =	vadd.f32 v10, v1;
	[tilespmem:s31+$0x1BA80] =	vst v5  }
0xf0: {  	v5 =	vld [tilespmem:s0+$0x100]  }
0xf1: {  	s28 =	sor.u32 $0x10, s25;
	v1 =	vadd.f32 $1.000000000e+00, v1;
	v2 =	vadd.f32 v9, v2;
	[tilespmem:s31+$0x1B800] =	vst v0;
	v0 =	vld [tilespmem:s21+$0x80]  }
0xf2: {  	s22 =	sor.u32 s28, s1;
	v3 =	vadd.f32 v4, v3;
	v4 =	vld [tilespmem:s0+$0x180]  }
0xf3: {  	s4 =	sor.u32 $0x20, s25;
	v12 =	vld [tilespmem:s22+$0x80];
	v7 =	vadd.f32 v8, v7;
	v8 =	vshra.s32 v1, $0x1;
	v2 =	vadd.f32 $1.000000000e+00, v2  }
0xf4: {  	s20 =	sor.u32 s4, s1;
	v10 =	vld [tilespmem:s0+$0x200];
	v1 =	vmul.f32 $5.000000000e-01, v1;
	v3 =	vadd.f32 $1.000000000e+00, v3;
	v8 =	vsub.s32 $0x5F3759DF, v8  }
0xf5: {  	v13 =	vld [tilespmem:s20+$0x0];
	v11 =	vshra.s32 v2, $0x1;
	v2 =	vmul.f32 $5.000000000e-01, v2;
	v5 =	vadd.f32 v5, v7  }
0xf6: {  	v7 =	vshra.s32 v3, $0x1;
	v3 =	vmul.f32 $5.000000000e-01, v3;
	v0 =	vadd.f32 v0, v6;
	v6 =	vld [tilespmem:s0+$0x280]  }
0xf7: {  	v9 =	vld [tilespmem:s22+$0x0];
	v11 =	vsub.s32 $0x5F3759DF, v11;
	v4 =	vadd.f32 v4, v5;
	v5 =	vmul.f32 v8, v1  }
0xf8: {  	v14 =	vld [tilespmem:s0+$0x300];
	v7 =	vsub.s32 $0x5F3759DF, v7;
	v15 =	vmul.f32 v11, v2  }
0xf9: {  	s24 =	sor.u32 s5, s15;
	v17 =	vld [tilespmem:s20+$0x80];
	v16 =	vmul.f32 v7, v3;
	v4 =	vadd.f32 v10, v4;
	v5 =	vmul.f32 v8, v5  }
0xfa: {  	s23 =	sor.u32 s5, s16;
	s5 =	sadd.s32 $0x1A400, s26;
	s13 =	smov.u32 s2;
	v44 =	vmul.f32 v11, v15;
	v10 =	vld [tilespmem:s0+$0x380]  }
0xfb: {  	v46 =	vld [tilespmem:s21+$0x100];
	s8 =	sor.u32 s13, s5;
	v45 =	vmul.f32 v7, v16;
	v4 =	vadd.f32 v6, v4;
	v5 =	vsub.f32 $1.500000000e+00, v5  }
0xfc: {  	s9 =	sadd.s32 $0x1A480, s26;
	v9 =	vadd.f32 v12, v9;
	v12 =	vsub.f32 $1.500000000e+00, v44;
	v6 =	vld [tilespmem:s8+$0x0]  }
0xfd: {  	s14 =	sadd.s32 $0x1A500, s26;
	s3 =	sadd.s32 $0x1A580, s26;
	v18 =	vld [tilespmem:s22+$0x100];
	s12 =	sor.u32 s13, s9;
	v15 =	vsub.f32 $1.500000000e+00, v45;
	v4 =	vadd.f32 v14, v4;
	v5 =	vmul.f32 v8, v5  }
0xfe: {  	s15 =	smov.u32 s28;
	s16 =	smov.u32 s4;
	s4 =	smov.u32 s19;
	v47 =	vld [tilespmem:s12+$0x0];
	v11 =	vmul.f32 v11, v12  }
0xff: {  	s6 =	sor.u32 s25, s5;
	[dreg:$0x6] =	wrdreg s4;
	v48 =	vld [tilespmem:s20+$0x100];
	s2 =	sor.u32 s13, s14;
	v7 =	vmul.f32 v7, v15;
	v4 =	vadd.f32 v10, v4;
	v10 =	vmul.f32 v5, v1  }
0x100: {  	s10 =	sor.u32 s25, s9;
	[dreg:$0x9] =	wrdreg s6;
	s7 =	sor.u32 s15, s5;
	v49 =	vld [tilespmem:s2+$0x0];
	v50 =	vmul.f32 v11, v2  }
0x101: {  	s1 =	sor.u32 s16, s5;
	v52 =	vld [tilespmem:s21+$0x180];
	s4 =	sor.u32 s13, s3;
	[dreg:$0x7] =	wrdreg s7;
	v51 =	vmul.f32 v7, v3;
	v4 =	vadd.f32 v6, v4;
	v6 =	vmul.f32 v10, v5  }
0x102: {  	s11 =	sor.u32 s15, s9;
	s5 =	sadd.s32 $0x1A600, s26;
	[dreg:$0x8] =	wrdreg s1;
	v15 =	vmul.f32 v50, v11;
	v10 =	vld [tilespmem:s4+$0x0]  }
0x103: {  	s6 =	sor.u32 s16, s3;
	v53 =	vld [tilespmem:s22+$0x180];
	[dreg:$0xa] =	wrdreg s11;
	s12 =	sor.u32 s13, s5;
	v16 =	vmul.f32 v51, v7;
	v4 =	vadd.f32 v47, v4;
	v6 =	vsub.f32 $1.500000000e+00, v6  }
0x104: {  	s7 =	sor.u32 s15, s3;
	s11 =	sor.u32 s25, s5;
	s2 =	sadd.s32 $0x1A680, s26;
	v54 =	vld [tilespmem:s12+$0x0];
	v55 =	vsub.f32 $1.500000000e+00, v15  }
0x105: {  	v56 =	vld [tilespmem:s20+$0x180];
	s30 =	sadd.s32 $0x1A780, s26;
	s31 =	sor.u32 s16, s9;
	s0 =	sor.u32 s13, s2;
	v4 =	vadd.f32 v49, v4;
	v5 =	vmul.f32 v6, v5;
	v6 =	vsub.f32 $1.500000000e+00, v16  }
0x106: {  	s9 =	sor.u32 s25, s14;
	v9 =	vadd.f32 v18, v9;
	v57 =	vld [tilespmem:s0+$0x0];
	s8 =	sor.u32 s25, s3;
	s3 =	sadd.s32 $0x1A700, s26;
	v11 =	vmul.f32 v55, v11  }
0x107: {  	v58 =	vld [tilespmem:s21+$0x200];
	s12 =	sor.u32 s15, s2;
	s1 =	sor.u32 s16, s2;
	s29 =	sor.u32 s13, s3;
	v4 =	vadd.f32 v10, v4;
	v1 =	vmul.f32 v5, v1;
	v6 =	vmul.f32 v6, v7  }
0x108: {  	s0 =	sor.u32 s25, s3;
	s26 =	sor.u32 s16, s3;
	s4 =	sor.u32 s25, s2;
	v2 =	vmul.f32 v11, v2;
	v7 =	vadd.f32 v53, v9;
	v9 =	vld [tilespmem:s29+$0x0]  }
0x109: {  	s2 =	sor.u32 s15, s3;
	s3 =	sor.u32 s25, s30;
	s25 =	sor.u32 s13, s30;
	v10 =	vld [tilespmem:s22+$0x200];
	v4 =	vadd.f32 v54, v4;
	v1 =	vmul.f32 v1, v5;
	v3 =	vmul.f32 v6, v3  }
0x10a: {  	v0 =	vadd.f32 v46, v0;
	v8 =	vadd.f32 v17, v13;
	v59 =	vld [tilespmem:s25+$0x0];
	v2 =	vmul.f32 v2, v11  }
0x10b: {  	v60 =	vld [tilespmem:s20+$0x200];
	v4 =	vadd.f32 v57, v4;
	v1 =	vsub.f32 $1.500000000e+00, v1;
	v3 =	vmul.f32 v3, v6  }
0x10c: {  	v61 =	vld [tilespmem:s21+$0x280];
	v8 =	vadd.f32 v48, v8;
	s25 =	rddreg [dreg:$0x5];
	v2 =	vsub.f32 $1.500000000e+00, v2  }
0x10d: {  	v62 =	vld [tilespmem:s22+$0x280];
	s25 =	sadd.s32 $0x40, s25;
	v4 =	vadd.f32 v9, v4;
	v1 =	vmul.f32 v1, v5;
	v3 =	vsub.f32 $1.500000000e+00, v3  }
0x10e: {  	v8 =	vadd.f32 v56, v8;
	[dreg:$0x5] =	wrdreg s25;
	v2 =	vmul.f32 v2, v11;
	v5 =	vadd.f32 v10, v7;
	v7 =	vld [tilespmem:s20+$0x280]  }
0x10f: {  	v9 =	vld [tilespmem:s21+$0x300];
	v4 =	vadd.f32 v59, v4;
	[tilespmem:s25+$0x0] =	vst v1;
	v1 =	vmul.f32 v1, v1;
	v3 =	vmul.f32 v3, v6;
	s25 =	rddreg [dreg:$0x4]  }
0x110: {  	v0 =	vadd.f32 v52, v0;
	v6 =	vld [tilespmem:s22+$0x300];
	[tilespmem:s24+$0x1B800] =	vst v2;
	v2 =	vmul.f32 v2, v2;
	s25 =	sadd.s32 $0x40, s25  }
0x111: {  	v8 =	vadd.f32 v60, v8;
	v10 =	vld [tilespmem:s20+$0x300];
	v4 =	vadd.f32 $1.000000000e+00, v4;
	[tilespmem:s25+$0x0] =	vst v1;
	v1 =	vmul.f32 v3, v3  }
0x112: {  	[dreg:$0xb] =	wrdreg s10;
	v0 =	vadd.f32 v58, v0;
	v5 =	vadd.f32 v62, v5;
	[tilespmem:s24+$0x1BA80] =	vst v2;
	v11 =	vld [tilespmem:s21+$0x380]  }
0x113: {  	[dreg:$0x4] =	wrdreg s25;
	v2 =	vld [tilespmem:s22+$0x380];
	v7 =	vadd.f32 v7, v8;
	v8 =	vshra.s32 v4, $0x1;
	v4 =	vmul.f32 $5.000000000e-01, v4;
	[tilespmem:s23+$0x1BA80] =	vst v1  }
0x114: {  	v0 =	vadd.f32 v61, v0;
	s21 =	rddreg [dreg:$0x9];
	v1 =	vld [tilespmem:s20+$0x380];
	v8 =	vsub.s32 $0x5F3759DF, v8  }
0x115: {  	s22 =	rddreg [dreg:$0x7];
	[tilespmem:s23+$0x1B800] =	vst v3;
	v3 =	vld [tilespmem:s21+$0x0];
	v5 =	vadd.f32 v6, v5;
	v6 =	vmul.f32 v8, v4  }
0x116: {  	v0 =	vadd.f32 v9, v0;
	v9 =	vld [tilespmem:s22+$0x0];
	s23 =	rddreg [dreg:$0x8]  }
0x117: {  	s24 =	rddreg [dreg:$0xb];
	v7 =	vadd.f32 v10, v7;
	v10 =	vld [tilespmem:s23+$0x0];
	v6 =	vmul.f32 v8, v6  }
0x118: {  	s25 =	rddreg [dreg:$0xa];
	v0 =	vadd.f32 v11, v0;
	v11 =	vld [tilespmem:s24+$0x0]  }
0x119: {  	v2 =	vadd.f32 v2, v5;
	v5 =	vld [tilespmem:s25+$0x0];
	v6 =	vsub.f32 $1.500000000e+00, v6  }
0x11a: {  	v0 =	vadd.f32 v3, v0;
	v3 =	vld [tilespmem:s31+$0x0]  }
0x11b: {  	s10 =	sor.u32 s16, s14;
	v1 =	vadd.f32 v1, v7;
	v7 =	vld [tilespmem:s9+$0x0];
	v6 =	vmul.f32 v8, v6  }
0x11c: {  	s28 =	sor.u32 s15, s14;
	v2 =	vadd.f32 v9, v2;
	v9 =	vld [tilespmem:s10+$0x0]  }
0x11d: {  	v8 =	vld [tilespmem:s28+$0x0];
	v1 =	vadd.f32 v10, v1;
	v10 =	vmul.f32 v6, v4  }
0x11e: {  	v0 =	vadd.f32 v11, v0;
	v11 =	vld [tilespmem:s8+$0x0]  }
0x11f: {  	v2 =	vadd.f32 v5, v2;
	v5 =	vld [tilespmem:s7+$0x0];
	v1 =	vadd.f32 v3, v1;
	v3 =	vmul.f32 v10, v6  }
0x120: {  	v0 =	vadd.f32 v7, v0;
	v7 =	vld [tilespmem:s6+$0x0]  }
0x121: {  	s14 =	sor.u32 s15, s5;
	v10 =	vld [tilespmem:s11+$0x0];
	v3 =	vsub.f32 $1.500000000e+00, v3  }
0x122: {  	s5 =	sor.u32 s16, s5;
	v2 =	vadd.f32 v8, v2;
	v8 =	vld [tilespmem:s14+$0x0]  }
0x123: {  	s17 =	sadd.s32 $0x4, s17;
	v1 =	vadd.f32 v9, v1;
	v9 =	vadd.f32 v11, v0;
	v11 =	vld [tilespmem:s5+$0x0];
	v0 =	vmul.f32 v3, v6  }
0x124: {  	p1 =	slt.u32 s17, $0x24;
	v6 =	vld [tilespmem:s4+$0x0]  }
.Ltmp4:
0x125: {  	v5 =	vadd.f32 v5, v2;
	v2 =	vld [tilespmem:s12+$0x0];
	v1 =	vadd.f32 v7, v1;
	v7 =	vmul.f32 v0, v4;
	(pc) =	sbr.rel @p1 .LBB2_6-.Ltmp4, $4  }
0x126: {  	v3 =	vld [tilespmem:s1+$0x0]  }
0x127: {  	v10 =	vadd.f32 v10, v9;
	v4 =	vld [tilespmem:s0+$0x0];
	v63 =	vmul.f32 v7, v0  }
0x128: {  	s18 =	sadd.s32 $0x200, s18;
	s19 =	sadd.s32 $0x40, s19;
	v9 =	vadd.f32 v8, v5;
	v5 =	vld [tilespmem:s2+$0x0];
	v8 =	vadd.f32 v11, v1  }
0x129: {  	s29 =	sor.u32 s15, s30;
	s30 =	sor.u32 s16, s30;
	s7 =	rddreg [dreg:$0x6];
	v7 =	vadd.f32 v6, v10;
	v6 =	vld [tilespmem:s26+$0x0];
	v1 =	vsub.f32 $1.500000000e+00, v63  }
0x12a: {  	v10 =	vld [tilespmem:s3+$0x0]  }
0x12b: {  	v11 =	vld [tilespmem:s29+$0x0]  }
0x12c: {  	v2 =	vadd.f32 v2, v9  }
0x12d: {  	v4 =	vadd.f32 v4, v7  }
0x12e: {  	v9 =	vld [tilespmem:s30+$0x0];
	v2 =	vadd.f32 v5, v2  }
0x12f: {  	v3 =	vadd.f32 v3, v8;
	v4 =	vadd.f32 v10, v4  }
0x130: {  	v2 =	vadd.f32 v11, v2  }
0x131: {  	v3 =	vadd.f32 v6, v3;
	v4 =	vadd.f32 $1.000000000e+00, v4  }
0x132: {  	v2 =	vadd.f32 $1.000000000e+00, v2  }
0x133: {  	v3 =	vadd.f32 v9, v3;
	v5 =	vshra.s32 v4, $0x1;
	v4 =	vmul.f32 $5.000000000e-01, v4  }
0x134: {  	v6 =	vshra.s32 v2, $0x1;
	v2 =	vmul.f32 $5.000000000e-01, v2;
	v5 =	vsub.s32 $0x5F3759DF, v5  }
0x135: {  	v3 =	vadd.f32 $1.000000000e+00, v3;
	v6 =	vsub.s32 $0x5F3759DF, v6;
	v8 =	vmul.f32 v5, v4  }
0x136: {  	v9 =	vmul.f32 v6, v2  }
0x137: {  	v7 =	vshra.s32 v3, $0x1;
	v3 =	vmul.f32 $5.000000000e-01, v3;
	v8 =	vmul.f32 v5, v8  }
0x138: {  	v7 =	vsub.s32 $0x5F3759DF, v7;
	v9 =	vmul.f32 v6, v9  }
0x139: {  	v10 =	vmul.f32 v7, v3;
	v8 =	vsub.f32 $1.500000000e+00, v8  }
0x13a: {  	v9 =	vsub.f32 $1.500000000e+00, v9  }
0x13b: {  	v10 =	vmul.f32 v7, v10;
	v5 =	vmul.f32 v5, v8  }
0x13c: {  	v6 =	vmul.f32 v6, v9  }
0x13d: {  	v10 =	vsub.f32 $1.500000000e+00, v10;
	v8 =	vmul.f32 v5, v4  }
0x13e: {  	v9 =	vmul.f32 v6, v2  }
0x13f: {  	v7 =	vmul.f32 v7, v10;
	v8 =	vmul.f32 v8, v5  }
0x140: {  	v9 =	vmul.f32 v9, v6  }
0x141: {  	v10 =	vmul.f32 v7, v3;
	v8 =	vsub.f32 $1.500000000e+00, v8  }
0x142: {  	v9 =	vsub.f32 $1.500000000e+00, v9  }
0x143: {  	v10 =	vmul.f32 v10, v7;
	v5 =	vmul.f32 v8, v5  }
0x144: {  	v6 =	vmul.f32 v9, v6  }
0x145: {  	v8 =	vsub.f32 $1.500000000e+00, v10;
	v4 =	vmul.f32 v5, v4  }
0x146: {  	v0 =	vmul.f32 v1, v0;
	v1 =	vmul.f32 v6, v2  }
0x147: {  	s0 =	sand.u32 $0x380, s7;
	v7 =	vmul.f32 v8, v7;
	v2 =	vmul.f32 v4, v5  }
0x148: {  	s1 =	sor.u32 s0, s13;
	v1 =	vmul.f32 v1, v6;
	v4 =	vmul.f32 v0, v0  }
0x149: {  	[tilespmem:s1+$0x1B800] =	vst v0;
	v3 =	vmul.f32 v7, v3;
	v2 =	vsub.f32 $1.500000000e+00, v2  }
0x14a: {  	v1 =	vsub.f32 $1.500000000e+00, v1;
	[tilespmem:s1+$0x1BA80] =	vst v4  }
0x14b: {  	v3 =	vmul.f32 v3, v7;
	s1 =	rddreg [dreg:$0x5];
	v2 =	vmul.f32 v2, v5  }
0x14c: {  	v0 =	vmul.f32 v1, v6;
	s1 =	sadd.s32 $0x40, s1  }
0x14d: {  	s2 =	sor.u32 s0, s15;
	v3 =	vsub.f32 $1.500000000e+00, v3;
	[tilespmem:s1+$0x0] =	vst v2  }
0x14e: {  	[tilespmem:s2+$0x1B800] =	vst v0;
	v0 =	vmul.f32 v0, v0  }
0x14f: {  	v1 =	vmul.f32 v2, v2;
	v2 =	vmul.f32 v3, v7;
	s1 =	rddreg [dreg:$0x4]  }
0x150: {  	s1 =	sadd.s32 $0x40, s1;
	[tilespmem:s2+$0x1BA80] =	vst v0  }
0x151: {  	s0 =	sor.u32 s0, s16;
	[tilespmem:s1+$0x0] =	vst v1;
	v1 =	vmul.f32 v2, v2  }
0x152: {  	[tilespmem:s0+$0x1B800] =	vst v2  }
0x153: {  	[tilespmem:s0+$0x1BA80] =	vst v1  }
0x154: {  	s23 =	simm.s32 $0x1B800;
	s24 =	simm.s32 $0x1;
	s1 =	rddreg [dreg:$0x13]  }
0x155: {  	[spmem:s1] =	stream.linear.scatter [tilespmem:s23], [sflag:$0x1], $0x280, $0x38;
	[tilespmem:$0x1E780] =	vst v63  }
0x156: {  	_ =	swait.ge [sflag:s24], $0x280  }
0x157: {  	s25 =	simm.s32 $0x0;
	[sflag:s24] =	ssyncset.done $0x0  }
0x158: {  	s26 =	simm.s32 $0x1BA80;
	s28 =	rddreg [dreg:$0x12];
	[sflag:s24] =	ssyncadd.s32 $0xFFFFFD80  }
0x159: {  	[hbm4b:s28+s25] =	stream.linear.scatter [tilespmem:s26], [sflag:$0x1], $0x280, $0x38;
	[tilespmem:$0x1E780] =	vst v63  }
0x15a: {  	_ =	swait.ge [sflag:s24], $0x280  }
0x15b: {  	[sflag:s24] =	ssyncset.done $0x0  }
0x15c: {  	[sflag:s24] =	ssyncadd.s32 $0xFFFFFD80  }
0x15d: {  	[bflag:$0x0] =	sbarrier.arrive $0xFFFF  }
0x15e: {  	s9 =	simm.s32 $0x2800;
	s29 =	rddreg [dreg:$0x2]  }
0x15f: {  	[tilespmem:s9], [sflag:$0x1] =	stream.linear.gather [spmem:s29], $0x2800, $0x38;
	[tilespmem:$0x1E780] =	vst v63  }
0x160: {  	_ =	swait.ge [sflag:s24], $0x2800  }
0x161: {  	[sflag:s24] =	ssyncset.done $0x0  }
0x162: {  	s30 =	simm.s32 $0x5000;
	s31 =	rddreg [dreg:$0x11];
	[sflag:s24] =	ssyncadd.s32 $0xFFFFD800  }
0x163: {  	[tilespmem:s30], [sflag:$0x1] =	stream.linear.gather [hbm4b:s31+s25], $0x5000, $0x38;
	[tilespmem:$0x1E780] =	vst v63  }
0x164: {  	_ =	swait.ge [sflag:s24], $0x5000  }
0x165: {  	[sflag:s24] =	ssyncset.done $0x0  }
0x166: {  	s8 =	simm.s32 $0x5040;
	[sflag:s24] =	ssyncadd.s32 $0xFFFFB000  }
0x167: {  	v0 =	vld [tilespmem:s8+$0x30]  }
0x168: {  	s10 =	simm.s32 $0xA040;
	v1 =	vld [tilespmem:s8+$0xFFFFFFD0]  }
0x169: {  	v2 =	vld [tilespmem:s10+$0x30]  }
0x16a: {  	v3 =	vld [tilespmem:s8+$0xFFFFFFE0]  }
0x16b: {  	v4 =	vld [tilespmem:s8+$0xFFFFFFF0]  }
0x16c: {  	v8 =	vld [tilespmem:s8+$0x0]  }
0x16d: {  	v9 =	vld [tilespmem:s8+$0x10]  }
0x16e: {  	s11 =	simm.s32 $0xF040;
	v10 =	vld [tilespmem:s8+$0x20]  }
0x16f: {  	v6 =	vld [tilespmem:s11+$0x30]  }
0x170: {  	v11 =	vld [tilespmem:s8+$0xFFFFFFC0]  }
0x171: {  	v12 =	vld [tilespmem:s10+$0xFFFFFFC0]  }
0x172: {  	v13 =	vld [tilespmem:s10+$0xFFFFFFD0]  }
0x173: {  	v15 =	vld [tilespmem:s10+$0xFFFFFFE0]  }
0x174: {  	v16 =	vld [tilespmem:s10+$0xFFFFFFF0]  }
0x175: {  	v17 =	vld [tilespmem:s10+$0x0]  }
0x176: {  	v19 =	vld [tilespmem:s10+$0x10]  }
0x177: {  	v20 =	vld [tilespmem:s10+$0x20]  }
0x178: {  	v26 =	vld [tilespmem:s11+$0xFFFFFFC0]  }
0x179: {  	v27 =	vld [tilespmem:s11+$0xFFFFFFD0]  }
0x17a: {  	v28 =	vld [tilespmem:s11+$0xFFFFFFE0]  }
0x17b: {  	v29 =	vld [tilespmem:s11+$0xFFFFFFF0]  }
0x17c: {  	v30 =	vld [tilespmem:s11+$0x0]  }
0x17d: {  	v5 =	vld.idx.msk [tilespmem:v0+s9+$0x0], $0xffff  }
0x17e: {  	v31 =	vld [tilespmem:s11+$0x10]  }
0x17f: {  	v7 =	vld.idx.msk [tilespmem:v2+s9+$0x0], $0xffff  }
0x180: {  	v33 =	vld [tilespmem:s11+$0x20]  }
0x181: {  	v14 =	vld.idx.msk [tilespmem:v11+s9+$0x0], $0xffff  }
0x182: {  	v18 =	vld.idx.msk [tilespmem:v1+s9+$0x0], $0xffff;
	v5 =	vmul.f32 v5, v6  }
0x183: {  	v21 =	vld.idx.msk [tilespmem:v3+s9+$0x0], $0xffff  }
0x184: {  	v22 =	vld.idx.msk [tilespmem:v4+s9+$0x0], $0xffff;
	v32 =	vmul.f32 v7, v5  }
0x185: {  	s7 =	simm.s32 $0x14040;
	v23 =	vld.idx.msk [tilespmem:v8+s9+$0x0], $0xffff;
	v0 =	vshll.u32 v0, $0xE  }
0x186: {  	v24 =	vld.idx.msk [tilespmem:v9+s9+$0x0], $0xffff;
	v0 =	vor.u32 v2, v0;
	[tilespmem:s7+$0x30] =	vst v32  }
0x187: {  	v25 =	vld.idx.msk [tilespmem:v10+s9+$0x0], $0xffff;
	v1 =	vshll.u32 v1, $0xE;
	[tilespmem:s8+$0x30] =	vst v0  }
0x188: {  	v34 =	vld.idx.msk [tilespmem:v12+s9+$0x0], $0xffff;
	v8 =	vshll.u32 v8, $0xE;
	v2 =	vshll.u32 v3, $0xE;
	v5 =	vshll.u32 v11, $0xE;
	s2 =	rddreg [dreg:$0x10]  }
0x189: {  	v26 =	vmul.f32 v14, v26;
	v14 =	vld.idx.msk [tilespmem:v13+s9+$0x0], $0xffff;
	v7 =	vmul.f32 v18, v27;
	v6 =	vor.u32 v12, v5;
	p1 =	sgt.u32 s2, $0x8  }
.Ltmp5:
0x18a: {  	v5 =	vor.u32 v13, v1;
	v1 =	vshll.u32 v4, $0xE;
	v4 =	vor.u32 v15, v2;
	v15 =	vld.idx.msk [tilespmem:v15+s9+$0x0], $0xffff;
	(pc) =	sbr.rel @!p1 .LBB2_9-.Ltmp5, $4  }
0x18b: {  	v18 =	vmul.f32 v21, v28;
	v11 =	vmul.f32 v23, v30;
	v12 =	vld.idx.msk [tilespmem:v16+s9+$0x0], $0xffff;
	v2 =	vor.u32 v17, v8  }
0x18c: {  	v13 =	vld.idx.msk [tilespmem:v17+s9+$0x0], $0xffff;
	v8 =	vmul.f32 v24, v31;
	v3 =	vor.u32 v16, v1;
	v0 =	vshll.u32 v9, $0xE  }
0x18d: {  	v17 =	vld.idx.msk [tilespmem:v20+s9+$0x0], $0xffff;
	v9 =	vshll.u32 v10, $0xE;
	v10 =	vmul.f32 v22, v29;
	v1 =	vor.u32 v19, v0  }
0x18e: {  	s0 =	simm.s32 $0x8;
	s1 =	simm.s32 $0x50C0;
	s4 =	rddreg [dreg:$0x3];
	v16 =	vld.idx.msk [tilespmem:v19+s9+$0x0], $0xffff;
	v0 =	vor.u32 v20, v9;
	v9 =	vmul.f32 v25, v33;
	v19 =	vmul.f32 v34, v26  }
.LBB2_8:
0x18f: {  	v20 =	vld [tilespmem:s1+$0x30];
	v7 =	vmul.f32 v14, v7  }
0x190: {  	s0 =	sadd.s32 $0x8, s0;
	v15 =	vmul.f32 v15, v18;
	s10 =	sadd.s32 $0x80, s10;
	v14 =	vld [tilespmem:s1+$0xFFFFFFD0];
	[tilespmem:s7+$0xFFFFFFC0] =	vst v19  }
0x191: {  	p1 =	slt.u32 s0, s2;
	v18 =	vld [tilespmem:s10+$0x30];
	[tilespmem:s8+$0xFFFFFFC0] =	vst v6;
	v6 =	vmul.f32 v12, v10  }
0x192: {  	v10 =	vld [tilespmem:s1+$0xFFFFFFE0];
	[tilespmem:s7+$0xFFFFFFD0] =	vst v7;
	v7 =	vmul.f32 v13, v11  }
0x193: {  	v11 =	vld [tilespmem:s1+$0xFFFFFFF0];
	[tilespmem:s8+$0xFFFFFFD0] =	vst v5;
	v5 =	vmul.f32 v16, v8  }
0x194: {  	v9 =	vmul.f32 v17, v9;
	v8 =	vld [tilespmem:s1+$0x0];
	[tilespmem:s7+$0xFFFFFFE0] =	vst v15  }
0x195: {  	v12 =	vshll.u32 v14, $0xE;
	v13 =	vld [tilespmem:s1+$0x10];
	[tilespmem:s8+$0xFFFFFFE0] =	vst v4  }
0x196: {  	v15 =	vld [tilespmem:s1+$0x20];
	[tilespmem:s7+$0xFFFFFFF0] =	vst v6  }
0x197: {  	s11 =	sadd.s32 $0x80, s11;
	v4 =	vshll.u32 v10, $0xE;
	v6 =	vld.idx.msk [tilespmem:v20+s9+$0x0], $0xffff;
	[tilespmem:s8+$0xFFFFFFF0] =	vst v3  }
0x198: {  	v3 =	vshll.u32 v11, $0xE;
	v16 =	vld [tilespmem:s11+$0x30];
	[tilespmem:s7+$0x0] =	vst v7  }
0x199: {  	v7 =	vshll.u32 v8, $0xE;
	v17 =	vld.idx.msk [tilespmem:v18+s9+$0x0], $0xffff;
	[tilespmem:s8+$0x0] =	vst v2  }
0x19a: {  	v2 =	vld [tilespmem:s1+$0xFFFFFFC0];
	v19 =	vshll.u32 v13, $0xE;
	[tilespmem:s7+$0x10] =	vst v5  }
0x19b: {  	v21 =	vld [tilespmem:s10+$0xFFFFFFC0];
	v22 =	vshll.u32 v15, $0xE;
	[tilespmem:s8+$0x10] =	vst v1  }
0x19c: {  	v23 =	vld [tilespmem:s10+$0xFFFFFFD0];
	[tilespmem:s7+$0x20] =	vst v9  }
0x19d: {  	v9 =	vld [tilespmem:s10+$0xFFFFFFE0];
	v1 =	vmul.f32 v6, v16;
	[tilespmem:s8+$0x20] =	vst v0;
	s8 =	smov.u32 s1  }
0x19e: {  	v16 =	vld [tilespmem:s10+$0xFFFFFFF0]  }
0x19f: {  	v0 =	vshll.u32 v2, $0xE;
	v24 =	vld [tilespmem:s10+$0x0];
	v1 =	vmul.f32 v17, v1  }
0x1a0: {  	s7 =	sadd.s32 $0x80, s7;
	v6 =	vor.u32 v21, v0;
	v17 =	vld [tilespmem:s10+$0x10];
	v0 =	vshll.u32 v20, $0xE  }
0x1a1: {  	v5 =	vor.u32 v23, v12;
	v20 =	vld [tilespmem:s10+$0x20];
	[tilespmem:s7+$0x30] =	vst v1;
	v0 =	vor.u32 v18, v0  }
0x1a2: {  	v12 =	vld.idx.msk [tilespmem:v2+s9+$0x0], $0xffff;
	v4 =	vor.u32 v9, v4;
	[tilespmem:s1+$0x30] =	vst v0  }
0x1a3: {  	v14 =	vld.idx.msk [tilespmem:v14+s9+$0x0], $0xffff;
	v3 =	vor.u32 v16, v3  }
0x1a4: {  	v10 =	vld.idx.msk [tilespmem:v10+s9+$0x0], $0xffff;
	v2 =	vor.u32 v24, v7  }
0x1a5: {  	v11 =	vld.idx.msk [tilespmem:v11+s9+$0x0], $0xffff;
	v1 =	vor.u32 v17, v19  }
0x1a6: {  	v8 =	vld.idx.msk [tilespmem:v8+s9+$0x0], $0xffff;
	v0 =	vor.u32 v20, v22  }
0x1a7: {  	v13 =	vld.idx.msk [tilespmem:v13+s9+$0x0], $0xffff  }
0x1a8: {  	v19 =	vld.idx.msk [tilespmem:v15+s9+$0x0], $0xffff  }
0x1a9: {  	v7 =	vld [tilespmem:s11+$0xFFFFFFC0]  }
0x1aa: {  	v15 =	vld [tilespmem:s11+$0xFFFFFFD0]  }
0x1ab: {  	v18 =	vld [tilespmem:s11+$0xFFFFFFE0]  }
0x1ac: {  	v22 =	vld [tilespmem:s11+$0xFFFFFFF0]  }
0x1ad: {  	v25 =	vld [tilespmem:s11+$0x0]  }
0x1ae: {  	v26 =	vmul.f32 v12, v7;
	v27 =	vld [tilespmem:s11+$0x10]  }
0x1af: {  	v7 =	vmul.f32 v14, v15;
	v28 =	vld [tilespmem:s11+$0x20]  }
0x1b0: {  	v21 =	vld.idx.msk [tilespmem:v21+s9+$0x0], $0xffff;
	v18 =	vmul.f32 v10, v18  }
0x1b1: {  	v14 =	vld.idx.msk [tilespmem:v23+s9+$0x0], $0xffff;
	v10 =	vmul.f32 v11, v22  }
.Ltmp6:
0x1b2: {  	v15 =	vld.idx.msk [tilespmem:v9+s9+$0x0], $0xffff;
	v11 =	vmul.f32 v8, v25;
	(pc) =	sbr.rel @p1 .LBB2_8-.Ltmp6, $4  }
0x1b3: {  	v12 =	vld.idx.msk [tilespmem:v16+s9+$0x0], $0xffff;
	v8 =	vmul.f32 v13, v27  }
0x1b4: {  	v13 =	vld.idx.msk [tilespmem:v24+s9+$0x0], $0xffff;
	v9 =	vmul.f32 v19, v28  }
0x1b5: {  	v16 =	vld.idx.msk [tilespmem:v17+s9+$0x0], $0xffff  }
0x1b6: {  	s1 =	sadd.s32 $0x80, s1;
	v19 =	vmul.f32 v21, v26;
	v17 =	vld.idx.msk [tilespmem:v20+s9+$0x0], $0xffff  }
.LBB2_9:
0x1b7: {  	_ = 	snop  }
0x1b8: {  	v7 =	vmul.f32 v14, v7;
	[tilespmem:s7+$0xFFFFFFC0] =	vst v19  }
0x1b9: {  	v59 =	vmul.f32 v15, v18;
	[tilespmem:s8+$0xFFFFFFC0] =	vst v6  }
0x1ba: {  	[tilespmem:s7+$0xFFFFFFD0] =	vst v7  }
0x1bb: {  	[tilespmem:s7+$0xFFFFFFE0] =	vst v59  }
0x1bc: {  	v60 =	vmul.f32 v12, v10;
	[tilespmem:s8+$0xFFFFFFD0] =	vst v5  }
0x1bd: {  	[tilespmem:s8+$0xFFFFFFE0] =	vst v4  }
0x1be: {  	v61 =	vmul.f32 v13, v11;
	[tilespmem:s7+$0xFFFFFFF0] =	vst v60  }
0x1bf: {  	[tilespmem:s8+$0xFFFFFFF0] =	vst v3  }
0x1c0: {  	v62 =	vmul.f32 v16, v8;
	[tilespmem:s7+$0x0] =	vst v61  }
0x1c1: {  	v63 =	vmul.f32 v17, v9;
	[tilespmem:s8+$0x0] =	vst v2  }
0x1c2: {  	[tilespmem:s7+$0x10] =	vst v62  }
0x1c3: {  	[tilespmem:s7+$0x20] =	vst v63  }
0x1c4: {  	[tilespmem:s8+$0x10] =	vst v1  }
0x1c5: {  	s0 =	simm.s32 $0x0;
	[tilespmem:s8+$0x20] =	vst v0  }
0x1c6: {  	s1 =	simm.s32 $0x14000;
	s30 =	simm.s32 $0x1;
	s2 =	rddreg [dreg:$0xf]  }
0x1c7: {  	[hbm4b:s2+s0] =	stream.linear.scatter [tilespmem:s1], [sflag:$0x1], $0x3200, $0x38;
	[tilespmem:$0x1E780] =	vst v63  }
0x1c8: {  	_ =	swait.ge [sflag:s30], $0x3200  }
0x1c9: {  	[sflag:s30] =	ssyncset.done $0x0  }
0x1ca: {  	s31 =	simm.s32 $0x5000;
	s3 =	rddreg [dreg:$0xe];
	[sflag:s30] =	ssyncadd.s32 $0xFFFFCE00  }
0x1cb: {  	[hbm4b:s3+s0] =	stream.linear.scatter [tilespmem:s31], [sflag:$0x1], $0x3200, $0x38;
	[tilespmem:$0x1E780] =	vst v63  }
0x1cc: {  	_ =	swait.ge [sflag:s30], $0x3200  }
0x1cd: {  	s1 =	simm.s32 @!p0 $0x17200;
	[sflag:s30] =	ssyncset.done $0x0  }
0x1ce: {  	s0 =	simm.s32 @!p0 $0x0;
	s2 =	rddreg [dreg:$0xd];
	[sflag:s30] =	ssyncadd.s32 $0xFFFFCE00  }
0x1cf: {  	[hbm4b:s2+s0] =	stream.linear.scatter @!p0 [tilespmem:s1], [sflag:$0x1], $0x1E00, $0x38;
	[tilespmem:$0x1E780] =	vst v63  }
0x1d0: {  	s1 =	simm.s32 @!p0 $0x1  }
0x1d1: {  	_ =	swait.ge @!p0 [sflag:s1], $0x1E00  }
0x1d2: {  	[sflag:s1] =	ssyncset.done @!p0 $0x0  }
0x1d3: {  	s2 =	simm.s32 @!p0 $0x8200;
	s3 =	rddreg [dreg:$0xc];
	[sflag:s1] =	ssyncadd.s32 @!p0 $0xFFFFE200  }
0x1d4: {  	[hbm4b:s3+s0] =	stream.linear.scatter @!p0 [tilespmem:s2], [sflag:$0x1], $0x1E00, $0x38;
	[tilespmem:$0x1E780] =	vst v63  }
0x1d5: {  	_ =	swait.ge @!p0 [sflag:s1], $0x1E00  }
0x1d6: {  	[sflag:s1] =	ssyncset.done @!p0 $0x0  }
0x1d7: {  	s10 =	stileid.u32;
	[sflag:s1] =	ssyncadd.s32 @!p0 $0xFFFFE200  }
.LBB2_10:
0x1d8: {  	_ =	sfence.sel $0x180000  }
0x1d9: {  	[bflag:$0x0] =	sbarrier.arrive $0xFFFF  }
0x1da: {  	p0 =	sne.s32 s10, $0x0;
	_ =	strace $0x90000047  }
0x1db: {  	s0 =	sadd.s32 @!p0 $0x100000, s4;
	[bflag:$0x2] =	sbarrier.arrive $0xFFFF  }
0x1dc: {  	[sflag:s0] =	ssyncadd.tile.s32 @!p0 $0x1;
	_ =	shalt  }
.Lfunc_end2:
_tile_overlayer_lowered:
.L_overlay_start_2:
0x1dd: {  	(tag) =	ssettag $0x2  }
0x1de: {  	s0 =	rddreg [dreg:$0x0];
	s2 =	stileid.u32  }
0x1df: {  	s1 =	rddreg [dreg:$0x1];
	p0 =	sne.s32 s2, $0x0  }
0x1e0: {  	s3 =	rddreg [dreg:$0x2];
	[bflag:$0x3] =	sbarrier.arrive $0xFFFF;
	s2 =	simm.s32 @!p0 $0x1C01  }
0x1e1: {  	[timem:s3], [sflag:s2] =	dma.local @!p0 [hbm:s0], s1  }
0x1e2: {  	s0 =	simm.s32 @!p0 $0x1  }
0x1e3: {  	_ =	swait.ge @!p0 [sflag:s0], s1  }
0x1e4: {  	s1 =	ssub.s32 @!p0 $0x0, s1;
	[sflag:s0] =	ssyncset.done @!p0 $0x0  }
0x1e5: {  	[sflag:s0] =	ssyncadd.s32 @!p0 s1  }
0x1e6: {  	[bflag:$0x3] =	sbarrier.arrive $0xFFFF  }
0x1e7: {  	_ =	shalt  }

</sc_bundles>
